<compile_context>
chip_gen: v7x
topology: tpu7x:2x2x1
jax: 0.10.2.dev20260603
libtpu: 0.0.44.dev20260713+nightly
codegen_flags: <defaults>
</compile_context>

<pallas_src>
import functools

import jax
import jax.numpy as jnp
from jax import lax
from jax.experimental import pallas as pl
from jax.experimental.pallas import tpu as pltpu
from jax.experimental.pallas import tpu_sc as plsc

V = 1000000
D = 64
B = 4096
S = 200
LANES = 16
NW = 32
NBUF = 4

CB = 128
N_FULL_BLOCKS = V // CB
TAIL_W = V - N_FULL_BLOCKS * CB
G_MAIN = N_FULL_BLOCKS // NW
N_EXTRA = N_FULL_BLOCKS - G_MAIN * NW


def _wid():
    return lax.axis_index("s") * 2 + lax.axis_index("c")


@functools.cache
def _build_detile():
    mesh = plsc.VectorSubcoreMesh(core_axis_name="c", subcore_axis_name="s")

    @functools.partial(
        pl.kernel,
        mesh=mesh,
        compiler_params=pltpu.CompilerParams(
            use_tc_tiling_on_sc=True, needs_layout_passes=False),
        out_type=jax.ShapeDtypeStruct((V * D,), jnp.float32),
        scratch_types=(
            [pltpu.VMEM((D, CB), jnp.float32)] * NBUF
            + [pltpu.VMEM((CB * D,), jnp.float32)] * NBUF
            + [pltpu.VMEM((D, TAIL_W), jnp.float32)]
            + [pltpu.SemaphoreType.DMA] * (2 * NBUF)
        ),
    )
    def detile(wt_hbm, out_hbm, *refs):
        bufs = refs[0:NBUF]
        tbs = refs[NBUF:2 * NBUF]
        buf2 = refs[2 * NBUF]
        sis = refs[2 * NBUF + 1:2 * NBUF + 1 + NBUF]
        sos = refs[2 * NBUF + 1 + NBUF:]
        w = _wid()
        lanes = jnp.arange(LANES, dtype=jnp.int32)

        def c0_of(g):
            return (w + NW * g) * CB

        def transpose_block(src, dst, width):
            def lrow(l0, carry):
                lvec = l0 * LANES + lanes
                lvec_d = lvec * D
                for d0 in range(0, D, LANES):

                    @plsc.parallel_loop(0, LANES, unroll=4)
                    def jloop(j):
                        dvec = d0 + ((lanes + j) & (LANES - 1))
                        vals = plsc.load_gather(src, [dvec, lvec])
                        plsc.store_scatter(dst, [lvec_d + dvec], vals)

                return carry

            lax.fori_loop(0, width // LANES, lrow, 0)

        for b in range(NBUF):
            pltpu.async_copy(
                wt_hbm.at[:, pl.ds(c0_of(b), CB)], bufs[b], sis[b])

        def step(j, carry):
            for b in range(NBUF):
                g = NBUF * j + b
                c0 = c0_of(g)
                pltpu.make_async_copy(
                    wt_hbm.at[:, pl.ds(c0, CB)], bufs[b], sis[b]).wait()

                @pl.when(j >= 1)
                def _():
                    pltpu.make_async_copy(
                        tbs[b], out_hbm.at[pl.ds(0, CB * D)], sos[b]).wait()

                transpose_block(bufs[b], tbs[b], CB)
                pltpu.async_copy(
                    tbs[b], out_hbm.at[pl.ds(c0 * D, CB * D)], sos[b])

                @pl.when(g + NBUF < G_MAIN)
                def _():
                    pltpu.async_copy(
                        wt_hbm.at[:, pl.ds(c0_of(g + NBUF), CB)],
                        bufs[b], sis[b])

            return carry

        lax.fori_loop(0, G_MAIN // NBUF, step, 0)
        for b in range(NBUF):
            pltpu.make_async_copy(
                tbs[b], out_hbm.at[pl.ds(0, CB * D)], sos[b]).wait()

        @pl.when(w < N_EXTRA)
        def _extra():
            cb = G_MAIN * NW + w
            c0 = cb * CB
            pltpu.sync_copy(wt_hbm.at[:, pl.ds(c0, CB)], bufs[0])
            transpose_block(bufs[0], tbs[0], CB)
            pltpu.sync_copy(tbs[0], out_hbm.at[pl.ds(c0 * D, CB * D)])

        @pl.when(w == NW - 1)
        def _tail():
            c0 = N_FULL_BLOCKS * CB
            pltpu.sync_copy(wt_hbm.at[:, pl.ds(c0, TAIL_W)], buf2)
            transpose_block(buf2, tbs[0], TAIL_W)
            pltpu.sync_copy(tbs[0].at[pl.ds(0, TAIL_W * D)],
                            out_hbm.at[pl.ds(c0 * D, TAIL_W * D)])

    return detile


@functools.cache
def _build_gather():
    mesh = plsc.VectorSubcoreMesh(core_axis_name="c", subcore_axis_name="s")
    n_c = B // CB

    @functools.partial(
        pl.kernel,
        mesh=mesh,
        compiler_params=pltpu.CompilerParams(
            use_tc_tiling_on_sc=False, needs_layout_passes=False),
        out_type=jax.ShapeDtypeStruct((S, D // 8, n_c, 8, CB), jnp.float32),
        scratch_types=(
            [pltpu.VMEM((S, CB), jnp.int32)]
            + [pltpu.VMEM((CB, D), jnp.float32)] * NBUF
            + [pltpu.VMEM((D // 8, 8, CB), jnp.float32)] * NBUF
            + [pltpu.SemaphoreType.DMA] * (2 * NBUF)
        ),
    )
    def gather(table_hbm, idxt_hbm, out_hbm, idx_all, *refs):
        rows = refs[0:NBUF]
        ovs = refs[NBUF:2 * NBUF]
        sgs = refs[2 * NBUF:3 * NBUF]
        sos = refs[3 * NBUF:]
        c = _wid()
        lanes = jnp.arange(LANES, dtype=jnp.int32)

        pltpu.sync_copy(idxt_hbm.at[:, pl.ds(c * CB, CB)], idx_all)
        for b in range(NBUF):
            pltpu.async_copy(table_hbm.at[idx_all.at[b]], rows[b], sgs[b])

        def transpose_unit(src, dst):
            def lrow(l0, carry):
                lvec = l0 * LANES + lanes
                for d0 in range(0, D, LANES):

                    @plsc.parallel_loop(0, LANES, unroll=4)
                    def jloop(j):
                        dvec = d0 + ((lanes + j) & (LANES - 1))
                        vals = plsc.load_gather(src, [lvec, dvec])
                        plsc.store_scatter(
                            dst, [dvec // 8, dvec % 8, lvec], vals)

                return carry

            lax.fori_loop(0, CB // LANES, lrow, 0)

        def step(j, carry):
            for b in range(NBUF):
                s = NBUF * j + b
                pltpu.make_async_copy(
                    table_hbm.at[idx_all.at[s]], rows[b], sgs[b]).wait()

                @pl.when(j >= 1)
                def _():
                    pltpu.make_async_copy(
                        ovs[b], out_hbm.at[0, :, c], sos[b]).wait()

                transpose_unit(rows[b], ovs[b])
                pltpu.async_copy(ovs[b], out_hbm.at[s, :, c], sos[b])

                @pl.when(s + NBUF < S)
                def _():
                    pltpu.async_copy(
                        table_hbm.at[idx_all.at[s + NBUF]], rows[b], sgs[b])

            return carry

        lax.fori_loop(0, S // NBUF, step, 0)
        for b in range(NBUF):
            pltpu.make_async_copy(
                ovs[b], out_hbm.at[0, :, c], sos[b]).wait()

    return gather


def kernel(indices, weight):
    table = _build_detile()(weight.T).reshape(V, D)
    o5 = _build_gather()(table, indices.T)
    return o5.transpose(2, 4, 0, 1, 3).reshape(B, S, D)

# --- scband reference (transcript-rebuilt; emitter-appended) ---
"""Pipeline reference for scband-token-embedding-3272765079820 (READ-ONLY COPY).

The authoritative reference and input builder live on the scoring server;
editing this copy changes nothing except your own understanding.
"""

import jax, jax.numpy as jnp
import numpy as np

VOCAB = 1000000
DIM = 64
PAD_IDX = 0

def setup_inputs(seed: int = 0) -> dict:
    key = jax.random.key(seed)
    k1, k2 = jax.random.split(key)
    indices = jax.random.randint(k1, (4096, 200), 0, VOCAB, dtype=jnp.int32)
    weight = jax.random.normal(k2, (VOCAB, DIM), dtype=jnp.float32)
    # nn.Embedding with padding_idx zeroes the padding row at init
    weight = weight.at[PAD_IDX].set(0.0)
    return {"indices": indices, "weight": weight}

def reference(indices, weight):
    # nn.Embedding forward: plain row gather; padding row is zero.
    out = jnp.take(weight, indices, axis=0)
    # explicit mask keeps padding positions exactly zero (matches torch semantics,
    # including zero gradient flow to the padding row in the bwd variant)
    out = jnp.where((indices == PAD_IDX)[..., None], 0.0, out)
    return out

if __name__ == "__main__":
    import jax
    _d = setup_inputs()
    print(jax.jit(kernel)(*tuple(_d.values())))

</pallas_src>

<mosaic_0001>
#map = affine_map<(d0, d1) -> (0, 0)>
#map1 = affine_map<(d0, d1) -> (0)>
module attributes {stable_mosaic.version = 14 : i64} {
  func.func @detile(%arg0: i32, %arg1: i32, %arg2: memref<64x1000000xf32, #tpu.memory_space<hbm>>, %arg3: memref<64000000xf32, #tpu.memory_space<hbm>>, %arg4: memref<64x128xf32, #tpu.memory_space<vmem>>, %arg5: memref<64x128xf32, #tpu.memory_space<vmem>>, %arg6: memref<64x128xf32, #tpu.memory_space<vmem>>, %arg7: memref<64x128xf32, #tpu.memory_space<vmem>>, %arg8: memref<8192xf32, #tpu.memory_space<vmem>>, %arg9: memref<8192xf32, #tpu.memory_space<vmem>>, %arg10: memref<8192xf32, #tpu.memory_space<vmem>>, %arg11: memref<8192xf32, #tpu.memory_space<vmem>>, %arg12: memref<64x64xf32, #tpu.memory_space<vmem>>, %arg13: memref<!tpu.dma_semaphore, #tpu.memory_space<semaphore_mem>>, %arg14: memref<!tpu.dma_semaphore, #tpu.memory_space<semaphore_mem>>, %arg15: memref<!tpu.dma_semaphore, #tpu.memory_space<semaphore_mem>>, %arg16: memref<!tpu.dma_semaphore, #tpu.memory_space<semaphore_mem>>, %arg17: memref<!tpu.dma_semaphore, #tpu.memory_space<semaphore_mem>>, %arg18: memref<!tpu.dma_semaphore, #tpu.memory_space<semaphore_mem>>, %arg19: memref<!tpu.dma_semaphore, #tpu.memory_space<semaphore_mem>>, %arg20: memref<!tpu.dma_semaphore, #tpu.memory_space<semaphore_mem>>) attributes {dimension_semantics = [#tpu.dimension_semantics<core_parallel>, #tpu.dimension_semantics<subcore_parallel>], iteration_bounds = array<i64: 2, 16>, scalar_prefetch = 0 : i64, scratch_operands = 17 : i64, tpu.core_type = #tpu.core_type<sc_vector_subcore>, window_params = [{transform_indices = #map}, {transform_indices = #map1}]} {
    %mul3A = arith.constant 2 : i32
    %mul3A_0 = arith.muli %arg1, %mul3A : i32
    %add3A = arith.addi %mul3A_0, %arg0 : i32
    %iota3A = tpu.iota {dimensions = array<i32: 0>} : vector<16xi32>
    %add3A_1 = arith.constant 0 : i32
    %add3A_2 = arith.addi %add3A, %add3A_1 : i32
    %mul3A_3 = arith.constant 128 : i32
    %mul3A_4 = arith.muli %add3A_2, %mul3A_3 : i32
    %dma_start3A = arith.constant 0 : i32
    %dma_start3A_5 = tpu.memref_slice %arg2[%dma_start3A, %mul3A_4] : memref<64x1000000xf32, #tpu.memory_space<hbm>> -> memref<64x128xf32, #tpu.memory_space<hbm>>
    %dma_start3A_6 = arith.constant 0 : i32
    %dma_start3A_7 = tpu.memref_slice %arg2[%dma_start3A_6, %mul3A_4] : memref<64x1000000xf32, #tpu.memory_space<hbm>> -> memref<64x128xf32, #tpu.memory_space<hbm>>
    tpu.enqueue_dma source(%dma_start3A_7 : memref<64x128xf32, #tpu.memory_space<hbm>>) target(%arg4 : memref<64x128xf32, #tpu.memory_space<vmem>>) target_semaphore(%arg13 : memref<!tpu.dma_semaphore, #tpu.memory_space<semaphore_mem>>)
    %add3A_8 = arith.constant 32 : i32
    %add3A_9 = arith.addi %add3A, %add3A_8 : i32
    %mul3A_10 = arith.constant 128 : i32
    %mul3A_11 = arith.muli %add3A_9, %mul3A_10 : i32
    %dma_start3A_12 = arith.constant 0 : i32
    %dma_start3A_13 = tpu.memref_slice %arg2[%dma_start3A_12, %mul3A_11] : memref<64x1000000xf32, #tpu.memory_space<hbm>> -> memref<64x128xf32, #tpu.memory_space<hbm>>
    %dma_start3A_14 = arith.constant 0 : i32
    %dma_start3A_15 = tpu.memref_slice %arg2[%dma_start3A_14, %mul3A_11] : memref<64x1000000xf32, #tpu.memory_space<hbm>> -> memref<64x128xf32, #tpu.memory_space<hbm>>
    tpu.enqueue_dma source(%dma_start3A_15 : memref<64x128xf32, #tpu.memory_space<hbm>>) target(%arg5 : memref<64x128xf32, #tpu.memory_space<vmem>>) target_semaphore(%arg14 : memref<!tpu.dma_semaphore, #tpu.memory_space<semaphore_mem>>)
    %add3A_16 = arith.constant 64 : i32
    %add3A_17 = arith.addi %add3A, %add3A_16 : i32
    %mul3A_18 = arith.constant 128 : i32
    %mul3A_19 = arith.muli %add3A_17, %mul3A_18 : i32
    %dma_start3A_20 = arith.constant 0 : i32
    %dma_start3A_21 = tpu.memref_slice %arg2[%dma_start3A_20, %mul3A_19] : memref<64x1000000xf32, #tpu.memory_space<hbm>> -> memref<64x128xf32, #tpu.memory_space<hbm>>
    %dma_start3A_22 = arith.constant 0 : i32
    %dma_start3A_23 = tpu.memref_slice %arg2[%dma_start3A_22, %mul3A_19] : memref<64x1000000xf32, #tpu.memory_space<hbm>> -> memref<64x128xf32, #tpu.memory_space<hbm>>
    tpu.enqueue_dma source(%dma_start3A_23 : memref<64x128xf32, #tpu.memory_space<hbm>>) target(%arg6 : memref<64x128xf32, #tpu.memory_space<vmem>>) target_semaphore(%arg15 : memref<!tpu.dma_semaphore, #tpu.memory_space<semaphore_mem>>)
    %add3A_24 = arith.constant 96 : i32
    %add3A_25 = arith.addi %add3A, %add3A_24 : i32
    %mul3A_26 = arith.constant 128 : i32
    %mul3A_27 = arith.muli %add3A_25, %mul3A_26 : i32
    %dma_start3A_28 = arith.constant 0 : i32
    %dma_start3A_29 = tpu.memref_slice %arg2[%dma_start3A_28, %mul3A_27] : memref<64x1000000xf32, #tpu.memory_space<hbm>> -> memref<64x128xf32, #tpu.memory_space<hbm>>
    %dma_start3A_30 = arith.constant 0 : i32
    %dma_start3A_31 = tpu.memref_slice %arg2[%dma_start3A_30, %mul3A_27] : memref<64x1000000xf32, #tpu.memory_space<hbm>> -> memref<64x128xf32, #tpu.memory_space<hbm>>
    tpu.enqueue_dma source(%dma_start3A_31 : memref<64x128xf32, #tpu.memory_space<hbm>>) target(%arg7 : memref<64x128xf32, #tpu.memory_space<vmem>>) target_semaphore(%arg16 : memref<!tpu.dma_semaphore, #tpu.memory_space<semaphore_mem>>)
    %scan3A = arith.constant 0 : i32
    %scan3A_32 = arith.constant 0 : i32
    %scan3A_33 = arith.constant 61 : i32
    %scan3A_34 = arith.addi %scan3A_32, %scan3A_33 : i32
    %scan3A_35 = arith.constant 1 : i32
    scf.for %scan3A_58 = %scan3A_32 to %scan3A_34 step %scan3A_35  : i32 {
      %mul3A_59 = arith.constant 4 : i32
      %mul3A_60 = arith.muli %mul3A_59, %scan3A_58 : i32
      %add3A_61 = arith.constant 0 : i32
      %add3A_62 = arith.addi %mul3A_60, %add3A_61 : i32
      %mul3A_63 = arith.constant 32 : i32
      %mul3A_64 = arith.muli %mul3A_63, %add3A_62 : i32
      %add3A_65 = arith.addi %add3A, %mul3A_64 : i32
      %mul3A_66 = arith.constant 128 : i32
      %mul3A_67 = arith.muli %add3A_65, %mul3A_66 : i32
      %dma_wait3A_68 = arith.constant 0 : i32
      %dma_wait3A_69 = tpu.memref_slice %arg2[%dma_wait3A_68, %mul3A_67] : memref<64x1000000xf32, #tpu.memory_space<hbm>> -> memref<64x128xf32, #tpu.memory_space<hbm>>
      %dma_wait3A_70 = arith.constant 0 : i32
      %dma_wait3A_71 = tpu.memref_slice %arg2[%dma_wait3A_70, %mul3A_67] : memref<64x1000000xf32, #tpu.memory_space<hbm>> -> memref<64x128xf32, #tpu.memory_space<hbm>>
      tpu.wait_dma2 semaphore(%arg13 : memref<!tpu.dma_semaphore, #tpu.memory_space<semaphore_mem>>) src(%dma_wait3A_71 : memref<64x128xf32, #tpu.memory_space<hbm>>) dst(%arg4 : memref<64x128xf32, #tpu.memory_space<vmem>>)
      %ge3A = arith.constant 1 : i32
      %ge3A_72 = arith.cmpi sge, %scan3A_58, %ge3A : i32
      %convert_element_type3A_73 = arith.extui %ge3A_72 : i1 to i32
      %cond3A_74 = arith.constant 0 : i32
      %cond3A_75 = arith.cmpi ne, %convert_element_type3A_73, %cond3A_74 : i32
      scf.if %cond3A_75 {
        %dma_wait3A_198 = arith.constant 0 : i32
        %dma_wait3A_199 = tpu.memref_slice %arg3[%dma_wait3A_198] : memref<64000000xf32, #tpu.memory_space<hbm>> -> memref<8192xf32, #tpu.memory_space<hbm>>
        %dma_wait3A_200 = arith.constant 0 : i32
        %dma_wait3A_201 = tpu.memref_slice %arg3[%dma_wait3A_200] : memref<64000000xf32, #tpu.memory_space<hbm>> -> memref<8192xf32, #tpu.memory_space<hbm>>
        tpu.wait_dma2 semaphore(%arg17 : memref<!tpu.dma_semaphore, #tpu.memory_space<semaphore_mem>>) src(%arg8 : memref<8192xf32, #tpu.memory_space<vmem>>) dst(%dma_wait3A_201 : memref<8192xf32, #tpu.memory_space<hbm>>)
      } else {
      }
      %scan3A_76 = arith.constant 0 : i32
      %scan3A_77 = arith.constant 0 : i32
      %scan3A_78 = arith.constant 8 : i32
      %scan3A_79 = arith.addi %scan3A_77, %scan3A_78 : i32
      %scan3A_80 = arith.constant 1 : i32
      scf.for %scan3A_198 = %scan3A_77 to %scan3A_79 step %scan3A_80  : i32 {
        %mul3A_199 = arith.constant 16 : i32
        %mul3A_200 = arith.muli %scan3A_198, %mul3A_199 : i32
        %add3A_201 = vector.broadcast %mul3A_200 : i32 to vector<16xi32>
        %add3A_202 = arith.addi %add3A_201, %iota3A : vector<16xi32>
        %mul3A_203 = arith.constant 64 : i32
        %mul3A_204 = vector.broadcast %mul3A_203 : i32 to vector<16xi32>
        %mul3A_205 = arith.muli %add3A_202, %mul3A_204 : vector<16xi32>
        %parallel_loop3A = arith.constant 0 : i32
        %parallel_loop3A_206 = arith.constant 16 : i32
        %parallel_loop3A_207 = arith.constant 1 : i32
        scf.for %parallel_loop3A_217 = %parallel_loop3A to %parallel_loop3A_206 step %parallel_loop3A_207  : i32 {
          %parallel_loop3A_218 = vector.broadcast %parallel_loop3A_217 : i32 to vector<16xi32>
          %parallel_loop3A_219 = arith.addi %iota3A, %parallel_loop3A_218 : vector<16xi32>
          %parallel_loop3A_220 = arith.constant 15 : i32
          %parallel_loop3A_221 = vector.broadcast %parallel_loop3A_220 : i32 to vector<16xi32>
          %parallel_loop3A_222 = arith.andi %parallel_loop3A_219, %parallel_loop3A_221 : vector<16xi32>
          %parallel_loop3A_223 = arith.constant 0 : i32
          %parallel_loop3A_224 = vector.broadcast %parallel_loop3A_223 : i32 to vector<16xi32>
          %parallel_loop3A_225 = arith.addi %parallel_loop3A_224, %parallel_loop3A_222 : vector<16xi32>
          %parallel_loop3A_226 = tpu.vector_load_idx %arg4[%parallel_loop3A_225, %add3A_202] : memref<64x128xf32, #tpu.memory_space<vmem>>[vector<16xi32>, vector<16xi32>], vector<16xf32>,
          %parallel_loop3A_227 = arith.addi %mul3A_205, %parallel_loop3A_225 : vector<16xi32>
          tpu.vector_store_idx %arg8[%parallel_loop3A_227], %parallel_loop3A_226 : memref<8192xf32, #tpu.memory_space<vmem>>[vector<16xi32>], vector<16xf32>,
        } {sc.loop_unroll_factor = 4 : i64, sc.parallel_access}
        %parallel_loop3A_208 = arith.constant 0 : i32
        %parallel_loop3A_209 = arith.constant 16 : i32
        %parallel_loop3A_210 = arith.constant 1 : i32
        scf.for %parallel_loop3A_217 = %parallel_loop3A_208 to %parallel_loop3A_209 step %parallel_loop3A_210  : i32 {
          %parallel_loop3A_218 = vector.broadcast %parallel_loop3A_217 : i32 to vector<16xi32>
          %parallel_loop3A_219 = arith.addi %iota3A, %parallel_loop3A_218 : vector<16xi32>
          %parallel_loop3A_220 = arith.constant 15 : i32
          %parallel_loop3A_221 = vector.broadcast %parallel_loop3A_220 : i32 to vector<16xi32>
          %parallel_loop3A_222 = arith.andi %parallel_loop3A_219, %parallel_loop3A_221 : vector<16xi32>
          %parallel_loop3A_223 = arith.constant 16 : i32
          %parallel_loop3A_224 = vector.broadcast %parallel_loop3A_223 : i32 to vector<16xi32>
          %parallel_loop3A_225 = arith.addi %parallel_loop3A_224, %parallel_loop3A_222 : vector<16xi32>
          %parallel_loop3A_226 = tpu.vector_load_idx %arg4[%parallel_loop3A_225, %add3A_202] : memref<64x128xf32, #tpu.memory_space<vmem>>[vector<16xi32>, vector<16xi32>], vector<16xf32>,
          %parallel_loop3A_227 = arith.addi %mul3A_205, %parallel_loop3A_225 : vector<16xi32>
          tpu.vector_store_idx %arg8[%parallel_loop3A_227], %parallel_loop3A_226 : memref<8192xf32, #tpu.memory_space<vmem>>[vector<16xi32>], vector<16xf32>,
        } {sc.loop_unroll_factor = 4 : i64, sc.parallel_access}
        %parallel_loop3A_211 = arith.constant 0 : i32
        %parallel_loop3A_212 = arith.constant 16 : i32
        %parallel_loop3A_213 = arith.constant 1 : i32
        scf.for %parallel_loop3A_217 = %parallel_loop3A_211 to %parallel_loop3A_212 step %parallel_loop3A_213  : i32 {
          %parallel_loop3A_218 = vector.broadcast %parallel_loop3A_217 : i32 to vector<16xi32>
          %parallel_loop3A_219 = arith.addi %iota3A, %parallel_loop3A_218 : vector<16xi32>
          %parallel_loop3A_220 = arith.constant 15 : i32
          %parallel_loop3A_221 = vector.broadcast %parallel_loop3A_220 : i32 to vector<16xi32>
          %parallel_loop3A_222 = arith.andi %parallel_loop3A_219, %parallel_loop3A_221 : vector<16xi32>
          %parallel_loop3A_223 = arith.constant 32 : i32
          %parallel_loop3A_224 = vector.broadcast %parallel_loop3A_223 : i32 to vector<16xi32>
          %parallel_loop3A_225 = arith.addi %parallel_loop3A_224, %parallel_loop3A_222 : vector<16xi32>
          %parallel_loop3A_226 = tpu.vector_load_idx %arg4[%parallel_loop3A_225, %add3A_202] : memref<64x128xf32, #tpu.memory_space<vmem>>[vector<16xi32>, vector<16xi32>], vector<16xf32>,
          %parallel_loop3A_227 = arith.addi %mul3A_205, %parallel_loop3A_225 : vector<16xi32>
          tpu.vector_store_idx %arg8[%parallel_loop3A_227], %parallel_loop3A_226 : memref<8192xf32, #tpu.memory_space<vmem>>[vector<16xi32>], vector<16xf32>,
        } {sc.loop_unroll_factor = 4 : i64, sc.parallel_access}
        %parallel_loop3A_214 = arith.constant 0 : i32
        %parallel_loop3A_215 = arith.constant 16 : i32
        %parallel_loop3A_216 = arith.constant 1 : i32
        scf.for %parallel_loop3A_217 = %parallel_loop3A_214 to %parallel_loop3A_215 step %parallel_loop3A_216  : i32 {
          %parallel_loop3A_218 = vector.broadcast %parallel_loop3A_217 : i32 to vector<16xi32>
          %parallel_loop3A_219 = arith.addi %iota3A, %parallel_loop3A_218 : vector<16xi32>
          %parallel_loop3A_220 = arith.constant 15 : i32
          %parallel_loop3A_221 = vector.broadcast %parallel_loop3A_220 : i32 to vector<16xi32>
          %parallel_loop3A_222 = arith.andi %parallel_loop3A_219, %parallel_loop3A_221 : vector<16xi32>
          %parallel_loop3A_223 = arith.constant 48 : i32
          %parallel_loop3A_224 = vector.broadcast %parallel_loop3A_223 : i32 to vector<16xi32>
          %parallel_loop3A_225 = arith.addi %parallel_loop3A_224, %parallel_loop3A_222 : vector<16xi32>
          %parallel_loop3A_226 = tpu.vector_load_idx %arg4[%parallel_loop3A_225, %add3A_202] : memref<64x128xf32, #tpu.memory_space<vmem>>[vector<16xi32>, vector<16xi32>], vector<16xf32>,
          %parallel_loop3A_227 = arith.addi %mul3A_205, %parallel_loop3A_225 : vector<16xi32>
          tpu.vector_store_idx %arg8[%parallel_loop3A_227], %parallel_loop3A_226 : memref<8192xf32, #tpu.memory_space<vmem>>[vector<16xi32>], vector<16xf32>,
        } {sc.loop_unroll_factor = 4 : i64, sc.parallel_access}
      }
      %scan3A_81 = arith.constant 8 : i32
      %mul3A_82 = arith.constant 64 : i32
      %mul3A_83 = arith.muli %mul3A_67, %mul3A_82 : i32
      %dma_start3A_84 = tpu.memref_slice %arg3[%mul3A_83] : memref<64000000xf32, #tpu.memory_space<hbm>> -> memref<8192xf32, #tpu.memory_space<hbm>>
      %dma_start3A_85 = tpu.memref_slice %arg3[%mul3A_83] : memref<64000000xf32, #tpu.memory_space<hbm>> -> memref<8192xf32, #tpu.memory_space<hbm>>
      tpu.enqueue_dma source(%arg8 : memref<8192xf32, #tpu.memory_space<vmem>>) target(%dma_start3A_85 : memref<8192xf32, #tpu.memory_space<hbm>>) target_semaphore(%arg17 : memref<!tpu.dma_semaphore, #tpu.memory_space<semaphore_mem>>)
      %add3A_86 = arith.constant 4 : i32
      %add3A_87 = arith.addi %add3A_62, %add3A_86 : i32
      %lt3A_88 = arith.constant 244 : i32
      %lt3A_89 = arith.cmpi slt, %add3A_87, %lt3A_88 : i32
      %convert_element_type3A_90 = arith.extui %lt3A_89 : i1 to i32
      %cond3A_91 = arith.constant 0 : i32
      %cond3A_92 = arith.cmpi ne, %convert_element_type3A_90, %cond3A_91 : i32
      scf.if %cond3A_92 {
        %add3A_198 = arith.constant 4 : i32
        %add3A_199 = arith.addi %add3A_62, %add3A_198 : i32
        %mul3A_200 = arith.constant 32 : i32
        %mul3A_201 = arith.muli %mul3A_200, %add3A_199 : i32
        %add3A_202 = arith.addi %add3A, %mul3A_201 : i32
        %mul3A_203 = arith.constant 128 : i32
        %mul3A_204 = arith.muli %add3A_202, %mul3A_203 : i32
        %dma_start3A_205 = arith.constant 0 : i32
        %dma_start3A_206 = tpu.memref_slice %arg2[%dma_start3A_205, %mul3A_204] : memref<64x1000000xf32, #tpu.memory_space<hbm>> -> memref<64x128xf32, #tpu.memory_space<hbm>>
        %dma_start3A_207 = arith.constant 0 : i32
        %dma_start3A_208 = tpu.memref_slice %arg2[%dma_start3A_207, %mul3A_204] : memref<64x1000000xf32, #tpu.memory_space<hbm>> -> memref<64x128xf32, #tpu.memory_space<hbm>>
        tpu.enqueue_dma source(%dma_start3A_208 : memref<64x128xf32, #tpu.memory_space<hbm>>) target(%arg4 : memref<64x128xf32, #tpu.memory_space<vmem>>) target_semaphore(%arg13 : memref<!tpu.dma_semaphore, #tpu.memory_space<semaphore_mem>>)
      } else {
      }
      %mul3A_93 = arith.constant 4 : i32
      %mul3A_94 = arith.muli %mul3A_93, %scan3A_58 : i32
      %add3A_95 = arith.constant 1 : i32
      %add3A_96 = arith.addi %mul3A_94, %add3A_95 : i32
      %mul3A_97 = arith.constant 32 : i32
      %mul3A_98 = arith.muli %mul3A_97, %add3A_96 : i32
      %add3A_99 = arith.addi %add3A, %mul3A_98 : i32
      %mul3A_100 = arith.constant 128 : i32
      %mul3A_101 = arith.muli %add3A_99, %mul3A_100 : i32
      %dma_wait3A_102 = arith.constant 0 : i32
      %dma_wait3A_103 = tpu.memref_slice %arg2[%dma_wait3A_102, %mul3A_101] : memref<64x1000000xf32, #tpu.memory_space<hbm>> -> memref<64x128xf32, #tpu.memory_space<hbm>>
      %dma_wait3A_104 = arith.constant 0 : i32
      %dma_wait3A_105 = tpu.memref_slice %arg2[%dma_wait3A_104, %mul3A_101] : memref<64x1000000xf32, #tpu.memory_space<hbm>> -> memref<64x128xf32, #tpu.memory_space<hbm>>
      tpu.wait_dma2 semaphore(%arg14 : memref<!tpu.dma_semaphore, #tpu.memory_space<semaphore_mem>>) src(%dma_wait3A_105 : memref<64x128xf32, #tpu.memory_space<hbm>>) dst(%arg5 : memref<64x128xf32, #tpu.memory_space<vmem>>)
      %ge3A_106 = arith.constant 1 : i32
      %ge3A_107 = arith.cmpi sge, %scan3A_58, %ge3A_106 : i32
      %convert_element_type3A_108 = arith.extui %ge3A_107 : i1 to i32
      %cond3A_109 = arith.constant 0 : i32
      %cond3A_110 = arith.cmpi ne, %convert_element_type3A_108, %cond3A_109 : i32
      scf.if %cond3A_110 {
        %dma_wait3A_198 = arith.constant 0 : i32
        %dma_wait3A_199 = tpu.memref_slice %arg3[%dma_wait3A_198] : memref<64000000xf32, #tpu.memory_space<hbm>> -> memref<8192xf32, #tpu.memory_space<hbm>>
        %dma_wait3A_200 = arith.constant 0 : i32
        %dma_wait3A_201 = tpu.memref_slice %arg3[%dma_wait3A_200] : memref<64000000xf32, #tpu.memory_space<hbm>> -> memref<8192xf32, #tpu.memory_space<hbm>>
        tpu.wait_dma2 semaphore(%arg18 : memref<!tpu.dma_semaphore, #tpu.memory_space<semaphore_mem>>) src(%arg9 : memref<8192xf32, #tpu.memory_space<vmem>>) dst(%dma_wait3A_201 : memref<8192xf32, #tpu.memory_space<hbm>>)
      } else {
      }
      %scan3A_111 = arith.constant 0 : i32
      %scan3A_112 = arith.constant 0 : i32
      %scan3A_113 = arith.constant 8 : i32
      %scan3A_114 = arith.addi %scan3A_112, %scan3A_113 : i32
      %scan3A_115 = arith.constant 1 : i32
      scf.for %scan3A_198 = %scan3A_112 to %scan3A_114 step %scan3A_115  : i32 {
        %mul3A_199 = arith.constant 16 : i32
        %mul3A_200 = arith.muli %scan3A_198, %mul3A_199 : i32
        %add3A_201 = vector.broadcast %mul3A_200 : i32 to vector<16xi32>
        %add3A_202 = arith.addi %add3A_201, %iota3A : vector<16xi32>
        %mul3A_203 = arith.constant 64 : i32
        %mul3A_204 = vector.broadcast %mul3A_203 : i32 to vector<16xi32>
        %mul3A_205 = arith.muli %add3A_202, %mul3A_204 : vector<16xi32>
        %parallel_loop3A = arith.constant 0 : i32
        %parallel_loop3A_206 = arith.constant 16 : i32
        %parallel_loop3A_207 = arith.constant 1 : i32
        scf.for %parallel_loop3A_217 = %parallel_loop3A to %parallel_loop3A_206 step %parallel_loop3A_207  : i32 {
          %parallel_loop3A_218 = vector.broadcast %parallel_loop3A_217 : i32 to vector<16xi32>
          %parallel_loop3A_219 = arith.addi %iota3A, %parallel_loop3A_218 : vector<16xi32>
          %parallel_loop3A_220 = arith.constant 15 : i32
          %parallel_loop3A_221 = vector.broadcast %parallel_loop3A_220 : i32 to vector<16xi32>
          %parallel_loop3A_222 = arith.andi %parallel_loop3A_219, %parallel_loop3A_221 : vector<16xi32>
          %parallel_loop3A_223 = arith.constant 0 : i32
          %parallel_loop3A_224 = vector.broadcast %parallel_loop3A_223 : i32 to vector<16xi32>
          %parallel_loop3A_225 = arith.addi %parallel_loop3A_224, %parallel_loop3A_222 : vector<16xi32>
          %parallel_loop3A_226 = tpu.vector_load_idx %arg5[%parallel_loop3A_225, %add3A_202] : memref<64x128xf32, #tpu.memory_space<vmem>>[vector<16xi32>, vector<16xi32>], vector<16xf32>,
          %parallel_loop3A_227 = arith.addi %mul3A_205, %parallel_loop3A_225 : vector<16xi32>
          tpu.vector_store_idx %arg9[%parallel_loop3A_227], %parallel_loop3A_226 : memref<8192xf32, #tpu.memory_space<vmem>>[vector<16xi32>], vector<16xf32>,
        } {sc.loop_unroll_factor = 4 : i64, sc.parallel_access}
        %parallel_loop3A_208 = arith.constant 0 : i32
        %parallel_loop3A_209 = arith.constant 16 : i32
        %parallel_loop3A_210 = arith.constant 1 : i32
        scf.for %parallel_loop3A_217 = %parallel_loop3A_208 to %parallel_loop3A_209 step %parallel_loop3A_210  : i32 {
          %parallel_loop3A_218 = vector.broadcast %parallel_loop3A_217 : i32 to vector<16xi32>
          %parallel_loop3A_219 = arith.addi %iota3A, %parallel_loop3A_218 : vector<16xi32>
          %parallel_loop3A_220 = arith.constant 15 : i32
          %parallel_loop3A_221 = vector.broadcast %parallel_loop3A_220 : i32 to vector<16xi32>
          %parallel_loop3A_222 = arith.andi %parallel_loop3A_219, %parallel_loop3A_221 : vector<16xi32>
          %parallel_loop3A_223 = arith.constant 16 : i32
          %parallel_loop3A_224 = vector.broadcast %parallel_loop3A_223 : i32 to vector<16xi32>
          %parallel_loop3A_225 = arith.addi %parallel_loop3A_224, %parallel_loop3A_222 : vector<16xi32>
          %parallel_loop3A_226 = tpu.vector_load_idx %arg5[%parallel_loop3A_225, %add3A_202] : memref<64x128xf32, #tpu.memory_space<vmem>>[vector<16xi32>, vector<16xi32>], vector<16xf32>,
          %parallel_loop3A_227 = arith.addi %mul3A_205, %parallel_loop3A_225 : vector<16xi32>
          tpu.vector_store_idx %arg9[%parallel_loop3A_227], %parallel_loop3A_226 : memref<8192xf32, #tpu.memory_space<vmem>>[vector<16xi32>], vector<16xf32>,
        } {sc.loop_unroll_factor = 4 : i64, sc.parallel_access}
        %parallel_loop3A_211 = arith.constant 0 : i32
        %parallel_loop3A_212 = arith.constant 16 : i32
        %parallel_loop3A_213 = arith.constant 1 : i32
        scf.for %parallel_loop3A_217 = %parallel_loop3A_211 to %parallel_loop3A_212 step %parallel_loop3A_213  : i32 {
          %parallel_loop3A_218 = vector.broadcast %parallel_loop3A_217 : i32 to vector<16xi32>
          %parallel_loop3A_219 = arith.addi %iota3A, %parallel_loop3A_218 : vector<16xi32>
          %parallel_loop3A_220 = arith.constant 15 : i32
          %parallel_loop3A_221 = vector.broadcast %parallel_loop3A_220 : i32 to vector<16xi32>
          %parallel_loop3A_222 = arith.andi %parallel_loop3A_219, %parallel_loop3A_221 : vector<16xi32>
          %parallel_loop3A_223 = arith.constant 32 : i32
          %parallel_loop3A_224 = vector.broadcast %parallel_loop3A_223 : i32 to vector<16xi32>
          %parallel_loop3A_225 = arith.addi %parallel_loop3A_224, %parallel_loop3A_222 : vector<16xi32>
          %parallel_loop3A_226 = tpu.vector_load_idx %arg5[%parallel_loop3A_225, %add3A_202] : memref<64x128xf32, #tpu.memory_space<vmem>>[vector<16xi32>, vector<16xi32>], vector<16xf32>,
          %parallel_loop3A_227 = arith.addi %mul3A_205, %parallel_loop3A_225 : vector<16xi32>
          tpu.vector_store_idx %arg9[%parallel_loop3A_227], %parallel_loop3A_226 : memref<8192xf32, #tpu.memory_space<vmem>>[vector<16xi32>], vector<16xf32>,
        } {sc.loop_unroll_factor = 4 : i64, sc.parallel_access}
        %parallel_loop3A_214 = arith.constant 0 : i32
        %parallel_loop3A_215 = arith.constant 16 : i32
        %parallel_loop3A_216 = arith.constant 1 : i32
        scf.for %parallel_loop3A_217 = %parallel_loop3A_214 to %parallel_loop3A_215 step %parallel_loop3A_216  : i32 {
          %parallel_loop3A_218 = vector.broadcast %parallel_loop3A_217 : i32 to vector<16xi32>
          %parallel_loop3A_219 = arith.addi %iota3A, %parallel_loop3A_218 : vector<16xi32>
          %parallel_loop3A_220 = arith.constant 15 : i32
          %parallel_loop3A_221 = vector.broadcast %parallel_loop3A_220 : i32 to vector<16xi32>
          %parallel_loop3A_222 = arith.andi %parallel_loop3A_219, %parallel_loop3A_221 : vector<16xi32>
          %parallel_loop3A_223 = arith.constant 48 : i32
          %parallel_loop3A_224 = vector.broadcast %parallel_loop3A_223 : i32 to vector<16xi32>
          %parallel_loop3A_225 = arith.addi %parallel_loop3A_224, %parallel_loop3A_222 : vector<16xi32>
          %parallel_loop3A_226 = tpu.vector_load_idx %arg5[%parallel_loop3A_225, %add3A_202] : memref<64x128xf32, #tpu.memory_space<vmem>>[vector<16xi32>, vector<16xi32>], vector<16xf32>,
          %parallel_loop3A_227 = arith.addi %mul3A_205, %parallel_loop3A_225 : vector<16xi32>
          tpu.vector_store_idx %arg9[%parallel_loop3A_227], %parallel_loop3A_226 : memref<8192xf32, #tpu.memory_space<vmem>>[vector<16xi32>], vector<16xf32>,
        } {sc.loop_unroll_factor = 4 : i64, sc.parallel_access}
      }
      %scan3A_116 = arith.constant 8 : i32
      %mul3A_117 = arith.constant 64 : i32
      %mul3A_118 = arith.muli %mul3A_101, %mul3A_117 : i32
      %dma_start3A_119 = tpu.memref_slice %arg3[%mul3A_118] : memref<64000000xf32, #tpu.memory_space<hbm>> -> memref<8192xf32, #tpu.memory_space<hbm>>
      %dma_start3A_120 = tpu.memref_slice %arg3[%mul3A_118] : memref<64000000xf32, #tpu.memory_space<hbm>> -> memref<8192xf32, #tpu.memory_space<hbm>>
      tpu.enqueue_dma source(%arg9 : memref<8192xf32, #tpu.memory_space<vmem>>) target(%dma_start3A_120 : memref<8192xf32, #tpu.memory_space<hbm>>) target_semaphore(%arg18 : memref<!tpu.dma_semaphore, #tpu.memory_space<semaphore_mem>>)
      %add3A_121 = arith.constant 4 : i32
      %add3A_122 = arith.addi %add3A_96, %add3A_121 : i32
      %lt3A_123 = arith.constant 244 : i32
      %lt3A_124 = arith.cmpi slt, %add3A_122, %lt3A_123 : i32
      %convert_element_type3A_125 = arith.extui %lt3A_124 : i1 to i32
      %cond3A_126 = arith.constant 0 : i32
      %cond3A_127 = arith.cmpi ne, %convert_element_type3A_125, %cond3A_126 : i32
      scf.if %cond3A_127 {
        %add3A_198 = arith.constant 4 : i32
        %add3A_199 = arith.addi %add3A_96, %add3A_198 : i32
        %mul3A_200 = arith.constant 32 : i32
        %mul3A_201 = arith.muli %mul3A_200, %add3A_199 : i32
        %add3A_202 = arith.addi %add3A, %mul3A_201 : i32
        %mul3A_203 = arith.constant 128 : i32
        %mul3A_204 = arith.muli %add3A_202, %mul3A_203 : i32
        %dma_start3A_205 = arith.constant 0 : i32
        %dma_start3A_206 = tpu.memref_slice %arg2[%dma_start3A_205, %mul3A_204] : memref<64x1000000xf32, #tpu.memory_space<hbm>> -> memref<64x128xf32, #tpu.memory_space<hbm>>
        %dma_start3A_207 = arith.constant 0 : i32
        %dma_start3A_208 = tpu.memref_slice %arg2[%dma_start3A_207, %mul3A_204] : memref<64x1000000xf32, #tpu.memory_space<hbm>> -> memref<64x128xf32, #tpu.memory_space<hbm>>
        tpu.enqueue_dma source(%dma_start3A_208 : memref<64x128xf32, #tpu.memory_space<hbm>>) target(%arg5 : memref<64x128xf32, #tpu.memory_space<vmem>>) target_semaphore(%arg14 : memref<!tpu.dma_semaphore, #tpu.memory_space<semaphore_mem>>)
      } else {
      }
      %mul3A_128 = arith.constant 4 : i32
      %mul3A_129 = arith.muli %mul3A_128, %scan3A_58 : i32
      %add3A_130 = arith.constant 2 : i32
      %add3A_131 = arith.addi %mul3A_129, %add3A_130 : i32
      %mul3A_132 = arith.constant 32 : i32
      %mul3A_133 = arith.muli %mul3A_132, %add3A_131 : i32
      %add3A_134 = arith.addi %add3A, %mul3A_133 : i32
      %mul3A_135 = arith.constant 128 : i32
      %mul3A_136 = arith.muli %add3A_134, %mul3A_135 : i32
      %dma_wait3A_137 = arith.constant 0 : i32
      %dma_wait3A_138 = tpu.memref_slice %arg2[%dma_wait3A_137, %mul3A_136] : memref<64x1000000xf32, #tpu.memory_space<hbm>> -> memref<64x128xf32, #tpu.memory_space<hbm>>
      %dma_wait3A_139 = arith.constant 0 : i32
      %dma_wait3A_140 = tpu.memref_slice %arg2[%dma_wait3A_139, %mul3A_136] : memref<64x1000000xf32, #tpu.memory_space<hbm>> -> memref<64x128xf32, #tpu.memory_space<hbm>>
      tpu.wait_dma2 semaphore(%arg15 : memref<!tpu.dma_semaphore, #tpu.memory_space<semaphore_mem>>) src(%dma_wait3A_140 : memref<64x128xf32, #tpu.memory_space<hbm>>) dst(%arg6 : memref<64x128xf32, #tpu.memory_space<vmem>>)
      %ge3A_141 = arith.constant 1 : i32
      %ge3A_142 = arith.cmpi sge, %scan3A_58, %ge3A_141 : i32
      %convert_element_type3A_143 = arith.extui %ge3A_142 : i1 to i32
      %cond3A_144 = arith.constant 0 : i32
      %cond3A_145 = arith.cmpi ne, %convert_element_type3A_143, %cond3A_144 : i32
      scf.if %cond3A_145 {
        %dma_wait3A_198 = arith.constant 0 : i32
        %dma_wait3A_199 = tpu.memref_slice %arg3[%dma_wait3A_198] : memref<64000000xf32, #tpu.memory_space<hbm>> -> memref<8192xf32, #tpu.memory_space<hbm>>
        %dma_wait3A_200 = arith.constant 0 : i32
        %dma_wait3A_201 = tpu.memref_slice %arg3[%dma_wait3A_200] : memref<64000000xf32, #tpu.memory_space<hbm>> -> memref<8192xf32, #tpu.memory_space<hbm>>
        tpu.wait_dma2 semaphore(%arg19 : memref<!tpu.dma_semaphore, #tpu.memory_space<semaphore_mem>>) src(%arg10 : memref<8192xf32, #tpu.memory_space<vmem>>) dst(%dma_wait3A_201 : memref<8192xf32, #tpu.memory_space<hbm>>)
      } else {
      }
      %scan3A_146 = arith.constant 0 : i32
      %scan3A_147 = arith.constant 0 : i32
      %scan3A_148 = arith.constant 8 : i32
      %scan3A_149 = arith.addi %scan3A_147, %scan3A_148 : i32
      %scan3A_150 = arith.constant 1 : i32
      scf.for %scan3A_198 = %scan3A_147 to %scan3A_149 step %scan3A_150  : i32 {
        %mul3A_199 = arith.constant 16 : i32
        %mul3A_200 = arith.muli %scan3A_198, %mul3A_199 : i32
        %add3A_201 = vector.broadcast %mul3A_200 : i32 to vector<16xi32>
        %add3A_202 = arith.addi %add3A_201, %iota3A : vector<16xi32>
        %mul3A_203 = arith.constant 64 : i32
        %mul3A_204 = vector.broadcast %mul3A_203 : i32 to vector<16xi32>
        %mul3A_205 = arith.muli %add3A_202, %mul3A_204 : vector<16xi32>
        %parallel_loop3A = arith.constant 0 : i32
        %parallel_loop3A_206 = arith.constant 16 : i32
        %parallel_loop3A_207 = arith.constant 1 : i32
        scf.for %parallel_loop3A_217 = %parallel_loop3A to %parallel_loop3A_206 step %parallel_loop3A_207  : i32 {
          %parallel_loop3A_218 = vector.broadcast %parallel_loop3A_217 : i32 to vector<16xi32>
          %parallel_loop3A_219 = arith.addi %iota3A, %parallel_loop3A_218 : vector<16xi32>
          %parallel_loop3A_220 = arith.constant 15 : i32
          %parallel_loop3A_221 = vector.broadcast %parallel_loop3A_220 : i32 to vector<16xi32>
          %parallel_loop3A_222 = arith.andi %parallel_loop3A_219, %parallel_loop3A_221 : vector<16xi32>
          %parallel_loop3A_223 = arith.constant 0 : i32
          %parallel_loop3A_224 = vector.broadcast %parallel_loop3A_223 : i32 to vector<16xi32>
          %parallel_loop3A_225 = arith.addi %parallel_loop3A_224, %parallel_loop3A_222 : vector<16xi32>
          %parallel_loop3A_226 = tpu.vector_load_idx %arg6[%parallel_loop3A_225, %add3A_202] : memref<64x128xf32, #tpu.memory_space<vmem>>[vector<16xi32>, vector<16xi32>], vector<16xf32>,
          %parallel_loop3A_227 = arith.addi %mul3A_205, %parallel_loop3A_225 : vector<16xi32>
          tpu.vector_store_idx %arg10[%parallel_loop3A_227], %parallel_loop3A_226 : memref<8192xf32, #tpu.memory_space<vmem>>[vector<16xi32>], vector<16xf32>,
        } {sc.loop_unroll_factor = 4 : i64, sc.parallel_access}
        %parallel_loop3A_208 = arith.constant 0 : i32
        %parallel_loop3A_209 = arith.constant 16 : i32
        %parallel_loop3A_210 = arith.constant 1 : i32
        scf.for %parallel_loop3A_217 = %parallel_loop3A_208 to %parallel_loop3A_209 step %parallel_loop3A_210  : i32 {
          %parallel_loop3A_218 = vector.broadcast %parallel_loop3A_217 : i32 to vector<16xi32>
          %parallel_loop3A_219 = arith.addi %iota3A, %parallel_loop3A_218 : vector<16xi32>
          %parallel_loop3A_220 = arith.constant 15 : i32
          %parallel_loop3A_221 = vector.broadcast %parallel_loop3A_220 : i32 to vector<16xi32>
          %parallel_loop3A_222 = arith.andi %parallel_loop3A_219, %parallel_loop3A_221 : vector<16xi32>
          %parallel_loop3A_223 = arith.constant 16 : i32
          %parallel_loop3A_224 = vector.broadcast %parallel_loop3A_223 : i32 to vector<16xi32>
          %parallel_loop3A_225 = arith.addi %parallel_loop3A_224, %parallel_loop3A_222 : vector<16xi32>
          %parallel_loop3A_226 = tpu.vector_load_idx %arg6[%parallel_loop3A_225, %add3A_202] : memref<64x128xf32, #tpu.memory_space<vmem>>[vector<16xi32>, vector<16xi32>], vector<16xf32>,
          %parallel_loop3A_227 = arith.addi %mul3A_205, %parallel_loop3A_225 : vector<16xi32>
          tpu.vector_store_idx %arg10[%parallel_loop3A_227], %parallel_loop3A_226 : memref<8192xf32, #tpu.memory_space<vmem>>[vector<16xi32>], vector<16xf32>,
        } {sc.loop_unroll_factor = 4 : i64, sc.parallel_access}
        %parallel_loop3A_211 = arith.constant 0 : i32
        %parallel_loop3A_212 = arith.constant 16 : i32
        %parallel_loop3A_213 = arith.constant 1 : i32
        scf.for %parallel_loop3A_217 = %parallel_loop3A_211 to %parallel_loop3A_212 step %parallel_loop3A_213  : i32 {
          %parallel_loop3A_218 = vector.broadcast %parallel_loop3A_217 : i32 to vector<16xi32>
          %parallel_loop3A_219 = arith.addi %iota3A, %parallel_loop3A_218 : vector<16xi32>
          %parallel_loop3A_220 = arith.constant 15 : i32
          %parallel_loop3A_221 = vector.broadcast %parallel_loop3A_220 : i32 to vector<16xi32>
          %parallel_loop3A_222 = arith.andi %parallel_loop3A_219, %parallel_loop3A_221 : vector<16xi32>
          %parallel_loop3A_223 = arith.constant 32 : i32
          %parallel_loop3A_224 = vector.broadcast %parallel_loop3A_223 : i32 to vector<16xi32>
          %parallel_loop3A_225 = arith.addi %parallel_loop3A_224, %parallel_loop3A_222 : vector<16xi32>
          %parallel_loop3A_226 = tpu.vector_load_idx %arg6[%parallel_loop3A_225, %add3A_202] : memref<64x128xf32, #tpu.memory_space<vmem>>[vector<16xi32>, vector<16xi32>], vector<16xf32>,
          %parallel_loop3A_227 = arith.addi %mul3A_205, %parallel_loop3A_225 : vector<16xi32>
          tpu.vector_store_idx %arg10[%parallel_loop3A_227], %parallel_loop3A_226 : memref<8192xf32, #tpu.memory_space<vmem>>[vector<16xi32>], vector<16xf32>,
        } {sc.loop_unroll_factor = 4 : i64, sc.parallel_access}
        %parallel_loop3A_214 = arith.constant 0 : i32
        %parallel_loop3A_215 = arith.constant 16 : i32
        %parallel_loop3A_216 = arith.constant 1 : i32
        scf.for %parallel_loop3A_217 = %parallel_loop3A_214 to %parallel_loop3A_215 step %parallel_loop3A_216  : i32 {
          %parallel_loop3A_218 = vector.broadcast %parallel_loop3A_217 : i32 to vector<16xi32>
          %parallel_loop3A_219 = arith.addi %iota3A, %parallel_loop3A_218 : vector<16xi32>
          %parallel_loop3A_220 = arith.constant 15 : i32
          %parallel_loop3A_221 = vector.broadcast %parallel_loop3A_220 : i32 to vector<16xi32>
          %parallel_loop3A_222 = arith.andi %parallel_loop3A_219, %parallel_loop3A_221 : vector<16xi32>
          %parallel_loop3A_223 = arith.constant 48 : i32
          %parallel_loop3A_224 = vector.broadcast %parallel_loop3A_223 : i32 to vector<16xi32>
          %parallel_loop3A_225 = arith.addi %parallel_loop3A_224, %parallel_loop3A_222 : vector<16xi32>
          %parallel_loop3A_226 = tpu.vector_load_idx %arg6[%parallel_loop3A_225, %add3A_202] : memref<64x128xf32, #tpu.memory_space<vmem>>[vector<16xi32>, vector<16xi32>], vector<16xf32>,
          %parallel_loop3A_227 = arith.addi %mul3A_205, %parallel_loop3A_225 : vector<16xi32>
          tpu.vector_store_idx %arg10[%parallel_loop3A_227], %parallel_loop3A_226 : memref<8192xf32, #tpu.memory_space<vmem>>[vector<16xi32>], vector<16xf32>,
        } {sc.loop_unroll_factor = 4 : i64, sc.parallel_access}
      }
      %scan3A_151 = arith.constant 8 : i32
      %mul3A_152 = arith.constant 64 : i32
      %mul3A_153 = arith.muli %mul3A_136, %mul3A_152 : i32
      %dma_start3A_154 = tpu.memref_slice %arg3[%mul3A_153] : memref<64000000xf32, #tpu.memory_space<hbm>> -> memref<8192xf32, #tpu.memory_space<hbm>>
      %dma_start3A_155 = tpu.memref_slice %arg3[%mul3A_153] : memref<64000000xf32, #tpu.memory_space<hbm>> -> memref<8192xf32, #tpu.memory_space<hbm>>
      tpu.enqueue_dma source(%arg10 : memref<8192xf32, #tpu.memory_space<vmem>>) target(%dma_start3A_155 : memref<8192xf32, #tpu.memory_space<hbm>>) target_semaphore(%arg19 : memref<!tpu.dma_semaphore, #tpu.memory_space<semaphore_mem>>)
      %add3A_156 = arith.constant 4 : i32
      %add3A_157 = arith.addi %add3A_131, %add3A_156 : i32
      %lt3A_158 = arith.constant 244 : i32
      %lt3A_159 = arith.cmpi slt, %add3A_157, %lt3A_158 : i32
      %convert_element_type3A_160 = arith.extui %lt3A_159 : i1 to i32
      %cond3A_161 = arith.constant 0 : i32
      %cond3A_162 = arith.cmpi ne, %convert_element_type3A_160, %cond3A_161 : i32
      scf.if %cond3A_162 {
        %add3A_198 = arith.constant 4 : i32
        %add3A_199 = arith.addi %add3A_131, %add3A_198 : i32
        %mul3A_200 = arith.constant 32 : i32
        %mul3A_201 = arith.muli %mul3A_200, %add3A_199 : i32
        %add3A_202 = arith.addi %add3A, %mul3A_201 : i32
        %mul3A_203 = arith.constant 128 : i32
        %mul3A_204 = arith.muli %add3A_202, %mul3A_203 : i32
        %dma_start3A_205 = arith.constant 0 : i32
        %dma_start3A_206 = tpu.memref_slice %arg2[%dma_start3A_205, %mul3A_204] : memref<64x1000000xf32, #tpu.memory_space<hbm>> -> memref<64x128xf32, #tpu.memory_space<hbm>>
        %dma_start3A_207 = arith.constant 0 : i32
        %dma_start3A_208 = tpu.memref_slice %arg2[%dma_start3A_207, %mul3A_204] : memref<64x1000000xf32, #tpu.memory_space<hbm>> -> memref<64x128xf32, #tpu.memory_space<hbm>>
        tpu.enqueue_dma source(%dma_start3A_208 : memref<64x128xf32, #tpu.memory_space<hbm>>) target(%arg6 : memref<64x128xf32, #tpu.memory_space<vmem>>) target_semaphore(%arg15 : memref<!tpu.dma_semaphore, #tpu.memory_space<semaphore_mem>>)
      } else {
      }
      %mul3A_163 = arith.constant 4 : i32
      %mul3A_164 = arith.muli %mul3A_163, %scan3A_58 : i32
      %add3A_165 = arith.constant 3 : i32
      %add3A_166 = arith.addi %mul3A_164, %add3A_165 : i32
      %mul3A_167 = arith.constant 32 : i32
      %mul3A_168 = arith.muli %mul3A_167, %add3A_166 : i32
      %add3A_169 = arith.addi %add3A, %mul3A_168 : i32
      %mul3A_170 = arith.constant 128 : i32
      %mul3A_171 = arith.muli %add3A_169, %mul3A_170 : i32
      %dma_wait3A_172 = arith.constant 0 : i32
      %dma_wait3A_173 = tpu.memref_slice %arg2[%dma_wait3A_172, %mul3A_171] : memref<64x1000000xf32, #tpu.memory_space<hbm>> -> memref<64x128xf32, #tpu.memory_space<hbm>>
      %dma_wait3A_174 = arith.constant 0 : i32
      %dma_wait3A_175 = tpu.memref_slice %arg2[%dma_wait3A_174, %mul3A_171] : memref<64x1000000xf32, #tpu.memory_space<hbm>> -> memref<64x128xf32, #tpu.memory_space<hbm>>
      tpu.wait_dma2 semaphore(%arg16 : memref<!tpu.dma_semaphore, #tpu.memory_space<semaphore_mem>>) src(%dma_wait3A_175 : memref<64x128xf32, #tpu.memory_space<hbm>>) dst(%arg7 : memref<64x128xf32, #tpu.memory_space<vmem>>)
      %ge3A_176 = arith.constant 1 : i32
      %ge3A_177 = arith.cmpi sge, %scan3A_58, %ge3A_176 : i32
      %convert_element_type3A_178 = arith.extui %ge3A_177 : i1 to i32
      %cond3A_179 = arith.constant 0 : i32
      %cond3A_180 = arith.cmpi ne, %convert_element_type3A_178, %cond3A_179 : i32
      scf.if %cond3A_180 {
        %dma_wait3A_198 = arith.constant 0 : i32
        %dma_wait3A_199 = tpu.memref_slice %arg3[%dma_wait3A_198] : memref<64000000xf32, #tpu.memory_space<hbm>> -> memref<8192xf32, #tpu.memory_space<hbm>>
        %dma_wait3A_200 = arith.constant 0 : i32
        %dma_wait3A_201 = tpu.memref_slice %arg3[%dma_wait3A_200] : memref<64000000xf32, #tpu.memory_space<hbm>> -> memref<8192xf32, #tpu.memory_space<hbm>>
        tpu.wait_dma2 semaphore(%arg20 : memref<!tpu.dma_semaphore, #tpu.memory_space<semaphore_mem>>) src(%arg11 : memref<8192xf32, #tpu.memory_space<vmem>>) dst(%dma_wait3A_201 : memref<8192xf32, #tpu.memory_space<hbm>>)
      } else {
      }
      %scan3A_181 = arith.constant 0 : i32
      %scan3A_182 = arith.constant 0 : i32
      %scan3A_183 = arith.constant 8 : i32
      %scan3A_184 = arith.addi %scan3A_182, %scan3A_183 : i32
      %scan3A_185 = arith.constant 1 : i32
      scf.for %scan3A_198 = %scan3A_182 to %scan3A_184 step %scan3A_185  : i32 {
        %mul3A_199 = arith.constant 16 : i32
        %mul3A_200 = arith.muli %scan3A_198, %mul3A_199 : i32
        %add3A_201 = vector.broadcast %mul3A_200 : i32 to vector<16xi32>
        %add3A_202 = arith.addi %add3A_201, %iota3A : vector<16xi32>
        %mul3A_203 = arith.constant 64 : i32
        %mul3A_204 = vector.broadcast %mul3A_203 : i32 to vector<16xi32>
        %mul3A_205 = arith.muli %add3A_202, %mul3A_204 : vector<16xi32>
        %parallel_loop3A = arith.constant 0 : i32
        %parallel_loop3A_206 = arith.constant 16 : i32
        %parallel_loop3A_207 = arith.constant 1 : i32
        scf.for %parallel_loop3A_217 = %parallel_loop3A to %parallel_loop3A_206 step %parallel_loop3A_207  : i32 {
          %parallel_loop3A_218 = vector.broadcast %parallel_loop3A_217 : i32 to vector<16xi32>
          %parallel_loop3A_219 = arith.addi %iota3A, %parallel_loop3A_218 : vector<16xi32>
          %parallel_loop3A_220 = arith.constant 15 : i32
          %parallel_loop3A_221 = vector.broadcast %parallel_loop3A_220 : i32 to vector<16xi32>
          %parallel_loop3A_222 = arith.andi %parallel_loop3A_219, %parallel_loop3A_221 : vector<16xi32>
          %parallel_loop3A_223 = arith.constant 0 : i32
          %parallel_loop3A_224 = vector.broadcast %parallel_loop3A_223 : i32 to vector<16xi32>
          %parallel_loop3A_225 = arith.addi %parallel_loop3A_224, %parallel_loop3A_222 : vector<16xi32>
          %parallel_loop3A_226 = tpu.vector_load_idx %arg7[%parallel_loop3A_225, %add3A_202] : memref<64x128xf32, #tpu.memory_space<vmem>>[vector<16xi32>, vector<16xi32>], vector<16xf32>,
          %parallel_loop3A_227 = arith.addi %mul3A_205, %parallel_loop3A_225 : vector<16xi32>
          tpu.vector_store_idx %arg11[%parallel_loop3A_227], %parallel_loop3A_226 : memref<8192xf32, #tpu.memory_space<vmem>>[vector<16xi32>], vector<16xf32>,
        } {sc.loop_unroll_factor = 4 : i64, sc.parallel_access}
        %parallel_loop3A_208 = arith.constant 0 : i32
        %parallel_loop3A_209 = arith.constant 16 : i32
        %parallel_loop3A_210 = arith.constant 1 : i32
        scf.for %parallel_loop3A_217 = %parallel_loop3A_208 to %parallel_loop3A_209 step %parallel_loop3A_210  : i32 {
          %parallel_loop3A_218 = vector.broadcast %parallel_loop3A_217 : i32 to vector<16xi32>
          %parallel_loop3A_219 = arith.addi %iota3A, %parallel_loop3A_218 : vector<16xi32>
          %parallel_loop3A_220 = arith.constant 15 : i32
          %parallel_loop3A_221 = vector.broadcast %parallel_loop3A_220 : i32 to vector<16xi32>
          %parallel_loop3A_222 = arith.andi %parallel_loop3A_219, %parallel_loop3A_221 : vector<16xi32>
          %parallel_loop3A_223 = arith.constant 16 : i32
          %parallel_loop3A_224 = vector.broadcast %parallel_loop3A_223 : i32 to vector<16xi32>
          %parallel_loop3A_225 = arith.addi %parallel_loop3A_224, %parallel_loop3A_222 : vector<16xi32>
          %parallel_loop3A_226 = tpu.vector_load_idx %arg7[%parallel_loop3A_225, %add3A_202] : memref<64x128xf32, #tpu.memory_space<vmem>>[vector<16xi32>, vector<16xi32>], vector<16xf32>,
          %parallel_loop3A_227 = arith.addi %mul3A_205, %parallel_loop3A_225 : vector<16xi32>
          tpu.vector_store_idx %arg11[%parallel_loop3A_227], %parallel_loop3A_226 : memref<8192xf32, #tpu.memory_space<vmem>>[vector<16xi32>], vector<16xf32>,
        } {sc.loop_unroll_factor = 4 : i64, sc.parallel_access}
        %parallel_loop3A_211 = arith.constant 0 : i32
        %parallel_loop3A_212 = arith.constant 16 : i32
        %parallel_loop3A_213 = arith.constant 1 : i32
        scf.for %parallel_loop3A_217 = %parallel_loop3A_211 to %parallel_loop3A_212 step %parallel_loop3A_213  : i32 {
          %parallel_loop3A_218 = vector.broadcast %parallel_loop3A_217 : i32 to vector<16xi32>
          %parallel_loop3A_219 = arith.addi %iota3A, %parallel_loop3A_218 : vector<16xi32>
          %parallel_loop3A_220 = arith.constant 15 : i32
          %parallel_loop3A_221 = vector.broadcast %parallel_loop3A_220 : i32 to vector<16xi32>
          %parallel_loop3A_222 = arith.andi %parallel_loop3A_219, %parallel_loop3A_221 : vector<16xi32>
          %parallel_loop3A_223 = arith.constant 32 : i32
          %parallel_loop3A_224 = vector.broadcast %parallel_loop3A_223 : i32 to vector<16xi32>
          %parallel_loop3A_225 = arith.addi %parallel_loop3A_224, %parallel_loop3A_222 : vector<16xi32>
          %parallel_loop3A_226 = tpu.vector_load_idx %arg7[%parallel_loop3A_225, %add3A_202] : memref<64x128xf32, #tpu.memory_space<vmem>>[vector<16xi32>, vector<16xi32>], vector<16xf32>,
          %parallel_loop3A_227 = arith.addi %mul3A_205, %parallel_loop3A_225 : vector<16xi32>
          tpu.vector_store_idx %arg11[%parallel_loop3A_227], %parallel_loop3A_226 : memref<8192xf32, #tpu.memory_space<vmem>>[vector<16xi32>], vector<16xf32>,
        } {sc.loop_unroll_factor = 4 : i64, sc.parallel_access}
        %parallel_loop3A_214 = arith.constant 0 : i32
        %parallel_loop3A_215 = arith.constant 16 : i32
        %parallel_loop3A_216 = arith.constant 1 : i32
        scf.for %parallel_loop3A_217 = %parallel_loop3A_214 to %parallel_loop3A_215 step %parallel_loop3A_216  : i32 {
          %parallel_loop3A_218 = vector.broadcast %parallel_loop3A_217 : i32 to vector<16xi32>
          %parallel_loop3A_219 = arith.addi %iota3A, %parallel_loop3A_218 : vector<16xi32>
          %parallel_loop3A_220 = arith.constant 15 : i32
          %parallel_loop3A_221 = vector.broadcast %parallel_loop3A_220 : i32 to vector<16xi32>
          %parallel_loop3A_222 = arith.andi %parallel_loop3A_219, %parallel_loop3A_221 : vector<16xi32>
          %parallel_loop3A_223 = arith.constant 48 : i32
          %parallel_loop3A_224 = vector.broadcast %parallel_loop3A_223 : i32 to vector<16xi32>
          %parallel_loop3A_225 = arith.addi %parallel_loop3A_224, %parallel_loop3A_222 : vector<16xi32>
          %parallel_loop3A_226 = tpu.vector_load_idx %arg7[%parallel_loop3A_225, %add3A_202] : memref<64x128xf32, #tpu.memory_space<vmem>>[vector<16xi32>, vector<16xi32>], vector<16xf32>,
          %parallel_loop3A_227 = arith.addi %mul3A_205, %parallel_loop3A_225 : vector<16xi32>
          tpu.vector_store_idx %arg11[%parallel_loop3A_227], %parallel_loop3A_226 : memref<8192xf32, #tpu.memory_space<vmem>>[vector<16xi32>], vector<16xf32>,
        } {sc.loop_unroll_factor = 4 : i64, sc.parallel_access}
      }
      %scan3A_186 = arith.constant 8 : i32
      %mul3A_187 = arith.constant 64 : i32
      %mul3A_188 = arith.muli %mul3A_171, %mul3A_187 : i32
      %dma_start3A_189 = tpu.memref_slice %arg3[%mul3A_188] : memref<64000000xf32, #tpu.memory_space<hbm>> -> memref<8192xf32, #tpu.memory_space<hbm>>
      %dma_start3A_190 = tpu.memref_slice %arg3[%mul3A_188] : memref<64000000xf32, #tpu.memory_space<hbm>> -> memref<8192xf32, #tpu.memory_space<hbm>>
      tpu.enqueue_dma source(%arg11 : memref<8192xf32, #tpu.memory_space<vmem>>) target(%dma_start3A_190 : memref<8192xf32, #tpu.memory_space<hbm>>) target_semaphore(%arg20 : memref<!tpu.dma_semaphore, #tpu.memory_space<semaphore_mem>>)
      %add3A_191 = arith.constant 4 : i32
      %add3A_192 = arith.addi %add3A_166, %add3A_191 : i32
      %lt3A_193 = arith.constant 244 : i32
      %lt3A_194 = arith.cmpi slt, %add3A_192, %lt3A_193 : i32
      %convert_element_type3A_195 = arith.extui %lt3A_194 : i1 to i32
      %cond3A_196 = arith.constant 0 : i32
      %cond3A_197 = arith.cmpi ne, %convert_element_type3A_195, %cond3A_196 : i32
      scf.if %cond3A_197 {
        %add3A_198 = arith.constant 4 : i32
        %add3A_199 = arith.addi %add3A_166, %add3A_198 : i32
        %mul3A_200 = arith.constant 32 : i32
        %mul3A_201 = arith.muli %mul3A_200, %add3A_199 : i32
        %add3A_202 = arith.addi %add3A, %mul3A_201 : i32
        %mul3A_203 = arith.constant 128 : i32
        %mul3A_204 = arith.muli %add3A_202, %mul3A_203 : i32
        %dma_start3A_205 = arith.constant 0 : i32
        %dma_start3A_206 = tpu.memref_slice %arg2[%dma_start3A_205, %mul3A_204] : memref<64x1000000xf32, #tpu.memory_space<hbm>> -> memref<64x128xf32, #tpu.memory_space<hbm>>
        %dma_start3A_207 = arith.constant 0 : i32
        %dma_start3A_208 = tpu.memref_slice %arg2[%dma_start3A_207, %mul3A_204] : memref<64x1000000xf32, #tpu.memory_space<hbm>> -> memref<64x128xf32, #tpu.memory_space<hbm>>
        tpu.enqueue_dma source(%dma_start3A_208 : memref<64x128xf32, #tpu.memory_space<hbm>>) target(%arg7 : memref<64x128xf32, #tpu.memory_space<vmem>>) target_semaphore(%arg16 : memref<!tpu.dma_semaphore, #tpu.memory_space<semaphore_mem>>)
      } else {
      }
    }
    %scan3A_36 = arith.constant 61 : i32
    %dma_wait3A = arith.constant 0 : i32
    %dma_wait3A_37 = tpu.memref_slice %arg3[%dma_wait3A] : memref<64000000xf32, #tpu.memory_space<hbm>> -> memref<8192xf32, #tpu.memory_space<hbm>>
    %dma_wait3A_38 = arith.constant 0 : i32
    %dma_wait3A_39 = tpu.memref_slice %arg3[%dma_wait3A_38] : memref<64000000xf32, #tpu.memory_space<hbm>> -> memref<8192xf32, #tpu.memory_space<hbm>>
    tpu.wait_dma2 semaphore(%arg17 : memref<!tpu.dma_semaphore, #tpu.memory_space<semaphore_mem>>) src(%arg8 : memref<8192xf32, #tpu.memory_space<vmem>>) dst(%dma_wait3A_39 : memref<8192xf32, #tpu.memory_space<hbm>>)
    %dma_wait3A_40 = arith.constant 0 : i32
    %dma_wait3A_41 = tpu.memref_slice %arg3[%dma_wait3A_40] : memref<64000000xf32, #tpu.memory_space<hbm>> -> memref<8192xf32, #tpu.memory_space<hbm>>
    %dma_wait3A_42 = arith.constant 0 : i32
    %dma_wait3A_43 = tpu.memref_slice %arg3[%dma_wait3A_42] : memref<64000000xf32, #tpu.memory_space<hbm>> -> memref<8192xf32, #tpu.memory_space<hbm>>
    tpu.wait_dma2 semaphore(%arg18 : memref<!tpu.dma_semaphore, #tpu.memory_space<semaphore_mem>>) src(%arg9 : memref<8192xf32, #tpu.memory_space<vmem>>) dst(%dma_wait3A_43 : memref<8192xf32, #tpu.memory_space<hbm>>)
    %dma_wait3A_44 = arith.constant 0 : i32
    %dma_wait3A_45 = tpu.memref_slice %arg3[%dma_wait3A_44] : memref<64000000xf32, #tpu.memory_space<hbm>> -> memref<8192xf32, #tpu.memory_space<hbm>>
    %dma_wait3A_46 = arith.constant 0 : i32
    %dma_wait3A_47 = tpu.memref_slice %arg3[%dma_wait3A_46] : memref<64000000xf32, #tpu.memory_space<hbm>> -> memref<8192xf32, #tpu.memory_space<hbm>>
    tpu.wait_dma2 semaphore(%arg19 : memref<!tpu.dma_semaphore, #tpu.memory_space<semaphore_mem>>) src(%arg10 : memref<8192xf32, #tpu.memory_space<vmem>>) dst(%dma_wait3A_47 : memref<8192xf32, #tpu.memory_space<hbm>>)
    %dma_wait3A_48 = arith.constant 0 : i32
    %dma_wait3A_49 = tpu.memref_slice %arg3[%dma_wait3A_48] : memref<64000000xf32, #tpu.memory_space<hbm>> -> memref<8192xf32, #tpu.memory_space<hbm>>
    %dma_wait3A_50 = arith.constant 0 : i32
    %dma_wait3A_51 = tpu.memref_slice %arg3[%dma_wait3A_50] : memref<64000000xf32, #tpu.memory_space<hbm>> -> memref<8192xf32, #tpu.memory_space<hbm>>
    tpu.wait_dma2 semaphore(%arg20 : memref<!tpu.dma_semaphore, #tpu.memory_space<semaphore_mem>>) src(%arg11 : memref<8192xf32, #tpu.memory_space<vmem>>) dst(%dma_wait3A_51 : memref<8192xf32, #tpu.memory_space<hbm>>)
    %lt3A = arith.constant 4 : i32
    %lt3A_52 = arith.cmpi slt, %add3A, %lt3A : i32
    %convert_element_type3A = arith.extui %lt3A_52 : i1 to i32
    %cond3A = arith.constant 0 : i32
    %cond3A_53 = arith.cmpi ne, %convert_element_type3A, %cond3A : i32
    scf.if %cond3A_53 {
      %add3A_58 = arith.constant 7808 : i32
      %add3A_59 = arith.addi %add3A_58, %add3A : i32
      %mul3A_60 = arith.constant 128 : i32
      %mul3A_61 = arith.muli %add3A_59, %mul3A_60 : i32
      "tpu.region"() ({
        %run_scoped3A = tpu.sem_alloc : memref<!tpu.dma_semaphore, #tpu.memory_space<semaphore_mem>>
        %dma_start3A_70 = arith.constant 0 : i32
        %dma_start3A_71 = tpu.memref_slice %arg2[%dma_start3A_70, %mul3A_61] : memref<64x1000000xf32, #tpu.memory_space<hbm>> -> memref<64x128xf32, #tpu.memory_space<hbm>>
        %dma_start3A_72 = arith.constant 0 : i32
        %dma_start3A_73 = tpu.memref_slice %arg2[%dma_start3A_72, %mul3A_61] : memref<64x1000000xf32, #tpu.memory_space<hbm>> -> memref<64x128xf32, #tpu.memory_space<hbm>>
        tpu.enqueue_dma source(%dma_start3A_73 : memref<64x128xf32, #tpu.memory_space<hbm>>) target(%arg4 : memref<64x128xf32, #tpu.memory_space<vmem>>) target_semaphore(%run_scoped3A : memref<!tpu.dma_semaphore, #tpu.memory_space<semaphore_mem>>)
        %dma_wait3A_74 = arith.constant 0 : i32
        %dma_wait3A_75 = tpu.memref_slice %arg2[%dma_wait3A_74, %mul3A_61] : memref<64x1000000xf32, #tpu.memory_space<hbm>> -> memref<64x128xf32, #tpu.memory_space<hbm>>
        %dma_wait3A_76 = arith.constant 0 : i32
        %dma_wait3A_77 = tpu.memref_slice %arg2[%dma_wait3A_76, %mul3A_61] : memref<64x1000000xf32, #tpu.memory_space<hbm>> -> memref<64x128xf32, #tpu.memory_space<hbm>>
        tpu.wait_dma2 semaphore(%run_scoped3A : memref<!tpu.dma_semaphore, #tpu.memory_space<semaphore_mem>>) src(%dma_wait3A_77 : memref<64x128xf32, #tpu.memory_space<hbm>>) dst(%arg4 : memref<64x128xf32, #tpu.memory_space<vmem>>)
        tpu.yield
      }) : () -> ()
      %scan3A_62 = arith.constant 0 : i32
      %scan3A_63 = arith.constant 0 : i32
      %scan3A_64 = arith.constant 8 : i32
      %scan3A_65 = arith.addi %scan3A_63, %scan3A_64 : i32
      %scan3A_66 = arith.constant 1 : i32
      scf.for %scan3A_70 = %scan3A_63 to %scan3A_65 step %scan3A_66  : i32 {
        %mul3A_71 = arith.constant 16 : i32
        %mul3A_72 = arith.muli %scan3A_70, %mul3A_71 : i32
        %add3A_73 = vector.broadcast %mul3A_72 : i32 to vector<16xi32>
        %add3A_74 = arith.addi %add3A_73, %iota3A : vector<16xi32>
        %mul3A_75 = arith.constant 64 : i32
        %mul3A_76 = vector.broadcast %mul3A_75 : i32 to vector<16xi32>
        %mul3A_77 = arith.muli %add3A_74, %mul3A_76 : vector<16xi32>
        %parallel_loop3A = arith.constant 0 : i32
        %parallel_loop3A_78 = arith.constant 16 : i32
        %parallel_loop3A_79 = arith.constant 1 : i32
        scf.for %parallel_loop3A_89 = %parallel_loop3A to %parallel_loop3A_78 step %parallel_loop3A_79  : i32 {
          %parallel_loop3A_90 = vector.broadcast %parallel_loop3A_89 : i32 to vector<16xi32>
          %parallel_loop3A_91 = arith.addi %iota3A, %parallel_loop3A_90 : vector<16xi32>
          %parallel_loop3A_92 = arith.constant 15 : i32
          %parallel_loop3A_93 = vector.broadcast %parallel_loop3A_92 : i32 to vector<16xi32>
          %parallel_loop3A_94 = arith.andi %parallel_loop3A_91, %parallel_loop3A_93 : vector<16xi32>
          %parallel_loop3A_95 = arith.constant 0 : i32
          %parallel_loop3A_96 = vector.broadcast %parallel_loop3A_95 : i32 to vector<16xi32>
          %parallel_loop3A_97 = arith.addi %parallel_loop3A_96, %parallel_loop3A_94 : vector<16xi32>
          %parallel_loop3A_98 = tpu.vector_load_idx %arg4[%parallel_loop3A_97, %add3A_74] : memref<64x128xf32, #tpu.memory_space<vmem>>[vector<16xi32>, vector<16xi32>], vector<16xf32>,
          %parallel_loop3A_99 = arith.addi %mul3A_77, %parallel_loop3A_97 : vector<16xi32>
          tpu.vector_store_idx %arg8[%parallel_loop3A_99], %parallel_loop3A_98 : memref<8192xf32, #tpu.memory_space<vmem>>[vector<16xi32>], vector<16xf32>,
        } {sc.loop_unroll_factor = 4 : i64, sc.parallel_access}
        %parallel_loop3A_80 = arith.constant 0 : i32
        %parallel_loop3A_81 = arith.constant 16 : i32
        %parallel_loop3A_82 = arith.constant 1 : i32
        scf.for %parallel_loop3A_89 = %parallel_loop3A_80 to %parallel_loop3A_81 step %parallel_loop3A_82  : i32 {
          %parallel_loop3A_90 = vector.broadcast %parallel_loop3A_89 : i32 to vector<16xi32>
          %parallel_loop3A_91 = arith.addi %iota3A, %parallel_loop3A_90 : vector<16xi32>
          %parallel_loop3A_92 = arith.constant 15 : i32
          %parallel_loop3A_93 = vector.broadcast %parallel_loop3A_92 : i32 to vector<16xi32>
          %parallel_loop3A_94 = arith.andi %parallel_loop3A_91, %parallel_loop3A_93 : vector<16xi32>
          %parallel_loop3A_95 = arith.constant 16 : i32
          %parallel_loop3A_96 = vector.broadcast %parallel_loop3A_95 : i32 to vector<16xi32>
          %parallel_loop3A_97 = arith.addi %parallel_loop3A_96, %parallel_loop3A_94 : vector<16xi32>
          %parallel_loop3A_98 = tpu.vector_load_idx %arg4[%parallel_loop3A_97, %add3A_74] : memref<64x128xf32, #tpu.memory_space<vmem>>[vector<16xi32>, vector<16xi32>], vector<16xf32>,
          %parallel_loop3A_99 = arith.addi %mul3A_77, %parallel_loop3A_97 : vector<16xi32>
          tpu.vector_store_idx %arg8[%parallel_loop3A_99], %parallel_loop3A_98 : memref<8192xf32, #tpu.memory_space<vmem>>[vector<16xi32>], vector<16xf32>,
        } {sc.loop_unroll_factor = 4 : i64, sc.parallel_access}
        %parallel_loop3A_83 = arith.constant 0 : i32
        %parallel_loop3A_84 = arith.constant 16 : i32
        %parallel_loop3A_85 = arith.constant 1 : i32
        scf.for %parallel_loop3A_89 = %parallel_loop3A_83 to %parallel_loop3A_84 step %parallel_loop3A_85  : i32 {
          %parallel_loop3A_90 = vector.broadcast %parallel_loop3A_89 : i32 to vector<16xi32>
          %parallel_loop3A_91 = arith.addi %iota3A, %parallel_loop3A_90 : vector<16xi32>
          %parallel_loop3A_92 = arith.constant 15 : i32
          %parallel_loop3A_93 = vector.broadcast %parallel_loop3A_92 : i32 to vector<16xi32>
          %parallel_loop3A_94 = arith.andi %parallel_loop3A_91, %parallel_loop3A_93 : vector<16xi32>
          %parallel_loop3A_95 = arith.constant 32 : i32
          %parallel_loop3A_96 = vector.broadcast %parallel_loop3A_95 : i32 to vector<16xi32>
          %parallel_loop3A_97 = arith.addi %parallel_loop3A_96, %parallel_loop3A_94 : vector<16xi32>
          %parallel_loop3A_98 = tpu.vector_load_idx %arg4[%parallel_loop3A_97, %add3A_74] : memref<64x128xf32, #tpu.memory_space<vmem>>[vector<16xi32>, vector<16xi32>], vector<16xf32>,
          %parallel_loop3A_99 = arith.addi %mul3A_77, %parallel_loop3A_97 : vector<16xi32>
          tpu.vector_store_idx %arg8[%parallel_loop3A_99], %parallel_loop3A_98 : memref<8192xf32, #tpu.memory_space<vmem>>[vector<16xi32>], vector<16xf32>,
        } {sc.loop_unroll_factor = 4 : i64, sc.parallel_access}
        %parallel_loop3A_86 = arith.constant 0 : i32
        %parallel_loop3A_87 = arith.constant 16 : i32
        %parallel_loop3A_88 = arith.constant 1 : i32
        scf.for %parallel_loop3A_89 = %parallel_loop3A_86 to %parallel_loop3A_87 step %parallel_loop3A_88  : i32 {
          %parallel_loop3A_90 = vector.broadcast %parallel_loop3A_89 : i32 to vector<16xi32>
          %parallel_loop3A_91 = arith.addi %iota3A, %parallel_loop3A_90 : vector<16xi32>
          %parallel_loop3A_92 = arith.constant 15 : i32
          %parallel_loop3A_93 = vector.broadcast %parallel_loop3A_92 : i32 to vector<16xi32>
          %parallel_loop3A_94 = arith.andi %parallel_loop3A_91, %parallel_loop3A_93 : vector<16xi32>
          %parallel_loop3A_95 = arith.constant 48 : i32
          %parallel_loop3A_96 = vector.broadcast %parallel_loop3A_95 : i32 to vector<16xi32>
          %parallel_loop3A_97 = arith.addi %parallel_loop3A_96, %parallel_loop3A_94 : vector<16xi32>
          %parallel_loop3A_98 = tpu.vector_load_idx %arg4[%parallel_loop3A_97, %add3A_74] : memref<64x128xf32, #tpu.memory_space<vmem>>[vector<16xi32>, vector<16xi32>], vector<16xf32>,
          %parallel_loop3A_99 = arith.addi %mul3A_77, %parallel_loop3A_97 : vector<16xi32>
          tpu.vector_store_idx %arg8[%parallel_loop3A_99], %parallel_loop3A_98 : memref<8192xf32, #tpu.memory_space<vmem>>[vector<16xi32>], vector<16xf32>,
        } {sc.loop_unroll_factor = 4 : i64, sc.parallel_access}
      }
      %scan3A_67 = arith.constant 8 : i32
      %mul3A_68 = arith.constant 64 : i32
      %mul3A_69 = arith.muli %mul3A_61, %mul3A_68 : i32
      "tpu.region"() ({
        %run_scoped3A = tpu.sem_alloc : memref<!tpu.dma_semaphore, #tpu.memory_space<semaphore_mem>>
        %dma_start3A_70 = tpu.memref_slice %arg3[%mul3A_69] : memref<64000000xf32, #tpu.memory_space<hbm>> -> memref<8192xf32, #tpu.memory_space<hbm>>
        %dma_start3A_71 = tpu.memref_slice %arg3[%mul3A_69] : memref<64000000xf32, #tpu.memory_space<hbm>> -> memref<8192xf32, #tpu.memory_space<hbm>>
        tpu.enqueue_dma source(%arg8 : memref<8192xf32, #tpu.memory_space<vmem>>) target(%dma_start3A_71 : memref<8192xf32, #tpu.memory_space<hbm>>) target_semaphore(%run_scoped3A : memref<!tpu.dma_semaphore, #tpu.memory_space<semaphore_mem>>)
        %dma_wait3A_72 = tpu.memref_slice %arg3[%mul3A_69] : memref<64000000xf32, #tpu.memory_space<hbm>> -> memref<8192xf32, #tpu.memory_space<hbm>>
        %dma_wait3A_73 = tpu.memref_slice %arg3[%mul3A_69] : memref<64000000xf32, #tpu.memory_space<hbm>> -> memref<8192xf32, #tpu.memory_space<hbm>>
        tpu.wait_dma2 semaphore(%run_scoped3A : memref<!tpu.dma_semaphore, #tpu.memory_space<semaphore_mem>>) src(%arg8 : memref<8192xf32, #tpu.memory_space<vmem>>) dst(%dma_wait3A_73 : memref<8192xf32, #tpu.memory_space<hbm>>)
        tpu.yield
      }) : () -> ()
    } else {
    }
    %eq3A = arith.constant 31 : i32
    %eq3A_54 = arith.cmpi eq, %add3A, %eq3A : i32
    %convert_element_type3A_55 = arith.extui %eq3A_54 : i1 to i32
    %cond3A_56 = arith.constant 0 : i32
    %cond3A_57 = arith.cmpi ne, %convert_element_type3A_55, %cond3A_56 : i32
    scf.if %cond3A_57 {
      "tpu.region"() ({
        %run_scoped3A = tpu.sem_alloc : memref<!tpu.dma_semaphore, #tpu.memory_space<semaphore_mem>>
        %dma_start3A_64 = arith.constant 0 : i32
        %dma_start3A_65 = arith.constant 999936 : i32
        %dma_start3A_66 = tpu.memref_slice %arg2[%dma_start3A_64, %dma_start3A_65] : memref<64x1000000xf32, #tpu.memory_space<hbm>> -> memref<64x64xf32, #tpu.memory_space<hbm>>
        %dma_start3A_67 = arith.constant 0 : i32
        %dma_start3A_68 = arith.constant 999936 : i32
        %dma_start3A_69 = tpu.memref_slice %arg2[%dma_start3A_67, %dma_start3A_68] : memref<64x1000000xf32, #tpu.memory_space<hbm>> -> memref<64x64xf32, #tpu.memory_space<hbm>>
        tpu.enqueue_dma source(%dma_start3A_69 : memref<64x64xf32, #tpu.memory_space<hbm>>) target(%arg12 : memref<64x64xf32, #tpu.memory_space<vmem>>) target_semaphore(%run_scoped3A : memref<!tpu.dma_semaphore, #tpu.memory_space<semaphore_mem>>)
        %dma_wait3A_70 = arith.constant 0 : i32
        %dma_wait3A_71 = arith.constant 999936 : i32
        %dma_wait3A_72 = tpu.memref_slice %arg2[%dma_wait3A_70, %dma_wait3A_71] : memref<64x1000000xf32, #tpu.memory_space<hbm>> -> memref<64x64xf32, #tpu.memory_space<hbm>>
        %dma_wait3A_73 = arith.constant 0 : i32
        %dma_wait3A_74 = arith.constant 999936 : i32
        %dma_wait3A_75 = tpu.memref_slice %arg2[%dma_wait3A_73, %dma_wait3A_74] : memref<64x1000000xf32, #tpu.memory_space<hbm>> -> memref<64x64xf32, #tpu.memory_space<hbm>>
        tpu.wait_dma2 semaphore(%run_scoped3A : memref<!tpu.dma_semaphore, #tpu.memory_space<semaphore_mem>>) src(%dma_wait3A_75 : memref<64x64xf32, #tpu.memory_space<hbm>>) dst(%arg12 : memref<64x64xf32, #tpu.memory_space<vmem>>)
        tpu.yield
      }) : () -> ()
      %scan3A_58 = arith.constant 0 : i32
      %scan3A_59 = arith.constant 0 : i32
      %scan3A_60 = arith.constant 4 : i32
      %scan3A_61 = arith.addi %scan3A_59, %scan3A_60 : i32
      %scan3A_62 = arith.constant 1 : i32
      scf.for %scan3A_64 = %scan3A_59 to %scan3A_61 step %scan3A_62  : i32 {
        %mul3A_65 = arith.constant 16 : i32
        %mul3A_66 = arith.muli %scan3A_64, %mul3A_65 : i32
        %add3A_67 = vector.broadcast %mul3A_66 : i32 to vector<16xi32>
        %add3A_68 = arith.addi %add3A_67, %iota3A : vector<16xi32>
        %mul3A_69 = arith.constant 64 : i32
        %mul3A_70 = vector.broadcast %mul3A_69 : i32 to vector<16xi32>
        %mul3A_71 = arith.muli %add3A_68, %mul3A_70 : vector<16xi32>
        %parallel_loop3A = arith.constant 0 : i32
        %parallel_loop3A_72 = arith.constant 16 : i32
        %parallel_loop3A_73 = arith.constant 1 : i32
        scf.for %parallel_loop3A_83 = %parallel_loop3A to %parallel_loop3A_72 step %parallel_loop3A_73  : i32 {
          %parallel_loop3A_84 = vector.broadcast %parallel_loop3A_83 : i32 to vector<16xi32>
          %parallel_loop3A_85 = arith.addi %iota3A, %parallel_loop3A_84 : vector<16xi32>
          %parallel_loop3A_86 = arith.constant 15 : i32
          %parallel_loop3A_87 = vector.broadcast %parallel_loop3A_86 : i32 to vector<16xi32>
          %parallel_loop3A_88 = arith.andi %parallel_loop3A_85, %parallel_loop3A_87 : vector<16xi32>
          %parallel_loop3A_89 = arith.constant 0 : i32
          %parallel_loop3A_90 = vector.broadcast %parallel_loop3A_89 : i32 to vector<16xi32>
          %parallel_loop3A_91 = arith.addi %parallel_loop3A_90, %parallel_loop3A_88 : vector<16xi32>
          %parallel_loop3A_92 = tpu.vector_load_idx %arg12[%parallel_loop3A_91, %add3A_68] : memref<64x64xf32, #tpu.memory_space<vmem>>[vector<16xi32>, vector<16xi32>], vector<16xf32>,
          %parallel_loop3A_93 = arith.addi %mul3A_71, %parallel_loop3A_91 : vector<16xi32>
          tpu.vector_store_idx %arg8[%parallel_loop3A_93], %parallel_loop3A_92 : memref<8192xf32, #tpu.memory_space<vmem>>[vector<16xi32>], vector<16xf32>,
        } {sc.loop_unroll_factor = 4 : i64, sc.parallel_access}
        %parallel_loop3A_74 = arith.constant 0 : i32
        %parallel_loop3A_75 = arith.constant 16 : i32
        %parallel_loop3A_76 = arith.constant 1 : i32
        scf.for %parallel_loop3A_83 = %parallel_loop3A_74 to %parallel_loop3A_75 step %parallel_loop3A_76  : i32 {
          %parallel_loop3A_84 = vector.broadcast %parallel_loop3A_83 : i32 to vector<16xi32>
          %parallel_loop3A_85 = arith.addi %iota3A, %parallel_loop3A_84 : vector<16xi32>
          %parallel_loop3A_86 = arith.constant 15 : i32
          %parallel_loop3A_87 = vector.broadcast %parallel_loop3A_86 : i32 to vector<16xi32>
          %parallel_loop3A_88 = arith.andi %parallel_loop3A_85, %parallel_loop3A_87 : vector<16xi32>
          %parallel_loop3A_89 = arith.constant 16 : i32
          %parallel_loop3A_90 = vector.broadcast %parallel_loop3A_89 : i32 to vector<16xi32>
          %parallel_loop3A_91 = arith.addi %parallel_loop3A_90, %parallel_loop3A_88 : vector<16xi32>
          %parallel_loop3A_92 = tpu.vector_load_idx %arg12[%parallel_loop3A_91, %add3A_68] : memref<64x64xf32, #tpu.memory_space<vmem>>[vector<16xi32>, vector<16xi32>], vector<16xf32>,
          %parallel_loop3A_93 = arith.addi %mul3A_71, %parallel_loop3A_91 : vector<16xi32>
          tpu.vector_store_idx %arg8[%parallel_loop3A_93], %parallel_loop3A_92 : memref<8192xf32, #tpu.memory_space<vmem>>[vector<16xi32>], vector<16xf32>,
        } {sc.loop_unroll_factor = 4 : i64, sc.parallel_access}
        %parallel_loop3A_77 = arith.constant 0 : i32
        %parallel_loop3A_78 = arith.constant 16 : i32
        %parallel_loop3A_79 = arith.constant 1 : i32
        scf.for %parallel_loop3A_83 = %parallel_loop3A_77 to %parallel_loop3A_78 step %parallel_loop3A_79  : i32 {
          %parallel_loop3A_84 = vector.broadcast %parallel_loop3A_83 : i32 to vector<16xi32>
          %parallel_loop3A_85 = arith.addi %iota3A, %parallel_loop3A_84 : vector<16xi32>
          %parallel_loop3A_86 = arith.constant 15 : i32
          %parallel_loop3A_87 = vector.broadcast %parallel_loop3A_86 : i32 to vector<16xi32>
          %parallel_loop3A_88 = arith.andi %parallel_loop3A_85, %parallel_loop3A_87 : vector<16xi32>
          %parallel_loop3A_89 = arith.constant 32 : i32
          %parallel_loop3A_90 = vector.broadcast %parallel_loop3A_89 : i32 to vector<16xi32>
          %parallel_loop3A_91 = arith.addi %parallel_loop3A_90, %parallel_loop3A_88 : vector<16xi32>
          %parallel_loop3A_92 = tpu.vector_load_idx %arg12[%parallel_loop3A_91, %add3A_68] : memref<64x64xf32, #tpu.memory_space<vmem>>[vector<16xi32>, vector<16xi32>], vector<16xf32>,
          %parallel_loop3A_93 = arith.addi %mul3A_71, %parallel_loop3A_91 : vector<16xi32>
          tpu.vector_store_idx %arg8[%parallel_loop3A_93], %parallel_loop3A_92 : memref<8192xf32, #tpu.memory_space<vmem>>[vector<16xi32>], vector<16xf32>,
        } {sc.loop_unroll_factor = 4 : i64, sc.parallel_access}
        %parallel_loop3A_80 = arith.constant 0 : i32
        %parallel_loop3A_81 = arith.constant 16 : i32
        %parallel_loop3A_82 = arith.constant 1 : i32
        scf.for %parallel_loop3A_83 = %parallel_loop3A_80 to %parallel_loop3A_81 step %parallel_loop3A_82  : i32 {
          %parallel_loop3A_84 = vector.broadcast %parallel_loop3A_83 : i32 to vector<16xi32>
          %parallel_loop3A_85 = arith.addi %iota3A, %parallel_loop3A_84 : vector<16xi32>
          %parallel_loop3A_86 = arith.constant 15 : i32
          %parallel_loop3A_87 = vector.broadcast %parallel_loop3A_86 : i32 to vector<16xi32>
          %parallel_loop3A_88 = arith.andi %parallel_loop3A_85, %parallel_loop3A_87 : vector<16xi32>
          %parallel_loop3A_89 = arith.constant 48 : i32
          %parallel_loop3A_90 = vector.broadcast %parallel_loop3A_89 : i32 to vector<16xi32>
          %parallel_loop3A_91 = arith.addi %parallel_loop3A_90, %parallel_loop3A_88 : vector<16xi32>
          %parallel_loop3A_92 = tpu.vector_load_idx %arg12[%parallel_loop3A_91, %add3A_68] : memref<64x64xf32, #tpu.memory_space<vmem>>[vector<16xi32>, vector<16xi32>], vector<16xf32>,
          %parallel_loop3A_93 = arith.addi %mul3A_71, %parallel_loop3A_91 : vector<16xi32>
          tpu.vector_store_idx %arg8[%parallel_loop3A_93], %parallel_loop3A_92 : memref<8192xf32, #tpu.memory_space<vmem>>[vector<16xi32>], vector<16xf32>,
        } {sc.loop_unroll_factor = 4 : i64, sc.parallel_access}
      }
      %scan3A_63 = arith.constant 4 : i32
      "tpu.region"() ({
        %run_scoped3A = tpu.sem_alloc : memref<!tpu.dma_semaphore, #tpu.memory_space<semaphore_mem>>
        %dma_start3A_64 = arith.constant 0 : i32
        %dma_start3A_65 = tpu.memref_slice %arg8[%dma_start3A_64] : memref<8192xf32, #tpu.memory_space<vmem>> -> memref<4096xf32, #tpu.memory_space<vmem>>
        %dma_start3A_66 = arith.constant 63995904 : i32
        %dma_start3A_67 = tpu.memref_slice %arg3[%dma_start3A_66] : memref<64000000xf32, #tpu.memory_space<hbm>> -> memref<4096xf32, #tpu.memory_space<hbm>>
        %dma_start3A_68 = arith.constant 63995904 : i32
        %dma_start3A_69 = tpu.memref_slice %arg3[%dma_start3A_68] : memref<64000000xf32, #tpu.memory_space<hbm>> -> memref<4096xf32, #tpu.memory_space<hbm>>
        %dma_start3A_70 = arith.constant 0 : i32
        %dma_start3A_71 = tpu.memref_slice %arg8[%dma_start3A_70] : memref<8192xf32, #tpu.memory_space<vmem>> -> memref<4096xf32, #tpu.memory_space<vmem>>
        tpu.enqueue_dma source(%dma_start3A_71 : memref<4096xf32, #tpu.memory_space<vmem>>) target(%dma_start3A_69 : memref<4096xf32, #tpu.memory_space<hbm>>) target_semaphore(%run_scoped3A : memref<!tpu.dma_semaphore, #tpu.memory_space<semaphore_mem>>)
        %dma_wait3A_72 = arith.constant 0 : i32
        %dma_wait3A_73 = tpu.memref_slice %arg8[%dma_wait3A_72] : memref<8192xf32, #tpu.memory_space<vmem>> -> memref<4096xf32, #tpu.memory_space<vmem>>
        %dma_wait3A_74 = arith.constant 63995904 : i32
        %dma_wait3A_75 = tpu.memref_slice %arg3[%dma_wait3A_74] : memref<64000000xf32, #tpu.memory_space<hbm>> -> memref<4096xf32, #tpu.memory_space<hbm>>
        %dma_wait3A_76 = arith.constant 63995904 : i32
        %dma_wait3A_77 = tpu.memref_slice %arg3[%dma_wait3A_76] : memref<64000000xf32, #tpu.memory_space<hbm>> -> memref<4096xf32, #tpu.memory_space<hbm>>
        %dma_wait3A_78 = arith.constant 0 : i32
        %dma_wait3A_79 = tpu.memref_slice %arg8[%dma_wait3A_78] : memref<8192xf32, #tpu.memory_space<vmem>> -> memref<4096xf32, #tpu.memory_space<vmem>>
        tpu.wait_dma2 semaphore(%run_scoped3A : memref<!tpu.dma_semaphore, #tpu.memory_space<semaphore_mem>>) src(%dma_wait3A_79 : memref<4096xf32, #tpu.memory_space<vmem>>) dst(%dma_wait3A_77 : memref<4096xf32, #tpu.memory_space<hbm>>)
        tpu.yield
      }) : () -> ()
    } else {
    }
    return
  }
}

#map = affine_map<(d0, d1) -> (0, 0)>
#map1 = affine_map<(d0, d1) -> (0, 0, 0, 0, 0)>
module attributes {stable_mosaic.version = 14 : i64} {
  func.func @gather(%arg0: i32, %arg1: i32, %arg2: memref<1000000x64xf32, #tpu.memory_space<hbm>>, %arg3: memref<200x4096xi32, #tpu.memory_space<hbm>>, %arg4: memref<200x8x32x8x128xf32, #tpu.memory_space<hbm>>, %arg5: memref<200x128xi32, #tpu.memory_space<vmem>>, %arg6: memref<128x64xf32, #tpu.memory_space<vmem>>, %arg7: memref<128x64xf32, #tpu.memory_space<vmem>>, %arg8: memref<128x64xf32, #tpu.memory_space<vmem>>, %arg9: memref<128x64xf32, #tpu.memory_space<vmem>>, %arg10: memref<8x8x128xf32, #tpu.memory_space<vmem>>, %arg11: memref<8x8x128xf32, #tpu.memory_space<vmem>>, %arg12: memref<8x8x128xf32, #tpu.memory_space<vmem>>, %arg13: memref<8x8x128xf32, #tpu.memory_space<vmem>>, %arg14: memref<!tpu.dma_semaphore, #tpu.memory_space<semaphore_mem>>, %arg15: memref<!tpu.dma_semaphore, #tpu.memory_space<semaphore_mem>>, %arg16: memref<!tpu.dma_semaphore, #tpu.memory_space<semaphore_mem>>, %arg17: memref<!tpu.dma_semaphore, #tpu.memory_space<semaphore_mem>>, %arg18: memref<!tpu.dma_semaphore, #tpu.memory_space<semaphore_mem>>, %arg19: memref<!tpu.dma_semaphore, #tpu.memory_space<semaphore_mem>>, %arg20: memref<!tpu.dma_semaphore, #tpu.memory_space<semaphore_mem>>, %arg21: memref<!tpu.dma_semaphore, #tpu.memory_space<semaphore_mem>>) attributes {dimension_semantics = [#tpu.dimension_semantics<core_parallel>, #tpu.dimension_semantics<subcore_parallel>], iteration_bounds = array<i64: 2, 16>, scalar_prefetch = 0 : i64, scratch_operands = 17 : i64, tpu.core_type = #tpu.core_type<sc_vector_subcore>, window_params = [{transform_indices = #map}, {transform_indices = #map}, {transform_indices = #map1}]} {
    %mul3A = arith.constant 2 : i32
    %mul3A_0 = arith.muli %arg1, %mul3A : i32
    %add3A = arith.addi %mul3A_0, %arg0 : i32
    %iota3A = tpu.iota {dimensions = array<i32: 0>} : vector<16xi32>
    %mul3A_1 = arith.constant 128 : i32
    %mul3A_2 = arith.muli %add3A, %mul3A_1 : i32
    "tpu.region"() ({
      %run_scoped3A = tpu.sem_alloc : memref<!tpu.dma_semaphore, #tpu.memory_space<semaphore_mem>>
      %dma_start3A_78 = arith.constant 0 : i32
      %dma_start3A_79 = tpu.memref_slice %arg3[%dma_start3A_78, %mul3A_2] : memref<200x4096xi32, #tpu.memory_space<hbm>> -> memref<200x128xi32, #tpu.memory_space<hbm>>
      %dma_start3A_80 = arith.constant 0 : i32
      %dma_start3A_81 = tpu.memref_slice %arg3[%dma_start3A_80, %mul3A_2] : memref<200x4096xi32, #tpu.memory_space<hbm>> -> memref<200x128xi32, #tpu.memory_space<hbm>>
      tpu.enqueue_dma source(%dma_start3A_81 : memref<200x128xi32, #tpu.memory_space<hbm>>) target(%arg5 : memref<200x128xi32, #tpu.memory_space<vmem>>) target_semaphore(%run_scoped3A : memref<!tpu.dma_semaphore, #tpu.memory_space<semaphore_mem>>)
      %dma_wait3A_82 = arith.constant 0 : i32
      %dma_wait3A_83 = tpu.memref_slice %arg3[%dma_wait3A_82, %mul3A_2] : memref<200x4096xi32, #tpu.memory_space<hbm>> -> memref<200x128xi32, #tpu.memory_space<hbm>>
      %dma_wait3A_84 = arith.constant 0 : i32
      %dma_wait3A_85 = tpu.memref_slice %arg3[%dma_wait3A_84, %mul3A_2] : memref<200x4096xi32, #tpu.memory_space<hbm>> -> memref<200x128xi32, #tpu.memory_space<hbm>>
      tpu.wait_dma2 semaphore(%run_scoped3A : memref<!tpu.dma_semaphore, #tpu.memory_space<semaphore_mem>>) src(%dma_wait3A_85 : memref<200x128xi32, #tpu.memory_space<hbm>>) dst(%arg5 : memref<200x128xi32, #tpu.memory_space<vmem>>)
      tpu.yield
    }) : () -> ()
    %dma_start3A = arith.constant 0 : i32
    %dma_start3A_3 = arith.constant 0 : i32
    %dma_start3A_4 = tpu.memref_slice %arg5[%dma_start3A, %dma_start3A_3] : memref<200x128xi32, #tpu.memory_space<vmem>> -> memref<1x128xi32, #tpu.memory_space<vmem>>
    %dma_start3A_5 = tpu.memref_squeeze %dma_start3A_4 : memref<1x128xi32, #tpu.memory_space<vmem>> -> memref<128xi32, #tpu.memory_space<vmem>>
    %dma_start3A_6 = arith.constant 0 : i32
    %dma_start3A_7 = arith.constant 0 : i32
    %dma_start3A_8 = tpu.memref_slice %arg2[%dma_start3A_6, %dma_start3A_7] : memref<1000000x64xf32, #tpu.memory_space<hbm>> -> memref<1000000x64xf32, #tpu.memory_space<hbm>>
    tpu.enqueue_indirect_dma source(%dma_start3A_8 : memref<1000000x64xf32, #tpu.memory_space<hbm>>) target(%arg6 : memref<128x64xf32, #tpu.memory_space<vmem>>) offsets(%dma_start3A_5 : memref<128xi32, #tpu.memory_space<vmem>>) semaphore(%arg14 : memref<!tpu.dma_semaphore, #tpu.memory_space<semaphore_mem>>)
    %dma_start3A_9 = arith.constant 1 : i32
    %dma_start3A_10 = arith.constant 0 : i32
    %dma_start3A_11 = tpu.memref_slice %arg5[%dma_start3A_9, %dma_start3A_10] : memref<200x128xi32, #tpu.memory_space<vmem>> -> memref<1x128xi32, #tpu.memory_space<vmem>>
    %dma_start3A_12 = tpu.memref_squeeze %dma_start3A_11 : memref<1x128xi32, #tpu.memory_space<vmem>> -> memref<128xi32, #tpu.memory_space<vmem>>
    %dma_start3A_13 = arith.constant 0 : i32
    %dma_start3A_14 = arith.constant 0 : i32
    %dma_start3A_15 = tpu.memref_slice %arg2[%dma_start3A_13, %dma_start3A_14] : memref<1000000x64xf32, #tpu.memory_space<hbm>> -> memref<1000000x64xf32, #tpu.memory_space<hbm>>
    tpu.enqueue_indirect_dma source(%dma_start3A_15 : memref<1000000x64xf32, #tpu.memory_space<hbm>>) target(%arg7 : memref<128x64xf32, #tpu.memory_space<vmem>>) offsets(%dma_start3A_12 : memref<128xi32, #tpu.memory_space<vmem>>) semaphore(%arg15 : memref<!tpu.dma_semaphore, #tpu.memory_space<semaphore_mem>>)
    %dma_start3A_16 = arith.constant 2 : i32
    %dma_start3A_17 = arith.constant 0 : i32
    %dma_start3A_18 = tpu.memref_slice %arg5[%dma_start3A_16, %dma_start3A_17] : memref<200x128xi32, #tpu.memory_space<vmem>> -> memref<1x128xi32, #tpu.memory_space<vmem>>
    %dma_start3A_19 = tpu.memref_squeeze %dma_start3A_18 : memref<1x128xi32, #tpu.memory_space<vmem>> -> memref<128xi32, #tpu.memory_space<vmem>>
    %dma_start3A_20 = arith.constant 0 : i32
    %dma_start3A_21 = arith.constant 0 : i32
    %dma_start3A_22 = tpu.memref_slice %arg2[%dma_start3A_20, %dma_start3A_21] : memref<1000000x64xf32, #tpu.memory_space<hbm>> -> memref<1000000x64xf32, #tpu.memory_space<hbm>>
    tpu.enqueue_indirect_dma source(%dma_start3A_22 : memref<1000000x64xf32, #tpu.memory_space<hbm>>) target(%arg8 : memref<128x64xf32, #tpu.memory_space<vmem>>) offsets(%dma_start3A_19 : memref<128xi32, #tpu.memory_space<vmem>>) semaphore(%arg16 : memref<!tpu.dma_semaphore, #tpu.memory_space<semaphore_mem>>)
    %dma_start3A_23 = arith.constant 3 : i32
    %dma_start3A_24 = arith.constant 0 : i32
    %dma_start3A_25 = tpu.memref_slice %arg5[%dma_start3A_23, %dma_start3A_24] : memref<200x128xi32, #tpu.memory_space<vmem>> -> memref<1x128xi32, #tpu.memory_space<vmem>>
    %dma_start3A_26 = tpu.memref_squeeze %dma_start3A_25 : memref<1x128xi32, #tpu.memory_space<vmem>> -> memref<128xi32, #tpu.memory_space<vmem>>
    %dma_start3A_27 = arith.constant 0 : i32
    %dma_start3A_28 = arith.constant 0 : i32
    %dma_start3A_29 = tpu.memref_slice %arg2[%dma_start3A_27, %dma_start3A_28] : memref<1000000x64xf32, #tpu.memory_space<hbm>> -> memref<1000000x64xf32, #tpu.memory_space<hbm>>
    tpu.enqueue_indirect_dma source(%dma_start3A_29 : memref<1000000x64xf32, #tpu.memory_space<hbm>>) target(%arg9 : memref<128x64xf32, #tpu.memory_space<vmem>>) offsets(%dma_start3A_26 : memref<128xi32, #tpu.memory_space<vmem>>) semaphore(%arg17 : memref<!tpu.dma_semaphore, #tpu.memory_space<semaphore_mem>>)
    %scan3A = arith.constant 0 : i32
    %scan3A_30 = arith.constant 0 : i32
    %scan3A_31 = arith.constant 50 : i32
    %scan3A_32 = arith.addi %scan3A_30, %scan3A_31 : i32
    %scan3A_33 = arith.constant 1 : i32
    scf.for %scan3A_78 = %scan3A_30 to %scan3A_32 step %scan3A_33  : i32 {
      %mul3A_79 = arith.constant 4 : i32
      %mul3A_80 = arith.muli %mul3A_79, %scan3A_78 : i32
      %add3A_81 = arith.constant 0 : i32
      %add3A_82 = arith.addi %mul3A_80, %add3A_81 : i32
      %dma_wait3A_83 = arith.constant 0 : i32
      %dma_wait3A_84 = tpu.memref_slice %arg5[%add3A_82, %dma_wait3A_83] : memref<200x128xi32, #tpu.memory_space<vmem>> -> memref<1x128xi32, #tpu.memory_space<vmem>>
      %dma_wait3A_85 = tpu.memref_squeeze %dma_wait3A_84 : memref<1x128xi32, #tpu.memory_space<vmem>> -> memref<128xi32, #tpu.memory_space<vmem>>
      %dma_wait3A_86 = arith.constant 0 : i32
      %dma_wait3A_87 = arith.constant 0 : i32
      %dma_wait3A_88 = tpu.memref_slice %arg2[%dma_wait3A_86, %dma_wait3A_87] : memref<1000000x64xf32, #tpu.memory_space<hbm>> -> memref<1000000x64xf32, #tpu.memory_space<hbm>>
      tpu.wait_indirect_dma semaphore(%arg14 : memref<!tpu.dma_semaphore, #tpu.memory_space<semaphore_mem>>) src(%dma_wait3A_88 : memref<1000000x64xf32, #tpu.memory_space<hbm>>) dst(%arg6 : memref<128x64xf32, #tpu.memory_space<vmem>>)
      %ge3A = arith.constant 1 : i32
      %ge3A_89 = arith.cmpi sge, %scan3A_78, %ge3A : i32
      %convert_element_type3A = arith.extui %ge3A_89 : i1 to i32
      %cond3A = arith.constant 0 : i32
      %cond3A_90 = arith.cmpi ne, %convert_element_type3A, %cond3A : i32
      scf.if %cond3A_90 {
        %dma_wait3A_227 = arith.constant 0 : i32
        %dma_wait3A_228 = arith.constant 0 : i32
        %dma_wait3A_229 = arith.constant 0 : i32
        %dma_wait3A_230 = arith.constant 0 : i32
        %dma_wait3A_231 = tpu.memref_slice %arg4[%dma_wait3A_227, %dma_wait3A_228, %add3A, %dma_wait3A_229, %dma_wait3A_230] : memref<200x8x32x8x128xf32, #tpu.memory_space<hbm>> -> memref<1x8x1x8x128xf32, #tpu.memory_space<hbm>>
        %dma_wait3A_232 = tpu.memref_squeeze %dma_wait3A_231 : memref<1x8x1x8x128xf32, #tpu.memory_space<hbm>> -> memref<8x8x128xf32, #tpu.memory_space<hbm>>
        %dma_wait3A_233 = arith.constant 0 : i32
        %dma_wait3A_234 = arith.constant 0 : i32
        %dma_wait3A_235 = arith.constant 0 : i32
        %dma_wait3A_236 = tpu.memref_slice %arg4[%dma_wait3A_227, %dma_wait3A_233, %add3A, %dma_wait3A_234, %dma_wait3A_235] : memref<200x8x32x8x128xf32, #tpu.memory_space<hbm>> -> memref<1x8x1x8x128xf32, #tpu.memory_space<hbm>>
        %dma_wait3A_237 = tpu.memref_squeeze %dma_wait3A_236 : memref<1x8x1x8x128xf32, #tpu.memory_space<hbm>> -> memref<8x8x128xf32, #tpu.memory_space<hbm>>
        tpu.wait_dma2 semaphore(%arg18 : memref<!tpu.dma_semaphore, #tpu.memory_space<semaphore_mem>>) src(%arg10 : memref<8x8x128xf32, #tpu.memory_space<vmem>>) dst(%dma_wait3A_237 : memref<8x8x128xf32, #tpu.memory_space<hbm>>)
      } else {
      }
      %scan3A_91 = arith.constant 0 : i32
      %scan3A_92 = arith.constant 0 : i32
      %scan3A_93 = arith.constant 8 : i32
      %scan3A_94 = arith.addi %scan3A_92, %scan3A_93 : i32
      %scan3A_95 = arith.constant 1 : i32
      scf.for %scan3A_227 = %scan3A_92 to %scan3A_94 step %scan3A_95  : i32 {
        %mul3A_228 = arith.constant 16 : i32
        %mul3A_229 = arith.muli %scan3A_227, %mul3A_228 : i32
        %add3A_230 = vector.broadcast %mul3A_229 : i32 to vector<16xi32>
        %add3A_231 = arith.addi %add3A_230, %iota3A : vector<16xi32>
        %parallel_loop3A = arith.constant 0 : i32
        %parallel_loop3A_232 = arith.constant 16 : i32
        %parallel_loop3A_233 = arith.constant 1 : i32
        scf.for %parallel_loop3A_243 = %parallel_loop3A to %parallel_loop3A_232 step %parallel_loop3A_233  : i32 {
          %parallel_loop3A_244 = vector.broadcast %parallel_loop3A_243 : i32 to vector<16xi32>
          %parallel_loop3A_245 = arith.addi %iota3A, %parallel_loop3A_244 : vector<16xi32>
          %parallel_loop3A_246 = arith.constant 15 : i32
          %parallel_loop3A_247 = vector.broadcast %parallel_loop3A_246 : i32 to vector<16xi32>
          %parallel_loop3A_248 = arith.andi %parallel_loop3A_245, %parallel_loop3A_247 : vector<16xi32>
          %parallel_loop3A_249 = arith.constant 0 : i32
          %parallel_loop3A_250 = vector.broadcast %parallel_loop3A_249 : i32 to vector<16xi32>
          %parallel_loop3A_251 = arith.addi %parallel_loop3A_250, %parallel_loop3A_248 : vector<16xi32>
          %parallel_loop3A_252 = tpu.vector_load_idx %arg6[%add3A_231, %parallel_loop3A_251] : memref<128x64xf32, #tpu.memory_space<vmem>>[vector<16xi32>, vector<16xi32>], vector<16xf32>,
          %parallel_loop3A_253 = arith.constant 8 : i32
          %parallel_loop3A_254 = vector.broadcast %parallel_loop3A_253 : i32 to vector<16xi32>
          %parallel_loop3A_255 = arith.divsi %parallel_loop3A_251, %parallel_loop3A_254 : vector<16xi32>
          %parallel_loop3A_256 = arith.constant 0 : i32
          %parallel_loop3A_257 = vector.broadcast %parallel_loop3A_256 : i32 to vector<16xi32>
          %parallel_loop3A_258 = arith.cmpi sgt, %parallel_loop3A_251, %parallel_loop3A_257 : vector<16xi32>
          %parallel_loop3A_259 = arith.extui %parallel_loop3A_258 : vector<16xi1> to vector<16xi32>
          %parallel_loop3A_260 = arith.constant 0 : i32
          %parallel_loop3A_261 = vector.broadcast %parallel_loop3A_260 : i32 to vector<16xi32>
          %parallel_loop3A_262 = arith.cmpi slt, %parallel_loop3A_251, %parallel_loop3A_261 : vector<16xi32>
          %parallel_loop3A_263 = arith.extui %parallel_loop3A_262 : vector<16xi1> to vector<16xi32>
          %parallel_loop3A_264 = arith.subi %parallel_loop3A_259, %parallel_loop3A_263 : vector<16xi32>
          %parallel_loop3A_265 = arith.constant 0 : i32
          %parallel_loop3A_266 = arith.cmpi sgt, %parallel_loop3A_253, %parallel_loop3A_265 : i32
          %parallel_loop3A_267 = arith.extui %parallel_loop3A_266 : i1 to i32
          %parallel_loop3A_268 = arith.constant 0 : i32
          %parallel_loop3A_269 = arith.cmpi slt, %parallel_loop3A_253, %parallel_loop3A_268 : i32
          %parallel_loop3A_270 = arith.extui %parallel_loop3A_269 : i1 to i32
          %parallel_loop3A_271 = arith.subi %parallel_loop3A_267, %parallel_loop3A_270 : i32
          %parallel_loop3A_272 = vector.broadcast %parallel_loop3A_271 : i32 to vector<16xi32>
          %parallel_loop3A_273 = arith.cmpi ne, %parallel_loop3A_264, %parallel_loop3A_272 : vector<16xi32>
          %parallel_loop3A_274 = vector.broadcast %parallel_loop3A_253 : i32 to vector<16xi32>
          %parallel_loop3A_275 = arith.remsi %parallel_loop3A_251, %parallel_loop3A_274 : vector<16xi32>
          %parallel_loop3A_276 = arith.constant 0 : i32
          %parallel_loop3A_277 = vector.broadcast %parallel_loop3A_276 : i32 to vector<16xi32>
          %parallel_loop3A_278 = arith.cmpi ne, %parallel_loop3A_275, %parallel_loop3A_277 : vector<16xi32>
          %parallel_loop3A_279 = arith.andi %parallel_loop3A_273, %parallel_loop3A_278 : vector<16xi1>
          %parallel_loop3A_280 = arith.constant 1 : i32
          %parallel_loop3A_281 = vector.broadcast %parallel_loop3A_280 : i32 to vector<16xi32>
          %parallel_loop3A_282 = arith.subi %parallel_loop3A_255, %parallel_loop3A_281 : vector<16xi32>
          %parallel_loop3A_283 = arith.select %parallel_loop3A_279, %parallel_loop3A_282, %parallel_loop3A_255 : vector<16xi1>, vector<16xi32>
          %parallel_loop3A_284 = arith.constant 8 : i32
          %parallel_loop3A_285 = arith.constant 0 : i32
          %parallel_loop3A_286 = arith.cmpi eq, %parallel_loop3A_284, %parallel_loop3A_285 : i32
          %parallel_loop3A_287 = arith.constant 1 : i32
          %parallel_loop3A_288 = arith.select %parallel_loop3A_286, %parallel_loop3A_287, %parallel_loop3A_284 : i32
          %parallel_loop3A_289 = vector.broadcast %parallel_loop3A_288 : i32 to vector<16xi32>
          %parallel_loop3A_290 = arith.remsi %parallel_loop3A_251, %parallel_loop3A_289 : vector<16xi32>
          %parallel_loop3A_291 = arith.constant 0 : i32
          %parallel_loop3A_292 = vector.broadcast %parallel_loop3A_291 : i32 to vector<16xi32>
          %parallel_loop3A_293 = arith.cmpi ne, %parallel_loop3A_290, %parallel_loop3A_292 : vector<16xi32>
          %parallel_loop3A_294 = arith.constant 0 : i32
          %parallel_loop3A_295 = vector.broadcast %parallel_loop3A_294 : i32 to vector<16xi32>
          %parallel_loop3A_296 = arith.cmpi slt, %parallel_loop3A_290, %parallel_loop3A_295 : vector<16xi32>
          %parallel_loop3A_297 = arith.constant 0 : i32
          %parallel_loop3A_298 = arith.cmpi slt, %parallel_loop3A_288, %parallel_loop3A_297 : i32
          %parallel_loop3A_299 = vector.broadcast %parallel_loop3A_298 : i1 to vector<16xi1>
          %parallel_loop3A_300 = vector.broadcast %parallel_loop3A_299 : vector<16xi1> to vector<16xi1>
          %parallel_loop3A_301 = arith.xori %parallel_loop3A_296, %parallel_loop3A_300 : vector<16xi1>
          %parallel_loop3A_302 = arith.andi %parallel_loop3A_301, %parallel_loop3A_293 : vector<16xi1>
          %parallel_loop3A_303 = vector.broadcast %parallel_loop3A_288 : i32 to vector<16xi32>
          %parallel_loop3A_304 = arith.addi %parallel_loop3A_290, %parallel_loop3A_303 : vector<16xi32>
          %parallel_loop3A_305 = arith.select %parallel_loop3A_302, %parallel_loop3A_304, %parallel_loop3A_290 : vector<16xi1>, vector<16xi32>
          tpu.vector_store_idx %arg10[%parallel_loop3A_283, %parallel_loop3A_305, %add3A_231], %parallel_loop3A_252 : memref<8x8x128xf32, #tpu.memory_space<vmem>>[vector<16xi32>, vector<16xi32>, vector<16xi32>], vector<16xf32>,
        } {sc.loop_unroll_factor = 4 : i64, sc.parallel_access}
        %parallel_loop3A_234 = arith.constant 0 : i32
        %parallel_loop3A_235 = arith.constant 16 : i32
        %parallel_loop3A_236 = arith.constant 1 : i32
        scf.for %parallel_loop3A_243 = %parallel_loop3A_234 to %parallel_loop3A_235 step %parallel_loop3A_236  : i32 {
          %parallel_loop3A_244 = vector.broadcast %parallel_loop3A_243 : i32 to vector<16xi32>
          %parallel_loop3A_245 = arith.addi %iota3A, %parallel_loop3A_244 : vector<16xi32>
          %parallel_loop3A_246 = arith.constant 15 : i32
          %parallel_loop3A_247 = vector.broadcast %parallel_loop3A_246 : i32 to vector<16xi32>
          %parallel_loop3A_248 = arith.andi %parallel_loop3A_245, %parallel_loop3A_247 : vector<16xi32>
          %parallel_loop3A_249 = arith.constant 16 : i32
          %parallel_loop3A_250 = vector.broadcast %parallel_loop3A_249 : i32 to vector<16xi32>
          %parallel_loop3A_251 = arith.addi %parallel_loop3A_250, %parallel_loop3A_248 : vector<16xi32>
          %parallel_loop3A_252 = tpu.vector_load_idx %arg6[%add3A_231, %parallel_loop3A_251] : memref<128x64xf32, #tpu.memory_space<vmem>>[vector<16xi32>, vector<16xi32>], vector<16xf32>,
          %parallel_loop3A_253 = arith.constant 8 : i32
          %parallel_loop3A_254 = vector.broadcast %parallel_loop3A_253 : i32 to vector<16xi32>
          %parallel_loop3A_255 = arith.divsi %parallel_loop3A_251, %parallel_loop3A_254 : vector<16xi32>
          %parallel_loop3A_256 = arith.constant 0 : i32
          %parallel_loop3A_257 = vector.broadcast %parallel_loop3A_256 : i32 to vector<16xi32>
          %parallel_loop3A_258 = arith.cmpi sgt, %parallel_loop3A_251, %parallel_loop3A_257 : vector<16xi32>
          %parallel_loop3A_259 = arith.extui %parallel_loop3A_258 : vector<16xi1> to vector<16xi32>
          %parallel_loop3A_260 = arith.constant 0 : i32
          %parallel_loop3A_261 = vector.broadcast %parallel_loop3A_260 : i32 to vector<16xi32>
          %parallel_loop3A_262 = arith.cmpi slt, %parallel_loop3A_251, %parallel_loop3A_261 : vector<16xi32>
          %parallel_loop3A_263 = arith.extui %parallel_loop3A_262 : vector<16xi1> to vector<16xi32>
          %parallel_loop3A_264 = arith.subi %parallel_loop3A_259, %parallel_loop3A_263 : vector<16xi32>
          %parallel_loop3A_265 = arith.constant 0 : i32
          %parallel_loop3A_266 = arith.cmpi sgt, %parallel_loop3A_253, %parallel_loop3A_265 : i32
          %parallel_loop3A_267 = arith.extui %parallel_loop3A_266 : i1 to i32
          %parallel_loop3A_268 = arith.constant 0 : i32
          %parallel_loop3A_269 = arith.cmpi slt, %parallel_loop3A_253, %parallel_loop3A_268 : i32
          %parallel_loop3A_270 = arith.extui %parallel_loop3A_269 : i1 to i32
          %parallel_loop3A_271 = arith.subi %parallel_loop3A_267, %parallel_loop3A_270 : i32
          %parallel_loop3A_272 = vector.broadcast %parallel_loop3A_271 : i32 to vector<16xi32>
          %parallel_loop3A_273 = arith.cmpi ne, %parallel_loop3A_264, %parallel_loop3A_272 : vector<16xi32>
          %parallel_loop3A_274 = vector.broadcast %parallel_loop3A_253 : i32 to vector<16xi32>
          %parallel_loop3A_275 = arith.remsi %parallel_loop3A_251, %parallel_loop3A_274 : vector<16xi32>
          %parallel_loop3A_276 = arith.constant 0 : i32
          %parallel_loop3A_277 = vector.broadcast %parallel_loop3A_276 : i32 to vector<16xi32>
          %parallel_loop3A_278 = arith.cmpi ne, %parallel_loop3A_275, %parallel_loop3A_277 : vector<16xi32>
          %parallel_loop3A_279 = arith.andi %parallel_loop3A_273, %parallel_loop3A_278 : vector<16xi1>
          %parallel_loop3A_280 = arith.constant 1 : i32
          %parallel_loop3A_281 = vector.broadcast %parallel_loop3A_280 : i32 to vector<16xi32>
          %parallel_loop3A_282 = arith.subi %parallel_loop3A_255, %parallel_loop3A_281 : vector<16xi32>
          %parallel_loop3A_283 = arith.select %parallel_loop3A_279, %parallel_loop3A_282, %parallel_loop3A_255 : vector<16xi1>, vector<16xi32>
          %parallel_loop3A_284 = arith.constant 8 : i32
          %parallel_loop3A_285 = arith.constant 0 : i32
          %parallel_loop3A_286 = arith.cmpi eq, %parallel_loop3A_284, %parallel_loop3A_285 : i32
          %parallel_loop3A_287 = arith.constant 1 : i32
          %parallel_loop3A_288 = arith.select %parallel_loop3A_286, %parallel_loop3A_287, %parallel_loop3A_284 : i32
          %parallel_loop3A_289 = vector.broadcast %parallel_loop3A_288 : i32 to vector<16xi32>
          %parallel_loop3A_290 = arith.remsi %parallel_loop3A_251, %parallel_loop3A_289 : vector<16xi32>
          %parallel_loop3A_291 = arith.constant 0 : i32
          %parallel_loop3A_292 = vector.broadcast %parallel_loop3A_291 : i32 to vector<16xi32>
          %parallel_loop3A_293 = arith.cmpi ne, %parallel_loop3A_290, %parallel_loop3A_292 : vector<16xi32>
          %parallel_loop3A_294 = arith.constant 0 : i32
          %parallel_loop3A_295 = vector.broadcast %parallel_loop3A_294 : i32 to vector<16xi32>
          %parallel_loop3A_296 = arith.cmpi slt, %parallel_loop3A_290, %parallel_loop3A_295 : vector<16xi32>
          %parallel_loop3A_297 = arith.constant 0 : i32
          %parallel_loop3A_298 = arith.cmpi slt, %parallel_loop3A_288, %parallel_loop3A_297 : i32
          %parallel_loop3A_299 = vector.broadcast %parallel_loop3A_298 : i1 to vector<16xi1>
          %parallel_loop3A_300 = vector.broadcast %parallel_loop3A_299 : vector<16xi1> to vector<16xi1>
          %parallel_loop3A_301 = arith.xori %parallel_loop3A_296, %parallel_loop3A_300 : vector<16xi1>
          %parallel_loop3A_302 = arith.andi %parallel_loop3A_301, %parallel_loop3A_293 : vector<16xi1>
          %parallel_loop3A_303 = vector.broadcast %parallel_loop3A_288 : i32 to vector<16xi32>
          %parallel_loop3A_304 = arith.addi %parallel_loop3A_290, %parallel_loop3A_303 : vector<16xi32>
          %parallel_loop3A_305 = arith.select %parallel_loop3A_302, %parallel_loop3A_304, %parallel_loop3A_290 : vector<16xi1>, vector<16xi32>
          tpu.vector_store_idx %arg10[%parallel_loop3A_283, %parallel_loop3A_305, %add3A_231], %parallel_loop3A_252 : memref<8x8x128xf32, #tpu.memory_space<vmem>>[vector<16xi32>, vector<16xi32>, vector<16xi32>], vector<16xf32>,
        } {sc.loop_unroll_factor = 4 : i64, sc.parallel_access}
        %parallel_loop3A_237 = arith.constant 0 : i32
        %parallel_loop3A_238 = arith.constant 16 : i32
        %parallel_loop3A_239 = arith.constant 1 : i32
        scf.for %parallel_loop3A_243 = %parallel_loop3A_237 to %parallel_loop3A_238 step %parallel_loop3A_239  : i32 {
          %parallel_loop3A_244 = vector.broadcast %parallel_loop3A_243 : i32 to vector<16xi32>
          %parallel_loop3A_245 = arith.addi %iota3A, %parallel_loop3A_244 : vector<16xi32>
          %parallel_loop3A_246 = arith.constant 15 : i32
          %parallel_loop3A_247 = vector.broadcast %parallel_loop3A_246 : i32 to vector<16xi32>
          %parallel_loop3A_248 = arith.andi %parallel_loop3A_245, %parallel_loop3A_247 : vector<16xi32>
          %parallel_loop3A_249 = arith.constant 32 : i32
          %parallel_loop3A_250 = vector.broadcast %parallel_loop3A_249 : i32 to vector<16xi32>
          %parallel_loop3A_251 = arith.addi %parallel_loop3A_250, %parallel_loop3A_248 : vector<16xi32>
          %parallel_loop3A_252 = tpu.vector_load_idx %arg6[%add3A_231, %parallel_loop3A_251] : memref<128x64xf32, #tpu.memory_space<vmem>>[vector<16xi32>, vector<16xi32>], vector<16xf32>,
          %parallel_loop3A_253 = arith.constant 8 : i32
          %parallel_loop3A_254 = vector.broadcast %parallel_loop3A_253 : i32 to vector<16xi32>
          %parallel_loop3A_255 = arith.divsi %parallel_loop3A_251, %parallel_loop3A_254 : vector<16xi32>
          %parallel_loop3A_256 = arith.constant 0 : i32
          %parallel_loop3A_257 = vector.broadcast %parallel_loop3A_256 : i32 to vector<16xi32>
          %parallel_loop3A_258 = arith.cmpi sgt, %parallel_loop3A_251, %parallel_loop3A_257 : vector<16xi32>
          %parallel_loop3A_259 = arith.extui %parallel_loop3A_258 : vector<16xi1> to vector<16xi32>
          %parallel_loop3A_260 = arith.constant 0 : i32
          %parallel_loop3A_261 = vector.broadcast %parallel_loop3A_260 : i32 to vector<16xi32>
          %parallel_loop3A_262 = arith.cmpi slt, %parallel_loop3A_251, %parallel_loop3A_261 : vector<16xi32>
          %parallel_loop3A_263 = arith.extui %parallel_loop3A_262 : vector<16xi1> to vector<16xi32>
          %parallel_loop3A_264 = arith.subi %parallel_loop3A_259, %parallel_loop3A_263 : vector<16xi32>
          %parallel_loop3A_265 = arith.constant 0 : i32
          %parallel_loop3A_266 = arith.cmpi sgt, %parallel_loop3A_253, %parallel_loop3A_265 : i32
          %parallel_loop3A_267 = arith.extui %parallel_loop3A_266 : i1 to i32
          %parallel_loop3A_268 = arith.constant 0 : i32
          %parallel_loop3A_269 = arith.cmpi slt, %parallel_loop3A_253, %parallel_loop3A_268 : i32
          %parallel_loop3A_270 = arith.extui %parallel_loop3A_269 : i1 to i32
          %parallel_loop3A_271 = arith.subi %parallel_loop3A_267, %parallel_loop3A_270 : i32
          %parallel_loop3A_272 = vector.broadcast %parallel_loop3A_271 : i32 to vector<16xi32>
          %parallel_loop3A_273 = arith.cmpi ne, %parallel_loop3A_264, %parallel_loop3A_272 : vector<16xi32>
          %parallel_loop3A_274 = vector.broadcast %parallel_loop3A_253 : i32 to vector<16xi32>
          %parallel_loop3A_275 = arith.remsi %parallel_loop3A_251, %parallel_loop3A_274 : vector<16xi32>
          %parallel_loop3A_276 = arith.constant 0 : i32
          %parallel_loop3A_277 = vector.broadcast %parallel_loop3A_276 : i32 to vector<16xi32>
          %parallel_loop3A_278 = arith.cmpi ne, %parallel_loop3A_275, %parallel_loop3A_277 : vector<16xi32>
          %parallel_loop3A_279 = arith.andi %parallel_loop3A_273, %parallel_loop3A_278 : vector<16xi1>
          %parallel_loop3A_280 = arith.constant 1 : i32
          %parallel_loop3A_281 = vector.broadcast %parallel_loop3A_280 : i32 to vector<16xi32>
          %parallel_loop3A_282 = arith.subi %parallel_loop3A_255, %parallel_loop3A_281 : vector<16xi32>
          %parallel_loop3A_283 = arith.select %parallel_loop3A_279, %parallel_loop3A_282, %parallel_loop3A_255 : vector<16xi1>, vector<16xi32>
          %parallel_loop3A_284 = arith.constant 8 : i32
          %parallel_loop3A_285 = arith.constant 0 : i32
          %parallel_loop3A_286 = arith.cmpi eq, %parallel_loop3A_284, %parallel_loop3A_285 : i32
          %parallel_loop3A_287 = arith.constant 1 : i32
          %parallel_loop3A_288 = arith.select %parallel_loop3A_286, %parallel_loop3A_287, %parallel_loop3A_284 : i32
          %parallel_loop3A_289 = vector.broadcast %parallel_loop3A_288 : i32 to vector<16xi32>
          %parallel_loop3A_290 = arith.remsi %parallel_loop3A_251, %parallel_loop3A_289 : vector<16xi32>
          %parallel_loop3A_291 = arith.constant 0 : i32
          %parallel_loop3A_292 = vector.broadcast %parallel_loop3A_291 : i32 to vector<16xi32>
          %parallel_loop3A_293 = arith.cmpi ne, %parallel_loop3A_290, %parallel_loop3A_292 : vector<16xi32>
          %parallel_loop3A_294 = arith.constant 0 : i32
          %parallel_loop3A_295 = vector.broadcast %parallel_loop3A_294 : i32 to vector<16xi32>
          %parallel_loop3A_296 = arith.cmpi slt, %parallel_loop3A_290, %parallel_loop3A_295 : vector<16xi32>
          %parallel_loop3A_297 = arith.constant 0 : i32
          %parallel_loop3A_298 = arith.cmpi slt, %parallel_loop3A_288, %parallel_loop3A_297 : i32
          %parallel_loop3A_299 = vector.broadcast %parallel_loop3A_298 : i1 to vector<16xi1>
          %parallel_loop3A_300 = vector.broadcast %parallel_loop3A_299 : vector<16xi1> to vector<16xi1>
          %parallel_loop3A_301 = arith.xori %parallel_loop3A_296, %parallel_loop3A_300 : vector<16xi1>
          %parallel_loop3A_302 = arith.andi %parallel_loop3A_301, %parallel_loop3A_293 : vector<16xi1>
          %parallel_loop3A_303 = vector.broadcast %parallel_loop3A_288 : i32 to vector<16xi32>
          %parallel_loop3A_304 = arith.addi %parallel_loop3A_290, %parallel_loop3A_303 : vector<16xi32>
          %parallel_loop3A_305 = arith.select %parallel_loop3A_302, %parallel_loop3A_304, %parallel_loop3A_290 : vector<16xi1>, vector<16xi32>
          tpu.vector_store_idx %arg10[%parallel_loop3A_283, %parallel_loop3A_305, %add3A_231], %parallel_loop3A_252 : memref<8x8x128xf32, #tpu.memory_space<vmem>>[vector<16xi32>, vector<16xi32>, vector<16xi32>], vector<16xf32>,
        } {sc.loop_unroll_factor = 4 : i64, sc.parallel_access}
        %parallel_loop3A_240 = arith.constant 0 : i32
        %parallel_loop3A_241 = arith.constant 16 : i32
        %parallel_loop3A_242 = arith.constant 1 : i32
        scf.for %parallel_loop3A_243 = %parallel_loop3A_240 to %parallel_loop3A_241 step %parallel_loop3A_242  : i32 {
          %parallel_loop3A_244 = vector.broadcast %parallel_loop3A_243 : i32 to vector<16xi32>
          %parallel_loop3A_245 = arith.addi %iota3A, %parallel_loop3A_244 : vector<16xi32>
          %parallel_loop3A_246 = arith.constant 15 : i32
          %parallel_loop3A_247 = vector.broadcast %parallel_loop3A_246 : i32 to vector<16xi32>
          %parallel_loop3A_248 = arith.andi %parallel_loop3A_245, %parallel_loop3A_247 : vector<16xi32>
          %parallel_loop3A_249 = arith.constant 48 : i32
          %parallel_loop3A_250 = vector.broadcast %parallel_loop3A_249 : i32 to vector<16xi32>
          %parallel_loop3A_251 = arith.addi %parallel_loop3A_250, %parallel_loop3A_248 : vector<16xi32>
          %parallel_loop3A_252 = tpu.vector_load_idx %arg6[%add3A_231, %parallel_loop3A_251] : memref<128x64xf32, #tpu.memory_space<vmem>>[vector<16xi32>, vector<16xi32>], vector<16xf32>,
          %parallel_loop3A_253 = arith.constant 8 : i32
          %parallel_loop3A_254 = vector.broadcast %parallel_loop3A_253 : i32 to vector<16xi32>
          %parallel_loop3A_255 = arith.divsi %parallel_loop3A_251, %parallel_loop3A_254 : vector<16xi32>
          %parallel_loop3A_256 = arith.constant 0 : i32
          %parallel_loop3A_257 = vector.broadcast %parallel_loop3A_256 : i32 to vector<16xi32>
          %parallel_loop3A_258 = arith.cmpi sgt, %parallel_loop3A_251, %parallel_loop3A_257 : vector<16xi32>
          %parallel_loop3A_259 = arith.extui %parallel_loop3A_258 : vector<16xi1> to vector<16xi32>
          %parallel_loop3A_260 = arith.constant 0 : i32
          %parallel_loop3A_261 = vector.broadcast %parallel_loop3A_260 : i32 to vector<16xi32>
          %parallel_loop3A_262 = arith.cmpi slt, %parallel_loop3A_251, %parallel_loop3A_261 : vector<16xi32>
          %parallel_loop3A_263 = arith.extui %parallel_loop3A_262 : vector<16xi1> to vector<16xi32>
          %parallel_loop3A_264 = arith.subi %parallel_loop3A_259, %parallel_loop3A_263 : vector<16xi32>
          %parallel_loop3A_265 = arith.constant 0 : i32
          %parallel_loop3A_266 = arith.cmpi sgt, %parallel_loop3A_253, %parallel_loop3A_265 : i32
          %parallel_loop3A_267 = arith.extui %parallel_loop3A_266 : i1 to i32
          %parallel_loop3A_268 = arith.constant 0 : i32
          %parallel_loop3A_269 = arith.cmpi slt, %parallel_loop3A_253, %parallel_loop3A_268 : i32
          %parallel_loop3A_270 = arith.extui %parallel_loop3A_269 : i1 to i32
          %parallel_loop3A_271 = arith.subi %parallel_loop3A_267, %parallel_loop3A_270 : i32
          %parallel_loop3A_272 = vector.broadcast %parallel_loop3A_271 : i32 to vector<16xi32>
          %parallel_loop3A_273 = arith.cmpi ne, %parallel_loop3A_264, %parallel_loop3A_272 : vector<16xi32>
          %parallel_loop3A_274 = vector.broadcast %parallel_loop3A_253 : i32 to vector<16xi32>
          %parallel_loop3A_275 = arith.remsi %parallel_loop3A_251, %parallel_loop3A_274 : vector<16xi32>
          %parallel_loop3A_276 = arith.constant 0 : i32
          %parallel_loop3A_277 = vector.broadcast %parallel_loop3A_276 : i32 to vector<16xi32>
          %parallel_loop3A_278 = arith.cmpi ne, %parallel_loop3A_275, %parallel_loop3A_277 : vector<16xi32>
          %parallel_loop3A_279 = arith.andi %parallel_loop3A_273, %parallel_loop3A_278 : vector<16xi1>
          %parallel_loop3A_280 = arith.constant 1 : i32
          %parallel_loop3A_281 = vector.broadcast %parallel_loop3A_280 : i32 to vector<16xi32>
          %parallel_loop3A_282 = arith.subi %parallel_loop3A_255, %parallel_loop3A_281 : vector<16xi32>
          %parallel_loop3A_283 = arith.select %parallel_loop3A_279, %parallel_loop3A_282, %parallel_loop3A_255 : vector<16xi1>, vector<16xi32>
          %parallel_loop3A_284 = arith.constant 8 : i32
          %parallel_loop3A_285 = arith.constant 0 : i32
          %parallel_loop3A_286 = arith.cmpi eq, %parallel_loop3A_284, %parallel_loop3A_285 : i32
          %parallel_loop3A_287 = arith.constant 1 : i32
          %parallel_loop3A_288 = arith.select %parallel_loop3A_286, %parallel_loop3A_287, %parallel_loop3A_284 : i32
          %parallel_loop3A_289 = vector.broadcast %parallel_loop3A_288 : i32 to vector<16xi32>
          %parallel_loop3A_290 = arith.remsi %parallel_loop3A_251, %parallel_loop3A_289 : vector<16xi32>
          %parallel_loop3A_291 = arith.constant 0 : i32
          %parallel_loop3A_292 = vector.broadcast %parallel_loop3A_291 : i32 to vector<16xi32>
          %parallel_loop3A_293 = arith.cmpi ne, %parallel_loop3A_290, %parallel_loop3A_292 : vector<16xi32>
          %parallel_loop3A_294 = arith.constant 0 : i32
          %parallel_loop3A_295 = vector.broadcast %parallel_loop3A_294 : i32 to vector<16xi32>
          %parallel_loop3A_296 = arith.cmpi slt, %parallel_loop3A_290, %parallel_loop3A_295 : vector<16xi32>
          %parallel_loop3A_297 = arith.constant 0 : i32
          %parallel_loop3A_298 = arith.cmpi slt, %parallel_loop3A_288, %parallel_loop3A_297 : i32
          %parallel_loop3A_299 = vector.broadcast %parallel_loop3A_298 : i1 to vector<16xi1>
          %parallel_loop3A_300 = vector.broadcast %parallel_loop3A_299 : vector<16xi1> to vector<16xi1>
          %parallel_loop3A_301 = arith.xori %parallel_loop3A_296, %parallel_loop3A_300 : vector<16xi1>
          %parallel_loop3A_302 = arith.andi %parallel_loop3A_301, %parallel_loop3A_293 : vector<16xi1>
          %parallel_loop3A_303 = vector.broadcast %parallel_loop3A_288 : i32 to vector<16xi32>
          %parallel_loop3A_304 = arith.addi %parallel_loop3A_290, %parallel_loop3A_303 : vector<16xi32>
          %parallel_loop3A_305 = arith.select %parallel_loop3A_302, %parallel_loop3A_304, %parallel_loop3A_290 : vector<16xi1>, vector<16xi32>
          tpu.vector_store_idx %arg10[%parallel_loop3A_283, %parallel_loop3A_305, %add3A_231], %parallel_loop3A_252 : memref<8x8x128xf32, #tpu.memory_space<vmem>>[vector<16xi32>, vector<16xi32>, vector<16xi32>], vector<16xf32>,
        } {sc.loop_unroll_factor = 4 : i64, sc.parallel_access}
      }
      %scan3A_96 = arith.constant 8 : i32
      %dma_start3A_97 = arith.constant 0 : i32
      %dma_start3A_98 = arith.constant 0 : i32
      %dma_start3A_99 = arith.constant 0 : i32
      %dma_start3A_100 = tpu.memref_slice %arg4[%add3A_82, %dma_start3A_97, %add3A, %dma_start3A_98, %dma_start3A_99] : memref<200x8x32x8x128xf32, #tpu.memory_space<hbm>> -> memref<1x8x1x8x128xf32, #tpu.memory_space<hbm>>
      %dma_start3A_101 = tpu.memref_squeeze %dma_start3A_100 : memref<1x8x1x8x128xf32, #tpu.memory_space<hbm>> -> memref<8x8x128xf32, #tpu.memory_space<hbm>>
      %dma_start3A_102 = arith.constant 0 : i32
      %dma_start3A_103 = arith.constant 0 : i32
      %dma_start3A_104 = arith.constant 0 : i32
      %dma_start3A_105 = tpu.memref_slice %arg4[%add3A_82, %dma_start3A_102, %add3A, %dma_start3A_103, %dma_start3A_104] : memref<200x8x32x8x128xf32, #tpu.memory_space<hbm>> -> memref<1x8x1x8x128xf32, #tpu.memory_space<hbm>>
      %dma_start3A_106 = tpu.memref_squeeze %dma_start3A_105 : memref<1x8x1x8x128xf32, #tpu.memory_space<hbm>> -> memref<8x8x128xf32, #tpu.memory_space<hbm>>
      tpu.enqueue_dma source(%arg10 : memref<8x8x128xf32, #tpu.memory_space<vmem>>) target(%dma_start3A_106 : memref<8x8x128xf32, #tpu.memory_space<hbm>>) target_semaphore(%arg18 : memref<!tpu.dma_semaphore, #tpu.memory_space<semaphore_mem>>)
      %add3A_107 = arith.constant 4 : i32
      %add3A_108 = arith.addi %add3A_82, %add3A_107 : i32
      %lt3A = arith.constant 200 : i32
      %lt3A_109 = arith.cmpi slt, %add3A_108, %lt3A : i32
      %convert_element_type3A_110 = arith.extui %lt3A_109 : i1 to i32
      %cond3A_111 = arith.constant 0 : i32
      %cond3A_112 = arith.cmpi ne, %convert_element_type3A_110, %cond3A_111 : i32
      scf.if %cond3A_112 {
        %add3A_227 = arith.constant 4 : i32
        %add3A_228 = arith.addi %add3A_82, %add3A_227 : i32
        %dma_start3A_229 = arith.constant 0 : i32
        %dma_start3A_230 = tpu.memref_slice %arg5[%add3A_228, %dma_start3A_229] : memref<200x128xi32, #tpu.memory_space<vmem>> -> memref<1x128xi32, #tpu.memory_space<vmem>>
        %dma_start3A_231 = tpu.memref_squeeze %dma_start3A_230 : memref<1x128xi32, #tpu.memory_space<vmem>> -> memref<128xi32, #tpu.memory_space<vmem>>
        %dma_start3A_232 = arith.constant 0 : i32
        %dma_start3A_233 = arith.constant 0 : i32
        %dma_start3A_234 = tpu.memref_slice %arg2[%dma_start3A_232, %dma_start3A_233] : memref<1000000x64xf32, #tpu.memory_space<hbm>> -> memref<1000000x64xf32, #tpu.memory_space<hbm>>
        tpu.enqueue_indirect_dma source(%dma_start3A_234 : memref<1000000x64xf32, #tpu.memory_space<hbm>>) target(%arg6 : memref<128x64xf32, #tpu.memory_space<vmem>>) offsets(%dma_start3A_231 : memref<128xi32, #tpu.memory_space<vmem>>) semaphore(%arg14 : memref<!tpu.dma_semaphore, #tpu.memory_space<semaphore_mem>>)
      } else {
      }
      %mul3A_113 = arith.constant 4 : i32
      %mul3A_114 = arith.muli %mul3A_113, %scan3A_78 : i32
      %add3A_115 = arith.constant 1 : i32
      %add3A_116 = arith.addi %mul3A_114, %add3A_115 : i32
      %dma_wait3A_117 = arith.constant 0 : i32
      %dma_wait3A_118 = tpu.memref_slice %arg5[%add3A_116, %dma_wait3A_117] : memref<200x128xi32, #tpu.memory_space<vmem>> -> memref<1x128xi32, #tpu.memory_space<vmem>>
      %dma_wait3A_119 = tpu.memref_squeeze %dma_wait3A_118 : memref<1x128xi32, #tpu.memory_space<vmem>> -> memref<128xi32, #tpu.memory_space<vmem>>
      %dma_wait3A_120 = arith.constant 0 : i32
      %dma_wait3A_121 = arith.constant 0 : i32
      %dma_wait3A_122 = tpu.memref_slice %arg2[%dma_wait3A_120, %dma_wait3A_121] : memref<1000000x64xf32, #tpu.memory_space<hbm>> -> memref<1000000x64xf32, #tpu.memory_space<hbm>>
      tpu.wait_indirect_dma semaphore(%arg15 : memref<!tpu.dma_semaphore, #tpu.memory_space<semaphore_mem>>) src(%dma_wait3A_122 : memref<1000000x64xf32, #tpu.memory_space<hbm>>) dst(%arg7 : memref<128x64xf32, #tpu.memory_space<vmem>>)
      %ge3A_123 = arith.constant 1 : i32
      %ge3A_124 = arith.cmpi sge, %scan3A_78, %ge3A_123 : i32
      %convert_element_type3A_125 = arith.extui %ge3A_124 : i1 to i32
      %cond3A_126 = arith.constant 0 : i32
      %cond3A_127 = arith.cmpi ne, %convert_element_type3A_125, %cond3A_126 : i32
      scf.if %cond3A_127 {
        %dma_wait3A_227 = arith.constant 0 : i32
        %dma_wait3A_228 = arith.constant 0 : i32
        %dma_wait3A_229 = arith.constant 0 : i32
        %dma_wait3A_230 = arith.constant 0 : i32
        %dma_wait3A_231 = tpu.memref_slice %arg4[%dma_wait3A_227, %dma_wait3A_228, %add3A, %dma_wait3A_229, %dma_wait3A_230] : memref<200x8x32x8x128xf32, #tpu.memory_space<hbm>> -> memref<1x8x1x8x128xf32, #tpu.memory_space<hbm>>
        %dma_wait3A_232 = tpu.memref_squeeze %dma_wait3A_231 : memref<1x8x1x8x128xf32, #tpu.memory_space<hbm>> -> memref<8x8x128xf32, #tpu.memory_space<hbm>>
        %dma_wait3A_233 = arith.constant 0 : i32
        %dma_wait3A_234 = arith.constant 0 : i32
        %dma_wait3A_235 = arith.constant 0 : i32
        %dma_wait3A_236 = tpu.memref_slice %arg4[%dma_wait3A_227, %dma_wait3A_233, %add3A, %dma_wait3A_234, %dma_wait3A_235] : memref<200x8x32x8x128xf32, #tpu.memory_space<hbm>> -> memref<1x8x1x8x128xf32, #tpu.memory_space<hbm>>
        %dma_wait3A_237 = tpu.memref_squeeze %dma_wait3A_236 : memref<1x8x1x8x128xf32, #tpu.memory_space<hbm>> -> memref<8x8x128xf32, #tpu.memory_space<hbm>>
        tpu.wait_dma2 semaphore(%arg19 : memref<!tpu.dma_semaphore, #tpu.memory_space<semaphore_mem>>) src(%arg11 : memref<8x8x128xf32, #tpu.memory_space<vmem>>) dst(%dma_wait3A_237 : memref<8x8x128xf32, #tpu.memory_space<hbm>>)
      } else {
      }
      %scan3A_128 = arith.constant 0 : i32
      %scan3A_129 = arith.constant 0 : i32
      %scan3A_130 = arith.constant 8 : i32
      %scan3A_131 = arith.addi %scan3A_129, %scan3A_130 : i32
      %scan3A_132 = arith.constant 1 : i32
      scf.for %scan3A_227 = %scan3A_129 to %scan3A_131 step %scan3A_132  : i32 {
        %mul3A_228 = arith.constant 16 : i32
        %mul3A_229 = arith.muli %scan3A_227, %mul3A_228 : i32
        %add3A_230 = vector.broadcast %mul3A_229 : i32 to vector<16xi32>
        %add3A_231 = arith.addi %add3A_230, %iota3A : vector<16xi32>
        %parallel_loop3A = arith.constant 0 : i32
        %parallel_loop3A_232 = arith.constant 16 : i32
        %parallel_loop3A_233 = arith.constant 1 : i32
        scf.for %parallel_loop3A_243 = %parallel_loop3A to %parallel_loop3A_232 step %parallel_loop3A_233  : i32 {
          %parallel_loop3A_244 = vector.broadcast %parallel_loop3A_243 : i32 to vector<16xi32>
          %parallel_loop3A_245 = arith.addi %iota3A, %parallel_loop3A_244 : vector<16xi32>
          %parallel_loop3A_246 = arith.constant 15 : i32
          %parallel_loop3A_247 = vector.broadcast %parallel_loop3A_246 : i32 to vector<16xi32>
          %parallel_loop3A_248 = arith.andi %parallel_loop3A_245, %parallel_loop3A_247 : vector<16xi32>
          %parallel_loop3A_249 = arith.constant 0 : i32
          %parallel_loop3A_250 = vector.broadcast %parallel_loop3A_249 : i32 to vector<16xi32>
          %parallel_loop3A_251 = arith.addi %parallel_loop3A_250, %parallel_loop3A_248 : vector<16xi32>
          %parallel_loop3A_252 = tpu.vector_load_idx %arg7[%add3A_231, %parallel_loop3A_251] : memref<128x64xf32, #tpu.memory_space<vmem>>[vector<16xi32>, vector<16xi32>], vector<16xf32>,
          %parallel_loop3A_253 = arith.constant 8 : i32
          %parallel_loop3A_254 = vector.broadcast %parallel_loop3A_253 : i32 to vector<16xi32>
          %parallel_loop3A_255 = arith.divsi %parallel_loop3A_251, %parallel_loop3A_254 : vector<16xi32>
          %parallel_loop3A_256 = arith.constant 0 : i32
          %parallel_loop3A_257 = vector.broadcast %parallel_loop3A_256 : i32 to vector<16xi32>
          %parallel_loop3A_258 = arith.cmpi sgt, %parallel_loop3A_251, %parallel_loop3A_257 : vector<16xi32>
          %parallel_loop3A_259 = arith.extui %parallel_loop3A_258 : vector<16xi1> to vector<16xi32>
          %parallel_loop3A_260 = arith.constant 0 : i32
          %parallel_loop3A_261 = vector.broadcast %parallel_loop3A_260 : i32 to vector<16xi32>
          %parallel_loop3A_262 = arith.cmpi slt, %parallel_loop3A_251, %parallel_loop3A_261 : vector<16xi32>
          %parallel_loop3A_263 = arith.extui %parallel_loop3A_262 : vector<16xi1> to vector<16xi32>
          %parallel_loop3A_264 = arith.subi %parallel_loop3A_259, %parallel_loop3A_263 : vector<16xi32>
          %parallel_loop3A_265 = arith.constant 0 : i32
          %parallel_loop3A_266 = arith.cmpi sgt, %parallel_loop3A_253, %parallel_loop3A_265 : i32
          %parallel_loop3A_267 = arith.extui %parallel_loop3A_266 : i1 to i32
          %parallel_loop3A_268 = arith.constant 0 : i32
          %parallel_loop3A_269 = arith.cmpi slt, %parallel_loop3A_253, %parallel_loop3A_268 : i32
          %parallel_loop3A_270 = arith.extui %parallel_loop3A_269 : i1 to i32
          %parallel_loop3A_271 = arith.subi %parallel_loop3A_267, %parallel_loop3A_270 : i32
          %parallel_loop3A_272 = vector.broadcast %parallel_loop3A_271 : i32 to vector<16xi32>
          %parallel_loop3A_273 = arith.cmpi ne, %parallel_loop3A_264, %parallel_loop3A_272 : vector<16xi32>
          %parallel_loop3A_274 = vector.broadcast %parallel_loop3A_253 : i32 to vector<16xi32>
          %parallel_loop3A_275 = arith.remsi %parallel_loop3A_251, %parallel_loop3A_274 : vector<16xi32>
          %parallel_loop3A_276 = arith.constant 0 : i32
          %parallel_loop3A_277 = vector.broadcast %parallel_loop3A_276 : i32 to vector<16xi32>
          %parallel_loop3A_278 = arith.cmpi ne, %parallel_loop3A_275, %parallel_loop3A_277 : vector<16xi32>
          %parallel_loop3A_279 = arith.andi %parallel_loop3A_273, %parallel_loop3A_278 : vector<16xi1>
          %parallel_loop3A_280 = arith.constant 1 : i32
          %parallel_loop3A_281 = vector.broadcast %parallel_loop3A_280 : i32 to vector<16xi32>
          %parallel_loop3A_282 = arith.subi %parallel_loop3A_255, %parallel_loop3A_281 : vector<16xi32>
          %parallel_loop3A_283 = arith.select %parallel_loop3A_279, %parallel_loop3A_282, %parallel_loop3A_255 : vector<16xi1>, vector<16xi32>
          %parallel_loop3A_284 = arith.constant 8 : i32
          %parallel_loop3A_285 = arith.constant 0 : i32
          %parallel_loop3A_286 = arith.cmpi eq, %parallel_loop3A_284, %parallel_loop3A_285 : i32
          %parallel_loop3A_287 = arith.constant 1 : i32
          %parallel_loop3A_288 = arith.select %parallel_loop3A_286, %parallel_loop3A_287, %parallel_loop3A_284 : i32
          %parallel_loop3A_289 = vector.broadcast %parallel_loop3A_288 : i32 to vector<16xi32>
          %parallel_loop3A_290 = arith.remsi %parallel_loop3A_251, %parallel_loop3A_289 : vector<16xi32>
          %parallel_loop3A_291 = arith.constant 0 : i32
          %parallel_loop3A_292 = vector.broadcast %parallel_loop3A_291 : i32 to vector<16xi32>
          %parallel_loop3A_293 = arith.cmpi ne, %parallel_loop3A_290, %parallel_loop3A_292 : vector<16xi32>
          %parallel_loop3A_294 = arith.constant 0 : i32
          %parallel_loop3A_295 = vector.broadcast %parallel_loop3A_294 : i32 to vector<16xi32>
          %parallel_loop3A_296 = arith.cmpi slt, %parallel_loop3A_290, %parallel_loop3A_295 : vector<16xi32>
          %parallel_loop3A_297 = arith.constant 0 : i32
          %parallel_loop3A_298 = arith.cmpi slt, %parallel_loop3A_288, %parallel_loop3A_297 : i32
          %parallel_loop3A_299 = vector.broadcast %parallel_loop3A_298 : i1 to vector<16xi1>
          %parallel_loop3A_300 = vector.broadcast %parallel_loop3A_299 : vector<16xi1> to vector<16xi1>
          %parallel_loop3A_301 = arith.xori %parallel_loop3A_296, %parallel_loop3A_300 : vector<16xi1>
          %parallel_loop3A_302 = arith.andi %parallel_loop3A_301, %parallel_loop3A_293 : vector<16xi1>
          %parallel_loop3A_303 = vector.broadcast %parallel_loop3A_288 : i32 to vector<16xi32>
          %parallel_loop3A_304 = arith.addi %parallel_loop3A_290, %parallel_loop3A_303 : vector<16xi32>
          %parallel_loop3A_305 = arith.select %parallel_loop3A_302, %parallel_loop3A_304, %parallel_loop3A_290 : vector<16xi1>, vector<16xi32>
          tpu.vector_store_idx %arg11[%parallel_loop3A_283, %parallel_loop3A_305, %add3A_231], %parallel_loop3A_252 : memref<8x8x128xf32, #tpu.memory_space<vmem>>[vector<16xi32>, vector<16xi32>, vector<16xi32>], vector<16xf32>,
        } {sc.loop_unroll_factor = 4 : i64, sc.parallel_access}
        %parallel_loop3A_234 = arith.constant 0 : i32
        %parallel_loop3A_235 = arith.constant 16 : i32
        %parallel_loop3A_236 = arith.constant 1 : i32
        scf.for %parallel_loop3A_243 = %parallel_loop3A_234 to %parallel_loop3A_235 step %parallel_loop3A_236  : i32 {
          %parallel_loop3A_244 = vector.broadcast %parallel_loop3A_243 : i32 to vector<16xi32>
          %parallel_loop3A_245 = arith.addi %iota3A, %parallel_loop3A_244 : vector<16xi32>
          %parallel_loop3A_246 = arith.constant 15 : i32
          %parallel_loop3A_247 = vector.broadcast %parallel_loop3A_246 : i32 to vector<16xi32>
          %parallel_loop3A_248 = arith.andi %parallel_loop3A_245, %parallel_loop3A_247 : vector<16xi32>
          %parallel_loop3A_249 = arith.constant 16 : i32
          %parallel_loop3A_250 = vector.broadcast %parallel_loop3A_249 : i32 to vector<16xi32>
          %parallel_loop3A_251 = arith.addi %parallel_loop3A_250, %parallel_loop3A_248 : vector<16xi32>
          %parallel_loop3A_252 = tpu.vector_load_idx %arg7[%add3A_231, %parallel_loop3A_251] : memref<128x64xf32, #tpu.memory_space<vmem>>[vector<16xi32>, vector<16xi32>], vector<16xf32>,
          %parallel_loop3A_253 = arith.constant 8 : i32
          %parallel_loop3A_254 = vector.broadcast %parallel_loop3A_253 : i32 to vector<16xi32>
          %parallel_loop3A_255 = arith.divsi %parallel_loop3A_251, %parallel_loop3A_254 : vector<16xi32>
          %parallel_loop3A_256 = arith.constant 0 : i32
          %parallel_loop3A_257 = vector.broadcast %parallel_loop3A_256 : i32 to vector<16xi32>
          %parallel_loop3A_258 = arith.cmpi sgt, %parallel_loop3A_251, %parallel_loop3A_257 : vector<16xi32>
          %parallel_loop3A_259 = arith.extui %parallel_loop3A_258 : vector<16xi1> to vector<16xi32>
          %parallel_loop3A_260 = arith.constant 0 : i32
          %parallel_loop3A_261 = vector.broadcast %parallel_loop3A_260 : i32 to vector<16xi32>
          %parallel_loop3A_262 = arith.cmpi slt, %parallel_loop3A_251, %parallel_loop3A_261 : vector<16xi32>
          %parallel_loop3A_263 = arith.extui %parallel_loop3A_262 : vector<16xi1> to vector<16xi32>
          %parallel_loop3A_264 = arith.subi %parallel_loop3A_259, %parallel_loop3A_263 : vector<16xi32>
          %parallel_loop3A_265 = arith.constant 0 : i32
          %parallel_loop3A_266 = arith.cmpi sgt, %parallel_loop3A_253, %parallel_loop3A_265 : i32
          %parallel_loop3A_267 = arith.extui %parallel_loop3A_266 : i1 to i32
          %parallel_loop3A_268 = arith.constant 0 : i32
          %parallel_loop3A_269 = arith.cmpi slt, %parallel_loop3A_253, %parallel_loop3A_268 : i32
          %parallel_loop3A_270 = arith.extui %parallel_loop3A_269 : i1 to i32
          %parallel_loop3A_271 = arith.subi %parallel_loop3A_267, %parallel_loop3A_270 : i32
          %parallel_loop3A_272 = vector.broadcast %parallel_loop3A_271 : i32 to vector<16xi32>
          %parallel_loop3A_273 = arith.cmpi ne, %parallel_loop3A_264, %parallel_loop3A_272 : vector<16xi32>
          %parallel_loop3A_274 = vector.broadcast %parallel_loop3A_253 : i32 to vector<16xi32>
          %parallel_loop3A_275 = arith.remsi %parallel_loop3A_251, %parallel_loop3A_274 : vector<16xi32>
          %parallel_loop3A_276 = arith.constant 0 : i32
          %parallel_loop3A_277 = vector.broadcast %parallel_loop3A_276 : i32 to vector<16xi32>
          %parallel_loop3A_278 = arith.cmpi ne, %parallel_loop3A_275, %parallel_loop3A_277 : vector<16xi32>
          %parallel_loop3A_279 = arith.andi %parallel_loop3A_273, %parallel_loop3A_278 : vector<16xi1>
          %parallel_loop3A_280 = arith.constant 1 : i32
          %parallel_loop3A_281 = vector.broadcast %parallel_loop3A_280 : i32 to vector<16xi32>
          %parallel_loop3A_282 = arith.subi %parallel_loop3A_255, %parallel_loop3A_281 : vector<16xi32>
          %parallel_loop3A_283 = arith.select %parallel_loop3A_279, %parallel_loop3A_282, %parallel_loop3A_255 : vector<16xi1>, vector<16xi32>
          %parallel_loop3A_284 = arith.constant 8 : i32
          %parallel_loop3A_285 = arith.constant 0 : i32
          %parallel_loop3A_286 = arith.cmpi eq, %parallel_loop3A_284, %parallel_loop3A_285 : i32
          %parallel_loop3A_287 = arith.constant 1 : i32
          %parallel_loop3A_288 = arith.select %parallel_loop3A_286, %parallel_loop3A_287, %parallel_loop3A_284 : i32
          %parallel_loop3A_289 = vector.broadcast %parallel_loop3A_288 : i32 to vector<16xi32>
          %parallel_loop3A_290 = arith.remsi %parallel_loop3A_251, %parallel_loop3A_289 : vector<16xi32>
          %parallel_loop3A_291 = arith.constant 0 : i32
          %parallel_loop3A_292 = vector.broadcast %parallel_loop3A_291 : i32 to vector<16xi32>
          %parallel_loop3A_293 = arith.cmpi ne, %parallel_loop3A_290, %parallel_loop3A_292 : vector<16xi32>
          %parallel_loop3A_294 = arith.constant 0 : i32
          %parallel_loop3A_295 = vector.broadcast %parallel_loop3A_294 : i32 to vector<16xi32>
          %parallel_loop3A_296 = arith.cmpi slt, %parallel_loop3A_290, %parallel_loop3A_295 : vector<16xi32>
          %parallel_loop3A_297 = arith.constant 0 : i32
          %parallel_loop3A_298 = arith.cmpi slt, %parallel_loop3A_288, %parallel_loop3A_297 : i32
          %parallel_loop3A_299 = vector.broadcast %parallel_loop3A_298 : i1 to vector<16xi1>
          %parallel_loop3A_300 = vector.broadcast %parallel_loop3A_299 : vector<16xi1> to vector<16xi1>
          %parallel_loop3A_301 = arith.xori %parallel_loop3A_296, %parallel_loop3A_300 : vector<16xi1>
          %parallel_loop3A_302 = arith.andi %parallel_loop3A_301, %parallel_loop3A_293 : vector<16xi1>
          %parallel_loop3A_303 = vector.broadcast %parallel_loop3A_288 : i32 to vector<16xi32>
          %parallel_loop3A_304 = arith.addi %parallel_loop3A_290, %parallel_loop3A_303 : vector<16xi32>
          %parallel_loop3A_305 = arith.select %parallel_loop3A_302, %parallel_loop3A_304, %parallel_loop3A_290 : vector<16xi1>, vector<16xi32>
          tpu.vector_store_idx %arg11[%parallel_loop3A_283, %parallel_loop3A_305, %add3A_231], %parallel_loop3A_252 : memref<8x8x128xf32, #tpu.memory_space<vmem>>[vector<16xi32>, vector<16xi32>, vector<16xi32>], vector<16xf32>,
        } {sc.loop_unroll_factor = 4 : i64, sc.parallel_access}
        %parallel_loop3A_237 = arith.constant 0 : i32
        %parallel_loop3A_238 = arith.constant 16 : i32
        %parallel_loop3A_239 = arith.constant 1 : i32
        scf.for %parallel_loop3A_243 = %parallel_loop3A_237 to %parallel_loop3A_238 step %parallel_loop3A_239  : i32 {
          %parallel_loop3A_244 = vector.broadcast %parallel_loop3A_243 : i32 to vector<16xi32>
          %parallel_loop3A_245 = arith.addi %iota3A, %parallel_loop3A_244 : vector<16xi32>
          %parallel_loop3A_246 = arith.constant 15 : i32
          %parallel_loop3A_247 = vector.broadcast %parallel_loop3A_246 : i32 to vector<16xi32>
          %parallel_loop3A_248 = arith.andi %parallel_loop3A_245, %parallel_loop3A_247 : vector<16xi32>
          %parallel_loop3A_249 = arith.constant 32 : i32
          %parallel_loop3A_250 = vector.broadcast %parallel_loop3A_249 : i32 to vector<16xi32>
          %parallel_loop3A_251 = arith.addi %parallel_loop3A_250, %parallel_loop3A_248 : vector<16xi32>
          %parallel_loop3A_252 = tpu.vector_load_idx %arg7[%add3A_231, %parallel_loop3A_251] : memref<128x64xf32, #tpu.memory_space<vmem>>[vector<16xi32>, vector<16xi32>], vector<16xf32>,
          %parallel_loop3A_253 = arith.constant 8 : i32
          %parallel_loop3A_254 = vector.broadcast %parallel_loop3A_253 : i32 to vector<16xi32>
          %parallel_loop3A_255 = arith.divsi %parallel_loop3A_251, %parallel_loop3A_254 : vector<16xi32>
          %parallel_loop3A_256 = arith.constant 0 : i32
          %parallel_loop3A_257 = vector.broadcast %parallel_loop3A_256 : i32 to vector<16xi32>
          %parallel_loop3A_258 = arith.cmpi sgt, %parallel_loop3A_251, %parallel_loop3A_257 : vector<16xi32>
          %parallel_loop3A_259 = arith.extui %parallel_loop3A_258 : vector<16xi1> to vector<16xi32>
          %parallel_loop3A_260 = arith.constant 0 : i32
          %parallel_loop3A_261 = vector.broadcast %parallel_loop3A_260 : i32 to vector<16xi32>
          %parallel_loop3A_262 = arith.cmpi slt, %parallel_loop3A_251, %parallel_loop3A_261 : vector<16xi32>
          %parallel_loop3A_263 = arith.extui %parallel_loop3A_262 : vector<16xi1> to vector<16xi32>
          %parallel_loop3A_264 = arith.subi %parallel_loop3A_259, %parallel_loop3A_263 : vector<16xi32>
          %parallel_loop3A_265 = arith.constant 0 : i32
          %parallel_loop3A_266 = arith.cmpi sgt, %parallel_loop3A_253, %parallel_loop3A_265 : i32
          %parallel_loop3A_267 = arith.extui %parallel_loop3A_266 : i1 to i32
          %parallel_loop3A_268 = arith.constant 0 : i32
          %parallel_loop3A_269 = arith.cmpi slt, %parallel_loop3A_253, %parallel_loop3A_268 : i32
          %parallel_loop3A_270 = arith.extui %parallel_loop3A_269 : i1 to i32
          %parallel_loop3A_271 = arith.subi %parallel_loop3A_267, %parallel_loop3A_270 : i32
          %parallel_loop3A_272 = vector.broadcast %parallel_loop3A_271 : i32 to vector<16xi32>
          %parallel_loop3A_273 = arith.cmpi ne, %parallel_loop3A_264, %parallel_loop3A_272 : vector<16xi32>
          %parallel_loop3A_274 = vector.broadcast %parallel_loop3A_253 : i32 to vector<16xi32>
          %parallel_loop3A_275 = arith.remsi %parallel_loop3A_251, %parallel_loop3A_274 : vector<16xi32>
          %parallel_loop3A_276 = arith.constant 0 : i32
          %parallel_loop3A_277 = vector.broadcast %parallel_loop3A_276 : i32 to vector<16xi32>
          %parallel_loop3A_278 = arith.cmpi ne, %parallel_loop3A_275, %parallel_loop3A_277 : vector<16xi32>
          %parallel_loop3A_279 = arith.andi %parallel_loop3A_273, %parallel_loop3A_278 : vector<16xi1>
          %parallel_loop3A_280 = arith.constant 1 : i32
          %parallel_loop3A_281 = vector.broadcast %parallel_loop3A_280 : i32 to vector<16xi32>
          %parallel_loop3A_282 = arith.subi %parallel_loop3A_255, %parallel_loop3A_281 : vector<16xi32>
          %parallel_loop3A_283 = arith.select %parallel_loop3A_279, %parallel_loop3A_282, %parallel_loop3A_255 : vector<16xi1>, vector<16xi32>
          %parallel_loop3A_284 = arith.constant 8 : i32
          %parallel_loop3A_285 = arith.constant 0 : i32
          %parallel_loop3A_286 = arith.cmpi eq, %parallel_loop3A_284, %parallel_loop3A_285 : i32
          %parallel_loop3A_287 = arith.constant 1 : i32
          %parallel_loop3A_288 = arith.select %parallel_loop3A_286, %parallel_loop3A_287, %parallel_loop3A_284 : i32
          %parallel_loop3A_289 = vector.broadcast %parallel_loop3A_288 : i32 to vector<16xi32>
          %parallel_loop3A_290 = arith.remsi %parallel_loop3A_251, %parallel_loop3A_289 : vector<16xi32>
          %parallel_loop3A_291 = arith.constant 0 : i32
          %parallel_loop3A_292 = vector.broadcast %parallel_loop3A_291 : i32 to vector<16xi32>
          %parallel_loop3A_293 = arith.cmpi ne, %parallel_loop3A_290, %parallel_loop3A_292 : vector<16xi32>
          %parallel_loop3A_294 = arith.constant 0 : i32
          %parallel_loop3A_295 = vector.broadcast %parallel_loop3A_294 : i32 to vector<16xi32>
          %parallel_loop3A_296 = arith.cmpi slt, %parallel_loop3A_290, %parallel_loop3A_295 : vector<16xi32>
          %parallel_loop3A_297 = arith.constant 0 : i32
          %parallel_loop3A_298 = arith.cmpi slt, %parallel_loop3A_288, %parallel_loop3A_297 : i32
          %parallel_loop3A_299 = vector.broadcast %parallel_loop3A_298 : i1 to vector<16xi1>
          %parallel_loop3A_300 = vector.broadcast %parallel_loop3A_299 : vector<16xi1> to vector<16xi1>
          %parallel_loop3A_301 = arith.xori %parallel_loop3A_296, %parallel_loop3A_300 : vector<16xi1>
          %parallel_loop3A_302 = arith.andi %parallel_loop3A_301, %parallel_loop3A_293 : vector<16xi1>
          %parallel_loop3A_303 = vector.broadcast %parallel_loop3A_288 : i32 to vector<16xi32>
          %parallel_loop3A_304 = arith.addi %parallel_loop3A_290, %parallel_loop3A_303 : vector<16xi32>
          %parallel_loop3A_305 = arith.select %parallel_loop3A_302, %parallel_loop3A_304, %parallel_loop3A_290 : vector<16xi1>, vector<16xi32>
          tpu.vector_store_idx %arg11[%parallel_loop3A_283, %parallel_loop3A_305, %add3A_231], %parallel_loop3A_252 : memref<8x8x128xf32, #tpu.memory_space<vmem>>[vector<16xi32>, vector<16xi32>, vector<16xi32>], vector<16xf32>,
        } {sc.loop_unroll_factor = 4 : i64, sc.parallel_access}
        %parallel_loop3A_240 = arith.constant 0 : i32
        %parallel_loop3A_241 = arith.constant 16 : i32
        %parallel_loop3A_242 = arith.constant 1 : i32
        scf.for %parallel_loop3A_243 = %parallel_loop3A_240 to %parallel_loop3A_241 step %parallel_loop3A_242  : i32 {
          %parallel_loop3A_244 = vector.broadcast %parallel_loop3A_243 : i32 to vector<16xi32>
          %parallel_loop3A_245 = arith.addi %iota3A, %parallel_loop3A_244 : vector<16xi32>
          %parallel_loop3A_246 = arith.constant 15 : i32
          %parallel_loop3A_247 = vector.broadcast %parallel_loop3A_246 : i32 to vector<16xi32>
          %parallel_loop3A_248 = arith.andi %parallel_loop3A_245, %parallel_loop3A_247 : vector<16xi32>
          %parallel_loop3A_249 = arith.constant 48 : i32
          %parallel_loop3A_250 = vector.broadcast %parallel_loop3A_249 : i32 to vector<16xi32>
          %parallel_loop3A_251 = arith.addi %parallel_loop3A_250, %parallel_loop3A_248 : vector<16xi32>
          %parallel_loop3A_252 = tpu.vector_load_idx %arg7[%add3A_231, %parallel_loop3A_251] : memref<128x64xf32, #tpu.memory_space<vmem>>[vector<16xi32>, vector<16xi32>], vector<16xf32>,
          %parallel_loop3A_253 = arith.constant 8 : i32
          %parallel_loop3A_254 = vector.broadcast %parallel_loop3A_253 : i32 to vector<16xi32>
          %parallel_loop3A_255 = arith.divsi %parallel_loop3A_251, %parallel_loop3A_254 : vector<16xi32>
          %parallel_loop3A_256 = arith.constant 0 : i32
          %parallel_loop3A_257 = vector.broadcast %parallel_loop3A_256 : i32 to vector<16xi32>
          %parallel_loop3A_258 = arith.cmpi sgt, %parallel_loop3A_251, %parallel_loop3A_257 : vector<16xi32>
          %parallel_loop3A_259 = arith.extui %parallel_loop3A_258 : vector<16xi1> to vector<16xi32>
          %parallel_loop3A_260 = arith.constant 0 : i32
          %parallel_loop3A_261 = vector.broadcast %parallel_loop3A_260 : i32 to vector<16xi32>
          %parallel_loop3A_262 = arith.cmpi slt, %parallel_loop3A_251, %parallel_loop3A_261 : vector<16xi32>
          %parallel_loop3A_263 = arith.extui %parallel_loop3A_262 : vector<16xi1> to vector<16xi32>
          %parallel_loop3A_264 = arith.subi %parallel_loop3A_259, %parallel_loop3A_263 : vector<16xi32>
          %parallel_loop3A_265 = arith.constant 0 : i32
          %parallel_loop3A_266 = arith.cmpi sgt, %parallel_loop3A_253, %parallel_loop3A_265 : i32
          %parallel_loop3A_267 = arith.extui %parallel_loop3A_266 : i1 to i32
          %parallel_loop3A_268 = arith.constant 0 : i32
          %parallel_loop3A_269 = arith.cmpi slt, %parallel_loop3A_253, %parallel_loop3A_268 : i32
          %parallel_loop3A_270 = arith.extui %parallel_loop3A_269 : i1 to i32
          %parallel_loop3A_271 = arith.subi %parallel_loop3A_267, %parallel_loop3A_270 : i32
          %parallel_loop3A_272 = vector.broadcast %parallel_loop3A_271 : i32 to vector<16xi32>
          %parallel_loop3A_273 = arith.cmpi ne, %parallel_loop3A_264, %parallel_loop3A_272 : vector<16xi32>
          %parallel_loop3A_274 = vector.broadcast %parallel_loop3A_253 : i32 to vector<16xi32>
          %parallel_loop3A_275 = arith.remsi %parallel_loop3A_251, %parallel_loop3A_274 : vector<16xi32>
          %parallel_loop3A_276 = arith.constant 0 : i32
          %parallel_loop3A_277 = vector.broadcast %parallel_loop3A_276 : i32 to vector<16xi32>
          %parallel_loop3A_278 = arith.cmpi ne, %parallel_loop3A_275, %parallel_loop3A_277 : vector<16xi32>
          %parallel_loop3A_279 = arith.andi %parallel_loop3A_273, %parallel_loop3A_278 : vector<16xi1>
          %parallel_loop3A_280 = arith.constant 1 : i32
          %parallel_loop3A_281 = vector.broadcast %parallel_loop3A_280 : i32 to vector<16xi32>
          %parallel_loop3A_282 = arith.subi %parallel_loop3A_255, %parallel_loop3A_281 : vector<16xi32>
          %parallel_loop3A_283 = arith.select %parallel_loop3A_279, %parallel_loop3A_282, %parallel_loop3A_255 : vector<16xi1>, vector<16xi32>
          %parallel_loop3A_284 = arith.constant 8 : i32
          %parallel_loop3A_285 = arith.constant 0 : i32
          %parallel_loop3A_286 = arith.cmpi eq, %parallel_loop3A_284, %parallel_loop3A_285 : i32
          %parallel_loop3A_287 = arith.constant 1 : i32
          %parallel_loop3A_288 = arith.select %parallel_loop3A_286, %parallel_loop3A_287, %parallel_loop3A_284 : i32
          %parallel_loop3A_289 = vector.broadcast %parallel_loop3A_288 : i32 to vector<16xi32>
          %parallel_loop3A_290 = arith.remsi %parallel_loop3A_251, %parallel_loop3A_289 : vector<16xi32>
          %parallel_loop3A_291 = arith.constant 0 : i32
          %parallel_loop3A_292 = vector.broadcast %parallel_loop3A_291 : i32 to vector<16xi32>
          %parallel_loop3A_293 = arith.cmpi ne, %parallel_loop3A_290, %parallel_loop3A_292 : vector<16xi32>
          %parallel_loop3A_294 = arith.constant 0 : i32
          %parallel_loop3A_295 = vector.broadcast %parallel_loop3A_294 : i32 to vector<16xi32>
          %parallel_loop3A_296 = arith.cmpi slt, %parallel_loop3A_290, %parallel_loop3A_295 : vector<16xi32>
          %parallel_loop3A_297 = arith.constant 0 : i32
          %parallel_loop3A_298 = arith.cmpi slt, %parallel_loop3A_288, %parallel_loop3A_297 : i32
          %parallel_loop3A_299 = vector.broadcast %parallel_loop3A_298 : i1 to vector<16xi1>
          %parallel_loop3A_300 = vector.broadcast %parallel_loop3A_299 : vector<16xi1> to vector<16xi1>
          %parallel_loop3A_301 = arith.xori %parallel_loop3A_296, %parallel_loop3A_300 : vector<16xi1>
          %parallel_loop3A_302 = arith.andi %parallel_loop3A_301, %parallel_loop3A_293 : vector<16xi1>
          %parallel_loop3A_303 = vector.broadcast %parallel_loop3A_288 : i32 to vector<16xi32>
          %parallel_loop3A_304 = arith.addi %parallel_loop3A_290, %parallel_loop3A_303 : vector<16xi32>
          %parallel_loop3A_305 = arith.select %parallel_loop3A_302, %parallel_loop3A_304, %parallel_loop3A_290 : vector<16xi1>, vector<16xi32>
          tpu.vector_store_idx %arg11[%parallel_loop3A_283, %parallel_loop3A_305, %add3A_231], %parallel_loop3A_252 : memref<8x8x128xf32, #tpu.memory_space<vmem>>[vector<16xi32>, vector<16xi32>, vector<16xi32>], vector<16xf32>,
        } {sc.loop_unroll_factor = 4 : i64, sc.parallel_access}
      }
      %scan3A_133 = arith.constant 8 : i32
      %dma_start3A_134 = arith.constant 0 : i32
      %dma_start3A_135 = arith.constant 0 : i32
      %dma_start3A_136 = arith.constant 0 : i32
      %dma_start3A_137 = tpu.memref_slice %arg4[%add3A_116, %dma_start3A_134, %add3A, %dma_start3A_135, %dma_start3A_136] : memref<200x8x32x8x128xf32, #tpu.memory_space<hbm>> -> memref<1x8x1x8x128xf32, #tpu.memory_space<hbm>>
      %dma_start3A_138 = tpu.memref_squeeze %dma_start3A_137 : memref<1x8x1x8x128xf32, #tpu.memory_space<hbm>> -> memref<8x8x128xf32, #tpu.memory_space<hbm>>
      %dma_start3A_139 = arith.constant 0 : i32
      %dma_start3A_140 = arith.constant 0 : i32
      %dma_start3A_141 = arith.constant 0 : i32
      %dma_start3A_142 = tpu.memref_slice %arg4[%add3A_116, %dma_start3A_139, %add3A, %dma_start3A_140, %dma_start3A_141] : memref<200x8x32x8x128xf32, #tpu.memory_space<hbm>> -> memref<1x8x1x8x128xf32, #tpu.memory_space<hbm>>
      %dma_start3A_143 = tpu.memref_squeeze %dma_start3A_142 : memref<1x8x1x8x128xf32, #tpu.memory_space<hbm>> -> memref<8x8x128xf32, #tpu.memory_space<hbm>>
      tpu.enqueue_dma source(%arg11 : memref<8x8x128xf32, #tpu.memory_space<vmem>>) target(%dma_start3A_143 : memref<8x8x128xf32, #tpu.memory_space<hbm>>) target_semaphore(%arg19 : memref<!tpu.dma_semaphore, #tpu.memory_space<semaphore_mem>>)
      %add3A_144 = arith.constant 4 : i32
      %add3A_145 = arith.addi %add3A_116, %add3A_144 : i32
      %lt3A_146 = arith.constant 200 : i32
      %lt3A_147 = arith.cmpi slt, %add3A_145, %lt3A_146 : i32
      %convert_element_type3A_148 = arith.extui %lt3A_147 : i1 to i32
      %cond3A_149 = arith.constant 0 : i32
      %cond3A_150 = arith.cmpi ne, %convert_element_type3A_148, %cond3A_149 : i32
      scf.if %cond3A_150 {
        %add3A_227 = arith.constant 4 : i32
        %add3A_228 = arith.addi %add3A_116, %add3A_227 : i32
        %dma_start3A_229 = arith.constant 0 : i32
        %dma_start3A_230 = tpu.memref_slice %arg5[%add3A_228, %dma_start3A_229] : memref<200x128xi32, #tpu.memory_space<vmem>> -> memref<1x128xi32, #tpu.memory_space<vmem>>
        %dma_start3A_231 = tpu.memref_squeeze %dma_start3A_230 : memref<1x128xi32, #tpu.memory_space<vmem>> -> memref<128xi32, #tpu.memory_space<vmem>>
        %dma_start3A_232 = arith.constant 0 : i32
        %dma_start3A_233 = arith.constant 0 : i32
        %dma_start3A_234 = tpu.memref_slice %arg2[%dma_start3A_232, %dma_start3A_233] : memref<1000000x64xf32, #tpu.memory_space<hbm>> -> memref<1000000x64xf32, #tpu.memory_space<hbm>>
        tpu.enqueue_indirect_dma source(%dma_start3A_234 : memref<1000000x64xf32, #tpu.memory_space<hbm>>) target(%arg7 : memref<128x64xf32, #tpu.memory_space<vmem>>) offsets(%dma_start3A_231 : memref<128xi32, #tpu.memory_space<vmem>>) semaphore(%arg15 : memref<!tpu.dma_semaphore, #tpu.memory_space<semaphore_mem>>)
      } else {
      }
      %mul3A_151 = arith.constant 4 : i32
      %mul3A_152 = arith.muli %mul3A_151, %scan3A_78 : i32
      %add3A_153 = arith.constant 2 : i32
      %add3A_154 = arith.addi %mul3A_152, %add3A_153 : i32
      %dma_wait3A_155 = arith.constant 0 : i32
      %dma_wait3A_156 = tpu.memref_slice %arg5[%add3A_154, %dma_wait3A_155] : memref<200x128xi32, #tpu.memory_space<vmem>> -> memref<1x128xi32, #tpu.memory_space<vmem>>
      %dma_wait3A_157 = tpu.memref_squeeze %dma_wait3A_156 : memref<1x128xi32, #tpu.memory_space<vmem>> -> memref<128xi32, #tpu.memory_space<vmem>>
      %dma_wait3A_158 = arith.constant 0 : i32
      %dma_wait3A_159 = arith.constant 0 : i32
      %dma_wait3A_160 = tpu.memref_slice %arg2[%dma_wait3A_158, %dma_wait3A_159] : memref<1000000x64xf32, #tpu.memory_space<hbm>> -> memref<1000000x64xf32, #tpu.memory_space<hbm>>
      tpu.wait_indirect_dma semaphore(%arg16 : memref<!tpu.dma_semaphore, #tpu.memory_space<semaphore_mem>>) src(%dma_wait3A_160 : memref<1000000x64xf32, #tpu.memory_space<hbm>>) dst(%arg8 : memref<128x64xf32, #tpu.memory_space<vmem>>)
      %ge3A_161 = arith.constant 1 : i32
      %ge3A_162 = arith.cmpi sge, %scan3A_78, %ge3A_161 : i32
      %convert_element_type3A_163 = arith.extui %ge3A_162 : i1 to i32
      %cond3A_164 = arith.constant 0 : i32
      %cond3A_165 = arith.cmpi ne, %convert_element_type3A_163, %cond3A_164 : i32
      scf.if %cond3A_165 {
        %dma_wait3A_227 = arith.constant 0 : i32
        %dma_wait3A_228 = arith.constant 0 : i32
        %dma_wait3A_229 = arith.constant 0 : i32
        %dma_wait3A_230 = arith.constant 0 : i32
        %dma_wait3A_231 = tpu.memref_slice %arg4[%dma_wait3A_227, %dma_wait3A_228, %add3A, %dma_wait3A_229, %dma_wait3A_230] : memref<200x8x32x8x128xf32, #tpu.memory_space<hbm>> -> memref<1x8x1x8x128xf32, #tpu.memory_space<hbm>>
        %dma_wait3A_232 = tpu.memref_squeeze %dma_wait3A_231 : memref<1x8x1x8x128xf32, #tpu.memory_space<hbm>> -> memref<8x8x128xf32, #tpu.memory_space<hbm>>
        %dma_wait3A_233 = arith.constant 0 : i32
        %dma_wait3A_234 = arith.constant 0 : i32
        %dma_wait3A_235 = arith.constant 0 : i32
        %dma_wait3A_236 = tpu.memref_slice %arg4[%dma_wait3A_227, %dma_wait3A_233, %add3A, %dma_wait3A_234, %dma_wait3A_235] : memref<200x8x32x8x128xf32, #tpu.memory_space<hbm>> -> memref<1x8x1x8x128xf32, #tpu.memory_space<hbm>>
        %dma_wait3A_237 = tpu.memref_squeeze %dma_wait3A_236 : memref<1x8x1x8x128xf32, #tpu.memory_space<hbm>> -> memref<8x8x128xf32, #tpu.memory_space<hbm>>
        tpu.wait_dma2 semaphore(%arg20 : memref<!tpu.dma_semaphore, #tpu.memory_space<semaphore_mem>>) src(%arg12 : memref<8x8x128xf32, #tpu.memory_space<vmem>>) dst(%dma_wait3A_237 : memref<8x8x128xf32, #tpu.memory_space<hbm>>)
      } else {
      }
      %scan3A_166 = arith.constant 0 : i32
      %scan3A_167 = arith.constant 0 : i32
      %scan3A_168 = arith.constant 8 : i32
      %scan3A_169 = arith.addi %scan3A_167, %scan3A_168 : i32
      %scan3A_170 = arith.constant 1 : i32
      scf.for %scan3A_227 = %scan3A_167 to %scan3A_169 step %scan3A_170  : i32 {
        %mul3A_228 = arith.constant 16 : i32
        %mul3A_229 = arith.muli %scan3A_227, %mul3A_228 : i32
        %add3A_230 = vector.broadcast %mul3A_229 : i32 to vector<16xi32>
        %add3A_231 = arith.addi %add3A_230, %iota3A : vector<16xi32>
        %parallel_loop3A = arith.constant 0 : i32
        %parallel_loop3A_232 = arith.constant 16 : i32
        %parallel_loop3A_233 = arith.constant 1 : i32
        scf.for %parallel_loop3A_243 = %parallel_loop3A to %parallel_loop3A_232 step %parallel_loop3A_233  : i32 {
          %parallel_loop3A_244 = vector.broadcast %parallel_loop3A_243 : i32 to vector<16xi32>
          %parallel_loop3A_245 = arith.addi %iota3A, %parallel_loop3A_244 : vector<16xi32>
          %parallel_loop3A_246 = arith.constant 15 : i32
          %parallel_loop3A_247 = vector.broadcast %parallel_loop3A_246 : i32 to vector<16xi32>
          %parallel_loop3A_248 = arith.andi %parallel_loop3A_245, %parallel_loop3A_247 : vector<16xi32>
          %parallel_loop3A_249 = arith.constant 0 : i32
          %parallel_loop3A_250 = vector.broadcast %parallel_loop3A_249 : i32 to vector<16xi32>
          %parallel_loop3A_251 = arith.addi %parallel_loop3A_250, %parallel_loop3A_248 : vector<16xi32>
          %parallel_loop3A_252 = tpu.vector_load_idx %arg8[%add3A_231, %parallel_loop3A_251] : memref<128x64xf32, #tpu.memory_space<vmem>>[vector<16xi32>, vector<16xi32>], vector<16xf32>,
          %parallel_loop3A_253 = arith.constant 8 : i32
          %parallel_loop3A_254 = vector.broadcast %parallel_loop3A_253 : i32 to vector<16xi32>
          %parallel_loop3A_255 = arith.divsi %parallel_loop3A_251, %parallel_loop3A_254 : vector<16xi32>
          %parallel_loop3A_256 = arith.constant 0 : i32
          %parallel_loop3A_257 = vector.broadcast %parallel_loop3A_256 : i32 to vector<16xi32>
          %parallel_loop3A_258 = arith.cmpi sgt, %parallel_loop3A_251, %parallel_loop3A_257 : vector<16xi32>
          %parallel_loop3A_259 = arith.extui %parallel_loop3A_258 : vector<16xi1> to vector<16xi32>
          %parallel_loop3A_260 = arith.constant 0 : i32
          %parallel_loop3A_261 = vector.broadcast %parallel_loop3A_260 : i32 to vector<16xi32>
          %parallel_loop3A_262 = arith.cmpi slt, %parallel_loop3A_251, %parallel_loop3A_261 : vector<16xi32>
          %parallel_loop3A_263 = arith.extui %parallel_loop3A_262 : vector<16xi1> to vector<16xi32>
          %parallel_loop3A_264 = arith.subi %parallel_loop3A_259, %parallel_loop3A_263 : vector<16xi32>
          %parallel_loop3A_265 = arith.constant 0 : i32
          %parallel_loop3A_266 = arith.cmpi sgt, %parallel_loop3A_253, %parallel_loop3A_265 : i32
          %parallel_loop3A_267 = arith.extui %parallel_loop3A_266 : i1 to i32
          %parallel_loop3A_268 = arith.constant 0 : i32
          %parallel_loop3A_269 = arith.cmpi slt, %parallel_loop3A_253, %parallel_loop3A_268 : i32
          %parallel_loop3A_270 = arith.extui %parallel_loop3A_269 : i1 to i32
          %parallel_loop3A_271 = arith.subi %parallel_loop3A_267, %parallel_loop3A_270 : i32
          %parallel_loop3A_272 = vector.broadcast %parallel_loop3A_271 : i32 to vector<16xi32>
          %parallel_loop3A_273 = arith.cmpi ne, %parallel_loop3A_264, %parallel_loop3A_272 : vector<16xi32>
          %parallel_loop3A_274 = vector.broadcast %parallel_loop3A_253 : i32 to vector<16xi32>
          %parallel_loop3A_275 = arith.remsi %parallel_loop3A_251, %parallel_loop3A_274 : vector<16xi32>
          %parallel_loop3A_276 = arith.constant 0 : i32
          %parallel_loop3A_277 = vector.broadcast %parallel_loop3A_276 : i32 to vector<16xi32>
          %parallel_loop3A_278 = arith.cmpi ne, %parallel_loop3A_275, %parallel_loop3A_277 : vector<16xi32>
          %parallel_loop3A_279 = arith.andi %parallel_loop3A_273, %parallel_loop3A_278 : vector<16xi1>
          %parallel_loop3A_280 = arith.constant 1 : i32
          %parallel_loop3A_281 = vector.broadcast %parallel_loop3A_280 : i32 to vector<16xi32>
          %parallel_loop3A_282 = arith.subi %parallel_loop3A_255, %parallel_loop3A_281 : vector<16xi32>
          %parallel_loop3A_283 = arith.select %parallel_loop3A_279, %parallel_loop3A_282, %parallel_loop3A_255 : vector<16xi1>, vector<16xi32>
          %parallel_loop3A_284 = arith.constant 8 : i32
          %parallel_loop3A_285 = arith.constant 0 : i32
          %parallel_loop3A_286 = arith.cmpi eq, %parallel_loop3A_284, %parallel_loop3A_285 : i32
          %parallel_loop3A_287 = arith.constant 1 : i32
          %parallel_loop3A_288 = arith.select %parallel_loop3A_286, %parallel_loop3A_287, %parallel_loop3A_284 : i32
          %parallel_loop3A_289 = vector.broadcast %parallel_loop3A_288 : i32 to vector<16xi32>
          %parallel_loop3A_290 = arith.remsi %parallel_loop3A_251, %parallel_loop3A_289 : vector<16xi32>
          %parallel_loop3A_291 = arith.constant 0 : i32
          %parallel_loop3A_292 = vector.broadcast %parallel_loop3A_291 : i32 to vector<16xi32>
          %parallel_loop3A_293 = arith.cmpi ne, %parallel_loop3A_290, %parallel_loop3A_292 : vector<16xi32>
          %parallel_loop3A_294 = arith.constant 0 : i32
          %parallel_loop3A_295 = vector.broadcast %parallel_loop3A_294 : i32 to vector<16xi32>
          %parallel_loop3A_296 = arith.cmpi slt, %parallel_loop3A_290, %parallel_loop3A_295 : vector<16xi32>
          %parallel_loop3A_297 = arith.constant 0 : i32
          %parallel_loop3A_298 = arith.cmpi slt, %parallel_loop3A_288, %parallel_loop3A_297 : i32
          %parallel_loop3A_299 = vector.broadcast %parallel_loop3A_298 : i1 to vector<16xi1>
          %parallel_loop3A_300 = vector.broadcast %parallel_loop3A_299 : vector<16xi1> to vector<16xi1>
          %parallel_loop3A_301 = arith.xori %parallel_loop3A_296, %parallel_loop3A_300 : vector<16xi1>
          %parallel_loop3A_302 = arith.andi %parallel_loop3A_301, %parallel_loop3A_293 : vector<16xi1>
          %parallel_loop3A_303 = vector.broadcast %parallel_loop3A_288 : i32 to vector<16xi32>
          %parallel_loop3A_304 = arith.addi %parallel_loop3A_290, %parallel_loop3A_303 : vector<16xi32>
          %parallel_loop3A_305 = arith.select %parallel_loop3A_302, %parallel_loop3A_304, %parallel_loop3A_290 : vector<16xi1>, vector<16xi32>
          tpu.vector_store_idx %arg12[%parallel_loop3A_283, %parallel_loop3A_305, %add3A_231], %parallel_loop3A_252 : memref<8x8x128xf32, #tpu.memory_space<vmem>>[vector<16xi32>, vector<16xi32>, vector<16xi32>], vector<16xf32>,
        } {sc.loop_unroll_factor = 4 : i64, sc.parallel_access}
        %parallel_loop3A_234 = arith.constant 0 : i32
        %parallel_loop3A_235 = arith.constant 16 : i32
        %parallel_loop3A_236 = arith.constant 1 : i32
        scf.for %parallel_loop3A_243 = %parallel_loop3A_234 to %parallel_loop3A_235 step %parallel_loop3A_236  : i32 {
          %parallel_loop3A_244 = vector.broadcast %parallel_loop3A_243 : i32 to vector<16xi32>
          %parallel_loop3A_245 = arith.addi %iota3A, %parallel_loop3A_244 : vector<16xi32>
          %parallel_loop3A_246 = arith.constant 15 : i32
          %parallel_loop3A_247 = vector.broadcast %parallel_loop3A_246 : i32 to vector<16xi32>
          %parallel_loop3A_248 = arith.andi %parallel_loop3A_245, %parallel_loop3A_247 : vector<16xi32>
          %parallel_loop3A_249 = arith.constant 16 : i32
          %parallel_loop3A_250 = vector.broadcast %parallel_loop3A_249 : i32 to vector<16xi32>
          %parallel_loop3A_251 = arith.addi %parallel_loop3A_250, %parallel_loop3A_248 : vector<16xi32>
          %parallel_loop3A_252 = tpu.vector_load_idx %arg8[%add3A_231, %parallel_loop3A_251] : memref<128x64xf32, #tpu.memory_space<vmem>>[vector<16xi32>, vector<16xi32>], vector<16xf32>,
          %parallel_loop3A_253 = arith.constant 8 : i32
          %parallel_loop3A_254 = vector.broadcast %parallel_loop3A_253 : i32 to vector<16xi32>
          %parallel_loop3A_255 = arith.divsi %parallel_loop3A_251, %parallel_loop3A_254 : vector<16xi32>
          %parallel_loop3A_256 = arith.constant 0 : i32
          %parallel_loop3A_257 = vector.broadcast %parallel_loop3A_256 : i32 to vector<16xi32>
          %parallel_loop3A_258 = arith.cmpi sgt, %parallel_loop3A_251, %parallel_loop3A_257 : vector<16xi32>
          %parallel_loop3A_259 = arith.extui %parallel_loop3A_258 : vector<16xi1> to vector<16xi32>
          %parallel_loop3A_260 = arith.constant 0 : i32
          %parallel_loop3A_261 = vector.broadcast %parallel_loop3A_260 : i32 to vector<16xi32>
          %parallel_loop3A_262 = arith.cmpi slt, %parallel_loop3A_251, %parallel_loop3A_261 : vector<16xi32>
          %parallel_loop3A_263 = arith.extui %parallel_loop3A_262 : vector<16xi1> to vector<16xi32>
          %parallel_loop3A_264 = arith.subi %parallel_loop3A_259, %parallel_loop3A_263 : vector<16xi32>
          %parallel_loop3A_265 = arith.constant 0 : i32
          %parallel_loop3A_266 = arith.cmpi sgt, %parallel_loop3A_253, %parallel_loop3A_265 : i32
          %parallel_loop3A_267 = arith.extui %parallel_loop3A_266 : i1 to i32
          %parallel_loop3A_268 = arith.constant 0 : i32
          %parallel_loop3A_269 = arith.cmpi slt, %parallel_loop3A_253, %parallel_loop3A_268 : i32
          %parallel_loop3A_270 = arith.extui %parallel_loop3A_269 : i1 to i32
          %parallel_loop3A_271 = arith.subi %parallel_loop3A_267, %parallel_loop3A_270 : i32
          %parallel_loop3A_272 = vector.broadcast %parallel_loop3A_271 : i32 to vector<16xi32>
          %parallel_loop3A_273 = arith.cmpi ne, %parallel_loop3A_264, %parallel_loop3A_272 : vector<16xi32>
          %parallel_loop3A_274 = vector.broadcast %parallel_loop3A_253 : i32 to vector<16xi32>
          %parallel_loop3A_275 = arith.remsi %parallel_loop3A_251, %parallel_loop3A_274 : vector<16xi32>
          %parallel_loop3A_276 = arith.constant 0 : i32
          %parallel_loop3A_277 = vector.broadcast %parallel_loop3A_276 : i32 to vector<16xi32>
          %parallel_loop3A_278 = arith.cmpi ne, %parallel_loop3A_275, %parallel_loop3A_277 : vector<16xi32>
          %parallel_loop3A_279 = arith.andi %parallel_loop3A_273, %parallel_loop3A_278 : vector<16xi1>
          %parallel_loop3A_280 = arith.constant 1 : i32
          %parallel_loop3A_281 = vector.broadcast %parallel_loop3A_280 : i32 to vector<16xi32>
          %parallel_loop3A_282 = arith.subi %parallel_loop3A_255, %parallel_loop3A_281 : vector<16xi32>
          %parallel_loop3A_283 = arith.select %parallel_loop3A_279, %parallel_loop3A_282, %parallel_loop3A_255 : vector<16xi1>, vector<16xi32>
          %parallel_loop3A_284 = arith.constant 8 : i32
          %parallel_loop3A_285 = arith.constant 0 : i32
          %parallel_loop3A_286 = arith.cmpi eq, %parallel_loop3A_284, %parallel_loop3A_285 : i32
          %parallel_loop3A_287 = arith.constant 1 : i32
          %parallel_loop3A_288 = arith.select %parallel_loop3A_286, %parallel_loop3A_287, %parallel_loop3A_284 : i32
          %parallel_loop3A_289 = vector.broadcast %parallel_loop3A_288 : i32 to vector<16xi32>
          %parallel_loop3A_290 = arith.remsi %parallel_loop3A_251, %parallel_loop3A_289 : vector<16xi32>
          %parallel_loop3A_291 = arith.constant 0 : i32
          %parallel_loop3A_292 = vector.broadcast %parallel_loop3A_291 : i32 to vector<16xi32>
          %parallel_loop3A_293 = arith.cmpi ne, %parallel_loop3A_290, %parallel_loop3A_292 : vector<16xi32>
          %parallel_loop3A_294 = arith.constant 0 : i32
          %parallel_loop3A_295 = vector.broadcast %parallel_loop3A_294 : i32 to vector<16xi32>
          %parallel_loop3A_296 = arith.cmpi slt, %parallel_loop3A_290, %parallel_loop3A_295 : vector<16xi32>
          %parallel_loop3A_297 = arith.constant 0 : i32
          %parallel_loop3A_298 = arith.cmpi slt, %parallel_loop3A_288, %parallel_loop3A_297 : i32
          %parallel_loop3A_299 = vector.broadcast %parallel_loop3A_298 : i1 to vector<16xi1>
          %parallel_loop3A_300 = vector.broadcast %parallel_loop3A_299 : vector<16xi1> to vector<16xi1>
          %parallel_loop3A_301 = arith.xori %parallel_loop3A_296, %parallel_loop3A_300 : vector<16xi1>
          %parallel_loop3A_302 = arith.andi %parallel_loop3A_301, %parallel_loop3A_293 : vector<16xi1>
          %parallel_loop3A_303 = vector.broadcast %parallel_loop3A_288 : i32 to vector<16xi32>
          %parallel_loop3A_304 = arith.addi %parallel_loop3A_290, %parallel_loop3A_303 : vector<16xi32>
          %parallel_loop3A_305 = arith.select %parallel_loop3A_302, %parallel_loop3A_304, %parallel_loop3A_290 : vector<16xi1>, vector<16xi32>
          tpu.vector_store_idx %arg12[%parallel_loop3A_283, %parallel_loop3A_305, %add3A_231], %parallel_loop3A_252 : memref<8x8x128xf32, #tpu.memory_space<vmem>>[vector<16xi32>, vector<16xi32>, vector<16xi32>], vector<16xf32>,
        } {sc.loop_unroll_factor = 4 : i64, sc.parallel_access}
        %parallel_loop3A_237 = arith.constant 0 : i32
        %parallel_loop3A_238 = arith.constant 16 : i32
        %parallel_loop3A_239 = arith.constant 1 : i32
        scf.for %parallel_loop3A_243 = %parallel_loop3A_237 to %parallel_loop3A_238 step %parallel_loop3A_239  : i32 {
          %parallel_loop3A_244 = vector.broadcast %parallel_loop3A_243 : i32 to vector<16xi32>
          %parallel_loop3A_245 = arith.addi %iota3A, %parallel_loop3A_244 : vector<16xi32>
          %parallel_loop3A_246 = arith.constant 15 : i32
          %parallel_loop3A_247 = vector.broadcast %parallel_loop3A_246 : i32 to vector<16xi32>
          %parallel_loop3A_248 = arith.andi %parallel_loop3A_245, %parallel_loop3A_247 : vector<16xi32>
          %parallel_loop3A_249 = arith.constant 32 : i32
          %parallel_loop3A_250 = vector.broadcast %parallel_loop3A_249 : i32 to vector<16xi32>
          %parallel_loop3A_251 = arith.addi %parallel_loop3A_250, %parallel_loop3A_248 : vector<16xi32>
          %parallel_loop3A_252 = tpu.vector_load_idx %arg8[%add3A_231, %parallel_loop3A_251] : memref<128x64xf32, #tpu.memory_space<vmem>>[vector<16xi32>, vector<16xi32>], vector<16xf32>,
          %parallel_loop3A_253 = arith.constant 8 : i32
          %parallel_loop3A_254 = vector.broadcast %parallel_loop3A_253 : i32 to vector<16xi32>
          %parallel_loop3A_255 = arith.divsi %parallel_loop3A_251, %parallel_loop3A_254 : vector<16xi32>
          %parallel_loop3A_256 = arith.constant 0 : i32
          %parallel_loop3A_257 = vector.broadcast %parallel_loop3A_256 : i32 to vector<16xi32>
          %parallel_loop3A_258 = arith.cmpi sgt, %parallel_loop3A_251, %parallel_loop3A_257 : vector<16xi32>
          %parallel_loop3A_259 = arith.extui %parallel_loop3A_258 : vector<16xi1> to vector<16xi32>
          %parallel_loop3A_260 = arith.constant 0 : i32
          %parallel_loop3A_261 = vector.broadcast %parallel_loop3A_260 : i32 to vector<16xi32>
          %parallel_loop3A_262 = arith.cmpi slt, %parallel_loop3A_251, %parallel_loop3A_261 : vector<16xi32>
          %parallel_loop3A_263 = arith.extui %parallel_loop3A_262 : vector<16xi1> to vector<16xi32>
          %parallel_loop3A_264 = arith.subi %parallel_loop3A_259, %parallel_loop3A_263 : vector<16xi32>
          %parallel_loop3A_265 = arith.constant 0 : i32
          %parallel_loop3A_266 = arith.cmpi sgt, %parallel_loop3A_253, %parallel_loop3A_265 : i32
          %parallel_loop3A_267 = arith.extui %parallel_loop3A_266 : i1 to i32
          %parallel_loop3A_268 = arith.constant 0 : i32
          %parallel_loop3A_269 = arith.cmpi slt, %parallel_loop3A_253, %parallel_loop3A_268 : i32
          %parallel_loop3A_270 = arith.extui %parallel_loop3A_269 : i1 to i32
          %parallel_loop3A_271 = arith.subi %parallel_loop3A_267, %parallel_loop3A_270 : i32
          %parallel_loop3A_272 = vector.broadcast %parallel_loop3A_271 : i32 to vector<16xi32>
          %parallel_loop3A_273 = arith.cmpi ne, %parallel_loop3A_264, %parallel_loop3A_272 : vector<16xi32>
          %parallel_loop3A_274 = vector.broadcast %parallel_loop3A_253 : i32 to vector<16xi32>
          %parallel_loop3A_275 = arith.remsi %parallel_loop3A_251, %parallel_loop3A_274 : vector<16xi32>
          %parallel_loop3A_276 = arith.constant 0 : i32
          %parallel_loop3A_277 = vector.broadcast %parallel_loop3A_276 : i32 to vector<16xi32>
          %parallel_loop3A_278 = arith.cmpi ne, %parallel_loop3A_275, %parallel_loop3A_277 : vector<16xi32>
          %parallel_loop3A_279 = arith.andi %parallel_loop3A_273, %parallel_loop3A_278 : vector<16xi1>
          %parallel_loop3A_280 = arith.constant 1 : i32
          %parallel_loop3A_281 = vector.broadcast %parallel_loop3A_280 : i32 to vector<16xi32>
          %parallel_loop3A_282 = arith.subi %parallel_loop3A_255, %parallel_loop3A_281 : vector<16xi32>
          %parallel_loop3A_283 = arith.select %parallel_loop3A_279, %parallel_loop3A_282, %parallel_loop3A_255 : vector<16xi1>, vector<16xi32>
          %parallel_loop3A_284 = arith.constant 8 : i32
          %parallel_loop3A_285 = arith.constant 0 : i32
          %parallel_loop3A_286 = arith.cmpi eq, %parallel_loop3A_284, %parallel_loop3A_285 : i32
          %parallel_loop3A_287 = arith.constant 1 : i32
          %parallel_loop3A_288 = arith.select %parallel_loop3A_286, %parallel_loop3A_287, %parallel_loop3A_284 : i32
          %parallel_loop3A_289 = vector.broadcast %parallel_loop3A_288 : i32 to vector<16xi32>
          %parallel_loop3A_290 = arith.remsi %parallel_loop3A_251, %parallel_loop3A_289 : vector<16xi32>
          %parallel_loop3A_291 = arith.constant 0 : i32
          %parallel_loop3A_292 = vector.broadcast %parallel_loop3A_291 : i32 to vector<16xi32>
          %parallel_loop3A_293 = arith.cmpi ne, %parallel_loop3A_290, %parallel_loop3A_292 : vector<16xi32>
          %parallel_loop3A_294 = arith.constant 0 : i32
          %parallel_loop3A_295 = vector.broadcast %parallel_loop3A_294 : i32 to vector<16xi32>
          %parallel_loop3A_296 = arith.cmpi slt, %parallel_loop3A_290, %parallel_loop3A_295 : vector<16xi32>
          %parallel_loop3A_297 = arith.constant 0 : i32
          %parallel_loop3A_298 = arith.cmpi slt, %parallel_loop3A_288, %parallel_loop3A_297 : i32
          %parallel_loop3A_299 = vector.broadcast %parallel_loop3A_298 : i1 to vector<16xi1>
          %parallel_loop3A_300 = vector.broadcast %parallel_loop3A_299 : vector<16xi1> to vector<16xi1>
          %parallel_loop3A_301 = arith.xori %parallel_loop3A_296, %parallel_loop3A_300 : vector<16xi1>
          %parallel_loop3A_302 = arith.andi %parallel_loop3A_301, %parallel_loop3A_293 : vector<16xi1>
          %parallel_loop3A_303 = vector.broadcast %parallel_loop3A_288 : i32 to vector<16xi32>
          %parallel_loop3A_304 = arith.addi %parallel_loop3A_290, %parallel_loop3A_303 : vector<16xi32>
          %parallel_loop3A_305 = arith.select %parallel_loop3A_302, %parallel_loop3A_304, %parallel_loop3A_290 : vector<16xi1>, vector<16xi32>
          tpu.vector_store_idx %arg12[%parallel_loop3A_283, %parallel_loop3A_305, %add3A_231], %parallel_loop3A_252 : memref<8x8x128xf32, #tpu.memory_space<vmem>>[vector<16xi32>, vector<16xi32>, vector<16xi32>], vector<16xf32>,
        } {sc.loop_unroll_factor = 4 : i64, sc.parallel_access}
        %parallel_loop3A_240 = arith.constant 0 : i32
        %parallel_loop3A_241 = arith.constant 16 : i32
        %parallel_loop3A_242 = arith.constant 1 : i32
        scf.for %parallel_loop3A_243 = %parallel_loop3A_240 to %parallel_loop3A_241 step %parallel_loop3A_242  : i32 {
          %parallel_loop3A_244 = vector.broadcast %parallel_loop3A_243 : i32 to vector<16xi32>
          %parallel_loop3A_245 = arith.addi %iota3A, %parallel_loop3A_244 : vector<16xi32>
          %parallel_loop3A_246 = arith.constant 15 : i32
          %parallel_loop3A_247 = vector.broadcast %parallel_loop3A_246 : i32 to vector<16xi32>
          %parallel_loop3A_248 = arith.andi %parallel_loop3A_245, %parallel_loop3A_247 : vector<16xi32>
          %parallel_loop3A_249 = arith.constant 48 : i32
          %parallel_loop3A_250 = vector.broadcast %parallel_loop3A_249 : i32 to vector<16xi32>
          %parallel_loop3A_251 = arith.addi %parallel_loop3A_250, %parallel_loop3A_248 : vector<16xi32>
          %parallel_loop3A_252 = tpu.vector_load_idx %arg8[%add3A_231, %parallel_loop3A_251] : memref<128x64xf32, #tpu.memory_space<vmem>>[vector<16xi32>, vector<16xi32>], vector<16xf32>,
          %parallel_loop3A_253 = arith.constant 8 : i32
          %parallel_loop3A_254 = vector.broadcast %parallel_loop3A_253 : i32 to vector<16xi32>
          %parallel_loop3A_255 = arith.divsi %parallel_loop3A_251, %parallel_loop3A_254 : vector<16xi32>
          %parallel_loop3A_256 = arith.constant 0 : i32
          %parallel_loop3A_257 = vector.broadcast %parallel_loop3A_256 : i32 to vector<16xi32>
          %parallel_loop3A_258 = arith.cmpi sgt, %parallel_loop3A_251, %parallel_loop3A_257 : vector<16xi32>
          %parallel_loop3A_259 = arith.extui %parallel_loop3A_258 : vector<16xi1> to vector<16xi32>
          %parallel_loop3A_260 = arith.constant 0 : i32
          %parallel_loop3A_261 = vector.broadcast %parallel_loop3A_260 : i32 to vector<16xi32>
          %parallel_loop3A_262 = arith.cmpi slt, %parallel_loop3A_251, %parallel_loop3A_261 : vector<16xi32>
          %parallel_loop3A_263 = arith.extui %parallel_loop3A_262 : vector<16xi1> to vector<16xi32>
          %parallel_loop3A_264 = arith.subi %parallel_loop3A_259, %parallel_loop3A_263 : vector<16xi32>
          %parallel_loop3A_265 = arith.constant 0 : i32
          %parallel_loop3A_266 = arith.cmpi sgt, %parallel_loop3A_253, %parallel_loop3A_265 : i32
          %parallel_loop3A_267 = arith.extui %parallel_loop3A_266 : i1 to i32
          %parallel_loop3A_268 = arith.constant 0 : i32
          %parallel_loop3A_269 = arith.cmpi slt, %parallel_loop3A_253, %parallel_loop3A_268 : i32
          %parallel_loop3A_270 = arith.extui %parallel_loop3A_269 : i1 to i32
          %parallel_loop3A_271 = arith.subi %parallel_loop3A_267, %parallel_loop3A_270 : i32
          %parallel_loop3A_272 = vector.broadcast %parallel_loop3A_271 : i32 to vector<16xi32>
          %parallel_loop3A_273 = arith.cmpi ne, %parallel_loop3A_264, %parallel_loop3A_272 : vector<16xi32>
          %parallel_loop3A_274 = vector.broadcast %parallel_loop3A_253 : i32 to vector<16xi32>
          %parallel_loop3A_275 = arith.remsi %parallel_loop3A_251, %parallel_loop3A_274 : vector<16xi32>
          %parallel_loop3A_276 = arith.constant 0 : i32
          %parallel_loop3A_277 = vector.broadcast %parallel_loop3A_276 : i32 to vector<16xi32>
          %parallel_loop3A_278 = arith.cmpi ne, %parallel_loop3A_275, %parallel_loop3A_277 : vector<16xi32>
          %parallel_loop3A_279 = arith.andi %parallel_loop3A_273, %parallel_loop3A_278 : vector<16xi1>
          %parallel_loop3A_280 = arith.constant 1 : i32
          %parallel_loop3A_281 = vector.broadcast %parallel_loop3A_280 : i32 to vector<16xi32>
          %parallel_loop3A_282 = arith.subi %parallel_loop3A_255, %parallel_loop3A_281 : vector<16xi32>
          %parallel_loop3A_283 = arith.select %parallel_loop3A_279, %parallel_loop3A_282, %parallel_loop3A_255 : vector<16xi1>, vector<16xi32>
          %parallel_loop3A_284 = arith.constant 8 : i32
          %parallel_loop3A_285 = arith.constant 0 : i32
          %parallel_loop3A_286 = arith.cmpi eq, %parallel_loop3A_284, %parallel_loop3A_285 : i32
          %parallel_loop3A_287 = arith.constant 1 : i32
          %parallel_loop3A_288 = arith.select %parallel_loop3A_286, %parallel_loop3A_287, %parallel_loop3A_284 : i32
          %parallel_loop3A_289 = vector.broadcast %parallel_loop3A_288 : i32 to vector<16xi32>
          %parallel_loop3A_290 = arith.remsi %parallel_loop3A_251, %parallel_loop3A_289 : vector<16xi32>
          %parallel_loop3A_291 = arith.constant 0 : i32
          %parallel_loop3A_292 = vector.broadcast %parallel_loop3A_291 : i32 to vector<16xi32>
          %parallel_loop3A_293 = arith.cmpi ne, %parallel_loop3A_290, %parallel_loop3A_292 : vector<16xi32>
          %parallel_loop3A_294 = arith.constant 0 : i32
          %parallel_loop3A_295 = vector.broadcast %parallel_loop3A_294 : i32 to vector<16xi32>
          %parallel_loop3A_296 = arith.cmpi slt, %parallel_loop3A_290, %parallel_loop3A_295 : vector<16xi32>
          %parallel_loop3A_297 = arith.constant 0 : i32
          %parallel_loop3A_298 = arith.cmpi slt, %parallel_loop3A_288, %parallel_loop3A_297 : i32
          %parallel_loop3A_299 = vector.broadcast %parallel_loop3A_298 : i1 to vector<16xi1>
          %parallel_loop3A_300 = vector.broadcast %parallel_loop3A_299 : vector<16xi1> to vector<16xi1>
          %parallel_loop3A_301 = arith.xori %parallel_loop3A_296, %parallel_loop3A_300 : vector<16xi1>
          %parallel_loop3A_302 = arith.andi %parallel_loop3A_301, %parallel_loop3A_293 : vector<16xi1>
          %parallel_loop3A_303 = vector.broadcast %parallel_loop3A_288 : i32 to vector<16xi32>
          %parallel_loop3A_304 = arith.addi %parallel_loop3A_290, %parallel_loop3A_303 : vector<16xi32>
          %parallel_loop3A_305 = arith.select %parallel_loop3A_302, %parallel_loop3A_304, %parallel_loop3A_290 : vector<16xi1>, vector<16xi32>
          tpu.vector_store_idx %arg12[%parallel_loop3A_283, %parallel_loop3A_305, %add3A_231], %parallel_loop3A_252 : memref<8x8x128xf32, #tpu.memory_space<vmem>>[vector<16xi32>, vector<16xi32>, vector<16xi32>], vector<16xf32>,
        } {sc.loop_unroll_factor = 4 : i64, sc.parallel_access}
      }
      %scan3A_171 = arith.constant 8 : i32
      %dma_start3A_172 = arith.constant 0 : i32
      %dma_start3A_173 = arith.constant 0 : i32
      %dma_start3A_174 = arith.constant 0 : i32
      %dma_start3A_175 = tpu.memref_slice %arg4[%add3A_154, %dma_start3A_172, %add3A, %dma_start3A_173, %dma_start3A_174] : memref<200x8x32x8x128xf32, #tpu.memory_space<hbm>> -> memref<1x8x1x8x128xf32, #tpu.memory_space<hbm>>
      %dma_start3A_176 = tpu.memref_squeeze %dma_start3A_175 : memref<1x8x1x8x128xf32, #tpu.memory_space<hbm>> -> memref<8x8x128xf32, #tpu.memory_space<hbm>>
      %dma_start3A_177 = arith.constant 0 : i32
      %dma_start3A_178 = arith.constant 0 : i32
      %dma_start3A_179 = arith.constant 0 : i32
      %dma_start3A_180 = tpu.memref_slice %arg4[%add3A_154, %dma_start3A_177, %add3A, %dma_start3A_178, %dma_start3A_179] : memref<200x8x32x8x128xf32, #tpu.memory_space<hbm>> -> memref<1x8x1x8x128xf32, #tpu.memory_space<hbm>>
      %dma_start3A_181 = tpu.memref_squeeze %dma_start3A_180 : memref<1x8x1x8x128xf32, #tpu.memory_space<hbm>> -> memref<8x8x128xf32, #tpu.memory_space<hbm>>
      tpu.enqueue_dma source(%arg12 : memref<8x8x128xf32, #tpu.memory_space<vmem>>) target(%dma_start3A_181 : memref<8x8x128xf32, #tpu.memory_space<hbm>>) target_semaphore(%arg20 : memref<!tpu.dma_semaphore, #tpu.memory_space<semaphore_mem>>)
      %add3A_182 = arith.constant 4 : i32
      %add3A_183 = arith.addi %add3A_154, %add3A_182 : i32
      %lt3A_184 = arith.constant 200 : i32
      %lt3A_185 = arith.cmpi slt, %add3A_183, %lt3A_184 : i32
      %convert_element_type3A_186 = arith.extui %lt3A_185 : i1 to i32
      %cond3A_187 = arith.constant 0 : i32
      %cond3A_188 = arith.cmpi ne, %convert_element_type3A_186, %cond3A_187 : i32
      scf.if %cond3A_188 {
        %add3A_227 = arith.constant 4 : i32
        %add3A_228 = arith.addi %add3A_154, %add3A_227 : i32
        %dma_start3A_229 = arith.constant 0 : i32
        %dma_start3A_230 = tpu.memref_slice %arg5[%add3A_228, %dma_start3A_229] : memref<200x128xi32, #tpu.memory_space<vmem>> -> memref<1x128xi32, #tpu.memory_space<vmem>>
        %dma_start3A_231 = tpu.memref_squeeze %dma_start3A_230 : memref<1x128xi32, #tpu.memory_space<vmem>> -> memref<128xi32, #tpu.memory_space<vmem>>
        %dma_start3A_232 = arith.constant 0 : i32
        %dma_start3A_233 = arith.constant 0 : i32
        %dma_start3A_234 = tpu.memref_slice %arg2[%dma_start3A_232, %dma_start3A_233] : memref<1000000x64xf32, #tpu.memory_space<hbm>> -> memref<1000000x64xf32, #tpu.memory_space<hbm>>
        tpu.enqueue_indirect_dma source(%dma_start3A_234 : memref<1000000x64xf32, #tpu.memory_space<hbm>>) target(%arg8 : memref<128x64xf32, #tpu.memory_space<vmem>>) offsets(%dma_start3A_231 : memref<128xi32, #tpu.memory_space<vmem>>) semaphore(%arg16 : memref<!tpu.dma_semaphore, #tpu.memory_space<semaphore_mem>>)
      } else {
      }
      %mul3A_189 = arith.constant 4 : i32
      %mul3A_190 = arith.muli %mul3A_189, %scan3A_78 : i32
      %add3A_191 = arith.constant 3 : i32
      %add3A_192 = arith.addi %mul3A_190, %add3A_191 : i32
      %dma_wait3A_193 = arith.constant 0 : i32
      %dma_wait3A_194 = tpu.memref_slice %arg5[%add3A_192, %dma_wait3A_193] : memref<200x128xi32, #tpu.memory_space<vmem>> -> memref<1x128xi32, #tpu.memory_space<vmem>>
      %dma_wait3A_195 = tpu.memref_squeeze %dma_wait3A_194 : memref<1x128xi32, #tpu.memory_space<vmem>> -> memref<128xi32, #tpu.memory_space<vmem>>
      %dma_wait3A_196 = arith.constant 0 : i32
      %dma_wait3A_197 = arith.constant 0 : i32
      %dma_wait3A_198 = tpu.memref_slice %arg2[%dma_wait3A_196, %dma_wait3A_197] : memref<1000000x64xf32, #tpu.memory_space<hbm>> -> memref<1000000x64xf32, #tpu.memory_space<hbm>>
      tpu.wait_indirect_dma semaphore(%arg17 : memref<!tpu.dma_semaphore, #tpu.memory_space<semaphore_mem>>) src(%dma_wait3A_198 : memref<1000000x64xf32, #tpu.memory_space<hbm>>) dst(%arg9 : memref<128x64xf32, #tpu.memory_space<vmem>>)
      %ge3A_199 = arith.constant 1 : i32
      %ge3A_200 = arith.cmpi sge, %scan3A_78, %ge3A_199 : i32
      %convert_element_type3A_201 = arith.extui %ge3A_200 : i1 to i32
      %cond3A_202 = arith.constant 0 : i32
      %cond3A_203 = arith.cmpi ne, %convert_element_type3A_201, %cond3A_202 : i32
      scf.if %cond3A_203 {
        %dma_wait3A_227 = arith.constant 0 : i32
        %dma_wait3A_228 = arith.constant 0 : i32
        %dma_wait3A_229 = arith.constant 0 : i32
        %dma_wait3A_230 = arith.constant 0 : i32
        %dma_wait3A_231 = tpu.memref_slice %arg4[%dma_wait3A_227, %dma_wait3A_228, %add3A, %dma_wait3A_229, %dma_wait3A_230] : memref<200x8x32x8x128xf32, #tpu.memory_space<hbm>> -> memref<1x8x1x8x128xf32, #tpu.memory_space<hbm>>
        %dma_wait3A_232 = tpu.memref_squeeze %dma_wait3A_231 : memref<1x8x1x8x128xf32, #tpu.memory_space<hbm>> -> memref<8x8x128xf32, #tpu.memory_space<hbm>>
        %dma_wait3A_233 = arith.constant 0 : i32
        %dma_wait3A_234 = arith.constant 0 : i32
        %dma_wait3A_235 = arith.constant 0 : i32
        %dma_wait3A_236 = tpu.memref_slice %arg4[%dma_wait3A_227, %dma_wait3A_233, %add3A, %dma_wait3A_234, %dma_wait3A_235] : memref<200x8x32x8x128xf32, #tpu.memory_space<hbm>> -> memref<1x8x1x8x128xf32, #tpu.memory_space<hbm>>
        %dma_wait3A_237 = tpu.memref_squeeze %dma_wait3A_236 : memref<1x8x1x8x128xf32, #tpu.memory_space<hbm>> -> memref<8x8x128xf32, #tpu.memory_space<hbm>>
        tpu.wait_dma2 semaphore(%arg21 : memref<!tpu.dma_semaphore, #tpu.memory_space<semaphore_mem>>) src(%arg13 : memref<8x8x128xf32, #tpu.memory_space<vmem>>) dst(%dma_wait3A_237 : memref<8x8x128xf32, #tpu.memory_space<hbm>>)
      } else {
      }
      %scan3A_204 = arith.constant 0 : i32
      %scan3A_205 = arith.constant 0 : i32
      %scan3A_206 = arith.constant 8 : i32
      %scan3A_207 = arith.addi %scan3A_205, %scan3A_206 : i32
      %scan3A_208 = arith.constant 1 : i32
      scf.for %scan3A_227 = %scan3A_205 to %scan3A_207 step %scan3A_208  : i32 {
        %mul3A_228 = arith.constant 16 : i32
        %mul3A_229 = arith.muli %scan3A_227, %mul3A_228 : i32
        %add3A_230 = vector.broadcast %mul3A_229 : i32 to vector<16xi32>
        %add3A_231 = arith.addi %add3A_230, %iota3A : vector<16xi32>
        %parallel_loop3A = arith.constant 0 : i32
        %parallel_loop3A_232 = arith.constant 16 : i32
        %parallel_loop3A_233 = arith.constant 1 : i32
        scf.for %parallel_loop3A_243 = %parallel_loop3A to %parallel_loop3A_232 step %parallel_loop3A_233  : i32 {
          %parallel_loop3A_244 = vector.broadcast %parallel_loop3A_243 : i32 to vector<16xi32>
          %parallel_loop3A_245 = arith.addi %iota3A, %parallel_loop3A_244 : vector<16xi32>
          %parallel_loop3A_246 = arith.constant 15 : i32
          %parallel_loop3A_247 = vector.broadcast %parallel_loop3A_246 : i32 to vector<16xi32>
          %parallel_loop3A_248 = arith.andi %parallel_loop3A_245, %parallel_loop3A_247 : vector<16xi32>
          %parallel_loop3A_249 = arith.constant 0 : i32
          %parallel_loop3A_250 = vector.broadcast %parallel_loop3A_249 : i32 to vector<16xi32>
          %parallel_loop3A_251 = arith.addi %parallel_loop3A_250, %parallel_loop3A_248 : vector<16xi32>
          %parallel_loop3A_252 = tpu.vector_load_idx %arg9[%add3A_231, %parallel_loop3A_251] : memref<128x64xf32, #tpu.memory_space<vmem>>[vector<16xi32>, vector<16xi32>], vector<16xf32>,
          %parallel_loop3A_253 = arith.constant 8 : i32
          %parallel_loop3A_254 = vector.broadcast %parallel_loop3A_253 : i32 to vector<16xi32>
          %parallel_loop3A_255 = arith.divsi %parallel_loop3A_251, %parallel_loop3A_254 : vector<16xi32>
          %parallel_loop3A_256 = arith.constant 0 : i32
          %parallel_loop3A_257 = vector.broadcast %parallel_loop3A_256 : i32 to vector<16xi32>
          %parallel_loop3A_258 = arith.cmpi sgt, %parallel_loop3A_251, %parallel_loop3A_257 : vector<16xi32>
          %parallel_loop3A_259 = arith.extui %parallel_loop3A_258 : vector<16xi1> to vector<16xi32>
          %parallel_loop3A_260 = arith.constant 0 : i32
          %parallel_loop3A_261 = vector.broadcast %parallel_loop3A_260 : i32 to vector<16xi32>
          %parallel_loop3A_262 = arith.cmpi slt, %parallel_loop3A_251, %parallel_loop3A_261 : vector<16xi32>
          %parallel_loop3A_263 = arith.extui %parallel_loop3A_262 : vector<16xi1> to vector<16xi32>
          %parallel_loop3A_264 = arith.subi %parallel_loop3A_259, %parallel_loop3A_263 : vector<16xi32>
          %parallel_loop3A_265 = arith.constant 0 : i32
          %parallel_loop3A_266 = arith.cmpi sgt, %parallel_loop3A_253, %parallel_loop3A_265 : i32
          %parallel_loop3A_267 = arith.extui %parallel_loop3A_266 : i1 to i32
          %parallel_loop3A_268 = arith.constant 0 : i32
          %parallel_loop3A_269 = arith.cmpi slt, %parallel_loop3A_253, %parallel_loop3A_268 : i32
          %parallel_loop3A_270 = arith.extui %parallel_loop3A_269 : i1 to i32
          %parallel_loop3A_271 = arith.subi %parallel_loop3A_267, %parallel_loop3A_270 : i32
          %parallel_loop3A_272 = vector.broadcast %parallel_loop3A_271 : i32 to vector<16xi32>
          %parallel_loop3A_273 = arith.cmpi ne, %parallel_loop3A_264, %parallel_loop3A_272 : vector<16xi32>
          %parallel_loop3A_274 = vector.broadcast %parallel_loop3A_253 : i32 to vector<16xi32>
          %parallel_loop3A_275 = arith.remsi %parallel_loop3A_251, %parallel_loop3A_274 : vector<16xi32>
          %parallel_loop3A_276 = arith.constant 0 : i32
          %parallel_loop3A_277 = vector.broadcast %parallel_loop3A_276 : i32 to vector<16xi32>
          %parallel_loop3A_278 = arith.cmpi ne, %parallel_loop3A_275, %parallel_loop3A_277 : vector<16xi32>
          %parallel_loop3A_279 = arith.andi %parallel_loop3A_273, %parallel_loop3A_278 : vector<16xi1>
          %parallel_loop3A_280 = arith.constant 1 : i32
          %parallel_loop3A_281 = vector.broadcast %parallel_loop3A_280 : i32 to vector<16xi32>
          %parallel_loop3A_282 = arith.subi %parallel_loop3A_255, %parallel_loop3A_281 : vector<16xi32>
          %parallel_loop3A_283 = arith.select %parallel_loop3A_279, %parallel_loop3A_282, %parallel_loop3A_255 : vector<16xi1>, vector<16xi32>
          %parallel_loop3A_284 = arith.constant 8 : i32
          %parallel_loop3A_285 = arith.constant 0 : i32
          %parallel_loop3A_286 = arith.cmpi eq, %parallel_loop3A_284, %parallel_loop3A_285 : i32
          %parallel_loop3A_287 = arith.constant 1 : i32
          %parallel_loop3A_288 = arith.select %parallel_loop3A_286, %parallel_loop3A_287, %parallel_loop3A_284 : i32
          %parallel_loop3A_289 = vector.broadcast %parallel_loop3A_288 : i32 to vector<16xi32>
          %parallel_loop3A_290 = arith.remsi %parallel_loop3A_251, %parallel_loop3A_289 : vector<16xi32>
          %parallel_loop3A_291 = arith.constant 0 : i32
          %parallel_loop3A_292 = vector.broadcast %parallel_loop3A_291 : i32 to vector<16xi32>
          %parallel_loop3A_293 = arith.cmpi ne, %parallel_loop3A_290, %parallel_loop3A_292 : vector<16xi32>
          %parallel_loop3A_294 = arith.constant 0 : i32
          %parallel_loop3A_295 = vector.broadcast %parallel_loop3A_294 : i32 to vector<16xi32>
          %parallel_loop3A_296 = arith.cmpi slt, %parallel_loop3A_290, %parallel_loop3A_295 : vector<16xi32>
          %parallel_loop3A_297 = arith.constant 0 : i32
          %parallel_loop3A_298 = arith.cmpi slt, %parallel_loop3A_288, %parallel_loop3A_297 : i32
          %parallel_loop3A_299 = vector.broadcast %parallel_loop3A_298 : i1 to vector<16xi1>
          %parallel_loop3A_300 = vector.broadcast %parallel_loop3A_299 : vector<16xi1> to vector<16xi1>
          %parallel_loop3A_301 = arith.xori %parallel_loop3A_296, %parallel_loop3A_300 : vector<16xi1>
          %parallel_loop3A_302 = arith.andi %parallel_loop3A_301, %parallel_loop3A_293 : vector<16xi1>
          %parallel_loop3A_303 = vector.broadcast %parallel_loop3A_288 : i32 to vector<16xi32>
          %parallel_loop3A_304 = arith.addi %parallel_loop3A_290, %parallel_loop3A_303 : vector<16xi32>
          %parallel_loop3A_305 = arith.select %parallel_loop3A_302, %parallel_loop3A_304, %parallel_loop3A_290 : vector<16xi1>, vector<16xi32>
          tpu.vector_store_idx %arg13[%parallel_loop3A_283, %parallel_loop3A_305, %add3A_231], %parallel_loop3A_252 : memref<8x8x128xf32, #tpu.memory_space<vmem>>[vector<16xi32>, vector<16xi32>, vector<16xi32>], vector<16xf32>,
        } {sc.loop_unroll_factor = 4 : i64, sc.parallel_access}
        %parallel_loop3A_234 = arith.constant 0 : i32
        %parallel_loop3A_235 = arith.constant 16 : i32
        %parallel_loop3A_236 = arith.constant 1 : i32
        scf.for %parallel_loop3A_243 = %parallel_loop3A_234 to %parallel_loop3A_235 step %parallel_loop3A_236  : i32 {
          %parallel_loop3A_244 = vector.broadcast %parallel_loop3A_243 : i32 to vector<16xi32>
          %parallel_loop3A_245 = arith.addi %iota3A, %parallel_loop3A_244 : vector<16xi32>
          %parallel_loop3A_246 = arith.constant 15 : i32
          %parallel_loop3A_247 = vector.broadcast %parallel_loop3A_246 : i32 to vector<16xi32>
          %parallel_loop3A_248 = arith.andi %parallel_loop3A_245, %parallel_loop3A_247 : vector<16xi32>
          %parallel_loop3A_249 = arith.constant 16 : i32
          %parallel_loop3A_250 = vector.broadcast %parallel_loop3A_249 : i32 to vector<16xi32>
          %parallel_loop3A_251 = arith.addi %parallel_loop3A_250, %parallel_loop3A_248 : vector<16xi32>
          %parallel_loop3A_252 = tpu.vector_load_idx %arg9[%add3A_231, %parallel_loop3A_251] : memref<128x64xf32, #tpu.memory_space<vmem>>[vector<16xi32>, vector<16xi32>], vector<16xf32>,
          %parallel_loop3A_253 = arith.constant 8 : i32
          %parallel_loop3A_254 = vector.broadcast %parallel_loop3A_253 : i32 to vector<16xi32>
          %parallel_loop3A_255 = arith.divsi %parallel_loop3A_251, %parallel_loop3A_254 : vector<16xi32>
          %parallel_loop3A_256 = arith.constant 0 : i32
          %parallel_loop3A_257 = vector.broadcast %parallel_loop3A_256 : i32 to vector<16xi32>
          %parallel_loop3A_258 = arith.cmpi sgt, %parallel_loop3A_251, %parallel_loop3A_257 : vector<16xi32>
          %parallel_loop3A_259 = arith.extui %parallel_loop3A_258 : vector<16xi1> to vector<16xi32>
          %parallel_loop3A_260 = arith.constant 0 : i32
          %parallel_loop3A_261 = vector.broadcast %parallel_loop3A_260 : i32 to vector<16xi32>
          %parallel_loop3A_262 = arith.cmpi slt, %parallel_loop3A_251, %parallel_loop3A_261 : vector<16xi32>
          %parallel_loop3A_263 = arith.extui %parallel_loop3A_262 : vector<16xi1> to vector<16xi32>
          %parallel_loop3A_264 = arith.subi %parallel_loop3A_259, %parallel_loop3A_263 : vector<16xi32>
          %parallel_loop3A_265 = arith.constant 0 : i32
          %parallel_loop3A_266 = arith.cmpi sgt, %parallel_loop3A_253, %parallel_loop3A_265 : i32
          %parallel_loop3A_267 = arith.extui %parallel_loop3A_266 : i1 to i32
          %parallel_loop3A_268 = arith.constant 0 : i32
          %parallel_loop3A_269 = arith.cmpi slt, %parallel_loop3A_253, %parallel_loop3A_268 : i32
          %parallel_loop3A_270 = arith.extui %parallel_loop3A_269 : i1 to i32
          %parallel_loop3A_271 = arith.subi %parallel_loop3A_267, %parallel_loop3A_270 : i32
          %parallel_loop3A_272 = vector.broadcast %parallel_loop3A_271 : i32 to vector<16xi32>
          %parallel_loop3A_273 = arith.cmpi ne, %parallel_loop3A_264, %parallel_loop3A_272 : vector<16xi32>
          %parallel_loop3A_274 = vector.broadcast %parallel_loop3A_253 : i32 to vector<16xi32>
          %parallel_loop3A_275 = arith.remsi %parallel_loop3A_251, %parallel_loop3A_274 : vector<16xi32>
          %parallel_loop3A_276 = arith.constant 0 : i32
          %parallel_loop3A_277 = vector.broadcast %parallel_loop3A_276 : i32 to vector<16xi32>
          %parallel_loop3A_278 = arith.cmpi ne, %parallel_loop3A_275, %parallel_loop3A_277 : vector<16xi32>
          %parallel_loop3A_279 = arith.andi %parallel_loop3A_273, %parallel_loop3A_278 : vector<16xi1>
          %parallel_loop3A_280 = arith.constant 1 : i32
          %parallel_loop3A_281 = vector.broadcast %parallel_loop3A_280 : i32 to vector<16xi32>
          %parallel_loop3A_282 = arith.subi %parallel_loop3A_255, %parallel_loop3A_281 : vector<16xi32>
          %parallel_loop3A_283 = arith.select %parallel_loop3A_279, %parallel_loop3A_282, %parallel_loop3A_255 : vector<16xi1>, vector<16xi32>
          %parallel_loop3A_284 = arith.constant 8 : i32
          %parallel_loop3A_285 = arith.constant 0 : i32
          %parallel_loop3A_286 = arith.cmpi eq, %parallel_loop3A_284, %parallel_loop3A_285 : i32
          %parallel_loop3A_287 = arith.constant 1 : i32
          %parallel_loop3A_288 = arith.select %parallel_loop3A_286, %parallel_loop3A_287, %parallel_loop3A_284 : i32
          %parallel_loop3A_289 = vector.broadcast %parallel_loop3A_288 : i32 to vector<16xi32>
          %parallel_loop3A_290 = arith.remsi %parallel_loop3A_251, %parallel_loop3A_289 : vector<16xi32>
          %parallel_loop3A_291 = arith.constant 0 : i32
          %parallel_loop3A_292 = vector.broadcast %parallel_loop3A_291 : i32 to vector<16xi32>
          %parallel_loop3A_293 = arith.cmpi ne, %parallel_loop3A_290, %parallel_loop3A_292 : vector<16xi32>
          %parallel_loop3A_294 = arith.constant 0 : i32
          %parallel_loop3A_295 = vector.broadcast %parallel_loop3A_294 : i32 to vector<16xi32>
          %parallel_loop3A_296 = arith.cmpi slt, %parallel_loop3A_290, %parallel_loop3A_295 : vector<16xi32>
          %parallel_loop3A_297 = arith.constant 0 : i32
          %parallel_loop3A_298 = arith.cmpi slt, %parallel_loop3A_288, %parallel_loop3A_297 : i32
          %parallel_loop3A_299 = vector.broadcast %parallel_loop3A_298 : i1 to vector<16xi1>
          %parallel_loop3A_300 = vector.broadcast %parallel_loop3A_299 : vector<16xi1> to vector<16xi1>
          %parallel_loop3A_301 = arith.xori %parallel_loop3A_296, %parallel_loop3A_300 : vector<16xi1>
          %parallel_loop3A_302 = arith.andi %parallel_loop3A_301, %parallel_loop3A_293 : vector<16xi1>
          %parallel_loop3A_303 = vector.broadcast %parallel_loop3A_288 : i32 to vector<16xi32>
          %parallel_loop3A_304 = arith.addi %parallel_loop3A_290, %parallel_loop3A_303 : vector<16xi32>
          %parallel_loop3A_305 = arith.select %parallel_loop3A_302, %parallel_loop3A_304, %parallel_loop3A_290 : vector<16xi1>, vector<16xi32>
          tpu.vector_store_idx %arg13[%parallel_loop3A_283, %parallel_loop3A_305, %add3A_231], %parallel_loop3A_252 : memref<8x8x128xf32, #tpu.memory_space<vmem>>[vector<16xi32>, vector<16xi32>, vector<16xi32>], vector<16xf32>,
        } {sc.loop_unroll_factor = 4 : i64, sc.parallel_access}
        %parallel_loop3A_237 = arith.constant 0 : i32
        %parallel_loop3A_238 = arith.constant 16 : i32
        %parallel_loop3A_239 = arith.constant 1 : i32
        scf.for %parallel_loop3A_243 = %parallel_loop3A_237 to %parallel_loop3A_238 step %parallel_loop3A_239  : i32 {
          %parallel_loop3A_244 = vector.broadcast %parallel_loop3A_243 : i32 to vector<16xi32>
          %parallel_loop3A_245 = arith.addi %iota3A, %parallel_loop3A_244 : vector<16xi32>
          %parallel_loop3A_246 = arith.constant 15 : i32
          %parallel_loop3A_247 = vector.broadcast %parallel_loop3A_246 : i32 to vector<16xi32>
          %parallel_loop3A_248 = arith.andi %parallel_loop3A_245, %parallel_loop3A_247 : vector<16xi32>
          %parallel_loop3A_249 = arith.constant 32 : i32
          %parallel_loop3A_250 = vector.broadcast %parallel_loop3A_249 : i32 to vector<16xi32>
          %parallel_loop3A_251 = arith.addi %parallel_loop3A_250, %parallel_loop3A_248 : vector<16xi32>
          %parallel_loop3A_252 = tpu.vector_load_idx %arg9[%add3A_231, %parallel_loop3A_251] : memref<128x64xf32, #tpu.memory_space<vmem>>[vector<16xi32>, vector<16xi32>], vector<16xf32>,
          %parallel_loop3A_253 = arith.constant 8 : i32
          %parallel_loop3A_254 = vector.broadcast %parallel_loop3A_253 : i32 to vector<16xi32>
          %parallel_loop3A_255 = arith.divsi %parallel_loop3A_251, %parallel_loop3A_254 : vector<16xi32>
          %parallel_loop3A_256 = arith.constant 0 : i32
          %parallel_loop3A_257 = vector.broadcast %parallel_loop3A_256 : i32 to vector<16xi32>
          %parallel_loop3A_258 = arith.cmpi sgt, %parallel_loop3A_251, %parallel_loop3A_257 : vector<16xi32>
          %parallel_loop3A_259 = arith.extui %parallel_loop3A_258 : vector<16xi1> to vector<16xi32>
          %parallel_loop3A_260 = arith.constant 0 : i32
          %parallel_loop3A_261 = vector.broadcast %parallel_loop3A_260 : i32 to vector<16xi32>
          %parallel_loop3A_262 = arith.cmpi slt, %parallel_loop3A_251, %parallel_loop3A_261 : vector<16xi32>
          %parallel_loop3A_263 = arith.extui %parallel_loop3A_262 : vector<16xi1> to vector<16xi32>
          %parallel_loop3A_264 = arith.subi %parallel_loop3A_259, %parallel_loop3A_263 : vector<16xi32>
          %parallel_loop3A_265 = arith.constant 0 : i32
          %parallel_loop3A_266 = arith.cmpi sgt, %parallel_loop3A_253, %parallel_loop3A_265 : i32
          %parallel_loop3A_267 = arith.extui %parallel_loop3A_266 : i1 to i32
          %parallel_loop3A_268 = arith.constant 0 : i32
          %parallel_loop3A_269 = arith.cmpi slt, %parallel_loop3A_253, %parallel_loop3A_268 : i32
          %parallel_loop3A_270 = arith.extui %parallel_loop3A_269 : i1 to i32
          %parallel_loop3A_271 = arith.subi %parallel_loop3A_267, %parallel_loop3A_270 : i32
          %parallel_loop3A_272 = vector.broadcast %parallel_loop3A_271 : i32 to vector<16xi32>
          %parallel_loop3A_273 = arith.cmpi ne, %parallel_loop3A_264, %parallel_loop3A_272 : vector<16xi32>
          %parallel_loop3A_274 = vector.broadcast %parallel_loop3A_253 : i32 to vector<16xi32>
          %parallel_loop3A_275 = arith.remsi %parallel_loop3A_251, %parallel_loop3A_274 : vector<16xi32>
          %parallel_loop3A_276 = arith.constant 0 : i32
          %parallel_loop3A_277 = vector.broadcast %parallel_loop3A_276 : i32 to vector<16xi32>
          %parallel_loop3A_278 = arith.cmpi ne, %parallel_loop3A_275, %parallel_loop3A_277 : vector<16xi32>
          %parallel_loop3A_279 = arith.andi %parallel_loop3A_273, %parallel_loop3A_278 : vector<16xi1>
          %parallel_loop3A_280 = arith.constant 1 : i32
          %parallel_loop3A_281 = vector.broadcast %parallel_loop3A_280 : i32 to vector<16xi32>
          %parallel_loop3A_282 = arith.subi %parallel_loop3A_255, %parallel_loop3A_281 : vector<16xi32>
          %parallel_loop3A_283 = arith.select %parallel_loop3A_279, %parallel_loop3A_282, %parallel_loop3A_255 : vector<16xi1>, vector<16xi32>
          %parallel_loop3A_284 = arith.constant 8 : i32
          %parallel_loop3A_285 = arith.constant 0 : i32
          %parallel_loop3A_286 = arith.cmpi eq, %parallel_loop3A_284, %parallel_loop3A_285 : i32
          %parallel_loop3A_287 = arith.constant 1 : i32
          %parallel_loop3A_288 = arith.select %parallel_loop3A_286, %parallel_loop3A_287, %parallel_loop3A_284 : i32
          %parallel_loop3A_289 = vector.broadcast %parallel_loop3A_288 : i32 to vector<16xi32>
          %parallel_loop3A_290 = arith.remsi %parallel_loop3A_251, %parallel_loop3A_289 : vector<16xi32>
          %parallel_loop3A_291 = arith.constant 0 : i32
          %parallel_loop3A_292 = vector.broadcast %parallel_loop3A_291 : i32 to vector<16xi32>
          %parallel_loop3A_293 = arith.cmpi ne, %parallel_loop3A_290, %parallel_loop3A_292 : vector<16xi32>
          %parallel_loop3A_294 = arith.constant 0 : i32
          %parallel_loop3A_295 = vector.broadcast %parallel_loop3A_294 : i32 to vector<16xi32>
          %parallel_loop3A_296 = arith.cmpi slt, %parallel_loop3A_290, %parallel_loop3A_295 : vector<16xi32>
          %parallel_loop3A_297 = arith.constant 0 : i32
          %parallel_loop3A_298 = arith.cmpi slt, %parallel_loop3A_288, %parallel_loop3A_297 : i32
          %parallel_loop3A_299 = vector.broadcast %parallel_loop3A_298 : i1 to vector<16xi1>
          %parallel_loop3A_300 = vector.broadcast %parallel_loop3A_299 : vector<16xi1> to vector<16xi1>
          %parallel_loop3A_301 = arith.xori %parallel_loop3A_296, %parallel_loop3A_300 : vector<16xi1>
          %parallel_loop3A_302 = arith.andi %parallel_loop3A_301, %parallel_loop3A_293 : vector<16xi1>
          %parallel_loop3A_303 = vector.broadcast %parallel_loop3A_288 : i32 to vector<16xi32>
          %parallel_loop3A_304 = arith.addi %parallel_loop3A_290, %parallel_loop3A_303 : vector<16xi32>
          %parallel_loop3A_305 = arith.select %parallel_loop3A_302, %parallel_loop3A_304, %parallel_loop3A_290 : vector<16xi1>, vector<16xi32>
          tpu.vector_store_idx %arg13[%parallel_loop3A_283, %parallel_loop3A_305, %add3A_231], %parallel_loop3A_252 : memref<8x8x128xf32, #tpu.memory_space<vmem>>[vector<16xi32>, vector<16xi32>, vector<16xi32>], vector<16xf32>,
        } {sc.loop_unroll_factor = 4 : i64, sc.parallel_access}
        %parallel_loop3A_240 = arith.constant 0 : i32
        %parallel_loop3A_241 = arith.constant 16 : i32
        %parallel_loop3A_242 = arith.constant 1 : i32
        scf.for %parallel_loop3A_243 = %parallel_loop3A_240 to %parallel_loop3A_241 step %parallel_loop3A_242  : i32 {
          %parallel_loop3A_244 = vector.broadcast %parallel_loop3A_243 : i32 to vector<16xi32>
          %parallel_loop3A_245 = arith.addi %iota3A, %parallel_loop3A_244 : vector<16xi32>
          %parallel_loop3A_246 = arith.constant 15 : i32
          %parallel_loop3A_247 = vector.broadcast %parallel_loop3A_246 : i32 to vector<16xi32>
          %parallel_loop3A_248 = arith.andi %parallel_loop3A_245, %parallel_loop3A_247 : vector<16xi32>
          %parallel_loop3A_249 = arith.constant 48 : i32
          %parallel_loop3A_250 = vector.broadcast %parallel_loop3A_249 : i32 to vector<16xi32>
          %parallel_loop3A_251 = arith.addi %parallel_loop3A_250, %parallel_loop3A_248 : vector<16xi32>
          %parallel_loop3A_252 = tpu.vector_load_idx %arg9[%add3A_231, %parallel_loop3A_251] : memref<128x64xf32, #tpu.memory_space<vmem>>[vector<16xi32>, vector<16xi32>], vector<16xf32>,
          %parallel_loop3A_253 = arith.constant 8 : i32
          %parallel_loop3A_254 = vector.broadcast %parallel_loop3A_253 : i32 to vector<16xi32>
          %parallel_loop3A_255 = arith.divsi %parallel_loop3A_251, %parallel_loop3A_254 : vector<16xi32>
          %parallel_loop3A_256 = arith.constant 0 : i32
          %parallel_loop3A_257 = vector.broadcast %parallel_loop3A_256 : i32 to vector<16xi32>
          %parallel_loop3A_258 = arith.cmpi sgt, %parallel_loop3A_251, %parallel_loop3A_257 : vector<16xi32>
          %parallel_loop3A_259 = arith.extui %parallel_loop3A_258 : vector<16xi1> to vector<16xi32>
          %parallel_loop3A_260 = arith.constant 0 : i32
          %parallel_loop3A_261 = vector.broadcast %parallel_loop3A_260 : i32 to vector<16xi32>
          %parallel_loop3A_262 = arith.cmpi slt, %parallel_loop3A_251, %parallel_loop3A_261 : vector<16xi32>
          %parallel_loop3A_263 = arith.extui %parallel_loop3A_262 : vector<16xi1> to vector<16xi32>
          %parallel_loop3A_264 = arith.subi %parallel_loop3A_259, %parallel_loop3A_263 : vector<16xi32>
          %parallel_loop3A_265 = arith.constant 0 : i32
          %parallel_loop3A_266 = arith.cmpi sgt, %parallel_loop3A_253, %parallel_loop3A_265 : i32
          %parallel_loop3A_267 = arith.extui %parallel_loop3A_266 : i1 to i32
          %parallel_loop3A_268 = arith.constant 0 : i32
          %parallel_loop3A_269 = arith.cmpi slt, %parallel_loop3A_253, %parallel_loop3A_268 : i32
          %parallel_loop3A_270 = arith.extui %parallel_loop3A_269 : i1 to i32
          %parallel_loop3A_271 = arith.subi %parallel_loop3A_267, %parallel_loop3A_270 : i32
          %parallel_loop3A_272 = vector.broadcast %parallel_loop3A_271 : i32 to vector<16xi32>
          %parallel_loop3A_273 = arith.cmpi ne, %parallel_loop3A_264, %parallel_loop3A_272 : vector<16xi32>
          %parallel_loop3A_274 = vector.broadcast %parallel_loop3A_253 : i32 to vector<16xi32>
          %parallel_loop3A_275 = arith.remsi %parallel_loop3A_251, %parallel_loop3A_274 : vector<16xi32>
          %parallel_loop3A_276 = arith.constant 0 : i32
          %parallel_loop3A_277 = vector.broadcast %parallel_loop3A_276 : i32 to vector<16xi32>
          %parallel_loop3A_278 = arith.cmpi ne, %parallel_loop3A_275, %parallel_loop3A_277 : vector<16xi32>
          %parallel_loop3A_279 = arith.andi %parallel_loop3A_273, %parallel_loop3A_278 : vector<16xi1>
          %parallel_loop3A_280 = arith.constant 1 : i32
          %parallel_loop3A_281 = vector.broadcast %parallel_loop3A_280 : i32 to vector<16xi32>
          %parallel_loop3A_282 = arith.subi %parallel_loop3A_255, %parallel_loop3A_281 : vector<16xi32>
          %parallel_loop3A_283 = arith.select %parallel_loop3A_279, %parallel_loop3A_282, %parallel_loop3A_255 : vector<16xi1>, vector<16xi32>
          %parallel_loop3A_284 = arith.constant 8 : i32
          %parallel_loop3A_285 = arith.constant 0 : i32
          %parallel_loop3A_286 = arith.cmpi eq, %parallel_loop3A_284, %parallel_loop3A_285 : i32
          %parallel_loop3A_287 = arith.constant 1 : i32
          %parallel_loop3A_288 = arith.select %parallel_loop3A_286, %parallel_loop3A_287, %parallel_loop3A_284 : i32
          %parallel_loop3A_289 = vector.broadcast %parallel_loop3A_288 : i32 to vector<16xi32>
          %parallel_loop3A_290 = arith.remsi %parallel_loop3A_251, %parallel_loop3A_289 : vector<16xi32>
          %parallel_loop3A_291 = arith.constant 0 : i32
          %parallel_loop3A_292 = vector.broadcast %parallel_loop3A_291 : i32 to vector<16xi32>
          %parallel_loop3A_293 = arith.cmpi ne, %parallel_loop3A_290, %parallel_loop3A_292 : vector<16xi32>
          %parallel_loop3A_294 = arith.constant 0 : i32
          %parallel_loop3A_295 = vector.broadcast %parallel_loop3A_294 : i32 to vector<16xi32>
          %parallel_loop3A_296 = arith.cmpi slt, %parallel_loop3A_290, %parallel_loop3A_295 : vector<16xi32>
          %parallel_loop3A_297 = arith.constant 0 : i32
          %parallel_loop3A_298 = arith.cmpi slt, %parallel_loop3A_288, %parallel_loop3A_297 : i32
          %parallel_loop3A_299 = vector.broadcast %parallel_loop3A_298 : i1 to vector<16xi1>
          %parallel_loop3A_300 = vector.broadcast %parallel_loop3A_299 : vector<16xi1> to vector<16xi1>
          %parallel_loop3A_301 = arith.xori %parallel_loop3A_296, %parallel_loop3A_300 : vector<16xi1>
          %parallel_loop3A_302 = arith.andi %parallel_loop3A_301, %parallel_loop3A_293 : vector<16xi1>
          %parallel_loop3A_303 = vector.broadcast %parallel_loop3A_288 : i32 to vector<16xi32>
          %parallel_loop3A_304 = arith.addi %parallel_loop3A_290, %parallel_loop3A_303 : vector<16xi32>
          %parallel_loop3A_305 = arith.select %parallel_loop3A_302, %parallel_loop3A_304, %parallel_loop3A_290 : vector<16xi1>, vector<16xi32>
          tpu.vector_store_idx %arg13[%parallel_loop3A_283, %parallel_loop3A_305, %add3A_231], %parallel_loop3A_252 : memref<8x8x128xf32, #tpu.memory_space<vmem>>[vector<16xi32>, vector<16xi32>, vector<16xi32>], vector<16xf32>,
        } {sc.loop_unroll_factor = 4 : i64, sc.parallel_access}
      }
      %scan3A_209 = arith.constant 8 : i32
      %dma_start3A_210 = arith.constant 0 : i32
      %dma_start3A_211 = arith.constant 0 : i32
      %dma_start3A_212 = arith.constant 0 : i32
      %dma_start3A_213 = tpu.memref_slice %arg4[%add3A_192, %dma_start3A_210, %add3A, %dma_start3A_211, %dma_start3A_212] : memref<200x8x32x8x128xf32, #tpu.memory_space<hbm>> -> memref<1x8x1x8x128xf32, #tpu.memory_space<hbm>>
      %dma_start3A_214 = tpu.memref_squeeze %dma_start3A_213 : memref<1x8x1x8x128xf32, #tpu.memory_space<hbm>> -> memref<8x8x128xf32, #tpu.memory_space<hbm>>
      %dma_start3A_215 = arith.constant 0 : i32
      %dma_start3A_216 = arith.constant 0 : i32
      %dma_start3A_217 = arith.constant 0 : i32
      %dma_start3A_218 = tpu.memref_slice %arg4[%add3A_192, %dma_start3A_215, %add3A, %dma_start3A_216, %dma_start3A_217] : memref<200x8x32x8x128xf32, #tpu.memory_space<hbm>> -> memref<1x8x1x8x128xf32, #tpu.memory_space<hbm>>
      %dma_start3A_219 = tpu.memref_squeeze %dma_start3A_218 : memref<1x8x1x8x128xf32, #tpu.memory_space<hbm>> -> memref<8x8x128xf32, #tpu.memory_space<hbm>>
      tpu.enqueue_dma source(%arg13 : memref<8x8x128xf32, #tpu.memory_space<vmem>>) target(%dma_start3A_219 : memref<8x8x128xf32, #tpu.memory_space<hbm>>) target_semaphore(%arg21 : memref<!tpu.dma_semaphore, #tpu.memory_space<semaphore_mem>>)
      %add3A_220 = arith.constant 4 : i32
      %add3A_221 = arith.addi %add3A_192, %add3A_220 : i32
      %lt3A_222 = arith.constant 200 : i32
      %lt3A_223 = arith.cmpi slt, %add3A_221, %lt3A_222 : i32
      %convert_element_type3A_224 = arith.extui %lt3A_223 : i1 to i32
      %cond3A_225 = arith.constant 0 : i32
      %cond3A_226 = arith.cmpi ne, %convert_element_type3A_224, %cond3A_225 : i32
      scf.if %cond3A_226 {
        %add3A_227 = arith.constant 4 : i32
        %add3A_228 = arith.addi %add3A_192, %add3A_227 : i32
        %dma_start3A_229 = arith.constant 0 : i32
        %dma_start3A_230 = tpu.memref_slice %arg5[%add3A_228, %dma_start3A_229] : memref<200x128xi32, #tpu.memory_space<vmem>> -> memref<1x128xi32, #tpu.memory_space<vmem>>
        %dma_start3A_231 = tpu.memref_squeeze %dma_start3A_230 : memref<1x128xi32, #tpu.memory_space<vmem>> -> memref<128xi32, #tpu.memory_space<vmem>>
        %dma_start3A_232 = arith.constant 0 : i32
        %dma_start3A_233 = arith.constant 0 : i32
        %dma_start3A_234 = tpu.memref_slice %arg2[%dma_start3A_232, %dma_start3A_233] : memref<1000000x64xf32, #tpu.memory_space<hbm>> -> memref<1000000x64xf32, #tpu.memory_space<hbm>>
        tpu.enqueue_indirect_dma source(%dma_start3A_234 : memref<1000000x64xf32, #tpu.memory_space<hbm>>) target(%arg9 : memref<128x64xf32, #tpu.memory_space<vmem>>) offsets(%dma_start3A_231 : memref<128xi32, #tpu.memory_space<vmem>>) semaphore(%arg17 : memref<!tpu.dma_semaphore, #tpu.memory_space<semaphore_mem>>)
      } else {
      }
    }
    %scan3A_34 = arith.constant 50 : i32
    %dma_wait3A = arith.constant 0 : i32
    %dma_wait3A_35 = arith.constant 0 : i32
    %dma_wait3A_36 = arith.constant 0 : i32
    %dma_wait3A_37 = arith.constant 0 : i32
    %dma_wait3A_38 = tpu.memref_slice %arg4[%dma_wait3A, %dma_wait3A_35, %add3A, %dma_wait3A_36, %dma_wait3A_37] : memref<200x8x32x8x128xf32, #tpu.memory_space<hbm>> -> memref<1x8x1x8x128xf32, #tpu.memory_space<hbm>>
    %dma_wait3A_39 = tpu.memref_squeeze %dma_wait3A_38 : memref<1x8x1x8x128xf32, #tpu.memory_space<hbm>> -> memref<8x8x128xf32, #tpu.memory_space<hbm>>
    %dma_wait3A_40 = arith.constant 0 : i32
    %dma_wait3A_41 = arith.constant 0 : i32
    %dma_wait3A_42 = arith.constant 0 : i32
    %dma_wait3A_43 = tpu.memref_slice %arg4[%dma_wait3A, %dma_wait3A_40, %add3A, %dma_wait3A_41, %dma_wait3A_42] : memref<200x8x32x8x128xf32, #tpu.memory_space<hbm>> -> memref<1x8x1x8x128xf32, #tpu.memory_space<hbm>>
    %dma_wait3A_44 = tpu.memref_squeeze %dma_wait3A_43 : memref<1x8x1x8x128xf32, #tpu.memory_space<hbm>> -> memref<8x8x128xf32, #tpu.memory_space<hbm>>
    tpu.wait_dma2 semaphore(%arg18 : memref<!tpu.dma_semaphore, #tpu.memory_space<semaphore_mem>>) src(%arg10 : memref<8x8x128xf32, #tpu.memory_space<vmem>>) dst(%dma_wait3A_44 : memref<8x8x128xf32, #tpu.memory_space<hbm>>)
    %dma_wait3A_45 = arith.constant 0 : i32
    %dma_wait3A_46 = arith.constant 0 : i32
    %dma_wait3A_47 = arith.constant 0 : i32
    %dma_wait3A_48 = arith.constant 0 : i32
    %dma_wait3A_49 = tpu.memref_slice %arg4[%dma_wait3A_45, %dma_wait3A_46, %add3A, %dma_wait3A_47, %dma_wait3A_48] : memref<200x8x32x8x128xf32, #tpu.memory_space<hbm>> -> memref<1x8x1x8x128xf32, #tpu.memory_space<hbm>>
    %dma_wait3A_50 = tpu.memref_squeeze %dma_wait3A_49 : memref<1x8x1x8x128xf32, #tpu.memory_space<hbm>> -> memref<8x8x128xf32, #tpu.memory_space<hbm>>
    %dma_wait3A_51 = arith.constant 0 : i32
    %dma_wait3A_52 = arith.constant 0 : i32
    %dma_wait3A_53 = arith.constant 0 : i32
    %dma_wait3A_54 = tpu.memref_slice %arg4[%dma_wait3A_45, %dma_wait3A_51, %add3A, %dma_wait3A_52, %dma_wait3A_53] : memref<200x8x32x8x128xf32, #tpu.memory_space<hbm>> -> memref<1x8x1x8x128xf32, #tpu.memory_space<hbm>>
    %dma_wait3A_55 = tpu.memref_squeeze %dma_wait3A_54 : memref<1x8x1x8x128xf32, #tpu.memory_space<hbm>> -> memref<8x8x128xf32, #tpu.memory_space<hbm>>
    tpu.wait_dma2 semaphore(%arg19 : memref<!tpu.dma_semaphore, #tpu.memory_space<semaphore_mem>>) src(%arg11 : memref<8x8x128xf32, #tpu.memory_space<vmem>>) dst(%dma_wait3A_55 : memref<8x8x128xf32, #tpu.memory_space<hbm>>)
    %dma_wait3A_56 = arith.constant 0 : i32
    %dma_wait3A_57 = arith.constant 0 : i32
    %dma_wait3A_58 = arith.constant 0 : i32
    %dma_wait3A_59 = arith.constant 0 : i32
    %dma_wait3A_60 = tpu.memref_slice %arg4[%dma_wait3A_56, %dma_wait3A_57, %add3A, %dma_wait3A_58, %dma_wait3A_59] : memref<200x8x32x8x128xf32, #tpu.memory_space<hbm>> -> memref<1x8x1x8x128xf32, #tpu.memory_space<hbm>>
    %dma_wait3A_61 = tpu.memref_squeeze %dma_wait3A_60 : memref<1x8x1x8x128xf32, #tpu.memory_space<hbm>> -> memref<8x8x128xf32, #tpu.memory_space<hbm>>
    %dma_wait3A_62 = arith.constant 0 : i32
    %dma_wait3A_63 = arith.constant 0 : i32
    %dma_wait3A_64 = arith.constant 0 : i32
    %dma_wait3A_65 = tpu.memref_slice %arg4[%dma_wait3A_56, %dma_wait3A_62, %add3A, %dma_wait3A_63, %dma_wait3A_64] : memref<200x8x32x8x128xf32, #tpu.memory_space<hbm>> -> memref<1x8x1x8x128xf32, #tpu.memory_space<hbm>>
    %dma_wait3A_66 = tpu.memref_squeeze %dma_wait3A_65 : memref<1x8x1x8x128xf32, #tpu.memory_space<hbm>> -> memref<8x8x128xf32, #tpu.memory_space<hbm>>
    tpu.wait_dma2 semaphore(%arg20 : memref<!tpu.dma_semaphore, #tpu.memory_space<semaphore_mem>>) src(%arg12 : memref<8x8x128xf32, #tpu.memory_space<vmem>>) dst(%dma_wait3A_66 : memref<8x8x128xf32, #tpu.memory_space<hbm>>)
    %dma_wait3A_67 = arith.constant 0 : i32
    %dma_wait3A_68 = arith.constant 0 : i32
    %dma_wait3A_69 = arith.constant 0 : i32
    %dma_wait3A_70 = arith.constant 0 : i32
    %dma_wait3A_71 = tpu.memref_slice %arg4[%dma_wait3A_67, %dma_wait3A_68, %add3A, %dma_wait3A_69, %dma_wait3A_70] : memref<200x8x32x8x128xf32, #tpu.memory_space<hbm>> -> memref<1x8x1x8x128xf32, #tpu.memory_space<hbm>>
    %dma_wait3A_72 = tpu.memref_squeeze %dma_wait3A_71 : memref<1x8x1x8x128xf32, #tpu.memory_space<hbm>> -> memref<8x8x128xf32, #tpu.memory_space<hbm>>
    %dma_wait3A_73 = arith.constant 0 : i32
    %dma_wait3A_74 = arith.constant 0 : i32
    %dma_wait3A_75 = arith.constant 0 : i32
    %dma_wait3A_76 = tpu.memref_slice %arg4[%dma_wait3A_67, %dma_wait3A_73, %add3A, %dma_wait3A_74, %dma_wait3A_75] : memref<200x8x32x8x128xf32, #tpu.memory_space<hbm>> -> memref<1x8x1x8x128xf32, #tpu.memory_space<hbm>>
    %dma_wait3A_77 = tpu.memref_squeeze %dma_wait3A_76 : memref<1x8x1x8x128xf32, #tpu.memory_space<hbm>> -> memref<8x8x128xf32, #tpu.memory_space<hbm>>
    tpu.wait_dma2 semaphore(%arg21 : memref<!tpu.dma_semaphore, #tpu.memory_space<semaphore_mem>>) src(%arg13 : memref<8x8x128xf32, #tpu.memory_space<vmem>>) dst(%dma_wait3A_77 : memref<8x8x128xf32, #tpu.memory_space<hbm>>)
    return
  }
}

</mosaic_0001>

<sc_bundles>
// kernel: kernel.4.cloned.1.call-start
scs
__scs_entry_jumppad:
0x0: {  	(pc) =	sbr.rel $0x88, $3  }
0x1: {  	(tag) =	ssettag $0x0;
	lr =	simm.s32 $0x1  }
0x2: {  	[smem:$0x3F9F] =	sst lr;
	_ =	strace $0xD0000000  }
0x3: {  	_ = 	snop  }
0x4: {  	_ = 	snop  }
0x5: {  	_ = 	snop  }
0x6: {  	_ = 	snop  }
0x7: {  	_ = 	snop  }
__scs_overlays_trampoline_lowered:
0x8: {  	[smem:$0x3FAE] =	sst s0  }
0x9: {  	[smem:$0x3FAF] =	sst s1  }
0xa: {  	[smem:$0x3FB0] =	sst s2  }
0xb: {  	[smem:$0x3FB1] =	sst s3  }
0xc: {  	[smem:$0x3FB2] =	sst s4  }
0xd: {  	[smem:$0x3FB3] =	sst s5  }
0xe: {  	[smem:$0x3FB4] =	sst s6  }
0xf: {  	[smem:$0x3FB5] =	sst s7  }
0x10: {  	[smem:$0x3FB6] =	sst s8  }
0x11: {  	[smem:$0x3FB7] =	sst s9;
	s0 =	simm.s32 @!p0 $0x0  }
0x12: {  	s1 =	sld [smem:$0x3F9D];
	s0 =	simm.s32 @p0 $0x1  }
0x13: {  	[smem:$0x3FB8] =	sst s0;
	s0 =	simm.s32 @!p1 $0x0  }
0x14: {  	s2 =	sld [smem:$0x3F9C];
	s0 =	simm.s32 @p1 $0x1  }
0x15: {  	[smem:$0x3FB9] =	sst s0;
	s0 =	simm.s32 @!p2 $0x0  }
0x16: {  	s3 =	sld [smem:$0x3FDB];
	s0 =	simm.s32 @p2 $0x1  }
0x17: {  	s4 =	simm.s32 $0x1BF5;
	[smem:$0x3FBB] =	sst s0  }
0x18: {  	s0 =	sld [smem:$0x3F9E];
	_ =	swait.ge [sflag:s4], $0x0  }
0x19: {  	s7 =	sld [smem:$0x3F9F]  }
0x1a: {  	s8 =	sadd.s32 $0xFFFFE003, lr  }
0x1b: {  	s9 =	sadd.s32 $0xFFFFFEF7, lr;
	s5 =	simm.s32 $0xFFFFFFFF;
	p2 =	slt.u32 s8, $0xFFFFF086  }
0x1c: {  	p1 =	slt.u32 s9, $0xF7A;
	s5 =	simm.s32 @!p2 $0x0  }
0x1d: {  	s5 =	simm.s32 @p1 $0x1;
	p0 =	seq.s32 s7, s2  }
0x1e: {  	s7 =	smul.u32 @!p0 $0xF7A, s2;
	p2 =	seq.s32 @!p0 s5, $0x0  }
0x1f: {  	s9 =	smul.u32 $0xF7A, s1;
	s8 =	simm.s32 @!p0 $0x1BF5;
	p2 =	por !p2, p0  }
0x20: {  	[sflag:s8] =	ssyncset.s32 @!p0 $0xFFFFF086;
	s6 =	sadd.s32 @!p0 s3, s7;
	s7 =	simm.s32 @!p0 $0x108  }
0x21: {  	s3 =	sadd.s32 s3, s9;
	s6 =	sadd.s32 @!p0 $0x88, s6;
	s7 =	simm.s32 @p2 $0x1082  }
0x22: {  	[simem:s7], [sflag:s8] =	dma.local @!p0 [hbm:s6], $0xF7A  }
0x23: {  	s9 =	sor.u32 $0xD0000000, s2;
	s6 =	simm.s32 $0x108;
	_ =	swait.ge @!p0 [sflag:s8], $0x0  }
0x24: {  	s3 =	sadd.s32 $0x88, s3;
	s6 =	simm.s32 @!p1 $0x1082;
	[sflag:s4] =	ssyncset.s32 $0xFFFFF086  }
0x25: {  	[simem:s6], [sflag:s4] =	dma.local [hbm:s3], $0xF7A  }
0x26: {  	[smem:$0x3F9F] =	sst s1;
	(tag) =	ssettag s2;
	_ =	strace s9  }
0x27: {  	s1 =	sld [smem:$0x3FAF]  }
0x28: {  	s2 =	sld [smem:$0x3FB0]  }
0x29: {  	s4 =	sld [smem:$0x3FB2]  }
0x2a: {  	p0 =	seq.s32 s5, $0x0;
	s5 =	sld [smem:$0x3FB3]  }
0x2b: {  	s6 =	sld [smem:$0x3FB4]  }
0x2c: {  	s7 =	sld [smem:$0x3FB5]  }
0x2d: {  	s3 =	simm.s32 $0x108;
	s8 =	sld [smem:$0x3FB6]  }
0x2e: {  	s3 =	simm.s32 @!p0 $0x1082;
	s9 =	sld [smem:$0x3FB7]  }
0x2f: {  	lr =	sadd.s32 s0, s3;
	s0 =	sld [smem:$0x3FAE]  }
0x30: {  	s3 =	sld [smem:$0x3FB1]  }
0x31: {  	[smem:$0x3FBA] =	sst s10  }
0x32: {  	s10 =	sld [smem:$0x3FB8];
	_ =	sdelay $0x3  }
0x33: {  	p0 =	seq.s32 s10, $0x1;
	s10 =	sld [smem:$0x3FBA];
	_ =	sdelay $0x3  }
0x34: {  	[smem:$0x3FBA] =	sst s10  }
0x35: {  	s10 =	sld [smem:$0x3FB9];
	_ =	sdelay $0x3  }
0x36: {  	p1 =	seq.s32 s10, $0x1;
	s10 =	sld [smem:$0x3FBA];
	_ =	sdelay $0x3  }
0x37: {  	[smem:$0x3FBA] =	sst s10  }
0x38: {  	s10 =	sld [smem:$0x3FBB]  }
0x39: {  	_ = 	snop;
	(pc) =	sbr.ind lr, $3  }
0x3a: {  	_ = 	snop  }
0x3b: {  	_ = 	snop  }
0x3c: {  	p2 =	seq.s32 s10, $0x1;
	s10 =	sld [smem:$0x3FBA]  }
0x3d: {  	_ =	shalt  }
0x3e: {  	_ =	shalt  }
0x3f: {  	_ =	shalt  }
0x40: {  	_ =	shalt  }
0x41: {  	_ =	shalt  }
0x42: {  	_ =	shalt  }
0x43: {  	_ =	shalt  }
0x44: {  	_ =	shalt  }
0x45: {  	_ =	shalt  }
0x46: {  	_ =	shalt  }
0x47: {  	_ =	shalt  }
0x48: {  	_ =	shalt  }
0x49: {  	_ =	shalt  }
0x4a: {  	_ =	shalt  }
0x4b: {  	_ =	shalt  }
0x4c: {  	_ =	shalt  }
0x4d: {  	_ =	shalt  }
0x4e: {  	_ =	shalt  }
0x4f: {  	_ =	shalt  }
0x50: {  	_ =	shalt  }
0x51: {  	_ =	shalt  }
0x52: {  	_ =	shalt  }
0x53: {  	_ =	shalt  }
0x54: {  	_ =	shalt  }
0x55: {  	_ =	shalt  }
0x56: {  	_ =	shalt  }
0x57: {  	_ =	shalt  }
0x58: {  	_ =	shalt  }
0x59: {  	_ =	shalt  }
0x5a: {  	_ =	shalt  }
0x5b: {  	_ =	shalt  }
0x5c: {  	_ =	shalt  }
0x5d: {  	_ =	shalt  }
0x5e: {  	_ =	shalt  }
0x5f: {  	_ =	shalt  }
0x60: {  	_ =	shalt  }
0x61: {  	_ =	shalt  }
0x62: {  	_ =	shalt  }
0x63: {  	_ =	shalt  }
0x64: {  	_ =	shalt  }
0x65: {  	_ =	shalt  }
0x66: {  	_ =	shalt  }
0x67: {  	_ =	shalt  }
0x68: {  	_ =	shalt  }
0x69: {  	_ =	shalt  }
0x6a: {  	_ =	shalt  }
0x6b: {  	_ =	shalt  }
0x6c: {  	_ =	shalt  }
0x6d: {  	_ =	shalt  }
0x6e: {  	_ =	shalt  }
0x6f: {  	_ =	shalt  }
0x70: {  	_ =	shalt  }
0x71: {  	_ =	shalt  }
0x72: {  	_ =	shalt  }
0x73: {  	_ =	shalt  }
0x74: {  	_ =	shalt  }
0x75: {  	_ =	shalt  }
0x76: {  	_ =	shalt  }
0x77: {  	_ =	shalt  }
0x78: {  	_ =	shalt  }
0x79: {  	_ =	shalt  }
0x7a: {  	_ =	shalt  }
0x7b: {  	_ =	shalt  }
0x7c: {  	_ =	shalt  }
0x7d: {  	_ =	shalt  }
0x7e: {  	_ =	shalt  }
0x7f: {  	_ =	shalt  }
0x80: {  	_ =	shalt  }
0x81: {  	_ =	shalt  }
0x82: {  	_ =	shalt  }
0x83: {  	_ =	shalt  }
0x84: {  	_ =	shalt  }
0x85: {  	_ =	shalt  }
0x86: {  	_ =	shalt  }
0x87: {  	_ =	shalt  }
.Lfunc_end0:
.L_simem_size_0:
called_computation_lowered:
.L_overlay_start_0:
0x88: {  	s2 =	sld [smem:$0x3FD9]  }
0x89: {  	s3 =	sld [smem:$0x3FFE];
	_ =	sdelay $0x1  }
0x8a: {  	s1 =	srdreg.scid  }
0x8b: {  	s0 =	sand.u32 $0x1, s1  }
0x8c: {  	s17 =	sshll.u32 s0, $0xA;
	s2 =	sadd.s32 s3, s2  }
0x8d: {  	s2 =	sadd.s32 s2, s17  }
0x8e: {  	[smem:$0x3FC6] =	sst s2  }
0x8f: {  	_ = 	snop  }
0x90: {  	s2 =	sld [smem:$0x3FC8];
	(tm) =	ssettm $0x1  }
0x91: {  	s18 =	sld [smem:$0x3FFB];
	_ =	sdelay $0x3  }
0x92: {  	_ =	strace s18  }
0x93: {  	s3 =	sld [smem:$0x3FFC];
	_ =	sdelay $0x3  }
0x94: {  	_ =	strace s3  }
0x95: {  	s3 =	sld [smem:$0x3FFD];
	_ =	sdelay $0x3  }
0x96: {  	_ =	strace s3  }
0x97: {  	_ =	strace $0x8FFFFFFF  }
0x98: {  	s19 =	sld [smem:$0x3FDB];
	_ =	sdelay $0x1  }
0x99: {  	s4 =	simm.s32 $_scs_section_size  }
0x9a: {  	s5 =	simm.s32 $_size__tile_overlayer_lowered;
	s6 =	simm.s32 $_tile_overlayer_lowered  }
0x9b: {  	s22 =	simm.s32 $0x1BFF;
	s21 =	sshll.u32 s6, $0x1;
	s3 =	sadd.s32 s4, s19  }
0x9c: {  	s7 =	simm.s32 $0x0;
	s20 =	sshll.u32 s5, $0x1;
	s5 =	sadd.s32 s21, s3  }
0x9d: {  	[timem:s7], [sflag:s22] =	dma.local [hbm:s5], s20  }
0x9e: {  	_ =	swait.ge [sflag:s22], s20  }
0x9f: {  	s4 =	ssub.s32 $0x0, s20;
	[sflag:s22] =	ssyncset.done $0x0  }
0xa0: {  	[sflag:s22] =	ssyncadd.s32 s4;
	_ =	sdelay $0x1  }
0xa1: {  	s23 =	simm.s32 $0x1B8B  }
0xa2: {  	_ =	swait.ge [sflag:s23], $0x1  }
0xa3: {  	[sflag:s23] =	ssyncset.done $0x0  }
0xa4: {  	s25 =	simm.s32 $0x1B8E;
	s24 =	sld [smem:$0x3FFE];
	[sflag:s23] =	ssyncadd.s32 $0xFFFFFFFF  }
0xa5: {  	s26 =	simm.s32 $execute0_lowered;
	[smem:$0x3FD2] =	sst s25  }
0xa6: {  	s5 =	sshll.u32 s26, $0x1;
	_ =	strace $0x80000046;
	[dreg:$0x1] =	wrdreg $0xFFFFFFFF  }
0xa7: {  	s28 =	simm.s32 $_size_execute0_lowered;
	s3 =	sadd.s32 s3, s5;
	[dreg:$0x0] =	wrdreg $0x0  }
0xa8: {  	s5 =	sshll.u32 s28, $0x1;
	[dreg:$0x2] =	wrdreg s3  }
0xa9: {  	[dreg:$0x3] =	wrdreg s5  }
0xaa: {  	[dreg:$0x4] =	wrdreg $0xC0  }
0xab: {  	_ =	task [dreg:s7], $0x5FFFF  }
0xac: {  	[dreg:$0x1] =	wrdreg $0xFFFFFFFF  }
0xad: {  	[dreg:$0x0] =	wrdreg $0x60  }
0xae: {  	[dreg:$0x2] =	wrdreg s2  }
0xaf: {  	[dreg:$0x3] =	wrdreg s24  }
0xb0: {  	[dreg:$0x4] =	wrdreg $0x9  }
0xb1: {  	_ =	task.clear_ibuf [dreg:s7], $0x5FFFF;
	_ =	strace $0x90000046  }
0xb2: {  	s29 =	simm.s32 $0x9;
	_ =	strace $0x80000048  }
0xb3: {  	_ =	swait.ge [sflag:s29], $0x1  }
0xb4: {  	[sflag:s29] =	ssyncadd.s32 $0xFFFFFFFF  }
0xb5: {  	_ =	strace $0x90000048  }
0xb6: {  	_ =	sfence  }
0xb7: {  	s30 =	sld [smem:$0x0];
	_ =	sdelay $0x2  }
0xb8: {  	s31 =	sshll.u32 s1, $0xD;
	s1 =	sshrl.u32 s1, $0x2  }
0xb9: {  	s3 =	sand.u32 $0x4000, s31;
	s1 =	sadd.s32 s1, s30  }
0xba: {  	s0 =	sor.u32 s3, s0;
	s1 =	sshll.u32 s1, $0x11  }
0xbb: {  	s0 =	sor.u32 s1, s0  }
0xbc: {  	s0 =	sadd.s32 $0x8F2B, s0  }
0xbd: {  	[sflag:s0] =	ssyncadd.remote.s32 $0x1  }
0xbe: {  	_ =	sfence.sel $0xFFFF  }
0xbf: {  	[dreg:$0x0] =	wrdreg $0xFFFFFFFF;
	(pc) =	sbr.abs _section_cstart, $3  }
0xc0: {  	[dreg:$0x1] =	wrdreg $0xFFFFFFFF  }
0xc1: {  	_ =	task.clear_ibuf [dreg:s7], $0x2FFFF;
	_ =	strace $0x9FFFFFFF  }
0xc2: {  	(tm) =	ssettm $0x7FFFFFFF  }
0xc3: {  	_ =	shalt  }
tec
execute0_lowered:
.L_overlay_start_1:
0x0: {  	(tag) =	ssettag $0x1  }
0x1: {  	s0 =	rddreg [dreg:$0x0]  }
0x2: {  	s1 =	rddreg [dreg:$0x1]  }
0x3: {  	s3 =	srdreg.scid;
	s10 =	stileid.u32;
	s2 =	simm.s32 $0x0  }
0x4: {  	s28 =	simm.s32 $0x6;
	s29 =	simm.s32 $0xA000;
	s30 =	simm.s32 $0x3  }
0x5: {  	s31 =	simm.s32 $0x7;
	s14 =	simm.s32 $0x8;
	s15 =	simm.s32 $0xE000  }
0x6: {  	s3 =	sand.u32 $0x1, s3;
	s4 =	sshll.u32 s10, $0x1;
	[smem:$0x7FF] =	sst s2  }
0x7: {  	s25 =	sadd.s32 $0x7A1A00, s1;
	p1 =	sgt.u32 s10, $0x1;
	s5 =	ssub.s32 $0x2, s3  }
0x8: {  	s4 =	sor.u32 s3, s4;
	_ =	strace $0x80000047;
	s3 =	sadd.s32 $0xA00, s1  }
0x9: {  	[dreg:$0xc] =	wrdreg s25;
	s25 =	simm.s32 $0x8000;
	s1 =	simm.s32 $0x4  }
0xa: {  	s6 =	sshrl.u32 s5, $0x1;
	s7 =	sshll.u32 s4, $0x7;
	s23 =	sor.u32 $0x1E80, s4  }
0xb: {  	p0 =	sne.s32 s4, $0x1F;
	s6 =	ssub.s32 s5, s6;
	s8 =	sadd.s32 s0, s7  }
0xc: {  	s5 =	sshll.u32 s4, $0xA;
	s7 =	sadd.s32 $0x1000, s8;
	[dreg:$0x3] =	wrdreg s8  }
0xd: {  	s24 =	sshll.u32 s23, $0x7;
	s19 =	sadd.s32 $0x2000, s8;
	[dreg:$0x4] =	wrdreg s7  }
0xe: {  	s20 =	sadd.s32 $0x3000, s8;
	s9 =	sadd.s32 s3, s5;
	[dreg:$0x5] =	wrdreg s19  }
0xf: {  	s21 =	sadd.s32 $0x4000, s8;
	s22 =	sadd.s32 $0x5000, s8;
	[dreg:$0x6] =	wrdreg s20  }
0x10: {  	s12 =	sadd.s32 $0x6000, s8;
	s13 =	sadd.s32 $0x7000, s8;
	[dreg:$0x7] =	wrdreg s21  }
0x11: {  	s8 =	sadd.s32 s0, s24;
	s0 =	sadd.s32 $0xF4200, s0;
	[dreg:$0x8] =	wrdreg s22  }
0x12: {  	s26 =	smax.u32 s6, $0x1;
	s24 =	simm.s32 $0x1;
	[dreg:$0x9] =	wrdreg s8  }
.Ltmp0:
0x13: {  	s6 =	simm.s32 $0x10000;
	[dreg:$0xb] =	wrdreg s0;
	(pc) =	sbr.rel .LBB2_1-.Ltmp0, $4  }
0x14: {  	s7 =	sshll.u32 s23, $0xA;
	[dreg:$0xd] =	wrdreg s26;
	s19 =	simm.s32 $0x400  }
0x15: {  	s20 =	simm.s32 $0x7A1400;
	s21 =	simm.s32 $0x2000;
	s22 =	simm.s32 $0x4000  }
0x16: {  	s23 =	simm.s32 $0x6000;
	s26 =	simm.s32 $0x2;
	s7 =	sadd.s32 s3, s7  }
0x17: {  	v0 =	vlaneseq.u32;
	s0 =	simm.s32 $0xC000;
	[dreg:$0xa] =	wrdreg s7;
	s7 =	simm.s32 $0x0  }
.LBB2_80:
0x18: {  	s7 =	sadd.s32 $0x1, s7;
	s4 =	rddreg [dreg:$0xd]  }
0x19: {  	p2 =	sne.s32 s7, s4  }
.Ltmp1:
0x1a: {  	_ = 	snop;
	(pc) =	sbr.rel @!p2 .LBB2_81-.Ltmp1, $1  }
0x1b: {  	_ =	sdelay $0x3  }
.LBB2_1:
0x1c: {  	[dreg:$0xe] =	wrdreg s7  }
0x1d: {  	s4 =	rddreg [dreg:$0x3]  }
0x1e: {  	[tilespmem:s2], [sflag:$0x1] =	stream.strided.gather [hbm4b:s4+s19], $0x2000, s20, s19, $0x38;
	[tilespmem:$0x12000] =	vst v63  }
0x1f: {  	s16 =	rddreg [dreg:$0x4]  }
0x20: {  	[tilespmem:s21], [sflag:$0x2] =	stream.strided.gather [hbm4b:s16+s19], $0x2000, s20, s19, $0x38;
	[tilespmem:$0x12000] =	vst v63  }
0x21: {  	s17 =	rddreg [dreg:$0x5]  }
0x22: {  	[tilespmem:s22], [sflag:$0x3] =	stream.strided.gather [hbm4b:s17+s19], $0x2000, s20, s19, $0x38;
	[tilespmem:$0x12000] =	vst v63  }
0x23: {  	s18 =	rddreg [dreg:$0x6];
	s8 =	simm.s32 $0x0  }
0x24: {  	[tilespmem:s23], [sflag:$0x4] =	stream.strided.gather [hbm4b:s18+s19], $0x2000, s20, s19, $0x38;
	[tilespmem:$0x12000] =	vst v63  }
.LBB2_2:
0x25: {  	_ =	swait.ge [sflag:s24], $0x2000  }
0x26: {  	p2 =	seq.s32 s8, $0x0;
	[sflag:s24] =	ssyncset.done $0x0  }
0x27: {  	s4 =	simm.s32 @!p2 $0x5;
	[sflag:s24] =	ssyncadd.s32 $0xFFFFE000  }
0x28: {  	_ =	swait.ge @!p2 [sflag:s4], $0x2000  }
0x29: {  	s18 =	sshll.u32 s8, $0xE;
	[sflag:s4] =	ssyncset.done @!p2 $0x0  }
0x2a: {  	s16 =	simm.s32 $0x0;
	[sflag:s4] =	ssyncadd.s32 @!p2 $0xFFFFE000;
	s4 =	simm.s32 $0x0  }
.LBB2_3:
0x2b: {  	s7 =	sshll.u32 s16, $0x4;
	v3 =	vadd.s32 s4, v0;
	s10 =	simm.s32 $0x3  }
0x2c: {  	s11 =	simm.s32 $0x2;
	v1 =	vor.u32 s7, v0;
	v8 =	vand.u32 $0xF, v3;
	v3 =	vadd.s32 s10, v0  }
0x2d: {  	v4 =	vshll.u32 v8, $0x7;
	v14 =	vand.u32 $0xF, v3;
	v3 =	vadd.s32 s11, v0  }
0x2e: {  	s17 =	simm.s32 $0x1;
	v7 =	vadd.s32 v1, v4;
	v4 =	vshll.u32 v14, $0x7;
	v3 =	vand.u32 $0xF, v3  }
0x2f: {  	v5 =	vadd.s32 s17, v0;
	v10 =	vadd.s32 v1, v4;
	v4 =	vshll.u32 v3, $0x7  }
0x30: {  	v13 =	vadd.s32 v1, v4;
	v4 =	vand.u32 $0xF, v5  }
0x31: {  	s10 =	simm.s32 $0x4;
	v9 =	vshll.u32 v4, $0x7  }
0x32: {  	v5 =	vadd.s32 s10, v0;
	s10 =	simm.s32 $0x7;
	v12 =	vadd.s32 v1, v9  }
0x33: {  	v6 =	vand.u32 $0xF, v5;
	v5 =	vadd.s32 s10, v0  }
0x34: {  	v2 =	vshll.u32 v1, $0x6;
	v11 =	vshll.u32 v6, $0x7;
	v5 =	vand.u32 $0xF, v5;
	v7 =	vld.idx.msk [tilespmem:v7+s2+$0x0], $0xffff  }
0x35: {  	s11 =	simm.s32 $0x6;
	v9 =	vor.u32 v2, v8;
	v8 =	vadd.s32 v1, v11;
	v11 =	vshll.u32 v5, $0x7;
	v10 =	vld.idx.msk [tilespmem:v10+s2+$0x0], $0xffff  }
0x36: {  	s17 =	simm.s32 $0x5;
	s7 =	simm.s32 $0x8;
	v15 =	vadd.s32 s11, v0;
	v14 =	vor.u32 v2, v14;
	v11 =	vadd.s32 v1, v11;
	v13 =	vld.idx.msk [tilespmem:v13+s2+$0x0], $0xffff  }
.LBB2_4:
0x37: {  	p3 =	slt.u32 s7, $0xC;
	v16 =	vadd.s32 s17, v0;
	v17 =	vld.idx.msk [tilespmem:v12+s2+$0x0], $0xffff;
	v18 =	vor.u32 v2, v3;
	v3 =	vand.u32 $0xF, v15  }
0x38: {  	v15 =	vor.u32 v2, v4;
	v12 =	vshll.u32 v3, $0x7;
	v4 =	vand.u32 $0xF, v16  }
0x39: {  	v16 =	vshll.u32 v4, $0x7;
	v19 =	vadd.s32 v1, v12  }
.Ltmp2:
0x3a: {  	v20 =	vadd.s32 s7, v0;
	s10 =	sadd.s32 $0x3, s7;
	v12 =	vadd.s32 v1, v16;
	[tilespmem:v9+s25+$0x0] =	vst.idx.msk $0xffff, v7;
	(pc) =	sbr.rel @p3 .LBB2_4-.Ltmp2, $4  }
0x3b: {  	v16 =	vand.u32 $0xF, v20;
	v7 =	vadd.s32 s10, v0;
	[tilespmem:v14+s25+$0x0] =	vst.idx.msk $0xffff, v10  }
0x3c: {  	v9 =	vor.u32 v2, v6;
	v10 =	vshll.u32 v16, $0x7;
	v20 =	vand.u32 $0xF, v7;
	v7 =	vld.idx.msk [tilespmem:v8+s2+$0x0], $0xffff;
	[tilespmem:v18+s25+$0x0] =	vst.idx.msk $0xffff, v13  }
0x3d: {  	s10 =	sadd.s32 $0x2, s7;
	v6 =	vmov v16;
	v8 =	vadd.s32 v1, v10;
	v13 =	vshll.u32 v20, $0x7;
	v10 =	vld.idx.msk [tilespmem:v11+s2+$0x0], $0xffff;
	[tilespmem:v15+s25+$0x0] =	vst.idx.msk $0xffff, v17  }
0x3e: {  	s17 =	sadd.s32 $0x1, s7;
	s7 =	sadd.s32 $0x4, s7;
	v14 =	vor.u32 v2, v5;
	v5 =	vmovc v20;
	v15 =	vadd.s32 s10, v0;
	v11 =	vadd.s32 v1, v13;
	v13 =	vld.idx.msk [tilespmem:v19+s2+$0x0], $0xffff  }
0x3f: {  	v15 =	vand.u32 $0xF, v15  }
0x40: {  	v17 =	vshll.u32 v15, $0x7  }
0x41: {  	v17 =	vadd.s32 v1, v17  }
0x42: {  	v16 =	vadd.s32 s17, v0  }
0x43: {  	v16 =	vand.u32 $0xF, v16  }
0x44: {  	v3 =	vor.u32 v2, v3;
	v18 =	vshll.u32 v16, $0x7  }
0x45: {  	v12 =	vld.idx.msk [tilespmem:v12+s2+$0x0], $0xffff;
	v4 =	vor.u32 v2, v4;
	[tilespmem:v9+s25+$0x0] =	vst.idx.msk $0xffff, v7;
	v18 =	vadd.s32 v1, v18  }
0x46: {  	[tilespmem:v14+s25+$0x0] =	vst.idx.msk $0xffff, v10;
	v10 =	vor.u32 v2, v15;
	v9 =	vld.idx.msk [tilespmem:v17+s2+$0x0], $0xffff  }
0x47: {  	v8 =	vld.idx.msk [tilespmem:v8+s2+$0x0], $0xffff;
	v6 =	vor.u32 v2, v6  }
0x48: {  	v5 =	vor.u32 v2, v5;
	v7 =	vld.idx.msk [tilespmem:v11+s2+$0x0], $0xffff  }
0x49: {  	[tilespmem:v3+s25+$0x0] =	vst.idx.msk $0xffff, v13  }
0x4a: {  	s7 =	simm.s32 $0x0;
	v11 =	vor.u32 v2, v16;
	[tilespmem:v4+s25+$0x0] =	vst.idx.msk $0xffff, v12;
	v3 =	vld.idx.msk [tilespmem:v18+s2+$0x0], $0xffff  }
0x4b: {  	s10 =	simm.s32 $0x3;
	[tilespmem:v10+s25+$0x0] =	vst.idx.msk $0xffff, v9;
	v9 =	vadd.s32 s7, v0  }
0x4c: {  	s11 =	simm.s32 $0x2;
	v15 =	vadd.s32 s10, v0;
	[tilespmem:v6+s25+$0x0] =	vst.idx.msk $0xffff, v8;
	v4 =	vshll.u32 v9, $0x7  }
0x4d: {  	v6 =	vshll.u32 v15, $0x7;
	[tilespmem:v5+s25+$0x0] =	vst.idx.msk $0xffff, v7;
	v5 =	vor.u32 $0x800, v4;
	v4 =	vadd.s32 s11, v0  }
0x4e: {  	s17 =	simm.s32 $0x1;
	v8 =	vadd.s32 v1, v5;
	v5 =	vor.u32 $0x800, v6;
	v6 =	vshll.u32 v4, $0x7  }
0x4f: {  	[tilespmem:v11+s25+$0x0] =	vst.idx.msk $0xffff, v3;
	v11 =	vadd.s32 v1, v5;
	v6 =	vor.u32 $0x800, v6;
	v5 =	vadd.s32 s17, v0  }
0x50: {  	v14 =	vadd.s32 v1, v6;
	v6 =	vshll.u32 v5, $0x7  }
0x51: {  	s10 =	simm.s32 $0x4;
	v10 =	vor.u32 $0x800, v6  }
0x52: {  	v7 =	vadd.s32 s10, v0;
	s10 =	simm.s32 $0x7;
	v13 =	vadd.s32 v1, v10  }
0x53: {  	v12 =	vshll.u32 v7, $0x7;
	v6 =	vadd.s32 s10, v0  }
0x54: {  	v12 =	vor.u32 $0x800, v12;
	v3 =	vor.u32 $0x10, v2;
	v16 =	vshll.u32 v6, $0x7;
	v8 =	vld.idx.msk [tilespmem:v8+s2+$0x0], $0xffff  }
0x55: {  	s11 =	simm.s32 $0x6;
	v10 =	vor.u32 v3, v9;
	v9 =	vadd.s32 v1, v12;
	v12 =	vor.u32 $0x800, v16;
	v11 =	vld.idx.msk [tilespmem:v11+s2+$0x0], $0xffff  }
0x56: {  	s7 =	simm.s32 $0x8;
	v15 =	vor.u32 v3, v15;
	s17 =	simm.s32 $0x5;
	v16 =	vadd.s32 s11, v0;
	v12 =	vadd.s32 v1, v12;
	v14 =	vld.idx.msk [tilespmem:v14+s2+$0x0], $0xffff  }
.LBB2_6:
0x57: {  	p3 =	slt.u32 s7, $0xC;
	v17 =	vadd.s32 s17, v0;
	v18 =	vshll.u32 v16, $0x7;
	v19 =	vld.idx.msk [tilespmem:v13+s2+$0x0], $0xffff;
	v20 =	vor.u32 v3, v4;
	v4 =	vmovc v16  }
0x58: {  	v13 =	vshll.u32 v17, $0x7;
	v16 =	vor.u32 $0x800, v18;
	v18 =	vor.u32 v3, v5;
	v5 =	vmovc v17  }
0x59: {  	v13 =	vor.u32 $0x800, v13;
	v17 =	vadd.s32 v1, v16  }
.Ltmp3:
0x5a: {  	s10 =	sadd.s32 $0x3, s7;
	v16 =	vadd.s32 s7, v0;
	v13 =	vadd.s32 v1, v13;
	[tilespmem:v10+s25+$0x0] =	vst.idx.msk $0xffff, v8;
	(pc) =	sbr.rel @p3 .LBB2_6-.Ltmp3, $4  }
0x5b: {  	v21 =	vadd.s32 s10, v0;
	v8 =	vshll.u32 v16, $0x7;
	[tilespmem:v15+s25+$0x0] =	vst.idx.msk $0xffff, v11  }
0x5c: {  	v10 =	vor.u32 v3, v7;
	v11 =	vor.u32 $0x800, v8;
	v15 =	vshll.u32 v21, $0x7;
	v8 =	vld.idx.msk [tilespmem:v9+s2+$0x0], $0xffff;
	[tilespmem:v20+s25+$0x0] =	vst.idx.msk $0xffff, v14  }
0x5d: {  	s10 =	sadd.s32 $0x2, s7;
	v7 =	vmov v16;
	v9 =	vadd.s32 v1, v11;
	v14 =	vor.u32 $0x800, v15;
	v11 =	vld.idx.msk [tilespmem:v12+s2+$0x0], $0xffff;
	[tilespmem:v18+s25+$0x0] =	vst.idx.msk $0xffff, v19  }
0x5e: {  	s17 =	sadd.s32 $0x1, s7;
	s7 =	sadd.s32 $0x4, s7;
	v16 =	vadd.s32 s10, v0;
	v15 =	vor.u32 v3, v6;
	v6 =	vmovc v21;
	v12 =	vadd.s32 v1, v14;
	v14 =	vld.idx.msk [tilespmem:v17+s2+$0x0], $0xffff  }
0x5f: {  	v17 =	vadd.s32 s17, v0  }
0x60: {  	v19 =	vshll.u32 v17, $0x7  }
0x61: {  	v18 =	vshll.u32 v16, $0x7;
	v19 =	vor.u32 $0x800, v19  }
0x62: {  	v4 =	vor.u32 v3, v4;
	v18 =	vor.u32 $0x800, v18;
	v19 =	vadd.s32 v1, v19  }
0x63: {  	v18 =	vadd.s32 v1, v18;
	_ =	sdelay $0x1  }
0x64: {  	v5 =	vor.u32 v3, v5  }
0x65: {  	v13 =	vld.idx.msk [tilespmem:v13+s2+$0x0], $0xffff;
	v7 =	vor.u32 v3, v7;
	v6 =	vor.u32 v3, v6;
	[tilespmem:v15+s25+$0x0] =	vst.idx.msk $0xffff, v11  }
0x66: {  	v11 =	vor.u32 v3, v16;
	v3 =	vor.u32 v3, v17;
	[tilespmem:v4+s25+$0x0] =	vst.idx.msk $0xffff, v14;
	v4 =	vld.idx.msk [tilespmem:v19+s2+$0x0], $0xffff  }
0x67: {  	[tilespmem:v10+s25+$0x0] =	vst.idx.msk $0xffff, v8;
	v10 =	vld.idx.msk [tilespmem:v18+s2+$0x0], $0xffff  }
0x68: {  	v9 =	vld.idx.msk [tilespmem:v9+s2+$0x0], $0xffff  }
0x69: {  	v8 =	vld.idx.msk [tilespmem:v12+s2+$0x0], $0xffff  }
0x6a: {  	s7 =	simm.s32 $0x0;
	[tilespmem:v5+s25+$0x0] =	vst.idx.msk $0xffff, v13  }
0x6b: {  	s10 =	simm.s32 $0x3;
	[tilespmem:v3+s25+$0x0] =	vst.idx.msk $0xffff, v4;
	v4 =	vadd.s32 s7, v0  }
0x6c: {  	s17 =	simm.s32 $0x1;
	[tilespmem:v11+s25+$0x0] =	vst.idx.msk $0xffff, v10;
	v10 =	vand.u32 $0xF, v4;
	v4 =	vadd.s32 s10, v0  }
0x6d: {  	s11 =	simm.s32 $0x2;
	[tilespmem:v7+s25+$0x0] =	vst.idx.msk $0xffff, v9;
	v7 =	vadd.s32 s17, v0;
	v5 =	vshll.u32 v10, $0x7;
	v14 =	vand.u32 $0xF, v4  }
0x6e: {  	[tilespmem:v6+s25+$0x0] =	vst.idx.msk $0xffff, v8;
	v4 =	vadd.s32 s11, v0;
	v5 =	vadd.s32 v5, v1;
	v6 =	vshll.u32 v14, $0x7  }
0x6f: {  	v4 =	vand.u32 $0xF, v4;
	v8 =	vadd.s32 $0x1000, v5;
	v5 =	vadd.s32 v6, v1  }
0x70: {  	s10 =	simm.s32 $0x4;
	v6 =	vshll.u32 v4, $0x7;
	v12 =	vadd.s32 $0x1000, v5;
	v5 =	vand.u32 $0xF, v7  }
0x71: {  	v6 =	vadd.s32 v6, v1;
	v7 =	vadd.s32 s10, v0;
	v9 =	vshll.u32 v5, $0x7  }
0x72: {  	v17 =	vadd.s32 $0x1000, v6;
	v6 =	vand.u32 $0xF, v7;
	v7 =	vadd.s32 v9, v1  }
0x73: {  	s11 =	simm.s32 $0x7;
	v11 =	vadd.s32 $0x1000, v7  }
0x74: {  	v13 =	vadd.s32 s11, v0;
	v9 =	vshll.u32 v6, $0x7  }
0x75: {  	v3 =	vor.u32 $0x20, v2;
	v15 =	vadd.s32 v9, v1;
	v7 =	vand.u32 $0xF, v13;
	v9 =	vld.idx.msk [tilespmem:v8+s2+$0x0], $0xffff  }
0x76: {  	s17 =	simm.s32 $0x6;
	v13 =	vor.u32 v3, v10;
	v8 =	vadd.s32 $0x1000, v15;
	v15 =	vshll.u32 v7, $0x7;
	v10 =	vld.idx.msk [tilespmem:v12+s2+$0x0], $0xffff  }
0x77: {  	v16 =	vadd.s32 s17, v0;
	s17 =	simm.s32 $0x8;
	s7 =	simm.s32 $0x5;
	v14 =	vor.u32 v3, v14;
	v15 =	vadd.s32 v15, v1;
	v12 =	vld.idx.msk [tilespmem:v17+s2+$0x0], $0xffff  }
.LBB2_8:
0x78: {  	p3 =	slt.u32 s17, $0xC;
	v17 =	vadd.s32 s7, v0;
	v18 =	vld.idx.msk [tilespmem:v11+s2+$0x0], $0xffff;
	v19 =	vor.u32 v3, v4;
	v4 =	vand.u32 $0xF, v16  }
0x79: {  	v16 =	vor.u32 v3, v5;
	v11 =	vshll.u32 v4, $0x7;
	v5 =	vand.u32 $0xF, v17  }
0x7a: {  	v15 =	vadd.s32 $0x1000, v15;
	v17 =	vshll.u32 v5, $0x7;
	v11 =	vadd.s32 v11, v1  }
0x7b: {  	v20 =	vadd.s32 s17, v0;
	v17 =	vadd.s32 v17, v1;
	v21 =	vadd.s32 $0x1000, v11;
	[tilespmem:v13+s25+$0x0] =	vst.idx.msk $0xffff, v9  }
.Ltmp4:
0x7c: {  	s7 =	sadd.s32 $0x3, s17;
	v20 =	vand.u32 $0xF, v20;
	v11 =	vadd.s32 $0x1000, v17;
	[tilespmem:v14+s25+$0x0] =	vst.idx.msk $0xffff, v10;
	(pc) =	sbr.rel @p3 .LBB2_8-.Ltmp4, $4  }
0x7d: {  	v9 =	vshll.u32 v20, $0x7;
	v10 =	vadd.s32 s7, v0;
	[tilespmem:v19+s25+$0x0] =	vst.idx.msk $0xffff, v12  }
0x7e: {  	v12 =	vadd.s32 v9, v1;
	v17 =	vand.u32 $0xF, v10;
	v9 =	vld.idx.msk [tilespmem:v8+s2+$0x0], $0xffff;
	[tilespmem:v16+s25+$0x0] =	vst.idx.msk $0xffff, v18  }
0x7f: {  	s10 =	sadd.s32 $0x2, s17;
	v13 =	vor.u32 v3, v6;
	v6 =	vmovc v20;
	v8 =	vadd.s32 $0x1000, v12;
	v12 =	vshll.u32 v17, $0x7;
	v10 =	vld.idx.msk [tilespmem:v15+s2+$0x0], $0xffff  }
0x80: {  	s7 =	sadd.s32 $0x1, s17;
	s17 =	sadd.s32 $0x4, s17;
	v14 =	vor.u32 v3, v7;
	v16 =	vadd.s32 s10, v0;
	v7 =	vmovc v17;
	v15 =	vadd.s32 v12, v1;
	v12 =	vld.idx.msk [tilespmem:v21+s2+$0x0], $0xffff  }
0x81: {  	v17 =	vadd.s32 s7, v0  }
0x82: {  	v17 =	vand.u32 $0xF, v17  }
0x83: {  	v19 =	vshll.u32 v17, $0x7  }
0x84: {  	v19 =	vadd.s32 v19, v1  }
0x85: {  	v16 =	vand.u32 $0xF, v16;
	v4 =	vor.u32 v3, v4;
	v19 =	vadd.s32 $0x1000, v19  }
0x86: {  	v18 =	vshll.u32 v16, $0x7  }
0x87: {  	v15 =	vadd.s32 $0x1000, v15;
	v18 =	vadd.s32 v18, v1  }
0x88: {  	v5 =	vor.u32 v3, v5;
	v18 =	vadd.s32 $0x1000, v18  }
0x89: {  	v8 =	vld.idx.msk [tilespmem:v8+s2+$0x0], $0xffff;
	v6 =	vor.u32 v3, v6;
	v7 =	vor.u32 v3, v7;
	[tilespmem:v13+s25+$0x0] =	vst.idx.msk $0xffff, v9  }
0x8a: {  	v13 =	vor.u32 v3, v16;
	v3 =	vor.u32 v3, v17;
	[tilespmem:v4+s25+$0x0] =	vst.idx.msk $0xffff, v12;
	v4 =	vld.idx.msk [tilespmem:v19+s2+$0x0], $0xffff  }
0x8b: {  	v11 =	vld.idx.msk [tilespmem:v11+s2+$0x0], $0xffff  }
0x8c: {  	v9 =	vld.idx.msk [tilespmem:v15+s2+$0x0], $0xffff  }
0x8d: {  	s17 =	simm.s32 $0x0;
	[tilespmem:v14+s25+$0x0] =	vst.idx.msk $0xffff, v10;
	v10 =	vld.idx.msk [tilespmem:v18+s2+$0x0], $0xffff  }
0x8e: {  	s10 =	simm.s32 $0x3;
	[tilespmem:v6+s25+$0x0] =	vst.idx.msk $0xffff, v8;
	v8 =	vadd.s32 s17, v0  }
0x8f: {  	s11 =	simm.s32 $0x2;
	v14 =	vadd.s32 s10, v0;
	[tilespmem:v3+s25+$0x0] =	vst.idx.msk $0xffff, v4;
	v3 =	vshll.u32 v8, $0x7  }
0x90: {  	[tilespmem:v5+s25+$0x0] =	vst.idx.msk $0xffff, v11;
	v5 =	vshll.u32 v14, $0x7;
	v4 =	vor.u32 $0x1800, v3;
	v3 =	vadd.s32 s11, v0  }
0x91: {  	s17 =	simm.s32 $0x1;
	[tilespmem:v7+s25+$0x0] =	vst.idx.msk $0xffff, v9;
	v7 =	vadd.s32 v1, v4;
	v4 =	vor.u32 $0x1800, v5;
	v5 =	vshll.u32 v3, $0x7  }
0x92: {  	[tilespmem:v13+s25+$0x0] =	vst.idx.msk $0xffff, v10;
	v10 =	vadd.s32 v1, v4;
	v5 =	vor.u32 $0x1800, v5;
	v4 =	vadd.s32 s17, v0  }
0x93: {  	v13 =	vadd.s32 v1, v5;
	v5 =	vshll.u32 v4, $0x7  }
0x94: {  	s10 =	simm.s32 $0x4;
	v9 =	vor.u32 $0x1800, v5  }
0x95: {  	v6 =	vadd.s32 s10, v0;
	s10 =	simm.s32 $0x7;
	v12 =	vadd.s32 v1, v9  }
0x96: {  	v11 =	vshll.u32 v6, $0x7;
	v5 =	vadd.s32 s10, v0  }
0x97: {  	v2 =	vor.u32 $0x30, v2;
	v11 =	vor.u32 $0x1800, v11;
	v15 =	vshll.u32 v5, $0x7;
	v7 =	vld.idx.msk [tilespmem:v7+s2+$0x0], $0xffff  }
0x98: {  	s11 =	simm.s32 $0x6;
	v9 =	vor.u32 v2, v8;
	v8 =	vadd.s32 v1, v11;
	v11 =	vor.u32 $0x1800, v15;
	v10 =	vld.idx.msk [tilespmem:v10+s2+$0x0], $0xffff  }
0x99: {  	s7 =	simm.s32 $0x8;
	v14 =	vor.u32 v2, v14;
	s17 =	simm.s32 $0x5;
	v15 =	vadd.s32 s11, v0;
	v11 =	vadd.s32 v1, v11;
	v13 =	vld.idx.msk [tilespmem:v13+s2+$0x0], $0xffff  }
.LBB2_10:
0x9a: {  	p3 =	slt.u32 s7, $0xC;
	v16 =	vadd.s32 s17, v0;
	v17 =	vshll.u32 v15, $0x7;
	v18 =	vld.idx.msk [tilespmem:v12+s2+$0x0], $0xffff;
	v19 =	vor.u32 v2, v3;
	v3 =	vmovc v15  }
0x9b: {  	v12 =	vshll.u32 v16, $0x7;
	v15 =	vor.u32 $0x1800, v17;
	v17 =	vor.u32 v2, v4;
	v4 =	vmovc v16  }
0x9c: {  	v12 =	vor.u32 $0x1800, v12;
	v16 =	vadd.s32 v1, v15  }
.Ltmp5:
0x9d: {  	s10 =	sadd.s32 $0x3, s7;
	v15 =	vadd.s32 s7, v0;
	v12 =	vadd.s32 v1, v12;
	[tilespmem:v9+s25+$0x0] =	vst.idx.msk $0xffff, v7;
	(pc) =	sbr.rel @p3 .LBB2_10-.Ltmp5, $4  }
0x9e: {  	v20 =	vadd.s32 s10, v0;
	v7 =	vshll.u32 v15, $0x7;
	[tilespmem:v14+s25+$0x0] =	vst.idx.msk $0xffff, v10  }
0x9f: {  	v9 =	vor.u32 v2, v6;
	v10 =	vor.u32 $0x1800, v7;
	v14 =	vshll.u32 v20, $0x7;
	v7 =	vld.idx.msk [tilespmem:v8+s2+$0x0], $0xffff;
	[tilespmem:v19+s25+$0x0] =	vst.idx.msk $0xffff, v13  }
0xa0: {  	s10 =	sadd.s32 $0x2, s7;
	v6 =	vmov v15;
	v8 =	vadd.s32 v1, v10;
	v13 =	vor.u32 $0x1800, v14;
	v10 =	vld.idx.msk [tilespmem:v11+s2+$0x0], $0xffff;
	[tilespmem:v17+s25+$0x0] =	vst.idx.msk $0xffff, v18  }
0xa1: {  	s17 =	sadd.s32 $0x1, s7;
	s7 =	sadd.s32 $0x4, s7;
	v15 =	vadd.s32 s10, v0;
	v14 =	vor.u32 v2, v5;
	v5 =	vmovc v20;
	v11 =	vadd.s32 v1, v13;
	v13 =	vld.idx.msk [tilespmem:v16+s2+$0x0], $0xffff  }
0xa2: {  	v16 =	vadd.s32 s17, v0;
	v17 =	vshll.u32 v15, $0x7  }
0xa3: {  	v18 =	vshll.u32 v16, $0x7;
	v17 =	vor.u32 $0x1800, v17  }
0xa4: {  	v18 =	vor.u32 $0x1800, v18;
	v17 =	vadd.s32 v1, v17  }
0xa5: {  	v3 =	vor.u32 v2, v3;
	v1 =	vadd.s32 v1, v18  }
0xa6: {  	v12 =	vld.idx.msk [tilespmem:v12+s2+$0x0], $0xffff;
	v4 =	vor.u32 v2, v4  }
0xa7: {  	v8 =	vld.idx.msk [tilespmem:v8+s2+$0x0], $0xffff;
	v6 =	vor.u32 v2, v6  }
0xa8: {  	v61 =	vld.idx.msk [tilespmem:v11+s2+$0x0], $0xffff;
	v5 =	vor.u32 v2, v5;
	[tilespmem:v9+s25+$0x0] =	vst.idx.msk $0xffff, v7  }
0xa9: {  	v63 =	vor.u32 v2, v15;
	s16 =	sadd.s32 $0x1, s16;
	[tilespmem:v14+s25+$0x0] =	vst.idx.msk $0xffff, v10;
	v62 =	vld.idx.msk [tilespmem:v17+s2+$0x0], $0xffff  }
0xaa: {  	v2 =	vor.u32 v2, v16;
	p3 =	sne.s32 s16, $0x8;
	[tilespmem:v3+s25+$0x0] =	vst.idx.msk $0xffff, v13;
	v1 =	vld.idx.msk [tilespmem:v1+s2+$0x0], $0xffff  }
.Ltmp6:
0xab: {  	[tilespmem:v4+s25+$0x0] =	vst.idx.msk $0xffff, v12;
	(pc) =	sbr.rel @p3 .LBB2_3-.Ltmp6, $4  }
0xac: {  	[tilespmem:v6+s25+$0x0] =	vst.idx.msk $0xffff, v8  }
0xad: {  	[tilespmem:v5+s25+$0x0] =	vst.idx.msk $0xffff, v61  }
0xae: {  	[tilespmem:v63+s25+$0x0] =	vst.idx.msk $0xffff, v62  }
0xaf: {  	[tilespmem:v2+s25+$0x0] =	vst.idx.msk $0xffff, v1  }
0xb0: {  	p3 =	sne.s32 s8, $0x3C  }
.Ltmp7:
0xb1: {  	_ = 	snop;
	(pc) =	sbr.rel @p3 .LBB2_14-.Ltmp7, $4  }
0xb2: {  	_ = 	snop  }
0xb3: {  	s4 =	sshll.u32 s8, $0x11  }
0xb4: {  	s7 =	sadd.s32 s4, s9  }
0xb5: {  	[hbm4b:s7+s2] =	stream.linear.scatter [tilespmem:s25], [sflag:$0x5], $0x2000, $0x38;
	[tilespmem:$0x12000] =	vst v63  }
.Ltmp8:
0xb6: {  	(pc) =	sbr.rel .LBB2_15-.Ltmp8, $4  }
0xb7: {  	_ = 	snop  }
0xb8: {  	_ =	swait.ge [sflag:s26], $0x2000  }
0xb9: {  	[sflag:s26] =	ssyncset.done $0x0  }
0xba: {  	[sflag:s26] =	ssyncadd.s32 $0xFFFFE000  }
.LBB2_14:
0xbb: {  	s7 =	rddreg [dreg:$0x7]  }
.Ltmp9:
0xbc: {  	s7 =	sadd.s32 s18, s7;
	(pc) =	sbr.rel @p2 .LBB2_16-.Ltmp9, $4  }
0xbd: {  	[tilespmem:s2], [sflag:$0x1] =	stream.strided.gather [hbm4b:s7+s19], $0x2000, s20, s19, $0x38;
	[tilespmem:$0x12000] =	vst v63  }
0xbe: {  	_ =	swait.ge [sflag:s26], $0x2000  }
0xbf: {  	[sflag:s26] =	ssyncset.done $0x0  }
0xc0: {  	[sflag:s26] =	ssyncadd.s32 $0xFFFFE000  }
.LBB2_15:
0xc1: {  	_ =	swait.ge [sflag:s28], $0x2000  }
0xc2: {  	[sflag:s28] =	ssyncset.done $0x0  }
0xc3: {  	[sflag:s28] =	ssyncadd.s32 $0xFFFFE000  }
.LBB2_16:
0xc4: {  	s16 =	simm.s32 $0x0;
	s17 =	simm.s32 $0x0  }
.LBB2_17:
0xc5: {  	s7 =	sshll.u32 s17, $0x4;
	v3 =	vadd.s32 s16, v0;
	s11 =	simm.s32 $0x3  }
0xc6: {  	s10 =	simm.s32 $0x2;
	v1 =	vor.u32 s7, v0;
	v8 =	vand.u32 $0xF, v3;
	v3 =	vadd.s32 s11, v0  }
0xc7: {  	v4 =	vshll.u32 v8, $0x7;
	v14 =	vand.u32 $0xF, v3;
	v3 =	vadd.s32 s10, v0  }
0xc8: {  	s11 =	simm.s32 $0x1;
	v7 =	vadd.s32 v1, v4;
	v4 =	vshll.u32 v14, $0x7;
	v3 =	vand.u32 $0xF, v3  }
0xc9: {  	v5 =	vadd.s32 s11, v0;
	v10 =	vadd.s32 v1, v4;
	v4 =	vshll.u32 v3, $0x7  }
0xca: {  	v13 =	vadd.s32 v1, v4;
	v4 =	vand.u32 $0xF, v5  }
0xcb: {  	s10 =	simm.s32 $0x4;
	v9 =	vshll.u32 v4, $0x7  }
0xcc: {  	v5 =	vadd.s32 s10, v0;
	s10 =	simm.s32 $0x7;
	v12 =	vadd.s32 v1, v9  }
0xcd: {  	v6 =	vand.u32 $0xF, v5;
	v5 =	vadd.s32 s10, v0  }
0xce: {  	v2 =	vshll.u32 v1, $0x6;
	v11 =	vshll.u32 v6, $0x7;
	v5 =	vand.u32 $0xF, v5;
	v7 =	vld.idx.msk [tilespmem:v7+s21+$0x0], $0xffff  }
0xcf: {  	s11 =	simm.s32 $0x6;
	v9 =	vor.u32 v2, v8;
	v8 =	vadd.s32 v1, v11;
	v11 =	vshll.u32 v5, $0x7;
	v10 =	vld.idx.msk [tilespmem:v10+s21+$0x0], $0xffff  }
0xd0: {  	s7 =	simm.s32 $0x8;
	v15 =	vadd.s32 s11, v0;
	v14 =	vor.u32 v2, v14;
	s10 =	simm.s32 $0x5;
	v11 =	vadd.s32 v1, v11;
	v13 =	vld.idx.msk [tilespmem:v13+s21+$0x0], $0xffff  }
.LBB2_18:
0xd1: {  	p4 =	slt.u32 s7, $0xC;
	v16 =	vadd.s32 s10, v0;
	v17 =	vld.idx.msk [tilespmem:v12+s21+$0x0], $0xffff;
	v18 =	vor.u32 v2, v3;
	v3 =	vand.u32 $0xF, v15  }
0xd2: {  	v15 =	vor.u32 v2, v4;
	v12 =	vshll.u32 v3, $0x7;
	v4 =	vand.u32 $0xF, v16  }
0xd3: {  	v16 =	vshll.u32 v4, $0x7;
	v19 =	vadd.s32 v1, v12  }
.Ltmp10:
0xd4: {  	v20 =	vadd.s32 s7, v0;
	s10 =	sadd.s32 $0x3, s7;
	v12 =	vadd.s32 v1, v16;
	[tilespmem:v9+s29+$0x0] =	vst.idx.msk $0xffff, v7;
	(pc) =	sbr.rel @p4 .LBB2_18-.Ltmp10, $4  }
0xd5: {  	v16 =	vand.u32 $0xF, v20;
	v7 =	vadd.s32 s10, v0;
	[tilespmem:v14+s29+$0x0] =	vst.idx.msk $0xffff, v10  }
0xd6: {  	v9 =	vor.u32 v2, v6;
	v10 =	vshll.u32 v16, $0x7;
	v20 =	vand.u32 $0xF, v7;
	v7 =	vld.idx.msk [tilespmem:v8+s21+$0x0], $0xffff;
	[tilespmem:v18+s29+$0x0] =	vst.idx.msk $0xffff, v13  }
0xd7: {  	s11 =	sadd.s32 $0x2, s7;
	v6 =	vmov v16;
	v8 =	vadd.s32 v1, v10;
	v13 =	vshll.u32 v20, $0x7;
	v10 =	vld.idx.msk [tilespmem:v11+s21+$0x0], $0xffff;
	[tilespmem:v15+s29+$0x0] =	vst.idx.msk $0xffff, v17  }
0xd8: {  	s10 =	sadd.s32 $0x1, s7;
	s7 =	sadd.s32 $0x4, s7;
	v14 =	vor.u32 v2, v5;
	v5 =	vmovc v20;
	v15 =	vadd.s32 s11, v0;
	v11 =	vadd.s32 v1, v13;
	v13 =	vld.idx.msk [tilespmem:v19+s21+$0x0], $0xffff  }
0xd9: {  	v15 =	vand.u32 $0xF, v15  }
0xda: {  	v17 =	vshll.u32 v15, $0x7  }
0xdb: {  	v17 =	vadd.s32 v1, v17  }
0xdc: {  	v16 =	vadd.s32 s10, v0  }
0xdd: {  	v16 =	vand.u32 $0xF, v16  }
0xde: {  	v3 =	vor.u32 v2, v3;
	v18 =	vshll.u32 v16, $0x7  }
0xdf: {  	v12 =	vld.idx.msk [tilespmem:v12+s21+$0x0], $0xffff;
	v4 =	vor.u32 v2, v4;
	[tilespmem:v9+s29+$0x0] =	vst.idx.msk $0xffff, v7;
	v18 =	vadd.s32 v1, v18  }
0xe0: {  	[tilespmem:v14+s29+$0x0] =	vst.idx.msk $0xffff, v10;
	v10 =	vor.u32 v2, v15;
	v9 =	vld.idx.msk [tilespmem:v17+s21+$0x0], $0xffff  }
0xe1: {  	v8 =	vld.idx.msk [tilespmem:v8+s21+$0x0], $0xffff;
	v6 =	vor.u32 v2, v6  }
0xe2: {  	v5 =	vor.u32 v2, v5;
	v7 =	vld.idx.msk [tilespmem:v11+s21+$0x0], $0xffff  }
0xe3: {  	[tilespmem:v3+s29+$0x0] =	vst.idx.msk $0xffff, v13  }
0xe4: {  	s7 =	simm.s32 $0x0;
	v11 =	vor.u32 v2, v16;
	[tilespmem:v4+s29+$0x0] =	vst.idx.msk $0xffff, v12;
	v3 =	vld.idx.msk [tilespmem:v18+s21+$0x0], $0xffff  }
0xe5: {  	s10 =	simm.s32 $0x3;
	[tilespmem:v10+s29+$0x0] =	vst.idx.msk $0xffff, v9;
	v9 =	vadd.s32 s7, v0  }
0xe6: {  	s11 =	simm.s32 $0x2;
	v15 =	vadd.s32 s10, v0;
	[tilespmem:v6+s29+$0x0] =	vst.idx.msk $0xffff, v8;
	v4 =	vshll.u32 v9, $0x7  }
0xe7: {  	v6 =	vshll.u32 v15, $0x7;
	[tilespmem:v5+s29+$0x0] =	vst.idx.msk $0xffff, v7;
	v5 =	vor.u32 $0x800, v4;
	v4 =	vadd.s32 s11, v0  }
0xe8: {  	s10 =	simm.s32 $0x1;
	v8 =	vadd.s32 v1, v5;
	v5 =	vor.u32 $0x800, v6;
	v6 =	vshll.u32 v4, $0x7  }
0xe9: {  	[tilespmem:v11+s29+$0x0] =	vst.idx.msk $0xffff, v3;
	v11 =	vadd.s32 v1, v5;
	v6 =	vor.u32 $0x800, v6;
	v5 =	vadd.s32 s10, v0  }
0xea: {  	v14 =	vadd.s32 v1, v6;
	v6 =	vshll.u32 v5, $0x7  }
0xeb: {  	s11 =	simm.s32 $0x4;
	v10 =	vor.u32 $0x800, v6  }
0xec: {  	v7 =	vadd.s32 s11, v0;
	s10 =	simm.s32 $0x7;
	v13 =	vadd.s32 v1, v10  }
0xed: {  	v12 =	vshll.u32 v7, $0x7;
	v6 =	vadd.s32 s10, v0  }
0xee: {  	v3 =	vor.u32 $0x10, v2;
	v12 =	vor.u32 $0x800, v12;
	v16 =	vshll.u32 v6, $0x7;
	v8 =	vld.idx.msk [tilespmem:v8+s21+$0x0], $0xffff  }
0xef: {  	s11 =	simm.s32 $0x6;
	v10 =	vor.u32 v3, v9;
	v9 =	vadd.s32 v1, v12;
	v12 =	vor.u32 $0x800, v16;
	v11 =	vld.idx.msk [tilespmem:v11+s21+$0x0], $0xffff  }
0xf0: {  	s7 =	simm.s32 $0x8;
	v15 =	vor.u32 v3, v15;
	s10 =	simm.s32 $0x5;
	v16 =	vadd.s32 s11, v0;
	v12 =	vadd.s32 v1, v12;
	v14 =	vld.idx.msk [tilespmem:v14+s21+$0x0], $0xffff  }
.LBB2_20:
0xf1: {  	p4 =	slt.u32 s7, $0xC;
	v17 =	vadd.s32 s10, v0;
	v18 =	vshll.u32 v16, $0x7;
	v19 =	vld.idx.msk [tilespmem:v13+s21+$0x0], $0xffff;
	v20 =	vor.u32 v3, v4;
	v4 =	vmovc v16  }
0xf2: {  	v13 =	vshll.u32 v17, $0x7;
	v16 =	vor.u32 $0x800, v18;
	v18 =	vor.u32 v3, v5;
	v5 =	vmovc v17  }
0xf3: {  	v13 =	vor.u32 $0x800, v13;
	v17 =	vadd.s32 v1, v16  }
.Ltmp11:
0xf4: {  	s10 =	sadd.s32 $0x3, s7;
	v16 =	vadd.s32 s7, v0;
	v13 =	vadd.s32 v1, v13;
	[tilespmem:v10+s29+$0x0] =	vst.idx.msk $0xffff, v8;
	(pc) =	sbr.rel @p4 .LBB2_20-.Ltmp11, $4  }
0xf5: {  	v21 =	vadd.s32 s10, v0;
	v8 =	vshll.u32 v16, $0x7;
	[tilespmem:v15+s29+$0x0] =	vst.idx.msk $0xffff, v11  }
0xf6: {  	v10 =	vor.u32 v3, v7;
	v11 =	vor.u32 $0x800, v8;
	v15 =	vshll.u32 v21, $0x7;
	v8 =	vld.idx.msk [tilespmem:v9+s21+$0x0], $0xffff;
	[tilespmem:v20+s29+$0x0] =	vst.idx.msk $0xffff, v14  }
0xf7: {  	s11 =	sadd.s32 $0x2, s7;
	v7 =	vmov v16;
	v9 =	vadd.s32 v1, v11;
	v14 =	vor.u32 $0x800, v15;
	v11 =	vld.idx.msk [tilespmem:v12+s21+$0x0], $0xffff;
	[tilespmem:v18+s29+$0x0] =	vst.idx.msk $0xffff, v19  }
0xf8: {  	s10 =	sadd.s32 $0x1, s7;
	s7 =	sadd.s32 $0x4, s7;
	v16 =	vadd.s32 s11, v0;
	v15 =	vor.u32 v3, v6;
	v6 =	vmovc v21;
	v12 =	vadd.s32 v1, v14;
	v14 =	vld.idx.msk [tilespmem:v17+s21+$0x0], $0xffff  }
0xf9: {  	v17 =	vadd.s32 s10, v0  }
0xfa: {  	v19 =	vshll.u32 v17, $0x7  }
0xfb: {  	v18 =	vshll.u32 v16, $0x7;
	v19 =	vor.u32 $0x800, v19  }
0xfc: {  	v4 =	vor.u32 v3, v4;
	v18 =	vor.u32 $0x800, v18;
	v19 =	vadd.s32 v1, v19  }
0xfd: {  	v18 =	vadd.s32 v1, v18;
	_ =	sdelay $0x1  }
0xfe: {  	v5 =	vor.u32 v3, v5  }
0xff: {  	v13 =	vld.idx.msk [tilespmem:v13+s21+$0x0], $0xffff;
	v7 =	vor.u32 v3, v7;
	v6 =	vor.u32 v3, v6;
	[tilespmem:v15+s29+$0x0] =	vst.idx.msk $0xffff, v11  }
0x100: {  	v11 =	vor.u32 v3, v16;
	v3 =	vor.u32 v3, v17;
	[tilespmem:v4+s29+$0x0] =	vst.idx.msk $0xffff, v14;
	v4 =	vld.idx.msk [tilespmem:v19+s21+$0x0], $0xffff  }
0x101: {  	[tilespmem:v10+s29+$0x0] =	vst.idx.msk $0xffff, v8;
	v10 =	vld.idx.msk [tilespmem:v18+s21+$0x0], $0xffff  }
0x102: {  	v9 =	vld.idx.msk [tilespmem:v9+s21+$0x0], $0xffff  }
0x103: {  	v8 =	vld.idx.msk [tilespmem:v12+s21+$0x0], $0xffff  }
0x104: {  	s7 =	simm.s32 $0x0;
	[tilespmem:v5+s29+$0x0] =	vst.idx.msk $0xffff, v13  }
0x105: {  	s10 =	simm.s32 $0x3;
	[tilespmem:v3+s29+$0x0] =	vst.idx.msk $0xffff, v4;
	v4 =	vadd.s32 s7, v0  }
0x106: {  	s11 =	simm.s32 $0x2;
	[tilespmem:v11+s29+$0x0] =	vst.idx.msk $0xffff, v10;
	v10 =	vand.u32 $0xF, v4;
	v4 =	vadd.s32 s10, v0  }
0x107: {  	[tilespmem:v7+s29+$0x0] =	vst.idx.msk $0xffff, v9;
	s10 =	simm.s32 $0x1;
	v5 =	vshll.u32 v10, $0x7;
	v14 =	vand.u32 $0xF, v4;
	v4 =	vadd.s32 s11, v0  }
0x108: {  	[tilespmem:v6+s29+$0x0] =	vst.idx.msk $0xffff, v8;
	v7 =	vadd.s32 s10, v0;
	v5 =	vadd.s32 v5, v1;
	v6 =	vshll.u32 v14, $0x7  }
0x109: {  	v4 =	vand.u32 $0xF, v4;
	v8 =	vadd.s32 $0x1000, v5;
	v5 =	vadd.s32 v6, v1  }
0x10a: {  	s11 =	simm.s32 $0x4;
	v6 =	vshll.u32 v4, $0x7;
	v12 =	vadd.s32 $0x1000, v5;
	v5 =	vand.u32 $0xF, v7  }
0x10b: {  	v6 =	vadd.s32 v6, v1;
	v7 =	vadd.s32 s11, v0;
	v9 =	vshll.u32 v5, $0x7  }
0x10c: {  	v17 =	vadd.s32 $0x1000, v6;
	v6 =	vand.u32 $0xF, v7;
	v7 =	vadd.s32 v9, v1  }
0x10d: {  	s10 =	simm.s32 $0x7;
	v11 =	vadd.s32 $0x1000, v7  }
0x10e: {  	v13 =	vadd.s32 s10, v0;
	v9 =	vshll.u32 v6, $0x7  }
0x10f: {  	v3 =	vor.u32 $0x20, v2;
	v15 =	vadd.s32 v9, v1;
	v7 =	vand.u32 $0xF, v13;
	v9 =	vld.idx.msk [tilespmem:v8+s21+$0x0], $0xffff  }
0x110: {  	s11 =	simm.s32 $0x6;
	v13 =	vor.u32 v3, v10;
	v8 =	vadd.s32 $0x1000, v15;
	v15 =	vshll.u32 v7, $0x7;
	v10 =	vld.idx.msk [tilespmem:v12+s21+$0x0], $0xffff  }
0x111: {  	s7 =	simm.s32 $0x8;
	s10 =	simm.s32 $0x5;
	v14 =	vor.u32 v3, v14;
	v16 =	vadd.s32 s11, v0;
	v15 =	vadd.s32 v15, v1;
	v12 =	vld.idx.msk [tilespmem:v17+s21+$0x0], $0xffff  }
.LBB2_22:
0x112: {  	p4 =	slt.u32 s7, $0xC;
	v17 =	vadd.s32 s10, v0;
	v18 =	vld.idx.msk [tilespmem:v11+s21+$0x0], $0xffff;
	v19 =	vor.u32 v3, v4;
	v4 =	vand.u32 $0xF, v16  }
0x113: {  	v16 =	vor.u32 v3, v5;
	v11 =	vshll.u32 v4, $0x7;
	v5 =	vand.u32 $0xF, v17  }
0x114: {  	v15 =	vadd.s32 $0x1000, v15;
	v17 =	vshll.u32 v5, $0x7;
	v11 =	vadd.s32 v11, v1  }
0x115: {  	v20 =	vadd.s32 s7, v0;
	v17 =	vadd.s32 v17, v1;
	v21 =	vadd.s32 $0x1000, v11;
	[tilespmem:v13+s29+$0x0] =	vst.idx.msk $0xffff, v9  }
.Ltmp12:
0x116: {  	s10 =	sadd.s32 $0x3, s7;
	v20 =	vand.u32 $0xF, v20;
	v11 =	vadd.s32 $0x1000, v17;
	[tilespmem:v14+s29+$0x0] =	vst.idx.msk $0xffff, v10;
	(pc) =	sbr.rel @p4 .LBB2_22-.Ltmp12, $4  }
0x117: {  	v9 =	vshll.u32 v20, $0x7;
	v10 =	vadd.s32 s10, v0;
	[tilespmem:v19+s29+$0x0] =	vst.idx.msk $0xffff, v12  }
0x118: {  	v12 =	vadd.s32 v9, v1;
	v17 =	vand.u32 $0xF, v10;
	v9 =	vld.idx.msk [tilespmem:v8+s21+$0x0], $0xffff;
	[tilespmem:v16+s29+$0x0] =	vst.idx.msk $0xffff, v18  }
0x119: {  	s11 =	sadd.s32 $0x2, s7;
	v13 =	vor.u32 v3, v6;
	v6 =	vmovc v20;
	v8 =	vadd.s32 $0x1000, v12;
	v12 =	vshll.u32 v17, $0x7;
	v10 =	vld.idx.msk [tilespmem:v15+s21+$0x0], $0xffff  }
0x11a: {  	s10 =	sadd.s32 $0x1, s7;
	s7 =	sadd.s32 $0x4, s7;
	v14 =	vor.u32 v3, v7;
	v16 =	vadd.s32 s11, v0;
	v7 =	vmovc v17;
	v15 =	vadd.s32 v12, v1;
	v12 =	vld.idx.msk [tilespmem:v21+s21+$0x0], $0xffff  }
0x11b: {  	v17 =	vadd.s32 s10, v0  }
0x11c: {  	v17 =	vand.u32 $0xF, v17  }
0x11d: {  	v19 =	vshll.u32 v17, $0x7  }
0x11e: {  	v19 =	vadd.s32 v19, v1  }
0x11f: {  	v16 =	vand.u32 $0xF, v16;
	v4 =	vor.u32 v3, v4;
	v19 =	vadd.s32 $0x1000, v19  }
0x120: {  	v18 =	vshll.u32 v16, $0x7  }
0x121: {  	v15 =	vadd.s32 $0x1000, v15;
	v18 =	vadd.s32 v18, v1  }
0x122: {  	v5 =	vor.u32 v3, v5;
	v18 =	vadd.s32 $0x1000, v18  }
0x123: {  	v8 =	vld.idx.msk [tilespmem:v8+s21+$0x0], $0xffff;
	v6 =	vor.u32 v3, v6;
	v7 =	vor.u32 v3, v7;
	[tilespmem:v13+s29+$0x0] =	vst.idx.msk $0xffff, v9  }
0x124: {  	v13 =	vor.u32 v3, v16;
	v3 =	vor.u32 v3, v17;
	[tilespmem:v4+s29+$0x0] =	vst.idx.msk $0xffff, v12;
	v4 =	vld.idx.msk [tilespmem:v19+s21+$0x0], $0xffff  }
0x125: {  	v11 =	vld.idx.msk [tilespmem:v11+s21+$0x0], $0xffff  }
0x126: {  	v9 =	vld.idx.msk [tilespmem:v15+s21+$0x0], $0xffff  }
0x127: {  	s7 =	simm.s32 $0x0;
	[tilespmem:v14+s29+$0x0] =	vst.idx.msk $0xffff, v10;
	v10 =	vld.idx.msk [tilespmem:v18+s21+$0x0], $0xffff  }
0x128: {  	s10 =	simm.s32 $0x3;
	[tilespmem:v6+s29+$0x0] =	vst.idx.msk $0xffff, v8;
	v8 =	vadd.s32 s7, v0  }
0x129: {  	s11 =	simm.s32 $0x2;
	v14 =	vadd.s32 s10, v0;
	[tilespmem:v3+s29+$0x0] =	vst.idx.msk $0xffff, v4;
	v3 =	vshll.u32 v8, $0x7  }
0x12a: {  	[tilespmem:v5+s29+$0x0] =	vst.idx.msk $0xffff, v11;
	v5 =	vshll.u32 v14, $0x7;
	v4 =	vor.u32 $0x1800, v3;
	v3 =	vadd.s32 s11, v0  }
0x12b: {  	s10 =	simm.s32 $0x1;
	[tilespmem:v7+s29+$0x0] =	vst.idx.msk $0xffff, v9;
	v7 =	vadd.s32 v1, v4;
	v4 =	vor.u32 $0x1800, v5;
	v5 =	vshll.u32 v3, $0x7  }
0x12c: {  	[tilespmem:v13+s29+$0x0] =	vst.idx.msk $0xffff, v10;
	v10 =	vadd.s32 v1, v4;
	v5 =	vor.u32 $0x1800, v5;
	v4 =	vadd.s32 s10, v0  }
0x12d: {  	v13 =	vadd.s32 v1, v5;
	v5 =	vshll.u32 v4, $0x7  }
0x12e: {  	s11 =	simm.s32 $0x4;
	v9 =	vor.u32 $0x1800, v5  }
0x12f: {  	v6 =	vadd.s32 s11, v0;
	s10 =	simm.s32 $0x7;
	v12 =	vadd.s32 v1, v9  }
0x130: {  	v11 =	vshll.u32 v6, $0x7;
	v5 =	vadd.s32 s10, v0  }
0x131: {  	v2 =	vor.u32 $0x30, v2;
	v11 =	vor.u32 $0x1800, v11;
	v15 =	vshll.u32 v5, $0x7;
	v7 =	vld.idx.msk [tilespmem:v7+s21+$0x0], $0xffff  }
0x132: {  	s11 =	simm.s32 $0x6;
	v9 =	vor.u32 v2, v8;
	v8 =	vadd.s32 v1, v11;
	v11 =	vor.u32 $0x1800, v15;
	v10 =	vld.idx.msk [tilespmem:v10+s21+$0x0], $0xffff  }
0x133: {  	s7 =	simm.s32 $0x8;
	v14 =	vor.u32 v2, v14;
	s10 =	simm.s32 $0x5;
	v15 =	vadd.s32 s11, v0;
	v11 =	vadd.s32 v1, v11;
	v13 =	vld.idx.msk [tilespmem:v13+s21+$0x0], $0xffff  }
.LBB2_24:
0x134: {  	p4 =	slt.u32 s7, $0xC;
	v16 =	vadd.s32 s10, v0;
	v17 =	vshll.u32 v15, $0x7;
	v18 =	vld.idx.msk [tilespmem:v12+s21+$0x0], $0xffff;
	v19 =	vor.u32 v2, v3;
	v3 =	vmovc v15  }
0x135: {  	v12 =	vshll.u32 v16, $0x7;
	v15 =	vor.u32 $0x1800, v17;
	v17 =	vor.u32 v2, v4;
	v4 =	vmovc v16  }
0x136: {  	v12 =	vor.u32 $0x1800, v12;
	v16 =	vadd.s32 v1, v15  }
.Ltmp13:
0x137: {  	s10 =	sadd.s32 $0x3, s7;
	v15 =	vadd.s32 s7, v0;
	v12 =	vadd.s32 v1, v12;
	[tilespmem:v9+s29+$0x0] =	vst.idx.msk $0xffff, v7;
	(pc) =	sbr.rel @p4 .LBB2_24-.Ltmp13, $4  }
0x138: {  	v20 =	vadd.s32 s10, v0;
	v7 =	vshll.u32 v15, $0x7;
	[tilespmem:v14+s29+$0x0] =	vst.idx.msk $0xffff, v10  }
0x139: {  	v9 =	vor.u32 v2, v6;
	v10 =	vor.u32 $0x1800, v7;
	v14 =	vshll.u32 v20, $0x7;
	v7 =	vld.idx.msk [tilespmem:v8+s21+$0x0], $0xffff;
	[tilespmem:v19+s29+$0x0] =	vst.idx.msk $0xffff, v13  }
0x13a: {  	s11 =	sadd.s32 $0x2, s7;
	v6 =	vmov v15;
	v8 =	vadd.s32 v1, v10;
	v13 =	vor.u32 $0x1800, v14;
	v10 =	vld.idx.msk [tilespmem:v11+s21+$0x0], $0xffff;
	[tilespmem:v17+s29+$0x0] =	vst.idx.msk $0xffff, v18  }
0x13b: {  	s10 =	sadd.s32 $0x1, s7;
	s7 =	sadd.s32 $0x4, s7;
	v15 =	vadd.s32 s11, v0;
	v14 =	vor.u32 v2, v5;
	v5 =	vmovc v20;
	v11 =	vadd.s32 v1, v13;
	v13 =	vld.idx.msk [tilespmem:v16+s21+$0x0], $0xffff  }
0x13c: {  	v16 =	vadd.s32 s10, v0;
	v17 =	vshll.u32 v15, $0x7  }
0x13d: {  	v18 =	vshll.u32 v16, $0x7;
	v17 =	vor.u32 $0x1800, v17  }
0x13e: {  	v18 =	vor.u32 $0x1800, v18;
	v17 =	vadd.s32 v1, v17  }
0x13f: {  	v3 =	vor.u32 v2, v3;
	v1 =	vadd.s32 v1, v18  }
0x140: {  	v12 =	vld.idx.msk [tilespmem:v12+s21+$0x0], $0xffff;
	v4 =	vor.u32 v2, v4  }
0x141: {  	v8 =	vld.idx.msk [tilespmem:v8+s21+$0x0], $0xffff;
	v6 =	vor.u32 v2, v6  }
0x142: {  	v61 =	vld.idx.msk [tilespmem:v11+s21+$0x0], $0xffff;
	v5 =	vor.u32 v2, v5;
	[tilespmem:v9+s29+$0x0] =	vst.idx.msk $0xffff, v7  }
0x143: {  	v63 =	vor.u32 v2, v15;
	s17 =	sadd.s32 $0x1, s17;
	[tilespmem:v14+s29+$0x0] =	vst.idx.msk $0xffff, v10;
	v62 =	vld.idx.msk [tilespmem:v17+s21+$0x0], $0xffff  }
0x144: {  	v2 =	vor.u32 v2, v16;
	p4 =	sne.s32 s17, $0x8;
	[tilespmem:v3+s29+$0x0] =	vst.idx.msk $0xffff, v13;
	v1 =	vld.idx.msk [tilespmem:v1+s21+$0x0], $0xffff  }
.Ltmp14:
0x145: {  	[tilespmem:v4+s29+$0x0] =	vst.idx.msk $0xffff, v12;
	(pc) =	sbr.rel @p4 .LBB2_17-.Ltmp14, $4  }
0x146: {  	[tilespmem:v6+s29+$0x0] =	vst.idx.msk $0xffff, v8  }
0x147: {  	[tilespmem:v5+s29+$0x0] =	vst.idx.msk $0xffff, v61  }
0x148: {  	[tilespmem:v63+s29+$0x0] =	vst.idx.msk $0xffff, v62  }
0x149: {  	[tilespmem:v2+s29+$0x0] =	vst.idx.msk $0xffff, v1  }
.Ltmp15:
0x14a: {  	(pc) =	sbr.rel @p3 .LBB2_28-.Ltmp15, $4  }
0x14b: {  	s4 =	sor.u32 s5, s4  }
0x14c: {  	s4 =	sadd.s32 s4, s3  }
0x14d: {  	s7 =	sadd.s32 $0x8000, s4  }
0x14e: {  	[hbm4b:s7+s2] =	stream.linear.scatter [tilespmem:s29], [sflag:$0x6], $0x2000, $0x38;
	[tilespmem:$0x12000] =	vst v63  }
.Ltmp16:
0x14f: {  	(pc) =	sbr.rel .LBB2_29-.Ltmp16, $4  }
0x150: {  	_ = 	snop  }
0x151: {  	_ =	swait.ge [sflag:s30], $0x2000  }
0x152: {  	[sflag:s30] =	ssyncset.done $0x0  }
0x153: {  	[sflag:s30] =	ssyncadd.s32 $0xFFFFE000  }
.LBB2_28:
0x154: {  	s7 =	rddreg [dreg:$0x8]  }
.Ltmp17:
0x155: {  	s7 =	sadd.s32 s18, s7;
	(pc) =	sbr.rel @p2 .LBB2_30-.Ltmp17, $4  }
0x156: {  	[tilespmem:s21], [sflag:$0x2] =	stream.strided.gather [hbm4b:s7+s19], $0x2000, s20, s19, $0x38;
	[tilespmem:$0x12000] =	vst v63  }
0x157: {  	_ =	swait.ge [sflag:s30], $0x2000  }
0x158: {  	[sflag:s30] =	ssyncset.done $0x0  }
0x159: {  	[sflag:s30] =	ssyncadd.s32 $0xFFFFE000  }
.LBB2_29:
0x15a: {  	_ =	swait.ge [sflag:s31], $0x2000  }
0x15b: {  	[sflag:s31] =	ssyncset.done $0x0  }
0x15c: {  	[sflag:s31] =	ssyncadd.s32 $0xFFFFE000  }
.LBB2_30:
0x15d: {  	s16 =	simm.s32 $0x0;
	s17 =	simm.s32 $0x0  }
.LBB2_31:
0x15e: {  	s7 =	sshll.u32 s17, $0x4;
	v3 =	vadd.s32 s16, v0;
	s11 =	simm.s32 $0x3  }
0x15f: {  	s10 =	simm.s32 $0x2;
	v1 =	vor.u32 s7, v0;
	v8 =	vand.u32 $0xF, v3;
	v3 =	vadd.s32 s11, v0  }
0x160: {  	v4 =	vshll.u32 v8, $0x7;
	v14 =	vand.u32 $0xF, v3;
	v3 =	vadd.s32 s10, v0  }
0x161: {  	s11 =	simm.s32 $0x1;
	v7 =	vadd.s32 v1, v4;
	v4 =	vshll.u32 v14, $0x7;
	v3 =	vand.u32 $0xF, v3  }
0x162: {  	v5 =	vadd.s32 s11, v0;
	v10 =	vadd.s32 v1, v4;
	v4 =	vshll.u32 v3, $0x7  }
0x163: {  	v13 =	vadd.s32 v1, v4;
	v4 =	vand.u32 $0xF, v5  }
0x164: {  	s10 =	simm.s32 $0x4;
	v9 =	vshll.u32 v4, $0x7  }
0x165: {  	v5 =	vadd.s32 s10, v0;
	s10 =	simm.s32 $0x7;
	v12 =	vadd.s32 v1, v9  }
0x166: {  	v6 =	vand.u32 $0xF, v5;
	v5 =	vadd.s32 s10, v0  }
0x167: {  	v2 =	vshll.u32 v1, $0x6;
	v11 =	vshll.u32 v6, $0x7;
	v5 =	vand.u32 $0xF, v5;
	v7 =	vld.idx.msk [tilespmem:v7+s22+$0x0], $0xffff  }
0x168: {  	s11 =	simm.s32 $0x6;
	v9 =	vor.u32 v2, v8;
	v8 =	vadd.s32 v1, v11;
	v11 =	vshll.u32 v5, $0x7;
	v10 =	vld.idx.msk [tilespmem:v10+s22+$0x0], $0xffff  }
0x169: {  	s7 =	simm.s32 $0x8;
	v15 =	vadd.s32 s11, v0;
	v14 =	vor.u32 v2, v14;
	s10 =	simm.s32 $0x5;
	v11 =	vadd.s32 v1, v11;
	v13 =	vld.idx.msk [tilespmem:v13+s22+$0x0], $0xffff  }
.LBB2_32:
0x16a: {  	p4 =	slt.u32 s7, $0xC;
	v16 =	vadd.s32 s10, v0;
	v17 =	vld.idx.msk [tilespmem:v12+s22+$0x0], $0xffff;
	v18 =	vor.u32 v2, v3;
	v3 =	vand.u32 $0xF, v15  }
0x16b: {  	v15 =	vor.u32 v2, v4;
	v12 =	vshll.u32 v3, $0x7;
	v4 =	vand.u32 $0xF, v16  }
0x16c: {  	v16 =	vshll.u32 v4, $0x7;
	v19 =	vadd.s32 v1, v12  }
.Ltmp18:
0x16d: {  	v20 =	vadd.s32 s7, v0;
	s10 =	sadd.s32 $0x3, s7;
	v12 =	vadd.s32 v1, v16;
	[tilespmem:v9+s0+$0x0] =	vst.idx.msk $0xffff, v7;
	(pc) =	sbr.rel @p4 .LBB2_32-.Ltmp18, $4  }
0x16e: {  	v16 =	vand.u32 $0xF, v20;
	v7 =	vadd.s32 s10, v0;
	[tilespmem:v14+s0+$0x0] =	vst.idx.msk $0xffff, v10  }
0x16f: {  	v9 =	vor.u32 v2, v6;
	v10 =	vshll.u32 v16, $0x7;
	v20 =	vand.u32 $0xF, v7;
	v7 =	vld.idx.msk [tilespmem:v8+s22+$0x0], $0xffff;
	[tilespmem:v18+s0+$0x0] =	vst.idx.msk $0xffff, v13  }
0x170: {  	s11 =	sadd.s32 $0x2, s7;
	v6 =	vmov v16;
	v8 =	vadd.s32 v1, v10;
	v13 =	vshll.u32 v20, $0x7;
	v10 =	vld.idx.msk [tilespmem:v11+s22+$0x0], $0xffff;
	[tilespmem:v15+s0+$0x0] =	vst.idx.msk $0xffff, v17  }
0x171: {  	s10 =	sadd.s32 $0x1, s7;
	s7 =	sadd.s32 $0x4, s7;
	v14 =	vor.u32 v2, v5;
	v5 =	vmovc v20;
	v15 =	vadd.s32 s11, v0;
	v11 =	vadd.s32 v1, v13;
	v13 =	vld.idx.msk [tilespmem:v19+s22+$0x0], $0xffff  }
0x172: {  	v15 =	vand.u32 $0xF, v15  }
0x173: {  	v17 =	vshll.u32 v15, $0x7  }
0x174: {  	v17 =	vadd.s32 v1, v17  }
0x175: {  	v16 =	vadd.s32 s10, v0  }
0x176: {  	v16 =	vand.u32 $0xF, v16  }
0x177: {  	v3 =	vor.u32 v2, v3;
	v18 =	vshll.u32 v16, $0x7  }
0x178: {  	v12 =	vld.idx.msk [tilespmem:v12+s22+$0x0], $0xffff;
	v4 =	vor.u32 v2, v4;
	[tilespmem:v9+s0+$0x0] =	vst.idx.msk $0xffff, v7;
	v18 =	vadd.s32 v1, v18  }
0x179: {  	[tilespmem:v14+s0+$0x0] =	vst.idx.msk $0xffff, v10;
	v10 =	vor.u32 v2, v15;
	v9 =	vld.idx.msk [tilespmem:v17+s22+$0x0], $0xffff  }
0x17a: {  	v8 =	vld.idx.msk [tilespmem:v8+s22+$0x0], $0xffff;
	v6 =	vor.u32 v2, v6  }
0x17b: {  	v5 =	vor.u32 v2, v5;
	v7 =	vld.idx.msk [tilespmem:v11+s22+$0x0], $0xffff  }
0x17c: {  	[tilespmem:v3+s0+$0x0] =	vst.idx.msk $0xffff, v13  }
0x17d: {  	s7 =	simm.s32 $0x0;
	v11 =	vor.u32 v2, v16;
	[tilespmem:v4+s0+$0x0] =	vst.idx.msk $0xffff, v12;
	v3 =	vld.idx.msk [tilespmem:v18+s22+$0x0], $0xffff  }
0x17e: {  	s10 =	simm.s32 $0x3;
	[tilespmem:v10+s0+$0x0] =	vst.idx.msk $0xffff, v9;
	v9 =	vadd.s32 s7, v0  }
0x17f: {  	s11 =	simm.s32 $0x2;
	v15 =	vadd.s32 s10, v0;
	[tilespmem:v6+s0+$0x0] =	vst.idx.msk $0xffff, v8;
	v4 =	vshll.u32 v9, $0x7  }
0x180: {  	v6 =	vshll.u32 v15, $0x7;
	[tilespmem:v5+s0+$0x0] =	vst.idx.msk $0xffff, v7;
	v5 =	vor.u32 $0x800, v4;
	v4 =	vadd.s32 s11, v0  }
0x181: {  	s10 =	simm.s32 $0x1;
	v8 =	vadd.s32 v1, v5;
	v5 =	vor.u32 $0x800, v6;
	v6 =	vshll.u32 v4, $0x7  }
0x182: {  	[tilespmem:v11+s0+$0x0] =	vst.idx.msk $0xffff, v3;
	v11 =	vadd.s32 v1, v5;
	v6 =	vor.u32 $0x800, v6;
	v5 =	vadd.s32 s10, v0  }
0x183: {  	v14 =	vadd.s32 v1, v6;
	v6 =	vshll.u32 v5, $0x7  }
0x184: {  	s11 =	simm.s32 $0x4;
	v10 =	vor.u32 $0x800, v6  }
0x185: {  	v7 =	vadd.s32 s11, v0;
	s10 =	simm.s32 $0x7;
	v13 =	vadd.s32 v1, v10  }
0x186: {  	v12 =	vshll.u32 v7, $0x7;
	v6 =	vadd.s32 s10, v0  }
0x187: {  	v3 =	vor.u32 $0x10, v2;
	v12 =	vor.u32 $0x800, v12;
	v16 =	vshll.u32 v6, $0x7;
	v8 =	vld.idx.msk [tilespmem:v8+s22+$0x0], $0xffff  }
0x188: {  	s11 =	simm.s32 $0x6;
	v10 =	vor.u32 v3, v9;
	v9 =	vadd.s32 v1, v12;
	v12 =	vor.u32 $0x800, v16;
	v11 =	vld.idx.msk [tilespmem:v11+s22+$0x0], $0xffff  }
0x189: {  	s7 =	simm.s32 $0x8;
	v15 =	vor.u32 v3, v15;
	s10 =	simm.s32 $0x5;
	v16 =	vadd.s32 s11, v0;
	v12 =	vadd.s32 v1, v12;
	v14 =	vld.idx.msk [tilespmem:v14+s22+$0x0], $0xffff  }
.LBB2_34:
0x18a: {  	p4 =	slt.u32 s7, $0xC;
	v17 =	vadd.s32 s10, v0;
	v18 =	vshll.u32 v16, $0x7;
	v19 =	vld.idx.msk [tilespmem:v13+s22+$0x0], $0xffff;
	v20 =	vor.u32 v3, v4;
	v4 =	vmovc v16  }
0x18b: {  	v13 =	vshll.u32 v17, $0x7;
	v16 =	vor.u32 $0x800, v18;
	v18 =	vor.u32 v3, v5;
	v5 =	vmovc v17  }
0x18c: {  	v13 =	vor.u32 $0x800, v13;
	v17 =	vadd.s32 v1, v16  }
.Ltmp19:
0x18d: {  	s10 =	sadd.s32 $0x3, s7;
	v16 =	vadd.s32 s7, v0;
	v13 =	vadd.s32 v1, v13;
	[tilespmem:v10+s0+$0x0] =	vst.idx.msk $0xffff, v8;
	(pc) =	sbr.rel @p4 .LBB2_34-.Ltmp19, $4  }
0x18e: {  	v21 =	vadd.s32 s10, v0;
	v8 =	vshll.u32 v16, $0x7;
	[tilespmem:v15+s0+$0x0] =	vst.idx.msk $0xffff, v11  }
0x18f: {  	v10 =	vor.u32 v3, v7;
	v11 =	vor.u32 $0x800, v8;
	v15 =	vshll.u32 v21, $0x7;
	v8 =	vld.idx.msk [tilespmem:v9+s22+$0x0], $0xffff;
	[tilespmem:v20+s0+$0x0] =	vst.idx.msk $0xffff, v14  }
0x190: {  	s11 =	sadd.s32 $0x2, s7;
	v7 =	vmov v16;
	v9 =	vadd.s32 v1, v11;
	v14 =	vor.u32 $0x800, v15;
	v11 =	vld.idx.msk [tilespmem:v12+s22+$0x0], $0xffff;
	[tilespmem:v18+s0+$0x0] =	vst.idx.msk $0xffff, v19  }
0x191: {  	s10 =	sadd.s32 $0x1, s7;
	s7 =	sadd.s32 $0x4, s7;
	v16 =	vadd.s32 s11, v0;
	v15 =	vor.u32 v3, v6;
	v6 =	vmovc v21;
	v12 =	vadd.s32 v1, v14;
	v14 =	vld.idx.msk [tilespmem:v17+s22+$0x0], $0xffff  }
0x192: {  	v17 =	vadd.s32 s10, v0  }
0x193: {  	v19 =	vshll.u32 v17, $0x7  }
0x194: {  	v18 =	vshll.u32 v16, $0x7;
	v19 =	vor.u32 $0x800, v19  }
0x195: {  	v4 =	vor.u32 v3, v4;
	v18 =	vor.u32 $0x800, v18;
	v19 =	vadd.s32 v1, v19  }
0x196: {  	v18 =	vadd.s32 v1, v18;
	_ =	sdelay $0x1  }
0x197: {  	v5 =	vor.u32 v3, v5  }
0x198: {  	v13 =	vld.idx.msk [tilespmem:v13+s22+$0x0], $0xffff;
	v7 =	vor.u32 v3, v7;
	v6 =	vor.u32 v3, v6;
	[tilespmem:v15+s0+$0x0] =	vst.idx.msk $0xffff, v11  }
0x199: {  	v11 =	vor.u32 v3, v16;
	v3 =	vor.u32 v3, v17;
	[tilespmem:v4+s0+$0x0] =	vst.idx.msk $0xffff, v14;
	v4 =	vld.idx.msk [tilespmem:v19+s22+$0x0], $0xffff  }
0x19a: {  	[tilespmem:v10+s0+$0x0] =	vst.idx.msk $0xffff, v8;
	v10 =	vld.idx.msk [tilespmem:v18+s22+$0x0], $0xffff  }
0x19b: {  	v9 =	vld.idx.msk [tilespmem:v9+s22+$0x0], $0xffff  }
0x19c: {  	v8 =	vld.idx.msk [tilespmem:v12+s22+$0x0], $0xffff  }
0x19d: {  	s7 =	simm.s32 $0x0;
	[tilespmem:v5+s0+$0x0] =	vst.idx.msk $0xffff, v13  }
0x19e: {  	s10 =	simm.s32 $0x3;
	[tilespmem:v3+s0+$0x0] =	vst.idx.msk $0xffff, v4;
	v4 =	vadd.s32 s7, v0  }
0x19f: {  	s11 =	simm.s32 $0x2;
	[tilespmem:v11+s0+$0x0] =	vst.idx.msk $0xffff, v10;
	v10 =	vand.u32 $0xF, v4;
	v4 =	vadd.s32 s10, v0  }
0x1a0: {  	[tilespmem:v7+s0+$0x0] =	vst.idx.msk $0xffff, v9;
	s10 =	simm.s32 $0x1;
	v5 =	vshll.u32 v10, $0x7;
	v14 =	vand.u32 $0xF, v4;
	v4 =	vadd.s32 s11, v0  }
0x1a1: {  	[tilespmem:v6+s0+$0x0] =	vst.idx.msk $0xffff, v8;
	v7 =	vadd.s32 s10, v0;
	v5 =	vadd.s32 v5, v1;
	v6 =	vshll.u32 v14, $0x7  }
0x1a2: {  	v4 =	vand.u32 $0xF, v4;
	v8 =	vadd.s32 $0x1000, v5;
	v5 =	vadd.s32 v6, v1  }
0x1a3: {  	s11 =	simm.s32 $0x4;
	v6 =	vshll.u32 v4, $0x7;
	v12 =	vadd.s32 $0x1000, v5;
	v5 =	vand.u32 $0xF, v7  }
0x1a4: {  	v6 =	vadd.s32 v6, v1;
	v7 =	vadd.s32 s11, v0;
	v9 =	vshll.u32 v5, $0x7  }
0x1a5: {  	v17 =	vadd.s32 $0x1000, v6;
	v6 =	vand.u32 $0xF, v7;
	v7 =	vadd.s32 v9, v1  }
0x1a6: {  	s10 =	simm.s32 $0x7;
	v11 =	vadd.s32 $0x1000, v7  }
0x1a7: {  	v13 =	vadd.s32 s10, v0;
	v9 =	vshll.u32 v6, $0x7  }
0x1a8: {  	v3 =	vor.u32 $0x20, v2;
	v15 =	vadd.s32 v9, v1;
	v7 =	vand.u32 $0xF, v13;
	v9 =	vld.idx.msk [tilespmem:v8+s22+$0x0], $0xffff  }
0x1a9: {  	s11 =	simm.s32 $0x6;
	v13 =	vor.u32 v3, v10;
	v8 =	vadd.s32 $0x1000, v15;
	v15 =	vshll.u32 v7, $0x7;
	v10 =	vld.idx.msk [tilespmem:v12+s22+$0x0], $0xffff  }
0x1aa: {  	s7 =	simm.s32 $0x8;
	s10 =	simm.s32 $0x5;
	v14 =	vor.u32 v3, v14;
	v16 =	vadd.s32 s11, v0;
	v15 =	vadd.s32 v15, v1;
	v12 =	vld.idx.msk [tilespmem:v17+s22+$0x0], $0xffff  }
.LBB2_36:
0x1ab: {  	p4 =	slt.u32 s7, $0xC;
	v17 =	vadd.s32 s10, v0;
	v18 =	vld.idx.msk [tilespmem:v11+s22+$0x0], $0xffff;
	v19 =	vor.u32 v3, v4;
	v4 =	vand.u32 $0xF, v16  }
0x1ac: {  	v16 =	vor.u32 v3, v5;
	v11 =	vshll.u32 v4, $0x7;
	v5 =	vand.u32 $0xF, v17  }
0x1ad: {  	v15 =	vadd.s32 $0x1000, v15;
	v17 =	vshll.u32 v5, $0x7;
	v11 =	vadd.s32 v11, v1  }
0x1ae: {  	v20 =	vadd.s32 s7, v0;
	v17 =	vadd.s32 v17, v1;
	v21 =	vadd.s32 $0x1000, v11;
	[tilespmem:v13+s0+$0x0] =	vst.idx.msk $0xffff, v9  }
.Ltmp20:
0x1af: {  	s10 =	sadd.s32 $0x3, s7;
	v20 =	vand.u32 $0xF, v20;
	v11 =	vadd.s32 $0x1000, v17;
	[tilespmem:v14+s0+$0x0] =	vst.idx.msk $0xffff, v10;
	(pc) =	sbr.rel @p4 .LBB2_36-.Ltmp20, $4  }
0x1b0: {  	v9 =	vshll.u32 v20, $0x7;
	v10 =	vadd.s32 s10, v0;
	[tilespmem:v19+s0+$0x0] =	vst.idx.msk $0xffff, v12  }
0x1b1: {  	v12 =	vadd.s32 v9, v1;
	v17 =	vand.u32 $0xF, v10;
	v9 =	vld.idx.msk [tilespmem:v8+s22+$0x0], $0xffff;
	[tilespmem:v16+s0+$0x0] =	vst.idx.msk $0xffff, v18  }
0x1b2: {  	s11 =	sadd.s32 $0x2, s7;
	v13 =	vor.u32 v3, v6;
	v6 =	vmovc v20;
	v8 =	vadd.s32 $0x1000, v12;
	v12 =	vshll.u32 v17, $0x7;
	v10 =	vld.idx.msk [tilespmem:v15+s22+$0x0], $0xffff  }
0x1b3: {  	s10 =	sadd.s32 $0x1, s7;
	s7 =	sadd.s32 $0x4, s7;
	v14 =	vor.u32 v3, v7;
	v16 =	vadd.s32 s11, v0;
	v7 =	vmovc v17;
	v15 =	vadd.s32 v12, v1;
	v12 =	vld.idx.msk [tilespmem:v21+s22+$0x0], $0xffff  }
0x1b4: {  	v17 =	vadd.s32 s10, v0  }
0x1b5: {  	v17 =	vand.u32 $0xF, v17  }
0x1b6: {  	v19 =	vshll.u32 v17, $0x7  }
0x1b7: {  	v19 =	vadd.s32 v19, v1  }
0x1b8: {  	v16 =	vand.u32 $0xF, v16;
	v4 =	vor.u32 v3, v4;
	v19 =	vadd.s32 $0x1000, v19  }
0x1b9: {  	v18 =	vshll.u32 v16, $0x7  }
0x1ba: {  	v15 =	vadd.s32 $0x1000, v15;
	v18 =	vadd.s32 v18, v1  }
0x1bb: {  	v5 =	vor.u32 v3, v5;
	v18 =	vadd.s32 $0x1000, v18  }
0x1bc: {  	v8 =	vld.idx.msk [tilespmem:v8+s22+$0x0], $0xffff;
	v6 =	vor.u32 v3, v6;
	v7 =	vor.u32 v3, v7;
	[tilespmem:v13+s0+$0x0] =	vst.idx.msk $0xffff, v9  }
0x1bd: {  	v13 =	vor.u32 v3, v16;
	v3 =	vor.u32 v3, v17;
	[tilespmem:v4+s0+$0x0] =	vst.idx.msk $0xffff, v12;
	v4 =	vld.idx.msk [tilespmem:v19+s22+$0x0], $0xffff  }
0x1be: {  	v11 =	vld.idx.msk [tilespmem:v11+s22+$0x0], $0xffff  }
0x1bf: {  	v9 =	vld.idx.msk [tilespmem:v15+s22+$0x0], $0xffff  }
0x1c0: {  	s7 =	simm.s32 $0x0;
	[tilespmem:v14+s0+$0x0] =	vst.idx.msk $0xffff, v10;
	v10 =	vld.idx.msk [tilespmem:v18+s22+$0x0], $0xffff  }
0x1c1: {  	s10 =	simm.s32 $0x3;
	[tilespmem:v6+s0+$0x0] =	vst.idx.msk $0xffff, v8;
	v8 =	vadd.s32 s7, v0  }
0x1c2: {  	s11 =	simm.s32 $0x2;
	v14 =	vadd.s32 s10, v0;
	[tilespmem:v3+s0+$0x0] =	vst.idx.msk $0xffff, v4;
	v3 =	vshll.u32 v8, $0x7  }
0x1c3: {  	[tilespmem:v5+s0+$0x0] =	vst.idx.msk $0xffff, v11;
	v5 =	vshll.u32 v14, $0x7;
	v4 =	vor.u32 $0x1800, v3;
	v3 =	vadd.s32 s11, v0  }
0x1c4: {  	s10 =	simm.s32 $0x1;
	[tilespmem:v7+s0+$0x0] =	vst.idx.msk $0xffff, v9;
	v7 =	vadd.s32 v1, v4;
	v4 =	vor.u32 $0x1800, v5;
	v5 =	vshll.u32 v3, $0x7  }
0x1c5: {  	[tilespmem:v13+s0+$0x0] =	vst.idx.msk $0xffff, v10;
	v10 =	vadd.s32 v1, v4;
	v5 =	vor.u32 $0x1800, v5;
	v4 =	vadd.s32 s10, v0  }
0x1c6: {  	v13 =	vadd.s32 v1, v5;
	v5 =	vshll.u32 v4, $0x7  }
0x1c7: {  	s11 =	simm.s32 $0x4;
	v9 =	vor.u32 $0x1800, v5  }
0x1c8: {  	v6 =	vadd.s32 s11, v0;
	s10 =	simm.s32 $0x7;
	v12 =	vadd.s32 v1, v9  }
0x1c9: {  	v11 =	vshll.u32 v6, $0x7;
	v5 =	vadd.s32 s10, v0  }
0x1ca: {  	v2 =	vor.u32 $0x30, v2;
	v11 =	vor.u32 $0x1800, v11;
	v15 =	vshll.u32 v5, $0x7;
	v7 =	vld.idx.msk [tilespmem:v7+s22+$0x0], $0xffff  }
0x1cb: {  	s11 =	simm.s32 $0x6;
	v9 =	vor.u32 v2, v8;
	v8 =	vadd.s32 v1, v11;
	v11 =	vor.u32 $0x1800, v15;
	v10 =	vld.idx.msk [tilespmem:v10+s22+$0x0], $0xffff  }
0x1cc: {  	s7 =	simm.s32 $0x8;
	v14 =	vor.u32 v2, v14;
	s10 =	simm.s32 $0x5;
	v15 =	vadd.s32 s11, v0;
	v11 =	vadd.s32 v1, v11;
	v13 =	vld.idx.msk [tilespmem:v13+s22+$0x0], $0xffff  }
.LBB2_38:
0x1cd: {  	p4 =	slt.u32 s7, $0xC;
	v16 =	vadd.s32 s10, v0;
	v17 =	vshll.u32 v15, $0x7;
	v18 =	vld.idx.msk [tilespmem:v12+s22+$0x0], $0xffff;
	v19 =	vor.u32 v2, v3;
	v3 =	vmovc v15  }
0x1ce: {  	v12 =	vshll.u32 v16, $0x7;
	v15 =	vor.u32 $0x1800, v17;
	v17 =	vor.u32 v2, v4;
	v4 =	vmovc v16  }
0x1cf: {  	v12 =	vor.u32 $0x1800, v12;
	v16 =	vadd.s32 v1, v15  }
.Ltmp21:
0x1d0: {  	s10 =	sadd.s32 $0x3, s7;
	v15 =	vadd.s32 s7, v0;
	v12 =	vadd.s32 v1, v12;
	[tilespmem:v9+s0+$0x0] =	vst.idx.msk $0xffff, v7;
	(pc) =	sbr.rel @p4 .LBB2_38-.Ltmp21, $4  }
0x1d1: {  	v20 =	vadd.s32 s10, v0;
	v7 =	vshll.u32 v15, $0x7;
	[tilespmem:v14+s0+$0x0] =	vst.idx.msk $0xffff, v10  }
0x1d2: {  	v9 =	vor.u32 v2, v6;
	v10 =	vor.u32 $0x1800, v7;
	v14 =	vshll.u32 v20, $0x7;
	v7 =	vld.idx.msk [tilespmem:v8+s22+$0x0], $0xffff;
	[tilespmem:v19+s0+$0x0] =	vst.idx.msk $0xffff, v13  }
0x1d3: {  	s11 =	sadd.s32 $0x2, s7;
	v6 =	vmov v15;
	v8 =	vadd.s32 v1, v10;
	v13 =	vor.u32 $0x1800, v14;
	v10 =	vld.idx.msk [tilespmem:v11+s22+$0x0], $0xffff;
	[tilespmem:v17+s0+$0x0] =	vst.idx.msk $0xffff, v18  }
0x1d4: {  	s10 =	sadd.s32 $0x1, s7;
	s7 =	sadd.s32 $0x4, s7;
	v15 =	vadd.s32 s11, v0;
	v14 =	vor.u32 v2, v5;
	v5 =	vmovc v20;
	v11 =	vadd.s32 v1, v13;
	v13 =	vld.idx.msk [tilespmem:v16+s22+$0x0], $0xffff  }
0x1d5: {  	v16 =	vadd.s32 s10, v0;
	v17 =	vshll.u32 v15, $0x7  }
0x1d6: {  	v18 =	vshll.u32 v16, $0x7;
	v17 =	vor.u32 $0x1800, v17  }
0x1d7: {  	v18 =	vor.u32 $0x1800, v18;
	v17 =	vadd.s32 v1, v17  }
0x1d8: {  	v3 =	vor.u32 v2, v3;
	v1 =	vadd.s32 v1, v18  }
0x1d9: {  	v12 =	vld.idx.msk [tilespmem:v12+s22+$0x0], $0xffff;
	v4 =	vor.u32 v2, v4  }
0x1da: {  	v8 =	vld.idx.msk [tilespmem:v8+s22+$0x0], $0xffff;
	v6 =	vor.u32 v2, v6  }
0x1db: {  	v61 =	vld.idx.msk [tilespmem:v11+s22+$0x0], $0xffff;
	v5 =	vor.u32 v2, v5;
	[tilespmem:v9+s0+$0x0] =	vst.idx.msk $0xffff, v7  }
0x1dc: {  	v63 =	vor.u32 v2, v15;
	s17 =	sadd.s32 $0x1, s17;
	[tilespmem:v14+s0+$0x0] =	vst.idx.msk $0xffff, v10;
	v62 =	vld.idx.msk [tilespmem:v17+s22+$0x0], $0xffff  }
0x1dd: {  	v2 =	vor.u32 v2, v16;
	p4 =	sne.s32 s17, $0x8;
	[tilespmem:v3+s0+$0x0] =	vst.idx.msk $0xffff, v13;
	v1 =	vld.idx.msk [tilespmem:v1+s22+$0x0], $0xffff  }
.Ltmp22:
0x1de: {  	[tilespmem:v4+s0+$0x0] =	vst.idx.msk $0xffff, v12;
	(pc) =	sbr.rel @p4 .LBB2_31-.Ltmp22, $4  }
0x1df: {  	[tilespmem:v6+s0+$0x0] =	vst.idx.msk $0xffff, v8  }
0x1e0: {  	[tilespmem:v5+s0+$0x0] =	vst.idx.msk $0xffff, v61  }
0x1e1: {  	[tilespmem:v63+s0+$0x0] =	vst.idx.msk $0xffff, v62  }
0x1e2: {  	[tilespmem:v2+s0+$0x0] =	vst.idx.msk $0xffff, v1  }
.Ltmp23:
0x1e3: {  	(pc) =	sbr.rel @p3 .LBB2_42-.Ltmp23, $3  }
0x1e4: {  	_ =	sdelay $0x1  }
0x1e5: {  	s7 =	sadd.s32 $0x10000, s4  }
0x1e6: {  	[hbm4b:s7+s2] =	stream.linear.scatter [tilespmem:s0], [sflag:$0x7], $0x2000, $0x38;
	[tilespmem:$0x12000] =	vst v63  }
.Ltmp24:
0x1e7: {  	(pc) =	sbr.rel .LBB2_43-.Ltmp24, $4  }
0x1e8: {  	_ = 	snop  }
0x1e9: {  	_ =	swait.ge [sflag:s1], $0x2000  }
0x1ea: {  	[sflag:s1] =	ssyncset.done $0x0  }
0x1eb: {  	[sflag:s1] =	ssyncadd.s32 $0xFFFFE000  }
.LBB2_42:
.Ltmp25:
0x1ec: {  	s7 =	sadd.s32 s18, s12;
	(pc) =	sbr.rel @p2 .LBB2_44-.Ltmp25, $4  }
0x1ed: {  	[tilespmem:s22], [sflag:$0x3] =	stream.strided.gather [hbm4b:s7+s19], $0x2000, s20, s19, $0x38;
	[tilespmem:$0x12000] =	vst v63  }
0x1ee: {  	_ =	swait.ge [sflag:s1], $0x2000  }
0x1ef: {  	[sflag:s1] =	ssyncset.done $0x0  }
0x1f0: {  	[sflag:s1] =	ssyncadd.s32 $0xFFFFE000  }
.LBB2_43:
0x1f1: {  	_ =	swait.ge [sflag:s14], $0x2000  }
0x1f2: {  	[sflag:s14] =	ssyncset.done $0x0  }
0x1f3: {  	[sflag:s14] =	ssyncadd.s32 $0xFFFFE000  }
.LBB2_44:
0x1f4: {  	s16 =	simm.s32 $0x0;
	s17 =	simm.s32 $0x0  }
.LBB2_45:
0x1f5: {  	s7 =	sshll.u32 s17, $0x4;
	v3 =	vadd.s32 s16, v0;
	s11 =	simm.s32 $0x3  }
0x1f6: {  	s10 =	simm.s32 $0x2;
	v1 =	vor.u32 s7, v0;
	v8 =	vand.u32 $0xF, v3;
	v3 =	vadd.s32 s11, v0  }
0x1f7: {  	v4 =	vshll.u32 v8, $0x7;
	v14 =	vand.u32 $0xF, v3;
	v3 =	vadd.s32 s10, v0  }
0x1f8: {  	s11 =	simm.s32 $0x1;
	v7 =	vadd.s32 v1, v4;
	v4 =	vshll.u32 v14, $0x7;
	v3 =	vand.u32 $0xF, v3  }
0x1f9: {  	v5 =	vadd.s32 s11, v0;
	v10 =	vadd.s32 v1, v4;
	v4 =	vshll.u32 v3, $0x7  }
0x1fa: {  	v13 =	vadd.s32 v1, v4;
	v4 =	vand.u32 $0xF, v5  }
0x1fb: {  	s10 =	simm.s32 $0x4;
	v9 =	vshll.u32 v4, $0x7  }
0x1fc: {  	v5 =	vadd.s32 s10, v0;
	s10 =	simm.s32 $0x7;
	v12 =	vadd.s32 v1, v9  }
0x1fd: {  	v6 =	vand.u32 $0xF, v5;
	v5 =	vadd.s32 s10, v0  }
0x1fe: {  	v2 =	vshll.u32 v1, $0x6;
	v11 =	vshll.u32 v6, $0x7;
	v5 =	vand.u32 $0xF, v5;
	v7 =	vld.idx.msk [tilespmem:v7+s23+$0x0], $0xffff  }
0x1ff: {  	s11 =	simm.s32 $0x6;
	v9 =	vor.u32 v2, v8;
	v8 =	vadd.s32 v1, v11;
	v11 =	vshll.u32 v5, $0x7;
	v10 =	vld.idx.msk [tilespmem:v10+s23+$0x0], $0xffff  }
0x200: {  	s7 =	simm.s32 $0x8;
	v15 =	vadd.s32 s11, v0;
	v14 =	vor.u32 v2, v14;
	s10 =	simm.s32 $0x5;
	v11 =	vadd.s32 v1, v11;
	v13 =	vld.idx.msk [tilespmem:v13+s23+$0x0], $0xffff  }
.LBB2_46:
0x201: {  	p2 =	slt.u32 s7, $0xC;
	v16 =	vadd.s32 s10, v0;
	v17 =	vld.idx.msk [tilespmem:v12+s23+$0x0], $0xffff;
	v18 =	vor.u32 v2, v3;
	v3 =	vand.u32 $0xF, v15  }
0x202: {  	v15 =	vor.u32 v2, v4;
	v12 =	vshll.u32 v3, $0x7;
	v4 =	vand.u32 $0xF, v16  }
0x203: {  	v16 =	vshll.u32 v4, $0x7;
	v19 =	vadd.s32 v1, v12  }
.Ltmp26:
0x204: {  	v20 =	vadd.s32 s7, v0;
	s10 =	sadd.s32 $0x3, s7;
	v12 =	vadd.s32 v1, v16;
	[tilespmem:v9+s15+$0x0] =	vst.idx.msk $0xffff, v7;
	(pc) =	sbr.rel @p2 .LBB2_46-.Ltmp26, $4  }
0x205: {  	v16 =	vand.u32 $0xF, v20;
	v7 =	vadd.s32 s10, v0;
	[tilespmem:v14+s15+$0x0] =	vst.idx.msk $0xffff, v10  }
0x206: {  	v9 =	vor.u32 v2, v6;
	v10 =	vshll.u32 v16, $0x7;
	v20 =	vand.u32 $0xF, v7;
	v7 =	vld.idx.msk [tilespmem:v8+s23+$0x0], $0xffff;
	[tilespmem:v18+s15+$0x0] =	vst.idx.msk $0xffff, v13  }
0x207: {  	s11 =	sadd.s32 $0x2, s7;
	v6 =	vmov v16;
	v8 =	vadd.s32 v1, v10;
	v13 =	vshll.u32 v20, $0x7;
	v10 =	vld.idx.msk [tilespmem:v11+s23+$0x0], $0xffff;
	[tilespmem:v15+s15+$0x0] =	vst.idx.msk $0xffff, v17  }
0x208: {  	s10 =	sadd.s32 $0x1, s7;
	s7 =	sadd.s32 $0x4, s7;
	v14 =	vor.u32 v2, v5;
	v5 =	vmovc v20;
	v15 =	vadd.s32 s11, v0;
	v11 =	vadd.s32 v1, v13;
	v13 =	vld.idx.msk [tilespmem:v19+s23+$0x0], $0xffff  }
0x209: {  	v15 =	vand.u32 $0xF, v15  }
0x20a: {  	v17 =	vshll.u32 v15, $0x7  }
0x20b: {  	v17 =	vadd.s32 v1, v17  }
0x20c: {  	v16 =	vadd.s32 s10, v0  }
0x20d: {  	v16 =	vand.u32 $0xF, v16  }
0x20e: {  	v3 =	vor.u32 v2, v3;
	v18 =	vshll.u32 v16, $0x7  }
0x20f: {  	v12 =	vld.idx.msk [tilespmem:v12+s23+$0x0], $0xffff;
	v4 =	vor.u32 v2, v4;
	[tilespmem:v9+s15+$0x0] =	vst.idx.msk $0xffff, v7;
	v18 =	vadd.s32 v1, v18  }
0x210: {  	[tilespmem:v14+s15+$0x0] =	vst.idx.msk $0xffff, v10;
	v10 =	vor.u32 v2, v15;
	v9 =	vld.idx.msk [tilespmem:v17+s23+$0x0], $0xffff  }
0x211: {  	v8 =	vld.idx.msk [tilespmem:v8+s23+$0x0], $0xffff;
	v6 =	vor.u32 v2, v6  }
0x212: {  	v5 =	vor.u32 v2, v5;
	v7 =	vld.idx.msk [tilespmem:v11+s23+$0x0], $0xffff  }
0x213: {  	[tilespmem:v3+s15+$0x0] =	vst.idx.msk $0xffff, v13  }
0x214: {  	s7 =	simm.s32 $0x0;
	v11 =	vor.u32 v2, v16;
	[tilespmem:v4+s15+$0x0] =	vst.idx.msk $0xffff, v12;
	v3 =	vld.idx.msk [tilespmem:v18+s23+$0x0], $0xffff  }
0x215: {  	s10 =	simm.s32 $0x3;
	[tilespmem:v10+s15+$0x0] =	vst.idx.msk $0xffff, v9;
	v9 =	vadd.s32 s7, v0  }
0x216: {  	s11 =	simm.s32 $0x2;
	v15 =	vadd.s32 s10, v0;
	[tilespmem:v6+s15+$0x0] =	vst.idx.msk $0xffff, v8;
	v4 =	vshll.u32 v9, $0x7  }
0x217: {  	v6 =	vshll.u32 v15, $0x7;
	[tilespmem:v5+s15+$0x0] =	vst.idx.msk $0xffff, v7;
	v5 =	vor.u32 $0x800, v4;
	v4 =	vadd.s32 s11, v0  }
0x218: {  	s10 =	simm.s32 $0x1;
	v8 =	vadd.s32 v1, v5;
	v5 =	vor.u32 $0x800, v6;
	v6 =	vshll.u32 v4, $0x7  }
0x219: {  	[tilespmem:v11+s15+$0x0] =	vst.idx.msk $0xffff, v3;
	v11 =	vadd.s32 v1, v5;
	v6 =	vor.u32 $0x800, v6;
	v5 =	vadd.s32 s10, v0  }
0x21a: {  	v14 =	vadd.s32 v1, v6;
	v6 =	vshll.u32 v5, $0x7  }
0x21b: {  	s11 =	simm.s32 $0x4;
	v10 =	vor.u32 $0x800, v6  }
0x21c: {  	v7 =	vadd.s32 s11, v0;
	s10 =	simm.s32 $0x7;
	v13 =	vadd.s32 v1, v10  }
0x21d: {  	v12 =	vshll.u32 v7, $0x7;
	v6 =	vadd.s32 s10, v0  }
0x21e: {  	v3 =	vor.u32 $0x10, v2;
	v12 =	vor.u32 $0x800, v12;
	v16 =	vshll.u32 v6, $0x7;
	v8 =	vld.idx.msk [tilespmem:v8+s23+$0x0], $0xffff  }
0x21f: {  	s11 =	simm.s32 $0x6;
	v10 =	vor.u32 v3, v9;
	v9 =	vadd.s32 v1, v12;
	v12 =	vor.u32 $0x800, v16;
	v11 =	vld.idx.msk [tilespmem:v11+s23+$0x0], $0xffff  }
0x220: {  	s7 =	simm.s32 $0x8;
	v15 =	vor.u32 v3, v15;
	s10 =	simm.s32 $0x5;
	v16 =	vadd.s32 s11, v0;
	v12 =	vadd.s32 v1, v12;
	v14 =	vld.idx.msk [tilespmem:v14+s23+$0x0], $0xffff  }
.LBB2_48:
0x221: {  	p2 =	slt.u32 s7, $0xC;
	v17 =	vadd.s32 s10, v0;
	v18 =	vshll.u32 v16, $0x7;
	v19 =	vld.idx.msk [tilespmem:v13+s23+$0x0], $0xffff;
	v20 =	vor.u32 v3, v4;
	v4 =	vmovc v16  }
0x222: {  	v13 =	vshll.u32 v17, $0x7;
	v16 =	vor.u32 $0x800, v18;
	v18 =	vor.u32 v3, v5;
	v5 =	vmovc v17  }
0x223: {  	v13 =	vor.u32 $0x800, v13;
	v17 =	vadd.s32 v1, v16  }
.Ltmp27:
0x224: {  	s10 =	sadd.s32 $0x3, s7;
	v16 =	vadd.s32 s7, v0;
	v13 =	vadd.s32 v1, v13;
	[tilespmem:v10+s15+$0x0] =	vst.idx.msk $0xffff, v8;
	(pc) =	sbr.rel @p2 .LBB2_48-.Ltmp27, $4  }
0x225: {  	v21 =	vadd.s32 s10, v0;
	v8 =	vshll.u32 v16, $0x7;
	[tilespmem:v15+s15+$0x0] =	vst.idx.msk $0xffff, v11  }
0x226: {  	v10 =	vor.u32 v3, v7;
	v11 =	vor.u32 $0x800, v8;
	v15 =	vshll.u32 v21, $0x7;
	v8 =	vld.idx.msk [tilespmem:v9+s23+$0x0], $0xffff;
	[tilespmem:v20+s15+$0x0] =	vst.idx.msk $0xffff, v14  }
0x227: {  	s11 =	sadd.s32 $0x2, s7;
	v7 =	vmov v16;
	v9 =	vadd.s32 v1, v11;
	v14 =	vor.u32 $0x800, v15;
	v11 =	vld.idx.msk [tilespmem:v12+s23+$0x0], $0xffff;
	[tilespmem:v18+s15+$0x0] =	vst.idx.msk $0xffff, v19  }
0x228: {  	s10 =	sadd.s32 $0x1, s7;
	s7 =	sadd.s32 $0x4, s7;
	v16 =	vadd.s32 s11, v0;
	v15 =	vor.u32 v3, v6;
	v6 =	vmovc v21;
	v12 =	vadd.s32 v1, v14;
	v14 =	vld.idx.msk [tilespmem:v17+s23+$0x0], $0xffff  }
0x229: {  	v17 =	vadd.s32 s10, v0  }
0x22a: {  	v19 =	vshll.u32 v17, $0x7  }
0x22b: {  	v18 =	vshll.u32 v16, $0x7;
	v19 =	vor.u32 $0x800, v19  }
0x22c: {  	v4 =	vor.u32 v3, v4;
	v18 =	vor.u32 $0x800, v18;
	v19 =	vadd.s32 v1, v19  }
0x22d: {  	v18 =	vadd.s32 v1, v18;
	_ =	sdelay $0x1  }
0x22e: {  	v5 =	vor.u32 v3, v5  }
0x22f: {  	v13 =	vld.idx.msk [tilespmem:v13+s23+$0x0], $0xffff;
	v7 =	vor.u32 v3, v7;
	v6 =	vor.u32 v3, v6;
	[tilespmem:v15+s15+$0x0] =	vst.idx.msk $0xffff, v11  }
0x230: {  	v11 =	vor.u32 v3, v16;
	v3 =	vor.u32 v3, v17;
	[tilespmem:v4+s15+$0x0] =	vst.idx.msk $0xffff, v14;
	v4 =	vld.idx.msk [tilespmem:v19+s23+$0x0], $0xffff  }
0x231: {  	[tilespmem:v10+s15+$0x0] =	vst.idx.msk $0xffff, v8;
	v10 =	vld.idx.msk [tilespmem:v18+s23+$0x0], $0xffff  }
0x232: {  	v9 =	vld.idx.msk [tilespmem:v9+s23+$0x0], $0xffff  }
0x233: {  	v8 =	vld.idx.msk [tilespmem:v12+s23+$0x0], $0xffff  }
0x234: {  	s7 =	simm.s32 $0x0;
	[tilespmem:v5+s15+$0x0] =	vst.idx.msk $0xffff, v13  }
0x235: {  	s10 =	simm.s32 $0x3;
	[tilespmem:v3+s15+$0x0] =	vst.idx.msk $0xffff, v4;
	v4 =	vadd.s32 s7, v0  }
0x236: {  	s11 =	simm.s32 $0x2;
	[tilespmem:v11+s15+$0x0] =	vst.idx.msk $0xffff, v10;
	v10 =	vand.u32 $0xF, v4;
	v4 =	vadd.s32 s10, v0  }
0x237: {  	[tilespmem:v7+s15+$0x0] =	vst.idx.msk $0xffff, v9;
	s10 =	simm.s32 $0x1;
	v5 =	vshll.u32 v10, $0x7;
	v14 =	vand.u32 $0xF, v4;
	v4 =	vadd.s32 s11, v0  }
0x238: {  	[tilespmem:v6+s15+$0x0] =	vst.idx.msk $0xffff, v8;
	v7 =	vadd.s32 s10, v0;
	v5 =	vadd.s32 v5, v1;
	v6 =	vshll.u32 v14, $0x7  }
0x239: {  	v4 =	vand.u32 $0xF, v4;
	v8 =	vadd.s32 $0x1000, v5;
	v5 =	vadd.s32 v6, v1  }
0x23a: {  	s11 =	simm.s32 $0x4;
	v6 =	vshll.u32 v4, $0x7;
	v12 =	vadd.s32 $0x1000, v5;
	v5 =	vand.u32 $0xF, v7  }
0x23b: {  	v6 =	vadd.s32 v6, v1;
	v7 =	vadd.s32 s11, v0;
	v9 =	vshll.u32 v5, $0x7  }
0x23c: {  	v17 =	vadd.s32 $0x1000, v6;
	v6 =	vand.u32 $0xF, v7;
	v7 =	vadd.s32 v9, v1  }
0x23d: {  	s10 =	simm.s32 $0x7;
	v11 =	vadd.s32 $0x1000, v7  }
0x23e: {  	v13 =	vadd.s32 s10, v0;
	v9 =	vshll.u32 v6, $0x7  }
0x23f: {  	v3 =	vor.u32 $0x20, v2;
	v15 =	vadd.s32 v9, v1;
	v7 =	vand.u32 $0xF, v13;
	v9 =	vld.idx.msk [tilespmem:v8+s23+$0x0], $0xffff  }
0x240: {  	s11 =	simm.s32 $0x6;
	v13 =	vor.u32 v3, v10;
	v8 =	vadd.s32 $0x1000, v15;
	v15 =	vshll.u32 v7, $0x7;
	v10 =	vld.idx.msk [tilespmem:v12+s23+$0x0], $0xffff  }
0x241: {  	s7 =	simm.s32 $0x8;
	s10 =	simm.s32 $0x5;
	v14 =	vor.u32 v3, v14;
	v16 =	vadd.s32 s11, v0;
	v15 =	vadd.s32 v15, v1;
	v12 =	vld.idx.msk [tilespmem:v17+s23+$0x0], $0xffff  }
.LBB2_50:
0x242: {  	p2 =	slt.u32 s7, $0xC;
	v17 =	vadd.s32 s10, v0;
	v18 =	vld.idx.msk [tilespmem:v11+s23+$0x0], $0xffff;
	v19 =	vor.u32 v3, v4;
	v4 =	vand.u32 $0xF, v16  }
0x243: {  	v16 =	vor.u32 v3, v5;
	v11 =	vshll.u32 v4, $0x7;
	v5 =	vand.u32 $0xF, v17  }
0x244: {  	v15 =	vadd.s32 $0x1000, v15;
	v17 =	vshll.u32 v5, $0x7;
	v11 =	vadd.s32 v11, v1  }
0x245: {  	v20 =	vadd.s32 s7, v0;
	v17 =	vadd.s32 v17, v1;
	v21 =	vadd.s32 $0x1000, v11;
	[tilespmem:v13+s15+$0x0] =	vst.idx.msk $0xffff, v9  }
.Ltmp28:
0x246: {  	s10 =	sadd.s32 $0x3, s7;
	v20 =	vand.u32 $0xF, v20;
	v11 =	vadd.s32 $0x1000, v17;
	[tilespmem:v14+s15+$0x0] =	vst.idx.msk $0xffff, v10;
	(pc) =	sbr.rel @p2 .LBB2_50-.Ltmp28, $4  }
0x247: {  	v9 =	vshll.u32 v20, $0x7;
	v10 =	vadd.s32 s10, v0;
	[tilespmem:v19+s15+$0x0] =	vst.idx.msk $0xffff, v12  }
0x248: {  	v12 =	vadd.s32 v9, v1;
	v17 =	vand.u32 $0xF, v10;
	v9 =	vld.idx.msk [tilespmem:v8+s23+$0x0], $0xffff;
	[tilespmem:v16+s15+$0x0] =	vst.idx.msk $0xffff, v18  }
0x249: {  	s11 =	sadd.s32 $0x2, s7;
	v13 =	vor.u32 v3, v6;
	v6 =	vmovc v20;
	v8 =	vadd.s32 $0x1000, v12;
	v12 =	vshll.u32 v17, $0x7;
	v10 =	vld.idx.msk [tilespmem:v15+s23+$0x0], $0xffff  }
0x24a: {  	s10 =	sadd.s32 $0x1, s7;
	s7 =	sadd.s32 $0x4, s7;
	v14 =	vor.u32 v3, v7;
	v16 =	vadd.s32 s11, v0;
	v7 =	vmovc v17;
	v15 =	vadd.s32 v12, v1;
	v12 =	vld.idx.msk [tilespmem:v21+s23+$0x0], $0xffff  }
0x24b: {  	v17 =	vadd.s32 s10, v0  }
0x24c: {  	v17 =	vand.u32 $0xF, v17  }
0x24d: {  	v19 =	vshll.u32 v17, $0x7  }
0x24e: {  	v19 =	vadd.s32 v19, v1  }
0x24f: {  	v16 =	vand.u32 $0xF, v16;
	v4 =	vor.u32 v3, v4;
	v19 =	vadd.s32 $0x1000, v19  }
0x250: {  	v18 =	vshll.u32 v16, $0x7  }
0x251: {  	v15 =	vadd.s32 $0x1000, v15;
	v18 =	vadd.s32 v18, v1  }
0x252: {  	v5 =	vor.u32 v3, v5;
	v18 =	vadd.s32 $0x1000, v18  }
0x253: {  	v8 =	vld.idx.msk [tilespmem:v8+s23+$0x0], $0xffff;
	v6 =	vor.u32 v3, v6;
	v7 =	vor.u32 v3, v7;
	[tilespmem:v13+s15+$0x0] =	vst.idx.msk $0xffff, v9  }
0x254: {  	v13 =	vor.u32 v3, v16;
	v3 =	vor.u32 v3, v17;
	[tilespmem:v4+s15+$0x0] =	vst.idx.msk $0xffff, v12;
	v4 =	vld.idx.msk [tilespmem:v19+s23+$0x0], $0xffff  }
0x255: {  	v11 =	vld.idx.msk [tilespmem:v11+s23+$0x0], $0xffff  }
0x256: {  	v9 =	vld.idx.msk [tilespmem:v15+s23+$0x0], $0xffff  }
0x257: {  	s7 =	simm.s32 $0x0;
	[tilespmem:v14+s15+$0x0] =	vst.idx.msk $0xffff, v10;
	v10 =	vld.idx.msk [tilespmem:v18+s23+$0x0], $0xffff  }
0x258: {  	s10 =	simm.s32 $0x3;
	[tilespmem:v6+s15+$0x0] =	vst.idx.msk $0xffff, v8;
	v8 =	vadd.s32 s7, v0  }
0x259: {  	s11 =	simm.s32 $0x2;
	v14 =	vadd.s32 s10, v0;
	[tilespmem:v3+s15+$0x0] =	vst.idx.msk $0xffff, v4;
	v3 =	vshll.u32 v8, $0x7  }
0x25a: {  	[tilespmem:v5+s15+$0x0] =	vst.idx.msk $0xffff, v11;
	v5 =	vshll.u32 v14, $0x7;
	v4 =	vor.u32 $0x1800, v3;
	v3 =	vadd.s32 s11, v0  }
0x25b: {  	s10 =	simm.s32 $0x1;
	[tilespmem:v7+s15+$0x0] =	vst.idx.msk $0xffff, v9;
	v7 =	vadd.s32 v1, v4;
	v4 =	vor.u32 $0x1800, v5;
	v5 =	vshll.u32 v3, $0x7  }
0x25c: {  	[tilespmem:v13+s15+$0x0] =	vst.idx.msk $0xffff, v10;
	v10 =	vadd.s32 v1, v4;
	v5 =	vor.u32 $0x1800, v5;
	v4 =	vadd.s32 s10, v0  }
0x25d: {  	v13 =	vadd.s32 v1, v5;
	v5 =	vshll.u32 v4, $0x7  }
0x25e: {  	s11 =	simm.s32 $0x4;
	v9 =	vor.u32 $0x1800, v5  }
0x25f: {  	v6 =	vadd.s32 s11, v0;
	s10 =	simm.s32 $0x7;
	v12 =	vadd.s32 v1, v9  }
0x260: {  	v11 =	vshll.u32 v6, $0x7;
	v5 =	vadd.s32 s10, v0  }
0x261: {  	v2 =	vor.u32 $0x30, v2;
	v11 =	vor.u32 $0x1800, v11;
	v15 =	vshll.u32 v5, $0x7;
	v7 =	vld.idx.msk [tilespmem:v7+s23+$0x0], $0xffff  }
0x262: {  	s11 =	simm.s32 $0x6;
	v9 =	vor.u32 v2, v8;
	v8 =	vadd.s32 v1, v11;
	v11 =	vor.u32 $0x1800, v15;
	v10 =	vld.idx.msk [tilespmem:v10+s23+$0x0], $0xffff  }
0x263: {  	s7 =	simm.s32 $0x8;
	v14 =	vor.u32 v2, v14;
	s10 =	simm.s32 $0x5;
	v15 =	vadd.s32 s11, v0;
	v11 =	vadd.s32 v1, v11;
	v13 =	vld.idx.msk [tilespmem:v13+s23+$0x0], $0xffff  }
.LBB2_52:
0x264: {  	p2 =	slt.u32 s7, $0xC;
	v16 =	vadd.s32 s10, v0;
	v17 =	vshll.u32 v15, $0x7;
	v18 =	vld.idx.msk [tilespmem:v12+s23+$0x0], $0xffff;
	v19 =	vor.u32 v2, v3;
	v3 =	vmovc v15  }
0x265: {  	v12 =	vshll.u32 v16, $0x7;
	v15 =	vor.u32 $0x1800, v17;
	v17 =	vor.u32 v2, v4;
	v4 =	vmovc v16  }
0x266: {  	v12 =	vor.u32 $0x1800, v12;
	v16 =	vadd.s32 v1, v15  }
.Ltmp29:
0x267: {  	s10 =	sadd.s32 $0x3, s7;
	v15 =	vadd.s32 s7, v0;
	v12 =	vadd.s32 v1, v12;
	[tilespmem:v9+s15+$0x0] =	vst.idx.msk $0xffff, v7;
	(pc) =	sbr.rel @p2 .LBB2_52-.Ltmp29, $4  }
0x268: {  	v20 =	vadd.s32 s10, v0;
	v7 =	vshll.u32 v15, $0x7;
	[tilespmem:v14+s15+$0x0] =	vst.idx.msk $0xffff, v10  }
0x269: {  	v9 =	vor.u32 v2, v6;
	v10 =	vor.u32 $0x1800, v7;
	v14 =	vshll.u32 v20, $0x7;
	v7 =	vld.idx.msk [tilespmem:v8+s23+$0x0], $0xffff;
	[tilespmem:v19+s15+$0x0] =	vst.idx.msk $0xffff, v13  }
0x26a: {  	s11 =	sadd.s32 $0x2, s7;
	v6 =	vmov v15;
	v8 =	vadd.s32 v1, v10;
	v13 =	vor.u32 $0x1800, v14;
	v10 =	vld.idx.msk [tilespmem:v11+s23+$0x0], $0xffff;
	[tilespmem:v17+s15+$0x0] =	vst.idx.msk $0xffff, v18  }
0x26b: {  	s10 =	sadd.s32 $0x1, s7;
	s7 =	sadd.s32 $0x4, s7;
	v15 =	vadd.s32 s11, v0;
	v14 =	vor.u32 v2, v5;
	v5 =	vmovc v20;
	v11 =	vadd.s32 v1, v13;
	v13 =	vld.idx.msk [tilespmem:v16+s23+$0x0], $0xffff  }
0x26c: {  	v16 =	vadd.s32 s10, v0;
	v17 =	vshll.u32 v15, $0x7  }
0x26d: {  	v18 =	vshll.u32 v16, $0x7;
	v17 =	vor.u32 $0x1800, v17  }
0x26e: {  	v18 =	vor.u32 $0x1800, v18;
	v17 =	vadd.s32 v1, v17  }
0x26f: {  	v3 =	vor.u32 v2, v3;
	v1 =	vadd.s32 v1, v18  }
0x270: {  	v12 =	vld.idx.msk [tilespmem:v12+s23+$0x0], $0xffff;
	v4 =	vor.u32 v2, v4  }
0x271: {  	v8 =	vld.idx.msk [tilespmem:v8+s23+$0x0], $0xffff;
	v6 =	vor.u32 v2, v6  }
0x272: {  	v61 =	vld.idx.msk [tilespmem:v11+s23+$0x0], $0xffff;
	v5 =	vor.u32 v2, v5;
	[tilespmem:v9+s15+$0x0] =	vst.idx.msk $0xffff, v7  }
0x273: {  	v63 =	vor.u32 v2, v15;
	s17 =	sadd.s32 $0x1, s17;
	[tilespmem:v14+s15+$0x0] =	vst.idx.msk $0xffff, v10;
	v62 =	vld.idx.msk [tilespmem:v17+s23+$0x0], $0xffff  }
0x274: {  	v2 =	vor.u32 v2, v16;
	p2 =	sne.s32 s17, $0x8;
	[tilespmem:v3+s15+$0x0] =	vst.idx.msk $0xffff, v13;
	v1 =	vld.idx.msk [tilespmem:v1+s23+$0x0], $0xffff  }
.Ltmp30:
0x275: {  	[tilespmem:v4+s15+$0x0] =	vst.idx.msk $0xffff, v12;
	(pc) =	sbr.rel @p2 .LBB2_45-.Ltmp30, $4  }
0x276: {  	[tilespmem:v6+s15+$0x0] =	vst.idx.msk $0xffff, v8  }
0x277: {  	[tilespmem:v5+s15+$0x0] =	vst.idx.msk $0xffff, v61  }
0x278: {  	[tilespmem:v63+s15+$0x0] =	vst.idx.msk $0xffff, v62  }
0x279: {  	[tilespmem:v2+s15+$0x0] =	vst.idx.msk $0xffff, v1  }
0x27a: {  	p2 =	seq.s32 s8, $0x3C  }
.Ltmp31:
0x27b: {  	_ = 	snop;
	(pc) =	sbr.rel @p2 .LBB2_56-.Ltmp31, $3  }
0x27c: {  	_ =	sdelay $0x1  }
0x27d: {  	s4 =	sadd.s32 $0x18000, s4  }
0x27e: {  	[hbm4b:s4+s2] =	stream.linear.scatter [tilespmem:s15], [sflag:$0x8], $0x2000, $0x38;
	[tilespmem:$0x12000] =	vst v63  }
.Ltmp32:
0x27f: {  	(pc) =	sbr.rel .LBB2_2-.Ltmp32, $3  }
0x280: {  	_ =	sdelay $0x1  }
0x281: {  	s4 =	sadd.s32 s18, s13;
	s8 =	sadd.s32 $0x1, s8  }
0x282: {  	[tilespmem:s23], [sflag:$0x4] =	stream.strided.gather [hbm4b:s4+s19], $0x2000, s20, s19, $0x38;
	[tilespmem:$0x12000] =	vst v63  }
.LBB2_56:
0x283: {  	s4 =	simm.s32 $0x5  }
0x284: {  	_ =	swait.ge [sflag:s4], $0x2000  }
0x285: {  	[sflag:s4] =	ssyncset.done $0x0  }
0x286: {  	[sflag:s4] =	ssyncadd.s32 $0xFFFFE000  }
0x287: {  	_ =	swait.ge [sflag:s28], $0x2000  }
0x288: {  	[sflag:s28] =	ssyncset.done $0x0  }
0x289: {  	[sflag:s28] =	ssyncadd.s32 $0xFFFFE000  }
0x28a: {  	_ =	swait.ge [sflag:s31], $0x2000  }
.Ltmp33:
0x28b: {  	[sflag:s31] =	ssyncset.done $0x0;
	(pc) =	sbr.rel @p1 .LBB2_68-.Ltmp33, $4  }
0x28c: {  	[sflag:s31] =	ssyncadd.s32 $0xFFFFE000  }
0x28d: {  	_ =	swait.ge [sflag:s14], $0x2000  }
0x28e: {  	[sflag:s14] =	ssyncset.done $0x0  }
0x28f: {  	s16 =	simm.s32 $0x9;
	[sflag:s14] =	ssyncadd.s32 $0xFFFFE000  }
0x290: {  	s4 =	simm.s32 $0x0;
	s7 =	rddreg [dreg:$0x9]  }
0x291: {  	[tilespmem:s4], [sflag:$0x9] =	stream.strided.gather [hbm4b:s7+s19], $0x2000, s20, s19, $0x38;
	[tilespmem:$0x12000] =	vst v63  }
0x292: {  	_ =	swait.ge [sflag:s16], $0x2000  }
0x293: {  	[sflag:s16] =	ssyncset.done $0x0  }
0x294: {  	s8 =	simm.s32 $0x0;
	[sflag:s16] =	ssyncadd.s32 $0xFFFFE000  }
.LBB2_58:
0x295: {  	s7 =	sshll.u32 s8, $0x4;
	v3 =	vadd.s32 s4, v0;
	s18 =	simm.s32 $0x3  }
0x296: {  	s10 =	simm.s32 $0x2;
	v1 =	vor.u32 s7, v0;
	v8 =	vand.u32 $0xF, v3;
	v3 =	vadd.s32 s18, v0  }
0x297: {  	v4 =	vshll.u32 v8, $0x7;
	v14 =	vand.u32 $0xF, v3;
	v3 =	vadd.s32 s10, v0  }
0x298: {  	s11 =	simm.s32 $0x1;
	v7 =	vadd.s32 v1, v4;
	v4 =	vshll.u32 v14, $0x7;
	v3 =	vand.u32 $0xF, v3  }
0x299: {  	v5 =	vadd.s32 s11, v0;
	v10 =	vadd.s32 v1, v4;
	v4 =	vshll.u32 v3, $0x7  }
0x29a: {  	v13 =	vadd.s32 v1, v4;
	v4 =	vand.u32 $0xF, v5  }
0x29b: {  	s10 =	simm.s32 $0x4;
	v9 =	vshll.u32 v4, $0x7  }
0x29c: {  	s17 =	simm.s32 $0x7;
	v5 =	vadd.s32 s10, v0;
	v12 =	vadd.s32 v1, v9  }
0x29d: {  	v6 =	vand.u32 $0xF, v5;
	v5 =	vadd.s32 s17, v0  }
0x29e: {  	v2 =	vshll.u32 v1, $0x6;
	v11 =	vshll.u32 v6, $0x7;
	v5 =	vand.u32 $0xF, v5;
	v7 =	vld.idx.msk [tilespmem:v7+s2+$0x0], $0xffff  }
0x29f: {  	s18 =	simm.s32 $0x6;
	v9 =	vor.u32 v2, v8;
	v8 =	vadd.s32 v1, v11;
	v11 =	vshll.u32 v5, $0x7;
	v10 =	vld.idx.msk [tilespmem:v10+s2+$0x0], $0xffff  }
0x2a0: {  	s7 =	simm.s32 $0x8;
	v15 =	vadd.s32 s18, v0;
	v14 =	vor.u32 v2, v14;
	s10 =	simm.s32 $0x5;
	v11 =	vadd.s32 v1, v11;
	v13 =	vld.idx.msk [tilespmem:v13+s2+$0x0], $0xffff  }
.LBB2_59:
0x2a1: {  	p2 =	slt.u32 s7, $0xC;
	v16 =	vadd.s32 s10, v0;
	v17 =	vld.idx.msk [tilespmem:v12+s2+$0x0], $0xffff;
	v18 =	vor.u32 v2, v3;
	v3 =	vand.u32 $0xF, v15  }
0x2a2: {  	v15 =	vor.u32 v2, v4;
	v12 =	vshll.u32 v3, $0x7;
	v4 =	vand.u32 $0xF, v16  }
0x2a3: {  	v16 =	vshll.u32 v4, $0x7;
	v19 =	vadd.s32 v1, v12  }
.Ltmp34:
0x2a4: {  	v20 =	vadd.s32 s7, v0;
	s10 =	sadd.s32 $0x3, s7;
	v12 =	vadd.s32 v1, v16;
	[tilespmem:v9+s25+$0x0] =	vst.idx.msk $0xffff, v7;
	(pc) =	sbr.rel @p2 .LBB2_59-.Ltmp34, $4  }
0x2a5: {  	v16 =	vand.u32 $0xF, v20;
	v7 =	vadd.s32 s10, v0;
	[tilespmem:v14+s25+$0x0] =	vst.idx.msk $0xffff, v10  }
0x2a6: {  	v9 =	vor.u32 v2, v6;
	v10 =	vshll.u32 v16, $0x7;
	v20 =	vand.u32 $0xF, v7;
	v7 =	vld.idx.msk [tilespmem:v8+s2+$0x0], $0xffff;
	[tilespmem:v18+s25+$0x0] =	vst.idx.msk $0xffff, v13  }
0x2a7: {  	s11 =	sadd.s32 $0x2, s7;
	v6 =	vmov v16;
	v8 =	vadd.s32 v1, v10;
	v13 =	vshll.u32 v20, $0x7;
	v10 =	vld.idx.msk [tilespmem:v11+s2+$0x0], $0xffff;
	[tilespmem:v15+s25+$0x0] =	vst.idx.msk $0xffff, v17  }
0x2a8: {  	s10 =	sadd.s32 $0x1, s7;
	s7 =	sadd.s32 $0x4, s7;
	v14 =	vor.u32 v2, v5;
	v5 =	vmovc v20;
	v15 =	vadd.s32 s11, v0;
	v11 =	vadd.s32 v1, v13;
	v13 =	vld.idx.msk [tilespmem:v19+s2+$0x0], $0xffff  }
0x2a9: {  	v15 =	vand.u32 $0xF, v15  }
0x2aa: {  	v17 =	vshll.u32 v15, $0x7  }
0x2ab: {  	v17 =	vadd.s32 v1, v17  }
0x2ac: {  	v16 =	vadd.s32 s10, v0  }
0x2ad: {  	v16 =	vand.u32 $0xF, v16  }
0x2ae: {  	v3 =	vor.u32 v2, v3;
	v18 =	vshll.u32 v16, $0x7  }
0x2af: {  	v12 =	vld.idx.msk [tilespmem:v12+s2+$0x0], $0xffff;
	v4 =	vor.u32 v2, v4;
	[tilespmem:v9+s25+$0x0] =	vst.idx.msk $0xffff, v7;
	v18 =	vadd.s32 v1, v18  }
0x2b0: {  	[tilespmem:v14+s25+$0x0] =	vst.idx.msk $0xffff, v10;
	v10 =	vor.u32 v2, v15;
	v9 =	vld.idx.msk [tilespmem:v17+s2+$0x0], $0xffff  }
0x2b1: {  	v8 =	vld.idx.msk [tilespmem:v8+s2+$0x0], $0xffff;
	v6 =	vor.u32 v2, v6  }
0x2b2: {  	v5 =	vor.u32 v2, v5;
	v7 =	vld.idx.msk [tilespmem:v11+s2+$0x0], $0xffff  }
0x2b3: {  	[tilespmem:v3+s25+$0x0] =	vst.idx.msk $0xffff, v13  }
0x2b4: {  	s7 =	simm.s32 $0x0;
	v11 =	vor.u32 v2, v16;
	[tilespmem:v4+s25+$0x0] =	vst.idx.msk $0xffff, v12;
	v3 =	vld.idx.msk [tilespmem:v18+s2+$0x0], $0xffff  }
0x2b5: {  	s17 =	simm.s32 $0x3;
	[tilespmem:v10+s25+$0x0] =	vst.idx.msk $0xffff, v9;
	v9 =	vadd.s32 s7, v0  }
0x2b6: {  	s18 =	simm.s32 $0x2;
	v15 =	vadd.s32 s17, v0;
	[tilespmem:v6+s25+$0x0] =	vst.idx.msk $0xffff, v8;
	v4 =	vshll.u32 v9, $0x7  }
0x2b7: {  	v6 =	vshll.u32 v15, $0x7;
	[tilespmem:v5+s25+$0x0] =	vst.idx.msk $0xffff, v7;
	v5 =	vor.u32 $0x800, v4;
	v4 =	vadd.s32 s18, v0  }
0x2b8: {  	s10 =	simm.s32 $0x1;
	v8 =	vadd.s32 v1, v5;
	v5 =	vor.u32 $0x800, v6;
	v6 =	vshll.u32 v4, $0x7  }
0x2b9: {  	[tilespmem:v11+s25+$0x0] =	vst.idx.msk $0xffff, v3;
	v11 =	vadd.s32 v1, v5;
	v6 =	vor.u32 $0x800, v6;
	v5 =	vadd.s32 s10, v0  }
0x2ba: {  	v14 =	vadd.s32 v1, v6;
	v6 =	vshll.u32 v5, $0x7  }
0x2bb: {  	s11 =	simm.s32 $0x4;
	v10 =	vor.u32 $0x800, v6  }
0x2bc: {  	s17 =	simm.s32 $0x7;
	v7 =	vadd.s32 s11, v0;
	v13 =	vadd.s32 v1, v10  }
0x2bd: {  	v12 =	vshll.u32 v7, $0x7;
	v6 =	vadd.s32 s17, v0  }
0x2be: {  	v12 =	vor.u32 $0x800, v12;
	v3 =	vor.u32 $0x10, v2;
	v16 =	vshll.u32 v6, $0x7;
	v8 =	vld.idx.msk [tilespmem:v8+s2+$0x0], $0xffff  }
0x2bf: {  	s18 =	simm.s32 $0x6;
	v10 =	vor.u32 v3, v9;
	v9 =	vadd.s32 v1, v12;
	v12 =	vor.u32 $0x800, v16;
	v11 =	vld.idx.msk [tilespmem:v11+s2+$0x0], $0xffff  }
0x2c0: {  	s7 =	simm.s32 $0x8;
	v15 =	vor.u32 v3, v15;
	s10 =	simm.s32 $0x5;
	v16 =	vadd.s32 s18, v0;
	v12 =	vadd.s32 v1, v12;
	v14 =	vld.idx.msk [tilespmem:v14+s2+$0x0], $0xffff  }
.LBB2_61:
0x2c1: {  	p2 =	slt.u32 s7, $0xC;
	v17 =	vadd.s32 s10, v0;
	v18 =	vshll.u32 v16, $0x7;
	v19 =	vld.idx.msk [tilespmem:v13+s2+$0x0], $0xffff;
	v20 =	vor.u32 v3, v4;
	v4 =	vmovc v16  }
0x2c2: {  	v13 =	vshll.u32 v17, $0x7;
	v16 =	vor.u32 $0x800, v18;
	v18 =	vor.u32 v3, v5;
	v5 =	vmovc v17  }
0x2c3: {  	v13 =	vor.u32 $0x800, v13;
	v17 =	vadd.s32 v1, v16  }
.Ltmp35:
0x2c4: {  	s10 =	sadd.s32 $0x3, s7;
	v16 =	vadd.s32 s7, v0;
	v13 =	vadd.s32 v1, v13;
	[tilespmem:v10+s25+$0x0] =	vst.idx.msk $0xffff, v8;
	(pc) =	sbr.rel @p2 .LBB2_61-.Ltmp35, $4  }
0x2c5: {  	v21 =	vadd.s32 s10, v0;
	v8 =	vshll.u32 v16, $0x7;
	[tilespmem:v15+s25+$0x0] =	vst.idx.msk $0xffff, v11  }
0x2c6: {  	v10 =	vor.u32 v3, v7;
	v11 =	vor.u32 $0x800, v8;
	v15 =	vshll.u32 v21, $0x7;
	v8 =	vld.idx.msk [tilespmem:v9+s2+$0x0], $0xffff;
	[tilespmem:v20+s25+$0x0] =	vst.idx.msk $0xffff, v14  }
0x2c7: {  	s11 =	sadd.s32 $0x2, s7;
	v7 =	vmov v16;
	v9 =	vadd.s32 v1, v11;
	v14 =	vor.u32 $0x800, v15;
	v11 =	vld.idx.msk [tilespmem:v12+s2+$0x0], $0xffff;
	[tilespmem:v18+s25+$0x0] =	vst.idx.msk $0xffff, v19  }
0x2c8: {  	s10 =	sadd.s32 $0x1, s7;
	s7 =	sadd.s32 $0x4, s7;
	v16 =	vadd.s32 s11, v0;
	v15 =	vor.u32 v3, v6;
	v6 =	vmovc v21;
	v12 =	vadd.s32 v1, v14;
	v14 =	vld.idx.msk [tilespmem:v17+s2+$0x0], $0xffff  }
0x2c9: {  	v17 =	vadd.s32 s10, v0  }
0x2ca: {  	v19 =	vshll.u32 v17, $0x7  }
0x2cb: {  	v18 =	vshll.u32 v16, $0x7;
	v19 =	vor.u32 $0x800, v19  }
0x2cc: {  	v4 =	vor.u32 v3, v4;
	v18 =	vor.u32 $0x800, v18;
	v19 =	vadd.s32 v1, v19  }
0x2cd: {  	v18 =	vadd.s32 v1, v18;
	_ =	sdelay $0x1  }
0x2ce: {  	v5 =	vor.u32 v3, v5  }
0x2cf: {  	v13 =	vld.idx.msk [tilespmem:v13+s2+$0x0], $0xffff;
	v7 =	vor.u32 v3, v7;
	v6 =	vor.u32 v3, v6;
	[tilespmem:v15+s25+$0x0] =	vst.idx.msk $0xffff, v11  }
0x2d0: {  	v11 =	vor.u32 v3, v16;
	v3 =	vor.u32 v3, v17;
	[tilespmem:v4+s25+$0x0] =	vst.idx.msk $0xffff, v14;
	v4 =	vld.idx.msk [tilespmem:v19+s2+$0x0], $0xffff  }
0x2d1: {  	[tilespmem:v10+s25+$0x0] =	vst.idx.msk $0xffff, v8;
	v10 =	vld.idx.msk [tilespmem:v18+s2+$0x0], $0xffff  }
0x2d2: {  	v9 =	vld.idx.msk [tilespmem:v9+s2+$0x0], $0xffff  }
0x2d3: {  	v8 =	vld.idx.msk [tilespmem:v12+s2+$0x0], $0xffff  }
0x2d4: {  	s7 =	simm.s32 $0x0;
	[tilespmem:v5+s25+$0x0] =	vst.idx.msk $0xffff, v13  }
0x2d5: {  	s17 =	simm.s32 $0x3;
	[tilespmem:v3+s25+$0x0] =	vst.idx.msk $0xffff, v4;
	v4 =	vadd.s32 s7, v0  }
0x2d6: {  	s10 =	simm.s32 $0x1;
	[tilespmem:v11+s25+$0x0] =	vst.idx.msk $0xffff, v10;
	v10 =	vand.u32 $0xF, v4;
	v4 =	vadd.s32 s17, v0  }
0x2d7: {  	s18 =	simm.s32 $0x2;
	[tilespmem:v7+s25+$0x0] =	vst.idx.msk $0xffff, v9;
	v7 =	vadd.s32 s10, v0;
	v5 =	vshll.u32 v10, $0x7;
	v14 =	vand.u32 $0xF, v4  }
0x2d8: {  	[tilespmem:v6+s25+$0x0] =	vst.idx.msk $0xffff, v8;
	v4 =	vadd.s32 s18, v0;
	v5 =	vadd.s32 v5, v1;
	v6 =	vshll.u32 v14, $0x7  }
0x2d9: {  	v4 =	vand.u32 $0xF, v4;
	v8 =	vadd.s32 $0x1000, v5;
	v5 =	vadd.s32 v6, v1  }
0x2da: {  	s11 =	simm.s32 $0x4;
	v6 =	vshll.u32 v4, $0x7;
	v12 =	vadd.s32 $0x1000, v5;
	v5 =	vand.u32 $0xF, v7  }
0x2db: {  	v6 =	vadd.s32 v6, v1;
	v7 =	vadd.s32 s11, v0;
	v9 =	vshll.u32 v5, $0x7  }
0x2dc: {  	v17 =	vadd.s32 $0x1000, v6;
	v6 =	vand.u32 $0xF, v7;
	v7 =	vadd.s32 v9, v1  }
0x2dd: {  	s17 =	simm.s32 $0x7;
	v11 =	vadd.s32 $0x1000, v7  }
0x2de: {  	v13 =	vadd.s32 s17, v0;
	v9 =	vshll.u32 v6, $0x7  }
0x2df: {  	v3 =	vor.u32 $0x20, v2;
	v15 =	vadd.s32 v9, v1;
	v7 =	vand.u32 $0xF, v13;
	v9 =	vld.idx.msk [tilespmem:v8+s2+$0x0], $0xffff  }
0x2e0: {  	s18 =	simm.s32 $0x6;
	v13 =	vor.u32 v3, v10;
	v8 =	vadd.s32 $0x1000, v15;
	v15 =	vshll.u32 v7, $0x7;
	v10 =	vld.idx.msk [tilespmem:v12+s2+$0x0], $0xffff  }
0x2e1: {  	s10 =	simm.s32 $0x5;
	s7 =	simm.s32 $0x8;
	v16 =	vadd.s32 s18, v0;
	v14 =	vor.u32 v3, v14;
	v15 =	vadd.s32 v15, v1;
	v12 =	vld.idx.msk [tilespmem:v17+s2+$0x0], $0xffff  }
.LBB2_63:
0x2e2: {  	p2 =	slt.u32 s7, $0xC;
	v17 =	vadd.s32 s10, v0;
	v18 =	vld.idx.msk [tilespmem:v11+s2+$0x0], $0xffff;
	v19 =	vor.u32 v3, v4;
	v4 =	vand.u32 $0xF, v16  }
0x2e3: {  	v16 =	vor.u32 v3, v5;
	v11 =	vshll.u32 v4, $0x7;
	v5 =	vand.u32 $0xF, v17  }
0x2e4: {  	v15 =	vadd.s32 $0x1000, v15;
	v17 =	vshll.u32 v5, $0x7;
	v11 =	vadd.s32 v11, v1  }
0x2e5: {  	v20 =	vadd.s32 s7, v0;
	v17 =	vadd.s32 v17, v1;
	v21 =	vadd.s32 $0x1000, v11;
	[tilespmem:v13+s25+$0x0] =	vst.idx.msk $0xffff, v9  }
.Ltmp36:
0x2e6: {  	s10 =	sadd.s32 $0x3, s7;
	v20 =	vand.u32 $0xF, v20;
	v11 =	vadd.s32 $0x1000, v17;
	[tilespmem:v14+s25+$0x0] =	vst.idx.msk $0xffff, v10;
	(pc) =	sbr.rel @p2 .LBB2_63-.Ltmp36, $4  }
0x2e7: {  	v9 =	vshll.u32 v20, $0x7;
	v10 =	vadd.s32 s10, v0;
	[tilespmem:v19+s25+$0x0] =	vst.idx.msk $0xffff, v12  }
0x2e8: {  	v12 =	vadd.s32 v9, v1;
	v17 =	vand.u32 $0xF, v10;
	v9 =	vld.idx.msk [tilespmem:v8+s2+$0x0], $0xffff;
	[tilespmem:v16+s25+$0x0] =	vst.idx.msk $0xffff, v18  }
0x2e9: {  	s11 =	sadd.s32 $0x2, s7;
	v13 =	vor.u32 v3, v6;
	v6 =	vmovc v20;
	v8 =	vadd.s32 $0x1000, v12;
	v12 =	vshll.u32 v17, $0x7;
	v10 =	vld.idx.msk [tilespmem:v15+s2+$0x0], $0xffff  }
0x2ea: {  	s10 =	sadd.s32 $0x1, s7;
	s7 =	sadd.s32 $0x4, s7;
	v14 =	vor.u32 v3, v7;
	v16 =	vadd.s32 s11, v0;
	v7 =	vmovc v17;
	v15 =	vadd.s32 v12, v1;
	v12 =	vld.idx.msk [tilespmem:v21+s2+$0x0], $0xffff  }
0x2eb: {  	v17 =	vadd.s32 s10, v0  }
0x2ec: {  	v17 =	vand.u32 $0xF, v17  }
0x2ed: {  	v19 =	vshll.u32 v17, $0x7  }
0x2ee: {  	v19 =	vadd.s32 v19, v1  }
0x2ef: {  	v16 =	vand.u32 $0xF, v16;
	v4 =	vor.u32 v3, v4;
	v19 =	vadd.s32 $0x1000, v19  }
0x2f0: {  	v18 =	vshll.u32 v16, $0x7  }
0x2f1: {  	v15 =	vadd.s32 $0x1000, v15;
	v18 =	vadd.s32 v18, v1  }
0x2f2: {  	v5 =	vor.u32 v3, v5;
	v18 =	vadd.s32 $0x1000, v18  }
0x2f3: {  	v8 =	vld.idx.msk [tilespmem:v8+s2+$0x0], $0xffff;
	v6 =	vor.u32 v3, v6;
	v7 =	vor.u32 v3, v7;
	[tilespmem:v13+s25+$0x0] =	vst.idx.msk $0xffff, v9  }
0x2f4: {  	v13 =	vor.u32 v3, v16;
	v3 =	vor.u32 v3, v17;
	[tilespmem:v4+s25+$0x0] =	vst.idx.msk $0xffff, v12;
	v4 =	vld.idx.msk [tilespmem:v19+s2+$0x0], $0xffff  }
0x2f5: {  	v11 =	vld.idx.msk [tilespmem:v11+s2+$0x0], $0xffff  }
0x2f6: {  	v9 =	vld.idx.msk [tilespmem:v15+s2+$0x0], $0xffff  }
0x2f7: {  	s7 =	simm.s32 $0x0;
	[tilespmem:v14+s25+$0x0] =	vst.idx.msk $0xffff, v10;
	v10 =	vld.idx.msk [tilespmem:v18+s2+$0x0], $0xffff  }
0x2f8: {  	s17 =	simm.s32 $0x3;
	[tilespmem:v6+s25+$0x0] =	vst.idx.msk $0xffff, v8;
	v8 =	vadd.s32 s7, v0  }
0x2f9: {  	s18 =	simm.s32 $0x2;
	v14 =	vadd.s32 s17, v0;
	[tilespmem:v3+s25+$0x0] =	vst.idx.msk $0xffff, v4;
	v3 =	vshll.u32 v8, $0x7  }
0x2fa: {  	[tilespmem:v5+s25+$0x0] =	vst.idx.msk $0xffff, v11;
	v5 =	vshll.u32 v14, $0x7;
	v4 =	vor.u32 $0x1800, v3;
	v3 =	vadd.s32 s18, v0  }
0x2fb: {  	s10 =	simm.s32 $0x1;
	[tilespmem:v7+s25+$0x0] =	vst.idx.msk $0xffff, v9;
	v7 =	vadd.s32 v1, v4;
	v4 =	vor.u32 $0x1800, v5;
	v5 =	vshll.u32 v3, $0x7  }
0x2fc: {  	[tilespmem:v13+s25+$0x0] =	vst.idx.msk $0xffff, v10;
	v10 =	vadd.s32 v1, v4;
	v5 =	vor.u32 $0x1800, v5;
	v4 =	vadd.s32 s10, v0  }
0x2fd: {  	v13 =	vadd.s32 v1, v5;
	v5 =	vshll.u32 v4, $0x7  }
0x2fe: {  	s11 =	simm.s32 $0x4;
	v9 =	vor.u32 $0x1800, v5  }
0x2ff: {  	s17 =	simm.s32 $0x7;
	v6 =	vadd.s32 s11, v0;
	v12 =	vadd.s32 v1, v9  }
0x300: {  	v11 =	vshll.u32 v6, $0x7;
	v5 =	vadd.s32 s17, v0  }
0x301: {  	v2 =	vor.u32 $0x30, v2;
	v11 =	vor.u32 $0x1800, v11;
	v15 =	vshll.u32 v5, $0x7;
	v7 =	vld.idx.msk [tilespmem:v7+s2+$0x0], $0xffff  }
0x302: {  	s18 =	simm.s32 $0x6;
	v9 =	vor.u32 v2, v8;
	v8 =	vadd.s32 v1, v11;
	v11 =	vor.u32 $0x1800, v15;
	v10 =	vld.idx.msk [tilespmem:v10+s2+$0x0], $0xffff  }
0x303: {  	s7 =	simm.s32 $0x8;
	v14 =	vor.u32 v2, v14;
	s10 =	simm.s32 $0x5;
	v15 =	vadd.s32 s18, v0;
	v11 =	vadd.s32 v1, v11;
	v13 =	vld.idx.msk [tilespmem:v13+s2+$0x0], $0xffff  }
.LBB2_65:
0x304: {  	p2 =	slt.u32 s7, $0xC;
	v16 =	vadd.s32 s10, v0;
	v17 =	vshll.u32 v15, $0x7;
	v18 =	vld.idx.msk [tilespmem:v12+s2+$0x0], $0xffff;
	v19 =	vor.u32 v2, v3;
	v3 =	vmovc v15  }
0x305: {  	v12 =	vshll.u32 v16, $0x7;
	v15 =	vor.u32 $0x1800, v17;
	v17 =	vor.u32 v2, v4;
	v4 =	vmovc v16  }
0x306: {  	v12 =	vor.u32 $0x1800, v12;
	v16 =	vadd.s32 v1, v15  }
.Ltmp37:
0x307: {  	s10 =	sadd.s32 $0x3, s7;
	v15 =	vadd.s32 s7, v0;
	v12 =	vadd.s32 v1, v12;
	[tilespmem:v9+s25+$0x0] =	vst.idx.msk $0xffff, v7;
	(pc) =	sbr.rel @p2 .LBB2_65-.Ltmp37, $4  }
0x308: {  	v20 =	vadd.s32 s10, v0;
	v7 =	vshll.u32 v15, $0x7;
	[tilespmem:v14+s25+$0x0] =	vst.idx.msk $0xffff, v10  }
0x309: {  	v9 =	vor.u32 v2, v6;
	v10 =	vor.u32 $0x1800, v7;
	v14 =	vshll.u32 v20, $0x7;
	v7 =	vld.idx.msk [tilespmem:v8+s2+$0x0], $0xffff;
	[tilespmem:v19+s25+$0x0] =	vst.idx.msk $0xffff, v13  }
0x30a: {  	s11 =	sadd.s32 $0x2, s7;
	v6 =	vmov v15;
	v8 =	vadd.s32 v1, v10;
	v13 =	vor.u32 $0x1800, v14;
	v10 =	vld.idx.msk [tilespmem:v11+s2+$0x0], $0xffff;
	[tilespmem:v17+s25+$0x0] =	vst.idx.msk $0xffff, v18  }
0x30b: {  	s10 =	sadd.s32 $0x1, s7;
	s7 =	sadd.s32 $0x4, s7;
	v15 =	vadd.s32 s11, v0;
	v14 =	vor.u32 v2, v5;
	v5 =	vmovc v20;
	v11 =	vadd.s32 v1, v13;
	v13 =	vld.idx.msk [tilespmem:v16+s2+$0x0], $0xffff  }
0x30c: {  	v16 =	vadd.s32 s10, v0;
	v17 =	vshll.u32 v15, $0x7  }
0x30d: {  	v18 =	vshll.u32 v16, $0x7;
	v17 =	vor.u32 $0x1800, v17  }
0x30e: {  	v18 =	vor.u32 $0x1800, v18;
	v17 =	vadd.s32 v1, v17  }
0x30f: {  	v3 =	vor.u32 v2, v3;
	v1 =	vadd.s32 v1, v18  }
0x310: {  	v12 =	vld.idx.msk [tilespmem:v12+s2+$0x0], $0xffff;
	v4 =	vor.u32 v2, v4  }
0x311: {  	v8 =	vld.idx.msk [tilespmem:v8+s2+$0x0], $0xffff;
	v6 =	vor.u32 v2, v6  }
0x312: {  	v61 =	vld.idx.msk [tilespmem:v11+s2+$0x0], $0xffff;
	v5 =	vor.u32 v2, v5;
	[tilespmem:v9+s25+$0x0] =	vst.idx.msk $0xffff, v7  }
0x313: {  	v63 =	vor.u32 v2, v15;
	s8 =	sadd.s32 $0x1, s8;
	[tilespmem:v14+s25+$0x0] =	vst.idx.msk $0xffff, v10;
	v62 =	vld.idx.msk [tilespmem:v17+s2+$0x0], $0xffff  }
0x314: {  	v2 =	vor.u32 v2, v16;
	p2 =	sne.s32 s8, $0x8;
	[tilespmem:v3+s25+$0x0] =	vst.idx.msk $0xffff, v13;
	v1 =	vld.idx.msk [tilespmem:v1+s2+$0x0], $0xffff  }
.Ltmp38:
0x315: {  	[tilespmem:v4+s25+$0x0] =	vst.idx.msk $0xffff, v12;
	(pc) =	sbr.rel @p2 .LBB2_58-.Ltmp38, $4  }
0x316: {  	[tilespmem:v6+s25+$0x0] =	vst.idx.msk $0xffff, v8  }
0x317: {  	[tilespmem:v5+s25+$0x0] =	vst.idx.msk $0xffff, v61  }
0x318: {  	[tilespmem:v63+s25+$0x0] =	vst.idx.msk $0xffff, v62  }
0x319: {  	[tilespmem:v2+s25+$0x0] =	vst.idx.msk $0xffff, v1  }
0x31a: {  	s4 =	rddreg [dreg:$0xa]  }
0x31b: {  	[hbm4b:s4+s2] =	stream.linear.scatter [tilespmem:s25], [sflag:$0x9], $0x2000, $0x38;
	[tilespmem:$0x12000] =	vst v63  }
0x31c: {  	_ =	swait.ge [sflag:s16], $0x2000  }
0x31d: {  	[sflag:s16] =	ssyncset.done $0x0  }
0x31e: {  	[sflag:s16] =	ssyncadd.s32 $0xFFFFE000  }
.LBB2_68:
.Ltmp39:
0x31f: {  	(pc) =	sbr.rel @p0 .LBB2_80-.Ltmp39, $2  }
0x320: {  	_ =	sdelay $0x2  }
0x321: {  	s7 =	rddreg [dreg:$0xe]  }
0x322: {  	s4 =	rddreg [dreg:$0xb]  }
0x323: {  	[tilespmem:s6], [sflag:$0x9] =	stream.strided.gather [hbm4b:s4+s19], $0x2000, s20, s19, $0x38;
	[tilespmem:$0x12000] =	vst v63  }
0x324: {  	_ =	swait.ge [sflag:s16], $0x2000  }
0x325: {  	[sflag:s16] =	ssyncset.done $0x0  }
0x326: {  	s8 =	simm.s32 $0x0;
	s4 =	simm.s32 $0x0;
	[sflag:s16] =	ssyncadd.s32 $0xFFFFE000  }
.LBB2_70:
0x327: {  	s7 =	sshll.u32 s8, $0x4;
	v3 =	vadd.s32 s4, v0;
	s18 =	simm.s32 $0x3  }
0x328: {  	s10 =	simm.s32 $0x2;
	v1 =	vor.u32 s7, v0;
	v8 =	vand.u32 $0xF, v3;
	v3 =	vadd.s32 s18, v0  }
0x329: {  	v4 =	vshll.u32 v8, $0x7;
	v14 =	vand.u32 $0xF, v3;
	v3 =	vadd.s32 s10, v0  }
0x32a: {  	s11 =	simm.s32 $0x1;
	v7 =	vadd.s32 v1, v4;
	v4 =	vshll.u32 v14, $0x7;
	v3 =	vand.u32 $0xF, v3  }
0x32b: {  	v5 =	vadd.s32 s11, v0;
	v10 =	vadd.s32 v1, v4;
	v4 =	vshll.u32 v3, $0x7  }
0x32c: {  	v13 =	vadd.s32 v1, v4;
	v4 =	vand.u32 $0xF, v5  }
0x32d: {  	s10 =	simm.s32 $0x4;
	v9 =	vshll.u32 v4, $0x7  }
0x32e: {  	s17 =	simm.s32 $0x7;
	v5 =	vadd.s32 s10, v0;
	v12 =	vadd.s32 v1, v9  }
0x32f: {  	v6 =	vand.u32 $0xF, v5;
	v5 =	vadd.s32 s17, v0  }
0x330: {  	v2 =	vshll.u32 v1, $0x6;
	v11 =	vshll.u32 v6, $0x7;
	v5 =	vand.u32 $0xF, v5;
	v7 =	vld.idx.msk [tilespmem:v7+s6+$0x0], $0xffff  }
0x331: {  	s18 =	simm.s32 $0x6;
	v9 =	vor.u32 v2, v8;
	v8 =	vadd.s32 v1, v11;
	v11 =	vshll.u32 v5, $0x7;
	v10 =	vld.idx.msk [tilespmem:v10+s6+$0x0], $0xffff  }
0x332: {  	s7 =	simm.s32 $0x8;
	v15 =	vadd.s32 s18, v0;
	v14 =	vor.u32 v2, v14;
	s10 =	simm.s32 $0x5;
	v11 =	vadd.s32 v1, v11;
	v13 =	vld.idx.msk [tilespmem:v13+s6+$0x0], $0xffff  }
.LBB2_71:
0x333: {  	p2 =	slt.u32 s7, $0xC;
	v16 =	vadd.s32 s10, v0;
	v17 =	vld.idx.msk [tilespmem:v12+s6+$0x0], $0xffff;
	v18 =	vor.u32 v2, v3;
	v3 =	vand.u32 $0xF, v15  }
0x334: {  	v15 =	vor.u32 v2, v4;
	v12 =	vshll.u32 v3, $0x7;
	v4 =	vand.u32 $0xF, v16  }
0x335: {  	v16 =	vshll.u32 v4, $0x7;
	v19 =	vadd.s32 v1, v12  }
.Ltmp40:
0x336: {  	v20 =	vadd.s32 s7, v0;
	s10 =	sadd.s32 $0x3, s7;
	v12 =	vadd.s32 v1, v16;
	[tilespmem:v9+s25+$0x0] =	vst.idx.msk $0xffff, v7;
	(pc) =	sbr.rel @p2 .LBB2_71-.Ltmp40, $4  }
0x337: {  	v16 =	vand.u32 $0xF, v20;
	v7 =	vadd.s32 s10, v0;
	[tilespmem:v14+s25+$0x0] =	vst.idx.msk $0xffff, v10  }
0x338: {  	v9 =	vor.u32 v2, v6;
	v10 =	vshll.u32 v16, $0x7;
	v20 =	vand.u32 $0xF, v7;
	v7 =	vld.idx.msk [tilespmem:v8+s6+$0x0], $0xffff;
	[tilespmem:v18+s25+$0x0] =	vst.idx.msk $0xffff, v13  }
0x339: {  	s11 =	sadd.s32 $0x2, s7;
	v6 =	vmov v16;
	v8 =	vadd.s32 v1, v10;
	v13 =	vshll.u32 v20, $0x7;
	v10 =	vld.idx.msk [tilespmem:v11+s6+$0x0], $0xffff;
	[tilespmem:v15+s25+$0x0] =	vst.idx.msk $0xffff, v17  }
0x33a: {  	s10 =	sadd.s32 $0x1, s7;
	s7 =	sadd.s32 $0x4, s7;
	v14 =	vor.u32 v2, v5;
	v5 =	vmovc v20;
	v15 =	vadd.s32 s11, v0;
	v11 =	vadd.s32 v1, v13;
	v13 =	vld.idx.msk [tilespmem:v19+s6+$0x0], $0xffff  }
0x33b: {  	v15 =	vand.u32 $0xF, v15  }
0x33c: {  	v17 =	vshll.u32 v15, $0x7  }
0x33d: {  	v17 =	vadd.s32 v1, v17  }
0x33e: {  	v16 =	vadd.s32 s10, v0  }
0x33f: {  	v16 =	vand.u32 $0xF, v16  }
0x340: {  	v3 =	vor.u32 v2, v3;
	v18 =	vshll.u32 v16, $0x7  }
0x341: {  	v12 =	vld.idx.msk [tilespmem:v12+s6+$0x0], $0xffff;
	v4 =	vor.u32 v2, v4;
	[tilespmem:v9+s25+$0x0] =	vst.idx.msk $0xffff, v7;
	v18 =	vadd.s32 v1, v18  }
0x342: {  	[tilespmem:v14+s25+$0x0] =	vst.idx.msk $0xffff, v10;
	v10 =	vor.u32 v2, v15;
	v9 =	vld.idx.msk [tilespmem:v17+s6+$0x0], $0xffff  }
0x343: {  	v8 =	vld.idx.msk [tilespmem:v8+s6+$0x0], $0xffff;
	v6 =	vor.u32 v2, v6  }
0x344: {  	v5 =	vor.u32 v2, v5;
	v7 =	vld.idx.msk [tilespmem:v11+s6+$0x0], $0xffff  }
0x345: {  	[tilespmem:v3+s25+$0x0] =	vst.idx.msk $0xffff, v13  }
0x346: {  	s7 =	simm.s32 $0x0;
	v11 =	vor.u32 v2, v16;
	[tilespmem:v4+s25+$0x0] =	vst.idx.msk $0xffff, v12;
	v3 =	vld.idx.msk [tilespmem:v18+s6+$0x0], $0xffff  }
0x347: {  	s17 =	simm.s32 $0x3;
	[tilespmem:v10+s25+$0x0] =	vst.idx.msk $0xffff, v9;
	v9 =	vadd.s32 s7, v0  }
0x348: {  	s18 =	simm.s32 $0x2;
	v15 =	vadd.s32 s17, v0;
	[tilespmem:v6+s25+$0x0] =	vst.idx.msk $0xffff, v8;
	v4 =	vshll.u32 v9, $0x7  }
0x349: {  	v6 =	vshll.u32 v15, $0x7;
	[tilespmem:v5+s25+$0x0] =	vst.idx.msk $0xffff, v7;
	v5 =	vor.u32 $0x800, v4;
	v4 =	vadd.s32 s18, v0  }
0x34a: {  	s10 =	simm.s32 $0x1;
	v8 =	vadd.s32 v1, v5;
	v5 =	vor.u32 $0x800, v6;
	v6 =	vshll.u32 v4, $0x7  }
0x34b: {  	[tilespmem:v11+s25+$0x0] =	vst.idx.msk $0xffff, v3;
	v11 =	vadd.s32 v1, v5;
	v6 =	vor.u32 $0x800, v6;
	v5 =	vadd.s32 s10, v0  }
0x34c: {  	v14 =	vadd.s32 v1, v6;
	v6 =	vshll.u32 v5, $0x7  }
0x34d: {  	s11 =	simm.s32 $0x4;
	v10 =	vor.u32 $0x800, v6  }
0x34e: {  	s17 =	simm.s32 $0x7;
	v7 =	vadd.s32 s11, v0;
	v13 =	vadd.s32 v1, v10  }
0x34f: {  	v12 =	vshll.u32 v7, $0x7;
	v6 =	vadd.s32 s17, v0  }
0x350: {  	v12 =	vor.u32 $0x800, v12;
	v3 =	vor.u32 $0x10, v2;
	v16 =	vshll.u32 v6, $0x7;
	v8 =	vld.idx.msk [tilespmem:v8+s6+$0x0], $0xffff  }
0x351: {  	s18 =	simm.s32 $0x6;
	v10 =	vor.u32 v3, v9;
	v9 =	vadd.s32 v1, v12;
	v12 =	vor.u32 $0x800, v16;
	v11 =	vld.idx.msk [tilespmem:v11+s6+$0x0], $0xffff  }
0x352: {  	s7 =	simm.s32 $0x8;
	v15 =	vor.u32 v3, v15;
	s10 =	simm.s32 $0x5;
	v16 =	vadd.s32 s18, v0;
	v12 =	vadd.s32 v1, v12;
	v14 =	vld.idx.msk [tilespmem:v14+s6+$0x0], $0xffff  }
.LBB2_73:
0x353: {  	p2 =	slt.u32 s7, $0xC;
	v17 =	vadd.s32 s10, v0;
	v18 =	vshll.u32 v16, $0x7;
	v19 =	vld.idx.msk [tilespmem:v13+s6+$0x0], $0xffff;
	v20 =	vor.u32 v3, v4;
	v4 =	vmovc v16  }
0x354: {  	v13 =	vshll.u32 v17, $0x7;
	v16 =	vor.u32 $0x800, v18;
	v18 =	vor.u32 v3, v5;
	v5 =	vmovc v17  }
0x355: {  	v13 =	vor.u32 $0x800, v13;
	v17 =	vadd.s32 v1, v16  }
.Ltmp41:
0x356: {  	s10 =	sadd.s32 $0x3, s7;
	v16 =	vadd.s32 s7, v0;
	v13 =	vadd.s32 v1, v13;
	[tilespmem:v10+s25+$0x0] =	vst.idx.msk $0xffff, v8;
	(pc) =	sbr.rel @p2 .LBB2_73-.Ltmp41, $4  }
0x357: {  	v21 =	vadd.s32 s10, v0;
	v8 =	vshll.u32 v16, $0x7;
	[tilespmem:v15+s25+$0x0] =	vst.idx.msk $0xffff, v11  }
0x358: {  	v10 =	vor.u32 v3, v7;
	v11 =	vor.u32 $0x800, v8;
	v15 =	vshll.u32 v21, $0x7;
	v8 =	vld.idx.msk [tilespmem:v9+s6+$0x0], $0xffff;
	[tilespmem:v20+s25+$0x0] =	vst.idx.msk $0xffff, v14  }
0x359: {  	s11 =	sadd.s32 $0x2, s7;
	v7 =	vmov v16;
	v9 =	vadd.s32 v1, v11;
	v14 =	vor.u32 $0x800, v15;
	v11 =	vld.idx.msk [tilespmem:v12+s6+$0x0], $0xffff;
	[tilespmem:v18+s25+$0x0] =	vst.idx.msk $0xffff, v19  }
0x35a: {  	s10 =	sadd.s32 $0x1, s7;
	s7 =	sadd.s32 $0x4, s7;
	v16 =	vadd.s32 s11, v0;
	v15 =	vor.u32 v3, v6;
	v6 =	vmovc v21;
	v12 =	vadd.s32 v1, v14;
	v14 =	vld.idx.msk [tilespmem:v17+s6+$0x0], $0xffff  }
0x35b: {  	v17 =	vadd.s32 s10, v0  }
0x35c: {  	v19 =	vshll.u32 v17, $0x7  }
0x35d: {  	v18 =	vshll.u32 v16, $0x7;
	v19 =	vor.u32 $0x800, v19  }
0x35e: {  	v4 =	vor.u32 v3, v4;
	v18 =	vor.u32 $0x800, v18;
	v19 =	vadd.s32 v1, v19  }
0x35f: {  	v18 =	vadd.s32 v1, v18;
	_ =	sdelay $0x1  }
0x360: {  	v5 =	vor.u32 v3, v5  }
0x361: {  	v13 =	vld.idx.msk [tilespmem:v13+s6+$0x0], $0xffff;
	v7 =	vor.u32 v3, v7;
	v6 =	vor.u32 v3, v6;
	[tilespmem:v15+s25+$0x0] =	vst.idx.msk $0xffff, v11  }
0x362: {  	v11 =	vor.u32 v3, v16;
	v3 =	vor.u32 v3, v17;
	[tilespmem:v4+s25+$0x0] =	vst.idx.msk $0xffff, v14;
	v4 =	vld.idx.msk [tilespmem:v19+s6+$0x0], $0xffff  }
0x363: {  	[tilespmem:v10+s25+$0x0] =	vst.idx.msk $0xffff, v8;
	v10 =	vld.idx.msk [tilespmem:v18+s6+$0x0], $0xffff  }
0x364: {  	v9 =	vld.idx.msk [tilespmem:v9+s6+$0x0], $0xffff  }
0x365: {  	v8 =	vld.idx.msk [tilespmem:v12+s6+$0x0], $0xffff  }
0x366: {  	s7 =	simm.s32 $0x0;
	[tilespmem:v5+s25+$0x0] =	vst.idx.msk $0xffff, v13  }
0x367: {  	s17 =	simm.s32 $0x3;
	[tilespmem:v3+s25+$0x0] =	vst.idx.msk $0xffff, v4;
	v4 =	vadd.s32 s7, v0  }
0x368: {  	s10 =	simm.s32 $0x1;
	[tilespmem:v11+s25+$0x0] =	vst.idx.msk $0xffff, v10;
	v10 =	vand.u32 $0xF, v4;
	v4 =	vadd.s32 s17, v0  }
0x369: {  	s18 =	simm.s32 $0x2;
	[tilespmem:v7+s25+$0x0] =	vst.idx.msk $0xffff, v9;
	v7 =	vadd.s32 s10, v0;
	v5 =	vshll.u32 v10, $0x7;
	v14 =	vand.u32 $0xF, v4  }
0x36a: {  	[tilespmem:v6+s25+$0x0] =	vst.idx.msk $0xffff, v8;
	v4 =	vadd.s32 s18, v0;
	v5 =	vadd.s32 v5, v1;
	v6 =	vshll.u32 v14, $0x7  }
0x36b: {  	v4 =	vand.u32 $0xF, v4;
	v8 =	vadd.s32 $0x1000, v5;
	v5 =	vadd.s32 v6, v1  }
0x36c: {  	s11 =	simm.s32 $0x4;
	v6 =	vshll.u32 v4, $0x7;
	v12 =	vadd.s32 $0x1000, v5;
	v5 =	vand.u32 $0xF, v7  }
0x36d: {  	v6 =	vadd.s32 v6, v1;
	v7 =	vadd.s32 s11, v0;
	v9 =	vshll.u32 v5, $0x7  }
0x36e: {  	v17 =	vadd.s32 $0x1000, v6;
	v6 =	vand.u32 $0xF, v7;
	v7 =	vadd.s32 v9, v1  }
0x36f: {  	s17 =	simm.s32 $0x7;
	v11 =	vadd.s32 $0x1000, v7  }
0x370: {  	v13 =	vadd.s32 s17, v0;
	v9 =	vshll.u32 v6, $0x7  }
0x371: {  	v3 =	vor.u32 $0x20, v2;
	v15 =	vadd.s32 v9, v1;
	v7 =	vand.u32 $0xF, v13;
	v9 =	vld.idx.msk [tilespmem:v8+s6+$0x0], $0xffff  }
0x372: {  	s18 =	simm.s32 $0x6;
	v13 =	vor.u32 v3, v10;
	v8 =	vadd.s32 $0x1000, v15;
	v15 =	vshll.u32 v7, $0x7;
	v10 =	vld.idx.msk [tilespmem:v12+s6+$0x0], $0xffff  }
0x373: {  	s10 =	simm.s32 $0x5;
	s7 =	simm.s32 $0x8;
	v16 =	vadd.s32 s18, v0;
	v14 =	vor.u32 v3, v14;
	v15 =	vadd.s32 v15, v1;
	v12 =	vld.idx.msk [tilespmem:v17+s6+$0x0], $0xffff  }
.LBB2_75:
0x374: {  	p2 =	slt.u32 s7, $0xC;
	v17 =	vadd.s32 s10, v0;
	v18 =	vld.idx.msk [tilespmem:v11+s6+$0x0], $0xffff;
	v19 =	vor.u32 v3, v4;
	v4 =	vand.u32 $0xF, v16  }
0x375: {  	v16 =	vor.u32 v3, v5;
	v11 =	vshll.u32 v4, $0x7;
	v5 =	vand.u32 $0xF, v17  }
0x376: {  	v15 =	vadd.s32 $0x1000, v15;
	v17 =	vshll.u32 v5, $0x7;
	v11 =	vadd.s32 v11, v1  }
0x377: {  	v20 =	vadd.s32 s7, v0;
	v17 =	vadd.s32 v17, v1;
	v21 =	vadd.s32 $0x1000, v11;
	[tilespmem:v13+s25+$0x0] =	vst.idx.msk $0xffff, v9  }
.Ltmp42:
0x378: {  	s10 =	sadd.s32 $0x3, s7;
	v20 =	vand.u32 $0xF, v20;
	v11 =	vadd.s32 $0x1000, v17;
	[tilespmem:v14+s25+$0x0] =	vst.idx.msk $0xffff, v10;
	(pc) =	sbr.rel @p2 .LBB2_75-.Ltmp42, $4  }
0x379: {  	v9 =	vshll.u32 v20, $0x7;
	v10 =	vadd.s32 s10, v0;
	[tilespmem:v19+s25+$0x0] =	vst.idx.msk $0xffff, v12  }
0x37a: {  	v12 =	vadd.s32 v9, v1;
	v17 =	vand.u32 $0xF, v10;
	v9 =	vld.idx.msk [tilespmem:v8+s6+$0x0], $0xffff;
	[tilespmem:v16+s25+$0x0] =	vst.idx.msk $0xffff, v18  }
0x37b: {  	s11 =	sadd.s32 $0x2, s7;
	v13 =	vor.u32 v3, v6;
	v6 =	vmovc v20;
	v8 =	vadd.s32 $0x1000, v12;
	v12 =	vshll.u32 v17, $0x7;
	v10 =	vld.idx.msk [tilespmem:v15+s6+$0x0], $0xffff  }
0x37c: {  	s10 =	sadd.s32 $0x1, s7;
	s7 =	sadd.s32 $0x4, s7;
	v14 =	vor.u32 v3, v7;
	v16 =	vadd.s32 s11, v0;
	v7 =	vmovc v17;
	v15 =	vadd.s32 v12, v1;
	v12 =	vld.idx.msk [tilespmem:v21+s6+$0x0], $0xffff  }
0x37d: {  	v17 =	vadd.s32 s10, v0  }
0x37e: {  	v17 =	vand.u32 $0xF, v17  }
0x37f: {  	v19 =	vshll.u32 v17, $0x7  }
0x380: {  	v19 =	vadd.s32 v19, v1  }
0x381: {  	v16 =	vand.u32 $0xF, v16;
	v4 =	vor.u32 v3, v4;
	v19 =	vadd.s32 $0x1000, v19  }
0x382: {  	v18 =	vshll.u32 v16, $0x7  }
0x383: {  	v15 =	vadd.s32 $0x1000, v15;
	v18 =	vadd.s32 v18, v1  }
0x384: {  	v5 =	vor.u32 v3, v5;
	v18 =	vadd.s32 $0x1000, v18  }
0x385: {  	v8 =	vld.idx.msk [tilespmem:v8+s6+$0x0], $0xffff;
	v6 =	vor.u32 v3, v6;
	v7 =	vor.u32 v3, v7;
	[tilespmem:v13+s25+$0x0] =	vst.idx.msk $0xffff, v9  }
0x386: {  	v13 =	vor.u32 v3, v16;
	v3 =	vor.u32 v3, v17;
	[tilespmem:v4+s25+$0x0] =	vst.idx.msk $0xffff, v12;
	v4 =	vld.idx.msk [tilespmem:v19+s6+$0x0], $0xffff  }
0x387: {  	v11 =	vld.idx.msk [tilespmem:v11+s6+$0x0], $0xffff  }
0x388: {  	v9 =	vld.idx.msk [tilespmem:v15+s6+$0x0], $0xffff  }
0x389: {  	s7 =	simm.s32 $0x0;
	[tilespmem:v14+s25+$0x0] =	vst.idx.msk $0xffff, v10;
	v10 =	vld.idx.msk [tilespmem:v18+s6+$0x0], $0xffff  }
0x38a: {  	s17 =	simm.s32 $0x3;
	[tilespmem:v6+s25+$0x0] =	vst.idx.msk $0xffff, v8;
	v8 =	vadd.s32 s7, v0  }
0x38b: {  	s18 =	simm.s32 $0x2;
	v14 =	vadd.s32 s17, v0;
	[tilespmem:v3+s25+$0x0] =	vst.idx.msk $0xffff, v4;
	v3 =	vshll.u32 v8, $0x7  }
0x38c: {  	[tilespmem:v5+s25+$0x0] =	vst.idx.msk $0xffff, v11;
	v5 =	vshll.u32 v14, $0x7;
	v4 =	vor.u32 $0x1800, v3;
	v3 =	vadd.s32 s18, v0  }
0x38d: {  	s10 =	simm.s32 $0x1;
	[tilespmem:v7+s25+$0x0] =	vst.idx.msk $0xffff, v9;
	v7 =	vadd.s32 v1, v4;
	v4 =	vor.u32 $0x1800, v5;
	v5 =	vshll.u32 v3, $0x7  }
0x38e: {  	[tilespmem:v13+s25+$0x0] =	vst.idx.msk $0xffff, v10;
	v10 =	vadd.s32 v1, v4;
	v5 =	vor.u32 $0x1800, v5;
	v4 =	vadd.s32 s10, v0  }
0x38f: {  	v13 =	vadd.s32 v1, v5;
	v5 =	vshll.u32 v4, $0x7  }
0x390: {  	s11 =	simm.s32 $0x4;
	v9 =	vor.u32 $0x1800, v5  }
0x391: {  	s17 =	simm.s32 $0x7;
	v6 =	vadd.s32 s11, v0;
	v12 =	vadd.s32 v1, v9  }
0x392: {  	v11 =	vshll.u32 v6, $0x7;
	v5 =	vadd.s32 s17, v0  }
0x393: {  	v2 =	vor.u32 $0x30, v2;
	v11 =	vor.u32 $0x1800, v11;
	v15 =	vshll.u32 v5, $0x7;
	v7 =	vld.idx.msk [tilespmem:v7+s6+$0x0], $0xffff  }
0x394: {  	s18 =	simm.s32 $0x6;
	v9 =	vor.u32 v2, v8;
	v8 =	vadd.s32 v1, v11;
	v11 =	vor.u32 $0x1800, v15;
	v10 =	vld.idx.msk [tilespmem:v10+s6+$0x0], $0xffff  }
0x395: {  	s7 =	simm.s32 $0x8;
	v14 =	vor.u32 v2, v14;
	s10 =	simm.s32 $0x5;
	v15 =	vadd.s32 s18, v0;
	v11 =	vadd.s32 v1, v11;
	v13 =	vld.idx.msk [tilespmem:v13+s6+$0x0], $0xffff  }
.LBB2_77:
0x396: {  	p2 =	slt.u32 s7, $0xC;
	v16 =	vadd.s32 s10, v0;
	v17 =	vshll.u32 v15, $0x7;
	v18 =	vld.idx.msk [tilespmem:v12+s6+$0x0], $0xffff;
	v19 =	vor.u32 v2, v3;
	v3 =	vmovc v15  }
0x397: {  	v12 =	vshll.u32 v16, $0x7;
	v15 =	vor.u32 $0x1800, v17;
	v17 =	vor.u32 v2, v4;
	v4 =	vmovc v16  }
0x398: {  	v12 =	vor.u32 $0x1800, v12;
	v16 =	vadd.s32 v1, v15  }
.Ltmp43:
0x399: {  	s10 =	sadd.s32 $0x3, s7;
	v15 =	vadd.s32 s7, v0;
	v12 =	vadd.s32 v1, v12;
	[tilespmem:v9+s25+$0x0] =	vst.idx.msk $0xffff, v7;
	(pc) =	sbr.rel @p2 .LBB2_77-.Ltmp43, $4  }
0x39a: {  	v20 =	vadd.s32 s10, v0;
	v7 =	vshll.u32 v15, $0x7;
	[tilespmem:v14+s25+$0x0] =	vst.idx.msk $0xffff, v10  }
0x39b: {  	v9 =	vor.u32 v2, v6;
	v10 =	vor.u32 $0x1800, v7;
	v14 =	vshll.u32 v20, $0x7;
	v7 =	vld.idx.msk [tilespmem:v8+s6+$0x0], $0xffff;
	[tilespmem:v19+s25+$0x0] =	vst.idx.msk $0xffff, v13  }
0x39c: {  	s11 =	sadd.s32 $0x2, s7;
	v6 =	vmov v15;
	v8 =	vadd.s32 v1, v10;
	v13 =	vor.u32 $0x1800, v14;
	v10 =	vld.idx.msk [tilespmem:v11+s6+$0x0], $0xffff;
	[tilespmem:v17+s25+$0x0] =	vst.idx.msk $0xffff, v18  }
0x39d: {  	s10 =	sadd.s32 $0x1, s7;
	s7 =	sadd.s32 $0x4, s7;
	v15 =	vadd.s32 s11, v0;
	v14 =	vor.u32 v2, v5;
	v5 =	vmovc v20;
	v11 =	vadd.s32 v1, v13;
	v13 =	vld.idx.msk [tilespmem:v16+s6+$0x0], $0xffff  }
0x39e: {  	v16 =	vadd.s32 s10, v0;
	v17 =	vshll.u32 v15, $0x7  }
0x39f: {  	v18 =	vshll.u32 v16, $0x7;
	v17 =	vor.u32 $0x1800, v17  }
0x3a0: {  	v18 =	vor.u32 $0x1800, v18;
	v17 =	vadd.s32 v1, v17  }
0x3a1: {  	v3 =	vor.u32 v2, v3;
	v1 =	vadd.s32 v1, v18  }
0x3a2: {  	v12 =	vld.idx.msk [tilespmem:v12+s6+$0x0], $0xffff;
	v4 =	vor.u32 v2, v4  }
0x3a3: {  	v8 =	vld.idx.msk [tilespmem:v8+s6+$0x0], $0xffff;
	v6 =	vor.u32 v2, v6  }
0x3a4: {  	v61 =	vld.idx.msk [tilespmem:v11+s6+$0x0], $0xffff;
	v5 =	vor.u32 v2, v5;
	[tilespmem:v9+s25+$0x0] =	vst.idx.msk $0xffff, v7  }
0x3a5: {  	v63 =	vor.u32 v2, v15;
	s8 =	sadd.s32 $0x1, s8;
	[tilespmem:v14+s25+$0x0] =	vst.idx.msk $0xffff, v10;
	v62 =	vld.idx.msk [tilespmem:v17+s6+$0x0], $0xffff  }
0x3a6: {  	v2 =	vor.u32 v2, v16;
	p2 =	sne.s32 s8, $0x4;
	[tilespmem:v3+s25+$0x0] =	vst.idx.msk $0xffff, v13;
	v1 =	vld.idx.msk [tilespmem:v1+s6+$0x0], $0xffff  }
.Ltmp44:
0x3a7: {  	[tilespmem:v4+s25+$0x0] =	vst.idx.msk $0xffff, v12;
	(pc) =	sbr.rel @p2 .LBB2_70-.Ltmp44, $4  }
0x3a8: {  	[tilespmem:v6+s25+$0x0] =	vst.idx.msk $0xffff, v8  }
0x3a9: {  	[tilespmem:v5+s25+$0x0] =	vst.idx.msk $0xffff, v61  }
0x3aa: {  	[tilespmem:v63+s25+$0x0] =	vst.idx.msk $0xffff, v62  }
0x3ab: {  	[tilespmem:v2+s25+$0x0] =	vst.idx.msk $0xffff, v1  }
.Ltmp45:
0x3ac: {  	s4 =	rddreg [dreg:$0xc];
	(pc) =	sbr.rel .LBB2_80-.Ltmp45, $4  }
0x3ad: {  	[hbm4b:s4+s2] =	stream.linear.scatter [tilespmem:s25], [sflag:$0x9], $0x1000, $0x38;
	[tilespmem:$0x12000] =	vst v63  }
0x3ae: {  	_ =	swait.ge [sflag:s16], $0x1000  }
0x3af: {  	[sflag:s16] =	ssyncset.done $0x0  }
0x3b0: {  	s7 =	rddreg [dreg:$0xe];
	[sflag:s16] =	ssyncadd.s32 $0xFFFFF000  }
.LBB2_81:
0x3b1: {  	_ =	sfence.sel $0x180000  }
0x3b2: {  	[bflag:$0x0] =	sbarrier.arrive $0xFFFF  }
0x3b3: {  	_ =	strace $0x90000047  }
0x3b4: {  	s0 =	stileid.u32;
	[bflag:$0x2] =	sbarrier.arrive $0xFFFF  }
0x3b5: {  	p0 =	sne.s32 s0, $0x0;
	s0 =	rddreg [dreg:$0x2]  }
0x3b6: {  	s0 =	sadd.s32 @!p0 $0x100000, s0  }
0x3b7: {  	[sflag:s0] =	ssyncadd.tile.s32 @!p0 $0x1;
	_ =	shalt  }
.Lfunc_end2:
_tile_overlayer_lowered:
.L_overlay_start_2:
0x3b8: {  	(tag) =	ssettag $0x2  }
0x3b9: {  	s0 =	rddreg [dreg:$0x0];
	s2 =	stileid.u32  }
0x3ba: {  	s1 =	rddreg [dreg:$0x1];
	p0 =	sne.s32 s2, $0x0  }
0x3bb: {  	s3 =	rddreg [dreg:$0x2];
	[bflag:$0x3] =	sbarrier.arrive $0xFFFF;
	s2 =	simm.s32 @!p0 $0x1C09  }
0x3bc: {  	[timem:s3], [sflag:s2] =	dma.local @!p0 [hbm:s0], s1  }
0x3bd: {  	s0 =	simm.s32 @!p0 $0x9  }
0x3be: {  	_ =	swait.ge @!p0 [sflag:s0], s1  }
0x3bf: {  	s1 =	ssub.s32 @!p0 $0x0, s1;
	[sflag:s0] =	ssyncset.done @!p0 $0x0  }
0x3c0: {  	[sflag:s0] =	ssyncadd.s32 @!p0 s1  }
0x3c1: {  	[bflag:$0x3] =	sbarrier.arrive $0xFFFF  }
0x3c2: {  	_ =	shalt  }

// kernel: kernel.7.cloned.1.call-start
scs
__scs_entry_jumppad:
0x0: {  	(pc) =	sbr.rel $0x88, $3  }
0x1: {  	(tag) =	ssettag $0x0;
	lr =	simm.s32 $0x1  }
0x2: {  	[smem:$0x3F9F] =	sst lr;
	_ =	strace $0xD0000000  }
0x3: {  	_ = 	snop  }
0x4: {  	_ = 	snop  }
0x5: {  	_ = 	snop  }
0x6: {  	_ = 	snop  }
0x7: {  	_ = 	snop  }
__scs_overlays_trampoline_lowered:
0x8: {  	[smem:$0x3FAE] =	sst s0  }
0x9: {  	[smem:$0x3FAF] =	sst s1  }
0xa: {  	[smem:$0x3FB0] =	sst s2  }
0xb: {  	[smem:$0x3FB1] =	sst s3  }
0xc: {  	[smem:$0x3FB2] =	sst s4  }
0xd: {  	[smem:$0x3FB3] =	sst s5  }
0xe: {  	[smem:$0x3FB4] =	sst s6  }
0xf: {  	[smem:$0x3FB5] =	sst s7  }
0x10: {  	[smem:$0x3FB6] =	sst s8  }
0x11: {  	[smem:$0x3FB7] =	sst s9;
	s0 =	simm.s32 @!p0 $0x0  }
0x12: {  	s1 =	sld [smem:$0x3F9D];
	s0 =	simm.s32 @p0 $0x1  }
0x13: {  	[smem:$0x3FB8] =	sst s0;
	s0 =	simm.s32 @!p1 $0x0  }
0x14: {  	s2 =	sld [smem:$0x3F9C];
	s0 =	simm.s32 @p1 $0x1  }
0x15: {  	[smem:$0x3FB9] =	sst s0;
	s0 =	simm.s32 @!p2 $0x0  }
0x16: {  	s3 =	sld [smem:$0x3FDB];
	s0 =	simm.s32 @p2 $0x1  }
0x17: {  	s4 =	simm.s32 $0x1BF5;
	[smem:$0x3FBB] =	sst s0  }
0x18: {  	s0 =	sld [smem:$0x3F9E];
	_ =	swait.ge [sflag:s4], $0x0  }
0x19: {  	s7 =	sld [smem:$0x3F9F]  }
0x1a: {  	s8 =	sadd.s32 $0xFFFFE003, lr  }
0x1b: {  	s9 =	sadd.s32 $0xFFFFFEF7, lr;
	s5 =	simm.s32 $0xFFFFFFFF;
	p2 =	slt.u32 s8, $0xFFFFF086  }
0x1c: {  	p1 =	slt.u32 s9, $0xF7A;
	s5 =	simm.s32 @!p2 $0x0  }
0x1d: {  	s5 =	simm.s32 @p1 $0x1;
	p0 =	seq.s32 s7, s2  }
0x1e: {  	s7 =	smul.u32 @!p0 $0xF7A, s2;
	p2 =	seq.s32 @!p0 s5, $0x0  }
0x1f: {  	s9 =	smul.u32 $0xF7A, s1;
	s8 =	simm.s32 @!p0 $0x1BF5;
	p2 =	por !p2, p0  }
0x20: {  	[sflag:s8] =	ssyncset.s32 @!p0 $0xFFFFF086;
	s6 =	sadd.s32 @!p0 s3, s7;
	s7 =	simm.s32 @!p0 $0x108  }
0x21: {  	s3 =	sadd.s32 s3, s9;
	s6 =	sadd.s32 @!p0 $0x88, s6;
	s7 =	simm.s32 @p2 $0x1082  }
0x22: {  	[simem:s7], [sflag:s8] =	dma.local @!p0 [hbm:s6], $0xF7A  }
0x23: {  	s9 =	sor.u32 $0xD0000000, s2;
	s6 =	simm.s32 $0x108;
	_ =	swait.ge @!p0 [sflag:s8], $0x0  }
0x24: {  	s3 =	sadd.s32 $0x88, s3;
	s6 =	simm.s32 @!p1 $0x1082;
	[sflag:s4] =	ssyncset.s32 $0xFFFFF086  }
0x25: {  	[simem:s6], [sflag:s4] =	dma.local [hbm:s3], $0xF7A  }
0x26: {  	[smem:$0x3F9F] =	sst s1;
	(tag) =	ssettag s2;
	_ =	strace s9  }
0x27: {  	s1 =	sld [smem:$0x3FAF]  }
0x28: {  	s2 =	sld [smem:$0x3FB0]  }
0x29: {  	s4 =	sld [smem:$0x3FB2]  }
0x2a: {  	p0 =	seq.s32 s5, $0x0;
	s5 =	sld [smem:$0x3FB3]  }
0x2b: {  	s6 =	sld [smem:$0x3FB4]  }
0x2c: {  	s7 =	sld [smem:$0x3FB5]  }
0x2d: {  	s3 =	simm.s32 $0x108;
	s8 =	sld [smem:$0x3FB6]  }
0x2e: {  	s3 =	simm.s32 @!p0 $0x1082;
	s9 =	sld [smem:$0x3FB7]  }
0x2f: {  	lr =	sadd.s32 s0, s3;
	s0 =	sld [smem:$0x3FAE]  }
0x30: {  	s3 =	sld [smem:$0x3FB1]  }
0x31: {  	[smem:$0x3FBA] =	sst s10  }
0x32: {  	s10 =	sld [smem:$0x3FB8];
	_ =	sdelay $0x3  }
0x33: {  	p0 =	seq.s32 s10, $0x1;
	s10 =	sld [smem:$0x3FBA];
	_ =	sdelay $0x3  }
0x34: {  	[smem:$0x3FBA] =	sst s10  }
0x35: {  	s10 =	sld [smem:$0x3FB9];
	_ =	sdelay $0x3  }
0x36: {  	p1 =	seq.s32 s10, $0x1;
	s10 =	sld [smem:$0x3FBA];
	_ =	sdelay $0x3  }
0x37: {  	[smem:$0x3FBA] =	sst s10  }
0x38: {  	s10 =	sld [smem:$0x3FBB]  }
0x39: {  	_ = 	snop;
	(pc) =	sbr.ind lr, $3  }
0x3a: {  	_ = 	snop  }
0x3b: {  	_ = 	snop  }
0x3c: {  	p2 =	seq.s32 s10, $0x1;
	s10 =	sld [smem:$0x3FBA]  }
0x3d: {  	_ =	shalt  }
0x3e: {  	_ =	shalt  }
0x3f: {  	_ =	shalt  }
0x40: {  	_ =	shalt  }
0x41: {  	_ =	shalt  }
0x42: {  	_ =	shalt  }
0x43: {  	_ =	shalt  }
0x44: {  	_ =	shalt  }
0x45: {  	_ =	shalt  }
0x46: {  	_ =	shalt  }
0x47: {  	_ =	shalt  }
0x48: {  	_ =	shalt  }
0x49: {  	_ =	shalt  }
0x4a: {  	_ =	shalt  }
0x4b: {  	_ =	shalt  }
0x4c: {  	_ =	shalt  }
0x4d: {  	_ =	shalt  }
0x4e: {  	_ =	shalt  }
0x4f: {  	_ =	shalt  }
0x50: {  	_ =	shalt  }
0x51: {  	_ =	shalt  }
0x52: {  	_ =	shalt  }
0x53: {  	_ =	shalt  }
0x54: {  	_ =	shalt  }
0x55: {  	_ =	shalt  }
0x56: {  	_ =	shalt  }
0x57: {  	_ =	shalt  }
0x58: {  	_ =	shalt  }
0x59: {  	_ =	shalt  }
0x5a: {  	_ =	shalt  }
0x5b: {  	_ =	shalt  }
0x5c: {  	_ =	shalt  }
0x5d: {  	_ =	shalt  }
0x5e: {  	_ =	shalt  }
0x5f: {  	_ =	shalt  }
0x60: {  	_ =	shalt  }
0x61: {  	_ =	shalt  }
0x62: {  	_ =	shalt  }
0x63: {  	_ =	shalt  }
0x64: {  	_ =	shalt  }
0x65: {  	_ =	shalt  }
0x66: {  	_ =	shalt  }
0x67: {  	_ =	shalt  }
0x68: {  	_ =	shalt  }
0x69: {  	_ =	shalt  }
0x6a: {  	_ =	shalt  }
0x6b: {  	_ =	shalt  }
0x6c: {  	_ =	shalt  }
0x6d: {  	_ =	shalt  }
0x6e: {  	_ =	shalt  }
0x6f: {  	_ =	shalt  }
0x70: {  	_ =	shalt  }
0x71: {  	_ =	shalt  }
0x72: {  	_ =	shalt  }
0x73: {  	_ =	shalt  }
0x74: {  	_ =	shalt  }
0x75: {  	_ =	shalt  }
0x76: {  	_ =	shalt  }
0x77: {  	_ =	shalt  }
0x78: {  	_ =	shalt  }
0x79: {  	_ =	shalt  }
0x7a: {  	_ =	shalt  }
0x7b: {  	_ =	shalt  }
0x7c: {  	_ =	shalt  }
0x7d: {  	_ =	shalt  }
0x7e: {  	_ =	shalt  }
0x7f: {  	_ =	shalt  }
0x80: {  	_ =	shalt  }
0x81: {  	_ =	shalt  }
0x82: {  	_ =	shalt  }
0x83: {  	_ =	shalt  }
0x84: {  	_ =	shalt  }
0x85: {  	_ =	shalt  }
0x86: {  	_ =	shalt  }
0x87: {  	_ =	shalt  }
.Lfunc_end0:
.L_simem_size_0:
called_computation.1_lowered:
.L_overlay_start_0:
0x88: {  	s2 =	sld [smem:$0x3FD9]  }
0x89: {  	s3 =	sld [smem:$0x3FFE];
	_ =	sdelay $0x1  }
0x8a: {  	s1 =	srdreg.scid  }
0x8b: {  	s0 =	sand.u32 $0x1, s1  }
0x8c: {  	s17 =	sshll.u32 s0, $0xA;
	s2 =	sadd.s32 s3, s2  }
0x8d: {  	s2 =	sadd.s32 s2, s17  }
0x8e: {  	[smem:$0x3FC6] =	sst s2  }
0x8f: {  	_ = 	snop  }
0x90: {  	s2 =	sld [smem:$0x3FD0];
	(tm) =	ssettm $0x1  }
0x91: {  	s18 =	sld [smem:$0x3FFB];
	_ =	sdelay $0x3  }
0x92: {  	_ =	strace s18  }
0x93: {  	s3 =	sld [smem:$0x3FFC];
	_ =	sdelay $0x3  }
0x94: {  	_ =	strace s3  }
0x95: {  	s3 =	sld [smem:$0x3FFD];
	_ =	sdelay $0x3  }
0x96: {  	_ =	strace s3  }
0x97: {  	_ =	strace $0x8FFFFFFF  }
0x98: {  	s19 =	sld [smem:$0x3FDB];
	_ =	sdelay $0x1  }
0x99: {  	s4 =	simm.s32 $_scs_section_size  }
0x9a: {  	s5 =	simm.s32 $_size__tile_overlayer_lowered;
	s6 =	simm.s32 $_tile_overlayer_lowered  }
0x9b: {  	s22 =	simm.s32 $0x1BFF;
	s21 =	sshll.u32 s6, $0x1;
	s3 =	sadd.s32 s4, s19  }
0x9c: {  	s7 =	simm.s32 $0x0;
	s20 =	sshll.u32 s5, $0x1;
	s5 =	sadd.s32 s21, s3  }
0x9d: {  	[timem:s7], [sflag:s22] =	dma.local [hbm:s5], s20  }
0x9e: {  	_ =	swait.ge [sflag:s22], s20  }
0x9f: {  	s4 =	ssub.s32 $0x0, s20;
	[sflag:s22] =	ssyncset.done $0x0  }
0xa0: {  	[sflag:s22] =	ssyncadd.s32 s4;
	_ =	sdelay $0x1  }
0xa1: {  	s23 =	simm.s32 $0x1B8B  }
0xa2: {  	_ =	swait.ge [sflag:s23], $0x1  }
0xa3: {  	[sflag:s23] =	ssyncset.done $0x0  }
0xa4: {  	s25 =	simm.s32 $0x1B8E;
	s24 =	sld [smem:$0x3FFE];
	[sflag:s23] =	ssyncadd.s32 $0xFFFFFFFF  }
0xa5: {  	s26 =	simm.s32 $execute0_lowered;
	[smem:$0x3FD2] =	sst s25  }
0xa6: {  	s5 =	sshll.u32 s26, $0x1;
	_ =	strace $0x80000049;
	[dreg:$0x1] =	wrdreg $0xFFFFFFFF  }
0xa7: {  	s28 =	simm.s32 $_size_execute0_lowered;
	s3 =	sadd.s32 s3, s5;
	[dreg:$0x0] =	wrdreg $0x0  }
0xa8: {  	s5 =	sshll.u32 s28, $0x1;
	[dreg:$0x2] =	wrdreg s3  }
0xa9: {  	[dreg:$0x3] =	wrdreg s5  }
0xaa: {  	[dreg:$0x4] =	wrdreg $0xC0  }
0xab: {  	_ =	task [dreg:s7], $0x5FFFF  }
0xac: {  	[dreg:$0x1] =	wrdreg $0xFFFFFFFF  }
0xad: {  	[dreg:$0x0] =	wrdreg $0x60  }
0xae: {  	[dreg:$0x2] =	wrdreg s24  }
0xaf: {  	[dreg:$0x3] =	wrdreg s2  }
0xb0: {  	[dreg:$0x4] =	wrdreg $0x9  }
0xb1: {  	_ =	task.clear_ibuf [dreg:s7], $0x5FFFF;
	_ =	strace $0x90000049  }
0xb2: {  	s29 =	simm.s32 $0x9;
	_ =	strace $0x8000004B  }
0xb3: {  	_ =	swait.ge [sflag:s29], $0x1  }
0xb4: {  	[sflag:s29] =	ssyncadd.s32 $0xFFFFFFFF  }
0xb5: {  	_ =	strace $0x9000004B  }
0xb6: {  	_ =	sfence  }
0xb7: {  	s30 =	sld [smem:$0x0];
	_ =	sdelay $0x2  }
0xb8: {  	s31 =	sshll.u32 s1, $0xD;
	s1 =	sshrl.u32 s1, $0x2  }
0xb9: {  	s3 =	sand.u32 $0x4000, s31;
	s1 =	sadd.s32 s1, s30  }
0xba: {  	s0 =	sor.u32 s3, s0;
	s1 =	sshll.u32 s1, $0x11  }
0xbb: {  	s0 =	sor.u32 s1, s0  }
0xbc: {  	s0 =	sadd.s32 $0x8F2B, s0  }
0xbd: {  	[sflag:s0] =	ssyncadd.remote.s32 $0x1  }
0xbe: {  	_ =	sfence.sel $0xFFFF  }
0xbf: {  	[dreg:$0x0] =	wrdreg $0xFFFFFFFF;
	(pc) =	sbr.abs _section_cstart, $3  }
0xc0: {  	[dreg:$0x1] =	wrdreg $0xFFFFFFFF  }
0xc1: {  	_ =	task.clear_ibuf [dreg:s7], $0x2FFFF;
	_ =	strace $0x9FFFFFFF  }
0xc2: {  	(tm) =	ssettm $0x7FFFFFFF  }
0xc3: {  	_ =	shalt  }
tec
execute0_lowered:
.L_overlay_start_1:
0x0: {  	(tag) =	ssettag $0x1  }
0x1: {  	s0 =	rddreg [dreg:$0x0]  }
0x2: {  	s6 =	rddreg [dreg:$0x1]  }
0x3: {  	s1 =	srdreg.scid;
	s2 =	stileid.u32;
	s3 =	simm.s32 $0x0  }
0x4: {  	s11 =	simm.s32 $0x80;
	s14 =	simm.s32 $0x6400;
	s15 =	simm.s32 $0x8400  }
0x5: {  	s17 =	simm.s32 $0xA400;
	s19 =	simm.s32 $0xC400;
	s20 =	simm.s32 $0x1  }
0x6: {  	s21 =	simm.s32 $0xE400;
	s28 =	simm.s32 $0x3;
	s29 =	simm.s32 $0x7  }
0x7: {  	s30 =	simm.s32 $0x12400;
	s31 =	simm.s32 $0x4;
	s1 =	sand.u32 $0x1, s1  }
0x8: {  	s2 =	sshll.u32 s2, $0x1;
	[smem:$0x7FF] =	sst s3;
	s4 =	sadd.s32 $0xA00, s0  }
0x9: {  	s24 =	sadd.s32 $0x8000, s6;
	s25 =	sadd.s32 $0x10000, s6;
	s9 =	sadd.s32 $0x18000, s6  }
0xa: {  	s3 =	simm.s32 $0x0;
	_ =	strace $0x8000004A;
	[dreg:$0x5] =	wrdreg s24  }
0xb: {  	s2 =	sor.u32 s1, s2;
	s1 =	ssub.s32 $0x2, s1;
	[dreg:$0x6] =	wrdreg s25  }
0xc: {  	s24 =	simm.s32 $0x2;
	s25 =	simm.s32 $0x6;
	s22 =	sshll.u32 s2, $0x4  }
.Ltmp0:
0xd: {  	s5 =	sshrl.u32 s1, $0x1;
	s23 =	sshll.u32 s2, $0x7;
	(pc) =	sbr.rel .LBB2_1-.Ltmp0, $4  }
0xe: {  	s0 =	sadd.s32 s22, s0;
	s1 =	ssub.s32 s1, s5;
	[dreg:$0x4] =	wrdreg s23  }
0xf: {  	s22 =	simm.s32 $0x400;
	s23 =	simm.s32 $0x8000;
	s0 =	sadd.s32 $0x7A1C00, s0  }
0x10: {  	v0 =	vlaneseq.u32;
	s26 =	smax.u32 s1, $0x1;
	s1 =	simm.s32 $0x14400;
	[dreg:$0x3] =	wrdreg s0  }
0x11: {  	v1 =	vor.u32 $0x78, v0;
	[dreg:$0x7] =	wrdreg s26;
	s26 =	simm.s32 $0x10400;
	s0 =	simm.s32 $0x8  }
.LBB2_56:
0x12: {  	s2 =	simm.s32 $0x5  }
0x13: {  	_ =	swait.ge [sflag:s2], $0x2000  }
0x14: {  	[sflag:s2] =	ssyncset.done $0x0  }
0x15: {  	[sflag:s2] =	ssyncadd.s32 $0xFFFFE000  }
0x16: {  	_ =	swait.ge [sflag:s25], $0x2000  }
0x17: {  	[sflag:s25] =	ssyncset.done $0x0  }
0x18: {  	[sflag:s25] =	ssyncadd.s32 $0xFFFFE000  }
0x19: {  	_ =	swait.ge [sflag:s29], $0x2000  }
0x1a: {  	[sflag:s29] =	ssyncset.done $0x0  }
0x1b: {  	[sflag:s29] =	ssyncadd.s32 $0xFFFFE000  }
0x1c: {  	_ =	swait.ge [sflag:s0], $0x2000  }
0x1d: {  	s3 =	rddreg [dreg:$0x8]  }
0x1e: {  	s18 =	rddreg [dreg:$0x7];
	s3 =	sadd.s32 $0x1, s3  }
0x1f: {  	p0 =	sne.s32 s3, s18  }
.Ltmp1:
0x20: {  	_ = 	snop;
	(pc) =	sbr.rel @!p0 .LBB2_57-.Ltmp1, $3  }
0x21: {  	_ =	sdelay $0x1  }
0x22: {  	[sflag:s0] =	ssyncset.done $0x0  }
0x23: {  	[sflag:s0] =	ssyncadd.s32 $0xFFFFE000  }
.LBB2_1:
0x24: {  	[dreg:$0x8] =	wrdreg s3;
	s2 =	simm.s32 $0x0  }
0x25: {  	s12 =	rddreg [dreg:$0x3];
	s5 =	simm.s32 $0x1000;
	s13 =	simm.s32 $0x9  }
0x26: {  	[tilespmem:s2], [sflag:$0x9] =	stream.strided.gather [hbm4b:s12+s11], $0x6400, s5, s11, $0x38;
	[tilespmem:$0x16400] =	vst v63  }
0x27: {  	_ =	swait.ge [sflag:s13], $0x6400  }
0x28: {  	[sflag:s13] =	ssyncset.done $0x0  }
0x29: {  	[sflag:s13] =	ssyncadd.s32 $0xFFFF9C00  }
0x2a: {  	[tilespmem:s14], [sflag:$0x1] =	stream.indirect.gather [hbm4b:s4+s11], $0x40, s2, s11, $0xb8;
	[tilespmem:$0x16400] =	vst v63  }
0x2b: {  	_ = 	snop  }
0x2c: {  	[tilespmem:s15], [sflag:$0x2] =	stream.indirect.gather [hbm4b:s4+s11], $0x40, s11, s11, $0xb8;
	[tilespmem:$0x16400] =	vst v63  }
0x2d: {  	s16 =	simm.s32 $0x100  }
0x2e: {  	[tilespmem:s17], [sflag:$0x3] =	stream.indirect.gather [hbm4b:s4+s11], $0x40, s16, s11, $0xb8;
	[tilespmem:$0x16400] =	vst v63  }
0x2f: {  	s18 =	simm.s32 $0x180  }
0x30: {  	[tilespmem:s19], [sflag:$0x4] =	stream.indirect.gather [hbm4b:s4+s11], $0x40, s18, s11, $0xb8;
	[tilespmem:$0x16400] =	vst v63  }
0x31: {  	s18 =	simm.s32 $0x0  }
.LBB2_2:
0x32: {  	_ =	swait.ge [sflag:s20], $0x2000  }
0x33: {  	p0 =	seq.s32 s18, $0x0;
	[sflag:s20] =	ssyncset.done $0x0  }
0x34: {  	s2 =	simm.s32 @!p0 $0x5;
	[sflag:s20] =	ssyncadd.s32 $0xFFFFE000  }
0x35: {  	_ =	swait.ge @!p0 [sflag:s2], $0x2000  }
0x36: {  	s3 =	sshll.u32 s18, $0xB;
	[sflag:s2] =	ssyncset.done @!p0 $0x0  }
0x37: {  	s5 =	simm.s32 $0x0;
	s10 =	simm.s32 $0x0;
	[sflag:s2] =	ssyncadd.s32 @!p0 $0xFFFFE000  }
.LBB2_3:
0x38: {  	s2 =	sshll.u32 s10, $0x4;
	v5 =	vadd.s32 s5, v0  }
0x39: {  	s6 =	simm.s32 $0x3;
	s7 =	simm.s32 $0x2;
	v3 =	vor.u32 s2, v0;
	v4 =	vand.u32 $0xF, v5  }
0x3a: {  	s12 =	simm.s32 $0x1;
	v7 =	vadd.s32 s6, v0;
	v8 =	vadd.s32 s7, v0;
	v2 =	vshll.u32 v3, $0x6  }
0x3b: {  	v13 =	vadd.s32 s12, v0;
	v6 =	vor.u32 v2, v4;
	v4 =	vand.u32 $0xF, v7  }
0x3c: {  	s13 =	simm.s32 $0x7;
	v5 =	vshll.u32 v5, $0x7;
	v9 =	vand.u32 $0xF, v8;
	v11 =	vor.u32 v2, v4  }
0x3d: {  	s8 =	simm.s32 $0x4;
	v12 =	vadd.s32 s13, v0;
	v10 =	vand.u32 $0xF, v13;
	v14 =	vor.u32 v2, v9  }
0x3e: {  	v3 =	vand.u32 v1, v3;
	v16 =	vor.u32 v2, v10;
	v4 =	vadd.s32 s8, v0  }
0x3f: {  	v5 =	vand.u32 $0x780, v5;
	v15 =	vand.u32 $0xF, v12;
	v9 =	vand.u32 $0xF, v4  }
0x40: {  	v17 =	vshll.u32 v7, $0x7;
	v10 =	vor.u32 v2, v9;
	v9 =	vor.u32 v5, v3;
	v6 =	vld.idx.msk [tilespmem:v6+s14+$0x0], $0xffff  }
0x41: {  	v5 =	vor.u32 v2, v15;
	v15 =	vshll.u32 v8, $0x7;
	v7 =	vld.idx.msk [tilespmem:v11+s14+$0x0], $0xffff;
	v11 =	vand.u32 $0x780, v17  }
0x42: {  	s16 =	simm.s32 $0x6;
	v8 =	vld.idx.msk [tilespmem:v14+s14+$0x0], $0xffff;
	v14 =	vand.u32 $0x780, v15;
	v17 =	vshll.u32 v13, $0x7;
	v13 =	vor.u32 v11, v3  }
0x43: {  	s2 =	simm.s32 $0x5;
	s12 =	simm.s32 $0x8;
	v15 =	vadd.s32 s16, v0;
	v14 =	vor.u32 v14, v3;
	v11 =	vld.idx.msk [tilespmem:v16+s14+$0x0], $0xffff;
	v16 =	vand.u32 $0x780, v17  }
.LBB2_4:
0x44: {  	p1 =	slt.u32 s12, $0xC;
	v17 =	vadd.s32 s2, v0;
	v18 =	vand.u32 $0xF, v15;
	v16 =	vor.u32 v16, v3  }
0x45: {  	v19 =	vadd.s32 s12, v0;
	v20 =	vand.u32 $0xF, v17;
	v18 =	vor.u32 v2, v18  }
0x46: {  	s2 =	sadd.s32 $0x3, s12;
	v22 =	vshll.u32 v4, $0x7;
	v21 =	vand.u32 $0xF, v19;
	v4 =	vmovc v19;
	v20 =	vor.u32 v2, v20;
	[tilespmem:v9+s21+$0x0] =	vst.idx.msk $0xffff, v6  }
.Ltmp2:
0x47: {  	v19 =	vor.u32 v2, v21;
	v21 =	vadd.s32 s2, v0;
	v9 =	vand.u32 $0x780, v22;
	[tilespmem:v13+s21+$0x0] =	vst.idx.msk $0xffff, v7;
	(pc) =	sbr.rel @p1 .LBB2_4-.Ltmp2, $4  }
0x48: {  	v23 =	vshll.u32 v12, $0x7;
	v13 =	vand.u32 $0xF, v21;
	v9 =	vor.u32 v9, v3;
	v6 =	vld.idx.msk [tilespmem:v10+s14+$0x0], $0xffff;
	[tilespmem:v14+s21+$0x0] =	vst.idx.msk $0xffff, v8  }
0x49: {  	v22 =	vshll.u32 v15, $0x7;
	v15 =	vand.u32 $0x780, v23;
	v7 =	vld.idx.msk [tilespmem:v5+s14+$0x0], $0xffff;
	v5 =	vor.u32 v2, v13;
	[tilespmem:v16+s21+$0x0] =	vst.idx.msk $0xffff, v11  }
0x4a: {  	s13 =	sadd.s32 $0x2, s12;
	v12 =	vmovc v21;
	v14 =	vshll.u32 v17, $0x7;
	v17 =	vand.u32 $0x780, v22;
	v10 =	vmovc v19;
	v13 =	vor.u32 v15, v3;
	v8 =	vld.idx.msk [tilespmem:v18+s14+$0x0], $0xffff  }
0x4b: {  	s2 =	sadd.s32 $0x1, s12;
	s12 =	sadd.s32 $0x4, s12;
	v15 =	vadd.s32 s13, v0;
	v16 =	vand.u32 $0x780, v14;
	v14 =	vor.u32 v17, v3;
	v11 =	vld.idx.msk [tilespmem:v20+s14+$0x0], $0xffff  }
0x4c: {  	v17 =	vadd.s32 s2, v0  }
0x4d: {  	v19 =	vand.u32 $0xF, v17  }
0x4e: {  	v4 =	vshll.u32 v4, $0x7;
	v19 =	vor.u32 v2, v19  }
0x4f: {  	v18 =	vand.u32 $0xF, v15;
	v12 =	vshll.u32 v12, $0x7;
	v4 =	vand.u32 $0x780, v4  }
0x50: {  	v10 =	vld.idx.msk [tilespmem:v10+s14+$0x0], $0xffff;
	v18 =	vor.u32 v2, v18;
	v12 =	vand.u32 $0x780, v12;
	v4 =	vor.u32 v4, v3  }
0x51: {  	v5 =	vld.idx.msk [tilespmem:v5+s14+$0x0], $0xffff;
	[tilespmem:v9+s21+$0x0] =	vst.idx.msk $0xffff, v6;
	v6 =	vshll.u32 v17, $0x7;
	v12 =	vor.u32 v12, v3  }
0x52: {  	v16 =	vor.u32 v16, v3;
	v6 =	vand.u32 $0x780, v6  }
0x53: {  	v15 =	vshll.u32 v15, $0x7;
	[tilespmem:v14+s21+$0x0] =	vst.idx.msk $0xffff, v8;
	v6 =	vor.u32 v6, v3;
	v8 =	vld.idx.msk [tilespmem:v19+s14+$0x0], $0xffff  }
0x54: {  	v9 =	vand.u32 $0x780, v15;
	[tilespmem:v13+s21+$0x0] =	vst.idx.msk $0xffff, v7  }
0x55: {  	s12 =	simm.s32 $0x1;
	s8 =	simm.s32 $0x5;
	v9 =	vor.u32 v9, v3;
	v7 =	vld.idx.msk [tilespmem:v18+s14+$0x0], $0xffff;
	[tilespmem:v4+s21+$0x0] =	vst.idx.msk $0xffff, v10  }
0x56: {  	s7 =	simm.s32 $0x2;
	s16 =	simm.s32 $0x6;
	v22 =	vadd.s32 s8, v0;
	[tilespmem:v12+s21+$0x0] =	vst.idx.msk $0xffff, v5;
	v10 =	vor.u32 $0x10, v2;
	v12 =	vadd.s32 s12, v0  }
0x57: {  	s13 =	simm.s32 $0x3;
	v23 =	vadd.s32 s16, v0;
	[tilespmem:v16+s21+$0x0] =	vst.idx.msk $0xffff, v11;
	v4 =	vadd.s32 s7, v0;
	v16 =	vor.u32 v10, v12  }
0x58: {  	v13 =	vor.u32 v10, v4;
	v11 =	vshll.u32 v4, $0x7;
	[tilespmem:v6+s21+$0x0] =	vst.idx.msk $0xffff, v8;
	v6 =	vadd.s32 s13, v0  }
0x59: {  	s6 =	simm.s32 $0x0;
	v21 =	vor.u32 v10, v23;
	v23 =	vshll.u32 v23, $0x7;
	v15 =	vor.u32 v10, v6  }
0x5a: {  	v18 =	vand.u32 $0x780, v11;
	[tilespmem:v9+s21+$0x0] =	vst.idx.msk $0xffff, v7;
	v7 =	vadd.s32 s6, v0;
	s6 =	simm.s32 $0x7;
	v8 =	vor.u32 $0x800, v3  }
0x5b: {  	v17 =	vor.u32 v10, v7;
	v9 =	vshll.u32 v7, $0x7;
	v24 =	vadd.s32 s6, v0  }
0x5c: {  	v5 =	vshll.u32 v6, $0x7;
	v14 =	vand.u32 $0x780, v9;
	v26 =	vor.u32 v8, v18  }
0x5d: {  	s13 =	simm.s32 $0x4;
	v25 =	vld.idx.msk [tilespmem:v13+s14+$0x0], $0xffff;
	v19 =	vand.u32 $0x780, v5;
	v11 =	vor.u32 v8, v14;
	v14 =	vshll.u32 v12, $0x7  }
0x5e: {  	v12 =	vor.u32 v8, v19;
	v19 =	vadd.s32 s13, v0;
	v20 =	vand.u32 $0x780, v14;
	v18 =	vld.idx.msk [tilespmem:v15+s14+$0x0], $0xffff  }
0x5f: {  	v16 =	vld.idx.msk [tilespmem:v16+s14+$0x0], $0xffff;
	v14 =	vor.u32 v10, v22;
	v13 =	vor.u32 v8, v20;
	v20 =	vor.u32 v10, v24  }
0x60: {  	v24 =	vshll.u32 v24, $0x7;
	v15 =	vor.u32 v10, v19;
	v19 =	vshll.u32 v19, $0x7  }
0x61: {  	v23 =	vand.u32 $0x780, v23;
	v17 =	vld.idx.msk [tilespmem:v17+s14+$0x0], $0xffff;
	v27 =	vand.u32 $0x780, v24;
	v19 =	vand.u32 $0x780, v19  }
0x62: {  	s16 =	simm.s32 $0x8;
	v24 =	vshll.u32 v22, $0x7;
	v22 =	vor.u32 v8, v27;
	[tilespmem:v26+s21+$0x0] =	vst.idx.msk $0xffff, v25;
	v19 =	vor.u32 v8, v19  }
.LBB2_6:
0x63: {  	v25 =	vadd.s32 s16, v0;
	s2 =	sadd.s32 $0x1, s16;
	s6 =	sadd.s32 $0x2, s16;
	s7 =	sadd.s32 $0x3, s16;
	v24 =	vand.u32 $0x780, v24;
	v26 =	vld.idx.msk [tilespmem:v21+s14+$0x0], $0xffff;
	v27 =	vor.u32 v8, v23;
	[tilespmem:v12+s21+$0x0] =	vst.idx.msk $0xffff, v18  }
0x64: {  	p1 =	slt.u32 s16, $0xC;
	s16 =	sadd.s32 $0x4, s16;
	v30 =	vmovc v16;
	v12 =	vmovc v22;
	v28 =	vadd.s32 s2, v0;
	v23 =	vadd.s32 s6, v0;
	v29 =	vadd.s32 s7, v0;
	v18 =	vld.idx.msk [tilespmem:v20+s14+$0x0], $0xffff  }
.Ltmp3:
0x65: {  	v22 =	vor.u32 v8, v24;
	v21 =	vor.u32 v10, v23;
	v16 =	vld.idx.msk [tilespmem:v14+s14+$0x0], $0xffff;
	v14 =	vor.u32 v10, v28;
	(pc) =	sbr.rel @p1 .LBB2_6-.Ltmp3, $4  }
0x66: {  	v20 =	vor.u32 v10, v29;
	[tilespmem:v11+s21+$0x0] =	vst.idx.msk $0xffff, v17;
	v17 =	vld.idx.msk [tilespmem:v15+s14+$0x0], $0xffff;
	v15 =	vor.u32 v10, v25  }
0x67: {  	v24 =	vshll.u32 v25, $0x7;
	v23 =	vshll.u32 v23, $0x7;
	v25 =	vshll.u32 v29, $0x7;
	v11 =	vmovc v19;
	[tilespmem:v13+s21+$0x0] =	vst.idx.msk $0xffff, v30;
	v13 =	vmovc v22  }
0x68: {  	v19 =	vand.u32 $0x780, v24;
	v23 =	vand.u32 $0x780, v23;
	v22 =	vand.u32 $0x780, v25  }
0x69: {  	v24 =	vshll.u32 v28, $0x7;
	v19 =	vor.u32 v8, v19;
	v22 =	vor.u32 v8, v22;
	[tilespmem:v27+s21+$0x0] =	vst.idx.msk $0xffff, v26  }
0x6a: {  	_ =	sdelay $0x2  }
0x6b: {  	v62 =	vand.u32 $0x780, v24  }
0x6c: {  	v61 =	vor.u32 v8, v23;
	v14 =	vld.idx.msk [tilespmem:v14+s14+$0x0], $0xffff;
	v8 =	vor.u32 v8, v62;
	_ =	sdelay $0x1  }
0x6d: {  	v10 =	vld.idx.msk [tilespmem:v21+s14+$0x0], $0xffff;
	_ =	sdelay $0x1  }
0x6e: {  	v20 =	vld.idx.msk [tilespmem:v20+s14+$0x0], $0xffff;
	[tilespmem:v12+s21+$0x0] =	vst.idx.msk $0xffff, v18  }
0x6f: {  	v63 =	vld.idx.msk [tilespmem:v15+s14+$0x0], $0xffff;
	[tilespmem:v8+s21+$0x0] =	vst.idx.msk $0xffff, v14;
	v8 =	vand.u32 $0xF, v7  }
0x70: {  	[tilespmem:v11+s21+$0x0] =	vst.idx.msk $0xffff, v17;
	v8 =	vor.u32 $0x20, v8  }
0x71: {  	v9 =	vand.u32 $0x380, v9;
	v11 =	vand.u32 $0xF, v6;
	[tilespmem:v61+s21+$0x0] =	vst.idx.msk $0xffff, v10;
	v10 =	vshll.u32 v8, $0x7  }
0x72: {  	[tilespmem:v13+s21+$0x0] =	vst.idx.msk $0xffff, v16;
	v7 =	vand.u32 $0x7, v7;
	v8 =	vand.u32 $0x28, v8;
	v10 =	vand.u32 $0x1400, v10  }
0x73: {  	[tilespmem:v22+s21+$0x0] =	vst.idx.msk $0xffff, v20;
	v7 =	vor.u32 v8, v7;
	v8 =	vor.u32 v10, v9;
	v9 =	vor.u32 $0x20, v11  }
0x74: {  	v6 =	vand.u32 $0x7, v6;
	[tilespmem:v19+s21+$0x0] =	vst.idx.msk $0xffff, v63;
	v7 =	vor.u32 v2, v7;
	v10 =	vand.u32 $0x28, v9  }
.LBB2_8:
0x75: {  	p1 =	slt.u32 s13, $0xC;
	v11 =	vadd.s32 s12, v0;
	v12 =	vand.u32 $0xF, v4;
	v6 =	vor.u32 v10, v6  }
0x76: {  	v10 =	vand.u32 $0xF, v11;
	v12 =	vor.u32 $0x20, v12;
	v6 =	vor.u32 v2, v6  }
0x77: {  	v14 =	vand.u32 $0x7, v4;
	v10 =	vor.u32 $0x20, v10;
	v13 =	vand.u32 $0x28, v12  }
0x78: {  	v16 =	vand.u32 $0x7, v11;
	v15 =	vand.u32 $0x28, v10;
	v13 =	vor.u32 v13, v14  }
0x79: {  	v9 =	vshll.u32 v9, $0x7;
	v14 =	vor.u32 v15, v16;
	v13 =	vor.u32 v2, v13  }
0x7a: {  	v5 =	vand.u32 $0x380, v5;
	v9 =	vand.u32 $0x1400, v9;
	v14 =	vor.u32 v2, v14  }
0x7b: {  	v8 =	vor.u32 v3, v8;
	v4 =	vshll.u32 v4, $0x7;
	v5 =	vor.u32 v9, v5  }
0x7c: {  	v4 =	vand.u32 $0x380, v4;
	v9 =	vshll.u32 v12, $0x7;
	v5 =	vor.u32 v3, v5;
	v7 =	vld.idx.msk [tilespmem:v7+s14+$0x0], $0xffff  }
0x7d: {  	v11 =	vshll.u32 v11, $0x7;
	v10 =	vshll.u32 v10, $0x7;
	v9 =	vand.u32 $0x1400, v9;
	v6 =	vld.idx.msk [tilespmem:v6+s14+$0x0], $0xffff  }
0x7e: {  	v11 =	vand.u32 $0x380, v11;
	v10 =	vand.u32 $0x1400, v10;
	v4 =	vor.u32 v9, v4;
	v12 =	vld.idx.msk [tilespmem:v13+s14+$0x0], $0xffff  }
0x7f: {  	v9 =	vadd.s32 s13, v0;
	v10 =	vor.u32 v10, v11;
	v4 =	vor.u32 v3, v4;
	v13 =	vld.idx.msk [tilespmem:v14+s14+$0x0], $0xffff  }
0x80: {  	v11 =	vand.u32 $0xF, v9;
	v10 =	vor.u32 v3, v10  }
0x81: {  	v11 =	vor.u32 $0x20, v11;
	v14 =	vshll.u32 v9, $0x7  }
.Ltmp4:
0x82: {  	s2 =	sadd.s32 $0x3, s13;
	v15 =	vshll.u32 v11, $0x7;
	v9 =	vand.u32 $0x7, v9;
	v14 =	vand.u32 $0x380, v14;
	[tilespmem:v8+s21+$0x0] =	vst.idx.msk $0xffff, v7;
	(pc) =	sbr.rel @p1 .LBB2_8-.Ltmp4, $4  }
0x83: {  	v7 =	vand.u32 $0x28, v11;
	v8 =	vand.u32 $0x1400, v15;
	v11 =	vadd.s32 s2, v0;
	[tilespmem:v5+s21+$0x0] =	vst.idx.msk $0xffff, v6  }
0x84: {  	v5 =	vor.u32 v7, v9;
	v8 =	vor.u32 v8, v14;
	v6 =	vand.u32 $0xF, v11;
	[tilespmem:v4+s21+$0x0] =	vst.idx.msk $0xffff, v12  }
0x85: {  	s2 =	sadd.s32 $0x2, s13;
	v7 =	vor.u32 v2, v5;
	v9 =	vor.u32 $0x20, v6;
	v5 =	vshll.u32 v11, $0x7;
	[tilespmem:v10+s21+$0x0] =	vst.idx.msk $0xffff, v13  }
0x86: {  	s12 =	sadd.s32 $0x1, s13;
	s13 =	sadd.s32 $0x4, s13;
	v4 =	vadd.s32 s2, v0;
	v6 =	vand.u32 $0x7, v11;
	v10 =	vand.u32 $0x28, v9  }
0x87: {  	v11 =	vadd.s32 s12, v0;
	v12 =	vand.u32 $0xF, v4;
	v6 =	vor.u32 v10, v6  }
0x88: {  	v14 =	vand.u32 $0x7, v4;
	v9 =	vshll.u32 v9, $0x7;
	v12 =	vor.u32 $0x20, v12  }
0x89: {  	v5 =	vand.u32 $0x380, v5;
	v10 =	vand.u32 $0xF, v11;
	v13 =	vand.u32 $0x28, v12  }
0x8a: {  	v6 =	vor.u32 v2, v6;
	v10 =	vor.u32 $0x20, v10;
	v13 =	vor.u32 v13, v14  }
0x8b: {  	v16 =	vand.u32 $0x7, v11;
	v15 =	vand.u32 $0x28, v10;
	v13 =	vor.u32 v2, v13  }
0x8c: {  	v4 =	vshll.u32 v4, $0x7;
	v9 =	vand.u32 $0x1400, v9;
	v14 =	vor.u32 v15, v16  }
0x8d: {  	v5 =	vor.u32 v9, v5;
	v9 =	vshll.u32 v12, $0x7;
	v14 =	vor.u32 v2, v14  }
0x8e: {  	v4 =	vand.u32 $0x380, v4;
	v11 =	vshll.u32 v11, $0x7;
	v9 =	vand.u32 $0x1400, v9  }
0x8f: {  	v5 =	vor.u32 v3, v5;
	v10 =	vshll.u32 v10, $0x7;
	v4 =	vor.u32 v9, v4;
	v6 =	vld.idx.msk [tilespmem:v6+s14+$0x0], $0xffff  }
0x90: {  	v11 =	vand.u32 $0x380, v11;
	v10 =	vand.u32 $0x1400, v10;
	v4 =	vor.u32 v3, v4;
	v9 =	vld.idx.msk [tilespmem:v13+s14+$0x0], $0xffff  }
0x91: {  	v8 =	vor.u32 v3, v8;
	v7 =	vld.idx.msk [tilespmem:v7+s14+$0x0], $0xffff;
	v10 =	vor.u32 v10, v11  }
0x92: {  	v10 =	vor.u32 v3, v10;
	v11 =	vld.idx.msk [tilespmem:v14+s14+$0x0], $0xffff  }
0x93: {  	s8 =	simm.s32 $0x4;
	s12 =	simm.s32 $0x5;
	s13 =	simm.s32 $0x6  }
0x94: {  	s16 =	simm.s32 $0x1;
	s6 =	simm.s32 $0x2;
	v17 =	vadd.s32 s12, v0;
	v15 =	vadd.s32 s8, v0;
	v16 =	vadd.s32 s13, v0;
	[tilespmem:v5+s21+$0x0] =	vst.idx.msk $0xffff, v6  }
0x95: {  	s7 =	simm.s32 $0x3;
	v5 =	vadd.s32 s16, v0;
	v6 =	vadd.s32 s6, v0;
	[tilespmem:v4+s21+$0x0] =	vst.idx.msk $0xffff, v9;
	v4 =	vor.u32 $0x30, v2  }
0x96: {  	[tilespmem:v8+s21+$0x0] =	vst.idx.msk $0xffff, v7;
	v7 =	vadd.s32 s7, v0;
	s16 =	simm.s32 $0x7;
	v12 =	vshll.u32 v5, $0x7;
	v8 =	vor.u32 v4, v6  }
0x97: {  	s2 =	simm.s32 $0x0;
	v20 =	vadd.s32 s16, v0;
	v12 =	vand.u32 $0x780, v12;
	[tilespmem:v10+s21+$0x0] =	vst.idx.msk $0xffff, v11;
	v11 =	vor.u32 v4, v7  }
0x98: {  	v2 =	vor.u32 $0x1800, v3;
	v3 =	vadd.s32 s2, v0;
	v9 =	vor.u32 v4, v5  }
0x99: {  	v10 =	vor.u32 v4, v3;
	v3 =	vshll.u32 v3, $0x7;
	v6 =	vshll.u32 v6, $0x7  }
0x9a: {  	v7 =	vshll.u32 v7, $0x7;
	v14 =	vor.u32 v4, v16;
	v6 =	vand.u32 $0x780, v6  }
0x9b: {  	v13 =	vor.u32 v4, v20;
	v7 =	vand.u32 $0x780, v7;
	v19 =	vor.u32 v2, v6;
	v18 =	vld.idx.msk [tilespmem:v8+s14+$0x0], $0xffff  }
0x9c: {  	v20 =	vshll.u32 v20, $0x7;
	v3 =	vand.u32 $0x780, v3;
	v5 =	vor.u32 v2, v7;
	v11 =	vld.idx.msk [tilespmem:v11+s14+$0x0], $0xffff  }
0x9d: {  	v3 =	vor.u32 v2, v3;
	v7 =	vor.u32 v4, v17;
	v6 =	vor.u32 v2, v12;
	v9 =	vld.idx.msk [tilespmem:v9+s14+$0x0], $0xffff  }
0x9e: {  	v12 =	vshll.u32 v15, $0x7;
	v8 =	vor.u32 v4, v15;
	v15 =	vshll.u32 v16, $0x7  }
0x9f: {  	v12 =	vand.u32 $0x780, v12;
	v10 =	vld.idx.msk [tilespmem:v10+s14+$0x0], $0xffff;
	v16 =	vand.u32 $0x780, v15;
	v15 =	vand.u32 $0x780, v20  }
0xa0: {  	s12 =	simm.s32 $0x8;
	v17 =	vshll.u32 v17, $0x7;
	v12 =	vor.u32 v2, v12;
	v15 =	vor.u32 v2, v15;
	[tilespmem:v19+s21+$0x0] =	vst.idx.msk $0xffff, v18  }
.LBB2_10:
0xa1: {  	v18 =	vadd.s32 s12, v0;
	s2 =	sadd.s32 $0x1, s12;
	s6 =	sadd.s32 $0x2, s12;
	s7 =	sadd.s32 $0x3, s12;
	v17 =	vand.u32 $0x780, v17;
	v19 =	vld.idx.msk [tilespmem:v14+s14+$0x0], $0xffff;
	v20 =	vor.u32 v2, v16;
	[tilespmem:v5+s21+$0x0] =	vst.idx.msk $0xffff, v11  }
0xa2: {  	p1 =	slt.u32 s12, $0xC;
	s12 =	sadd.s32 $0x4, s12;
	v23 =	vmovc v9;
	v5 =	vmovc v15;
	v21 =	vadd.s32 s2, v0;
	v16 =	vadd.s32 s6, v0;
	v22 =	vadd.s32 s7, v0;
	v11 =	vld.idx.msk [tilespmem:v13+s14+$0x0], $0xffff  }
.Ltmp5:
0xa3: {  	v15 =	vor.u32 v2, v17;
	v14 =	vor.u32 v4, v16;
	v9 =	vld.idx.msk [tilespmem:v7+s14+$0x0], $0xffff;
	v7 =	vor.u32 v4, v21;
	(pc) =	sbr.rel @p1 .LBB2_10-.Ltmp5, $4  }
0xa4: {  	v13 =	vor.u32 v4, v22;
	[tilespmem:v3+s21+$0x0] =	vst.idx.msk $0xffff, v10;
	v10 =	vld.idx.msk [tilespmem:v8+s14+$0x0], $0xffff;
	v8 =	vor.u32 v4, v18  }
0xa5: {  	v17 =	vshll.u32 v18, $0x7;
	v16 =	vshll.u32 v16, $0x7;
	v18 =	vshll.u32 v22, $0x7;
	v3 =	vmovc v12;
	[tilespmem:v6+s21+$0x0] =	vst.idx.msk $0xffff, v23;
	v6 =	vmovc v15  }
0xa6: {  	v12 =	vand.u32 $0x780, v17;
	v16 =	vand.u32 $0x780, v16;
	v15 =	vand.u32 $0x780, v18  }
0xa7: {  	v17 =	vshll.u32 v21, $0x7;
	v12 =	vor.u32 v2, v12;
	v15 =	vor.u32 v2, v15;
	[tilespmem:v20+s21+$0x0] =	vst.idx.msk $0xffff, v19  }
0xa8: {  	_ =	sdelay $0x3  }
0xa9: {  	v4 =	vld.idx.msk [tilespmem:v14+s14+$0x0], $0xffff;
	v61 =	vor.u32 v2, v16  }
0xaa: {  	v13 =	vld.idx.msk [tilespmem:v13+s14+$0x0], $0xffff  }
0xab: {  	v62 =	vand.u32 $0x780, v17;
	[tilespmem:v5+s21+$0x0] =	vst.idx.msk $0xffff, v11;
	v63 =	vld.idx.msk [tilespmem:v8+s14+$0x0], $0xffff;
	s10 =	sadd.s32 $0x1, s10  }
0xac: {  	v7 =	vld.idx.msk [tilespmem:v7+s14+$0x0], $0xffff;
	[tilespmem:v6+s21+$0x0] =	vst.idx.msk $0xffff, v9;
	v2 =	vor.u32 v2, v62;
	p1 =	sne.s32 s10, $0x8  }
.Ltmp6:
0xad: {  	[tilespmem:v3+s21+$0x0] =	vst.idx.msk $0xffff, v10;
	(pc) =	sbr.rel @p1 .LBB2_3-.Ltmp6, $4  }
0xae: {  	[tilespmem:v61+s21+$0x0] =	vst.idx.msk $0xffff, v4  }
0xaf: {  	[tilespmem:v15+s21+$0x0] =	vst.idx.msk $0xffff, v13  }
0xb0: {  	[tilespmem:v12+s21+$0x0] =	vst.idx.msk $0xffff, v63  }
0xb1: {  	[tilespmem:v2+s21+$0x0] =	vst.idx.msk $0xffff, v7  }
0xb2: {  	p1 =	sne.s32 s18, $0x31  }
.Ltmp7:
0xb3: {  	_ = 	snop;
	(pc) =	sbr.rel @p1 .LBB2_14-.Ltmp7, $4  }
0xb4: {  	s2 =	sshll.u32 s18, $0x11;
	s5 =	rddreg [dreg:$0x4]  }
0xb5: {  	s16 =	rddreg [dreg:$0x1];
	s5 =	sor.u32 s5, s2  }
0xb6: {  	s2 =	sadd.s32 s16, s5  }
0xb7: {  	[hbm4b:s2+s22] =	stream.strided.scatter [tilespmem:s21], [sflag:$0x5], $0x2000, s23, s22, $0x38;
	[tilespmem:$0x16400] =	vst v63  }
.Ltmp8:
0xb8: {  	(pc) =	sbr.rel .LBB2_15-.Ltmp8, $4  }
0xb9: {  	_ = 	snop  }
0xba: {  	_ =	swait.ge [sflag:s24], $0x2000  }
0xbb: {  	[sflag:s24] =	ssyncset.done $0x0  }
0xbc: {  	[sflag:s24] =	ssyncadd.s32 $0xFFFFE000  }
.LBB2_14:
0xbd: {  	s2 =	sshrl.u32 s3, $0x2  }
.Ltmp9:
0xbe: {  	s2 =	sadd.s32 $0x200, s2;
	(pc) =	sbr.rel @p0 .LBB2_16-.Ltmp9, $4  }
0xbf: {  	[tilespmem:s14], [sflag:$0x1] =	stream.indirect.gather [hbm4b:s4+s11], $0x40, s2, s11, $0xb8;
	[tilespmem:$0x16400] =	vst v63  }
0xc0: {  	_ =	swait.ge [sflag:s24], $0x2000  }
0xc1: {  	[sflag:s24] =	ssyncset.done $0x0  }
0xc2: {  	[sflag:s24] =	ssyncadd.s32 $0xFFFFE000  }
.LBB2_15:
0xc3: {  	_ =	swait.ge [sflag:s25], $0x2000  }
0xc4: {  	[sflag:s25] =	ssyncset.done $0x0  }
0xc5: {  	[sflag:s25] =	ssyncadd.s32 $0xFFFFE000  }
.LBB2_16:
0xc6: {  	s10 =	simm.s32 $0x0;
	s13 =	simm.s32 $0x0  }
.LBB2_17:
0xc7: {  	s2 =	sshll.u32 s13, $0x4;
	v5 =	vadd.s32 s10, v0  }
0xc8: {  	s6 =	simm.s32 $0x3;
	s7 =	simm.s32 $0x2;
	v3 =	vor.u32 s2, v0;
	v4 =	vand.u32 $0xF, v5  }
0xc9: {  	v7 =	vadd.s32 s6, v0;
	v8 =	vadd.s32 s7, v0;
	v2 =	vshll.u32 v3, $0x6  }
0xca: {  	s6 =	simm.s32 $0x1;
	v5 =	vshll.u32 v5, $0x7;
	v6 =	vor.u32 v2, v4;
	v4 =	vand.u32 $0xF, v7  }
0xcb: {  	s12 =	simm.s32 $0x7;
	v13 =	vadd.s32 s6, v0;
	v9 =	vand.u32 $0xF, v8;
	v11 =	vor.u32 v2, v4  }
0xcc: {  	s8 =	simm.s32 $0x4;
	v12 =	vadd.s32 s12, v0;
	v10 =	vand.u32 $0xF, v13;
	v14 =	vor.u32 v2, v9  }
0xcd: {  	v3 =	vand.u32 v1, v3;
	v4 =	vadd.s32 s8, v0;
	v16 =	vor.u32 v2, v10  }
0xce: {  	v5 =	vand.u32 $0x780, v5;
	v15 =	vand.u32 $0xF, v12;
	v9 =	vand.u32 $0xF, v4  }
0xcf: {  	v17 =	vshll.u32 v7, $0x7;
	v10 =	vor.u32 v2, v9;
	v9 =	vor.u32 v5, v3;
	v6 =	vld.idx.msk [tilespmem:v6+s15+$0x0], $0xffff  }
0xd0: {  	v5 =	vor.u32 v2, v15;
	v15 =	vshll.u32 v8, $0x7;
	v7 =	vld.idx.msk [tilespmem:v11+s15+$0x0], $0xffff;
	v11 =	vand.u32 $0x780, v17  }
0xd1: {  	s16 =	simm.s32 $0x6;
	v8 =	vld.idx.msk [tilespmem:v14+s15+$0x0], $0xffff;
	v14 =	vand.u32 $0x780, v15;
	v17 =	vshll.u32 v13, $0x7;
	v13 =	vor.u32 v11, v3  }
0xd2: {  	s2 =	simm.s32 $0x5;
	s12 =	simm.s32 $0x8;
	v15 =	vadd.s32 s16, v0;
	v14 =	vor.u32 v14, v3;
	v11 =	vld.idx.msk [tilespmem:v16+s15+$0x0], $0xffff;
	v16 =	vand.u32 $0x780, v17  }
.LBB2_18:
0xd3: {  	p2 =	slt.u32 s12, $0xC;
	v17 =	vadd.s32 s2, v0;
	v18 =	vand.u32 $0xF, v15;
	v16 =	vor.u32 v16, v3  }
0xd4: {  	v19 =	vadd.s32 s12, v0;
	v20 =	vand.u32 $0xF, v17;
	v18 =	vor.u32 v2, v18  }
0xd5: {  	s2 =	sadd.s32 $0x3, s12;
	v22 =	vshll.u32 v4, $0x7;
	v21 =	vand.u32 $0xF, v19;
	v4 =	vmovc v19;
	v20 =	vor.u32 v2, v20;
	[tilespmem:v9+s26+$0x0] =	vst.idx.msk $0xffff, v6  }
.Ltmp10:
0xd6: {  	v19 =	vor.u32 v2, v21;
	v21 =	vadd.s32 s2, v0;
	v9 =	vand.u32 $0x780, v22;
	[tilespmem:v13+s26+$0x0] =	vst.idx.msk $0xffff, v7;
	(pc) =	sbr.rel @p2 .LBB2_18-.Ltmp10, $4  }
0xd7: {  	v23 =	vshll.u32 v12, $0x7;
	v13 =	vand.u32 $0xF, v21;
	v9 =	vor.u32 v9, v3;
	v6 =	vld.idx.msk [tilespmem:v10+s15+$0x0], $0xffff;
	[tilespmem:v14+s26+$0x0] =	vst.idx.msk $0xffff, v8  }
0xd8: {  	v22 =	vshll.u32 v15, $0x7;
	v15 =	vand.u32 $0x780, v23;
	v7 =	vld.idx.msk [tilespmem:v5+s15+$0x0], $0xffff;
	v5 =	vor.u32 v2, v13;
	[tilespmem:v16+s26+$0x0] =	vst.idx.msk $0xffff, v11  }
0xd9: {  	s6 =	sadd.s32 $0x2, s12;
	v12 =	vmovc v21;
	v14 =	vshll.u32 v17, $0x7;
	v17 =	vand.u32 $0x780, v22;
	v10 =	vmovc v19;
	v13 =	vor.u32 v15, v3;
	v8 =	vld.idx.msk [tilespmem:v18+s15+$0x0], $0xffff  }
0xda: {  	s2 =	sadd.s32 $0x1, s12;
	s12 =	sadd.s32 $0x4, s12;
	v15 =	vadd.s32 s6, v0;
	v16 =	vand.u32 $0x780, v14;
	v14 =	vor.u32 v17, v3;
	v11 =	vld.idx.msk [tilespmem:v20+s15+$0x0], $0xffff  }
0xdb: {  	v17 =	vadd.s32 s2, v0  }
0xdc: {  	v19 =	vand.u32 $0xF, v17  }
0xdd: {  	v18 =	vand.u32 $0xF, v15;
	v4 =	vshll.u32 v4, $0x7;
	v19 =	vor.u32 v2, v19  }
0xde: {  	v12 =	vshll.u32 v12, $0x7;
	v18 =	vor.u32 v2, v18;
	v4 =	vand.u32 $0x780, v4  }
0xdf: {  	v10 =	vld.idx.msk [tilespmem:v10+s15+$0x0], $0xffff;
	v12 =	vand.u32 $0x780, v12;
	v4 =	vor.u32 v4, v3  }
0xe0: {  	v5 =	vld.idx.msk [tilespmem:v5+s15+$0x0], $0xffff;
	[tilespmem:v9+s26+$0x0] =	vst.idx.msk $0xffff, v6;
	v6 =	vshll.u32 v17, $0x7;
	v12 =	vor.u32 v12, v3  }
0xe1: {  	v16 =	vor.u32 v16, v3;
	v15 =	vshll.u32 v15, $0x7;
	v6 =	vand.u32 $0x780, v6  }
0xe2: {  	v9 =	vand.u32 $0x780, v15;
	[tilespmem:v14+s26+$0x0] =	vst.idx.msk $0xffff, v8;
	v6 =	vor.u32 v6, v3;
	v8 =	vld.idx.msk [tilespmem:v19+s15+$0x0], $0xffff  }
0xe3: {  	[tilespmem:v13+s26+$0x0] =	vst.idx.msk $0xffff, v7;
	v9 =	vor.u32 v9, v3;
	v7 =	vld.idx.msk [tilespmem:v18+s15+$0x0], $0xffff  }
0xe4: {  	s16 =	simm.s32 $0x1;
	s12 =	simm.s32 $0x2;
	[tilespmem:v4+s26+$0x0] =	vst.idx.msk $0xffff, v10  }
0xe5: {  	s7 =	simm.s32 $0x7;
	[tilespmem:v12+s26+$0x0] =	vst.idx.msk $0xffff, v5;
	v10 =	vor.u32 $0x10, v2;
	v12 =	vadd.s32 s16, v0;
	v4 =	vadd.s32 s12, v0  }
0xe6: {  	s6 =	simm.s32 $0x3;
	v24 =	vadd.s32 s7, v0;
	[tilespmem:v16+s26+$0x0] =	vst.idx.msk $0xffff, v11;
	v16 =	vor.u32 v10, v12;
	v11 =	vshll.u32 v4, $0x7  }
0xe7: {  	s8 =	simm.s32 $0x0;
	v13 =	vor.u32 v10, v4;
	v18 =	vand.u32 $0x780, v11;
	[tilespmem:v6+s26+$0x0] =	vst.idx.msk $0xffff, v8;
	v6 =	vadd.s32 s6, v0  }
0xe8: {  	[tilespmem:v9+s26+$0x0] =	vst.idx.msk $0xffff, v7;
	v7 =	vadd.s32 s8, v0;
	s8 =	simm.s32 $0x6;
	v8 =	vor.u32 $0x800, v3;
	v15 =	vor.u32 v10, v6  }
0xe9: {  	v17 =	vor.u32 v10, v7;
	v9 =	vshll.u32 v7, $0x7;
	v23 =	vadd.s32 s8, v0  }
0xea: {  	s6 =	simm.s32 $0x5;
	v5 =	vshll.u32 v6, $0x7;
	v14 =	vand.u32 $0x780, v9;
	v26 =	vor.u32 v8, v18  }
0xeb: {  	v22 =	vadd.s32 s6, v0;
	v21 =	vor.u32 v10, v23;
	v23 =	vshll.u32 v23, $0x7  }
0xec: {  	s12 =	simm.s32 $0x4;
	v25 =	vld.idx.msk [tilespmem:v13+s15+$0x0], $0xffff;
	v19 =	vand.u32 $0x780, v5;
	v11 =	vor.u32 v8, v14;
	v14 =	vshll.u32 v12, $0x7  }
0xed: {  	v12 =	vor.u32 v8, v19;
	v19 =	vadd.s32 s12, v0;
	v20 =	vand.u32 $0x780, v14;
	v18 =	vld.idx.msk [tilespmem:v15+s15+$0x0], $0xffff  }
0xee: {  	v16 =	vld.idx.msk [tilespmem:v16+s15+$0x0], $0xffff;
	v14 =	vor.u32 v10, v22;
	v13 =	vor.u32 v8, v20;
	v20 =	vor.u32 v10, v24  }
0xef: {  	v24 =	vshll.u32 v24, $0x7;
	v15 =	vor.u32 v10, v19;
	v19 =	vshll.u32 v19, $0x7  }
0xf0: {  	v23 =	vand.u32 $0x780, v23;
	v17 =	vld.idx.msk [tilespmem:v17+s15+$0x0], $0xffff;
	v27 =	vand.u32 $0x780, v24;
	v19 =	vand.u32 $0x780, v19  }
0xf1: {  	s2 =	simm.s32 $0x8;
	v24 =	vshll.u32 v22, $0x7;
	v22 =	vor.u32 v8, v27;
	[tilespmem:v26+s26+$0x0] =	vst.idx.msk $0xffff, v25;
	v19 =	vor.u32 v8, v19  }
.LBB2_20:
0xf2: {  	v25 =	vadd.s32 s2, v0;
	s6 =	sadd.s32 $0x1, s2;
	s7 =	sadd.s32 $0x2, s2;
	s8 =	sadd.s32 $0x3, s2;
	v24 =	vand.u32 $0x780, v24;
	v26 =	vld.idx.msk [tilespmem:v21+s15+$0x0], $0xffff;
	v27 =	vor.u32 v8, v23;
	[tilespmem:v12+s26+$0x0] =	vst.idx.msk $0xffff, v18  }
0xf3: {  	p2 =	slt.u32 s2, $0xC;
	s2 =	sadd.s32 $0x4, s2;
	v30 =	vmovc v16;
	v12 =	vmovc v22;
	v28 =	vadd.s32 s6, v0;
	v23 =	vadd.s32 s7, v0;
	v29 =	vadd.s32 s8, v0;
	v18 =	vld.idx.msk [tilespmem:v20+s15+$0x0], $0xffff  }
.Ltmp11:
0xf4: {  	v22 =	vor.u32 v8, v24;
	v21 =	vor.u32 v10, v23;
	v16 =	vld.idx.msk [tilespmem:v14+s15+$0x0], $0xffff;
	v14 =	vor.u32 v10, v28;
	(pc) =	sbr.rel @p2 .LBB2_20-.Ltmp11, $4  }
0xf5: {  	v20 =	vor.u32 v10, v29;
	[tilespmem:v11+s26+$0x0] =	vst.idx.msk $0xffff, v17;
	v17 =	vld.idx.msk [tilespmem:v15+s15+$0x0], $0xffff;
	v15 =	vor.u32 v10, v25  }
0xf6: {  	v24 =	vshll.u32 v25, $0x7;
	v23 =	vshll.u32 v23, $0x7;
	v25 =	vshll.u32 v29, $0x7;
	v11 =	vmovc v19;
	[tilespmem:v13+s26+$0x0] =	vst.idx.msk $0xffff, v30;
	v13 =	vmovc v22  }
0xf7: {  	v19 =	vand.u32 $0x780, v24;
	v23 =	vand.u32 $0x780, v23;
	v22 =	vand.u32 $0x780, v25  }
0xf8: {  	v24 =	vshll.u32 v28, $0x7;
	v19 =	vor.u32 v8, v19;
	v22 =	vor.u32 v8, v22;
	[tilespmem:v27+s26+$0x0] =	vst.idx.msk $0xffff, v26  }
0xf9: {  	_ =	sdelay $0x2  }
0xfa: {  	v62 =	vand.u32 $0x780, v24  }
0xfb: {  	v61 =	vor.u32 v8, v23;
	v14 =	vld.idx.msk [tilespmem:v14+s15+$0x0], $0xffff;
	v8 =	vor.u32 v8, v62;
	_ =	sdelay $0x1  }
0xfc: {  	v10 =	vld.idx.msk [tilespmem:v21+s15+$0x0], $0xffff;
	_ =	sdelay $0x1  }
0xfd: {  	v20 =	vld.idx.msk [tilespmem:v20+s15+$0x0], $0xffff;
	[tilespmem:v12+s26+$0x0] =	vst.idx.msk $0xffff, v18  }
0xfe: {  	v63 =	vld.idx.msk [tilespmem:v15+s15+$0x0], $0xffff;
	[tilespmem:v8+s26+$0x0] =	vst.idx.msk $0xffff, v14;
	v8 =	vand.u32 $0xF, v7  }
0xff: {  	[tilespmem:v11+s26+$0x0] =	vst.idx.msk $0xffff, v17;
	v8 =	vor.u32 $0x20, v8  }
0x100: {  	v9 =	vand.u32 $0x380, v9;
	v11 =	vand.u32 $0xF, v6;
	[tilespmem:v61+s26+$0x0] =	vst.idx.msk $0xffff, v10;
	v10 =	vshll.u32 v8, $0x7  }
0x101: {  	[tilespmem:v13+s26+$0x0] =	vst.idx.msk $0xffff, v16;
	v7 =	vand.u32 $0x7, v7;
	v8 =	vand.u32 $0x28, v8;
	v10 =	vand.u32 $0x1400, v10  }
0x102: {  	[tilespmem:v22+s26+$0x0] =	vst.idx.msk $0xffff, v20;
	v7 =	vor.u32 v8, v7;
	v8 =	vor.u32 v10, v9;
	v9 =	vor.u32 $0x20, v11  }
0x103: {  	v6 =	vand.u32 $0x7, v6;
	[tilespmem:v19+s26+$0x0] =	vst.idx.msk $0xffff, v63;
	v7 =	vor.u32 v2, v7;
	v10 =	vand.u32 $0x28, v9  }
.LBB2_22:
0x104: {  	p2 =	slt.u32 s12, $0xC;
	v11 =	vadd.s32 s16, v0;
	v12 =	vand.u32 $0xF, v4;
	v6 =	vor.u32 v10, v6  }
0x105: {  	v10 =	vand.u32 $0xF, v11;
	v12 =	vor.u32 $0x20, v12;
	v6 =	vor.u32 v2, v6  }
0x106: {  	v14 =	vand.u32 $0x7, v4;
	v10 =	vor.u32 $0x20, v10;
	v13 =	vand.u32 $0x28, v12  }
0x107: {  	v16 =	vand.u32 $0x7, v11;
	v15 =	vand.u32 $0x28, v10;
	v13 =	vor.u32 v13, v14  }
0x108: {  	v9 =	vshll.u32 v9, $0x7;
	v14 =	vor.u32 v15, v16;
	v13 =	vor.u32 v2, v13  }
0x109: {  	v5 =	vand.u32 $0x380, v5;
	v9 =	vand.u32 $0x1400, v9;
	v14 =	vor.u32 v2, v14  }
0x10a: {  	v8 =	vor.u32 v3, v8;
	v4 =	vshll.u32 v4, $0x7;
	v5 =	vor.u32 v9, v5  }
0x10b: {  	v4 =	vand.u32 $0x380, v4;
	v9 =	vshll.u32 v12, $0x7;
	v5 =	vor.u32 v3, v5;
	v7 =	vld.idx.msk [tilespmem:v7+s15+$0x0], $0xffff  }
0x10c: {  	v11 =	vshll.u32 v11, $0x7;
	v10 =	vshll.u32 v10, $0x7;
	v9 =	vand.u32 $0x1400, v9;
	v6 =	vld.idx.msk [tilespmem:v6+s15+$0x0], $0xffff  }
0x10d: {  	v11 =	vand.u32 $0x380, v11;
	v10 =	vand.u32 $0x1400, v10;
	v4 =	vor.u32 v9, v4;
	v12 =	vld.idx.msk [tilespmem:v13+s15+$0x0], $0xffff  }
0x10e: {  	v9 =	vadd.s32 s12, v0;
	v10 =	vor.u32 v10, v11;
	v4 =	vor.u32 v3, v4;
	v13 =	vld.idx.msk [tilespmem:v14+s15+$0x0], $0xffff  }
0x10f: {  	v11 =	vand.u32 $0xF, v9;
	v10 =	vor.u32 v3, v10  }
0x110: {  	v11 =	vor.u32 $0x20, v11;
	v14 =	vshll.u32 v9, $0x7  }
.Ltmp12:
0x111: {  	s2 =	sadd.s32 $0x3, s12;
	v15 =	vshll.u32 v11, $0x7;
	v9 =	vand.u32 $0x7, v9;
	v14 =	vand.u32 $0x380, v14;
	[tilespmem:v8+s26+$0x0] =	vst.idx.msk $0xffff, v7;
	(pc) =	sbr.rel @p2 .LBB2_22-.Ltmp12, $4  }
0x112: {  	v7 =	vand.u32 $0x28, v11;
	v8 =	vand.u32 $0x1400, v15;
	v11 =	vadd.s32 s2, v0;
	[tilespmem:v5+s26+$0x0] =	vst.idx.msk $0xffff, v6  }
0x113: {  	v5 =	vor.u32 v7, v9;
	v8 =	vor.u32 v8, v14;
	v6 =	vand.u32 $0xF, v11;
	[tilespmem:v4+s26+$0x0] =	vst.idx.msk $0xffff, v12  }
0x114: {  	s2 =	sadd.s32 $0x2, s12;
	v7 =	vor.u32 v2, v5;
	v9 =	vor.u32 $0x20, v6;
	v5 =	vshll.u32 v11, $0x7;
	[tilespmem:v10+s26+$0x0] =	vst.idx.msk $0xffff, v13  }
0x115: {  	s16 =	sadd.s32 $0x1, s12;
	s12 =	sadd.s32 $0x4, s12;
	v4 =	vadd.s32 s2, v0;
	v6 =	vand.u32 $0x7, v11;
	v10 =	vand.u32 $0x28, v9  }
0x116: {  	v11 =	vadd.s32 s16, v0  }
0x117: {  	v12 =	vand.u32 $0xF, v4;
	v6 =	vor.u32 v10, v6;
	v14 =	vand.u32 $0x7, v4  }
0x118: {  	v9 =	vshll.u32 v9, $0x7;
	v5 =	vand.u32 $0x380, v5;
	v12 =	vor.u32 $0x20, v12  }
0x119: {  	v8 =	vor.u32 v3, v8;
	v10 =	vand.u32 $0xF, v11;
	v13 =	vand.u32 $0x28, v12  }
0x11a: {  	v6 =	vor.u32 v2, v6;
	v10 =	vor.u32 $0x20, v10;
	v13 =	vor.u32 v13, v14  }
0x11b: {  	v16 =	vand.u32 $0x7, v11;
	v15 =	vand.u32 $0x28, v10;
	v13 =	vor.u32 v2, v13  }
0x11c: {  	v4 =	vshll.u32 v4, $0x7;
	v9 =	vand.u32 $0x1400, v9;
	v14 =	vor.u32 v15, v16  }
0x11d: {  	v5 =	vor.u32 v9, v5;
	v9 =	vshll.u32 v12, $0x7;
	v14 =	vor.u32 v2, v14  }
0x11e: {  	v7 =	vld.idx.msk [tilespmem:v7+s15+$0x0], $0xffff;
	v4 =	vand.u32 $0x380, v4;
	v11 =	vshll.u32 v11, $0x7;
	v9 =	vand.u32 $0x1400, v9  }
0x11f: {  	v5 =	vor.u32 v3, v5;
	v10 =	vshll.u32 v10, $0x7;
	v4 =	vor.u32 v9, v4;
	v6 =	vld.idx.msk [tilespmem:v6+s15+$0x0], $0xffff  }
0x120: {  	v11 =	vand.u32 $0x380, v11;
	v10 =	vand.u32 $0x1400, v10;
	v4 =	vor.u32 v3, v4;
	v9 =	vld.idx.msk [tilespmem:v13+s15+$0x0], $0xffff  }
0x121: {  	v10 =	vor.u32 v10, v11  }
0x122: {  	v10 =	vor.u32 v3, v10;
	v11 =	vld.idx.msk [tilespmem:v14+s15+$0x0], $0xffff  }
0x123: {  	s7 =	simm.s32 $0x3;
	s8 =	simm.s32 $0x5;
	s12 =	simm.s32 $0x6;
	[tilespmem:v8+s26+$0x0] =	vst.idx.msk $0xffff, v7  }
0x124: {  	s16 =	simm.s32 $0x1;
	s6 =	simm.s32 $0x2;
	v17 =	vadd.s32 s8, v0;
	v16 =	vadd.s32 s12, v0;
	v7 =	vadd.s32 s7, v0;
	[tilespmem:v5+s26+$0x0] =	vst.idx.msk $0xffff, v6  }
0x125: {  	s7 =	simm.s32 $0x4;
	v5 =	vadd.s32 s16, v0;
	v6 =	vadd.s32 s6, v0;
	[tilespmem:v4+s26+$0x0] =	vst.idx.msk $0xffff, v9;
	v4 =	vor.u32 $0x30, v2  }
0x126: {  	v15 =	vadd.s32 s7, v0;
	s16 =	simm.s32 $0x7;
	v12 =	vshll.u32 v5, $0x7;
	v8 =	vor.u32 v4, v6  }
0x127: {  	s2 =	simm.s32 $0x0;
	v20 =	vadd.s32 s16, v0;
	v12 =	vand.u32 $0x780, v12;
	[tilespmem:v10+s26+$0x0] =	vst.idx.msk $0xffff, v11;
	v11 =	vor.u32 v4, v7  }
0x128: {  	v2 =	vor.u32 $0x1800, v3;
	v3 =	vadd.s32 s2, v0;
	v9 =	vor.u32 v4, v5  }
0x129: {  	v10 =	vor.u32 v4, v3;
	v3 =	vshll.u32 v3, $0x7;
	v6 =	vshll.u32 v6, $0x7  }
0x12a: {  	v7 =	vshll.u32 v7, $0x7;
	v14 =	vor.u32 v4, v16;
	v6 =	vand.u32 $0x780, v6  }
0x12b: {  	v13 =	vor.u32 v4, v20;
	v7 =	vand.u32 $0x780, v7;
	v19 =	vor.u32 v2, v6;
	v18 =	vld.idx.msk [tilespmem:v8+s15+$0x0], $0xffff  }
0x12c: {  	v20 =	vshll.u32 v20, $0x7;
	v3 =	vand.u32 $0x780, v3;
	v5 =	vor.u32 v2, v7;
	v11 =	vld.idx.msk [tilespmem:v11+s15+$0x0], $0xffff  }
0x12d: {  	v3 =	vor.u32 v2, v3;
	v7 =	vor.u32 v4, v17;
	v6 =	vor.u32 v2, v12;
	v9 =	vld.idx.msk [tilespmem:v9+s15+$0x0], $0xffff  }
0x12e: {  	v12 =	vshll.u32 v15, $0x7;
	v8 =	vor.u32 v4, v15;
	v15 =	vshll.u32 v16, $0x7  }
0x12f: {  	v12 =	vand.u32 $0x780, v12;
	v10 =	vld.idx.msk [tilespmem:v10+s15+$0x0], $0xffff;
	v16 =	vand.u32 $0x780, v15;
	v15 =	vand.u32 $0x780, v20  }
0x130: {  	s2 =	simm.s32 $0x8;
	v17 =	vshll.u32 v17, $0x7;
	v12 =	vor.u32 v2, v12;
	v15 =	vor.u32 v2, v15;
	[tilespmem:v19+s26+$0x0] =	vst.idx.msk $0xffff, v18  }
.LBB2_24:
0x131: {  	v18 =	vadd.s32 s2, v0;
	s6 =	sadd.s32 $0x1, s2;
	s7 =	sadd.s32 $0x2, s2;
	s8 =	sadd.s32 $0x3, s2;
	v17 =	vand.u32 $0x780, v17;
	v19 =	vld.idx.msk [tilespmem:v14+s15+$0x0], $0xffff;
	v20 =	vor.u32 v2, v16;
	[tilespmem:v5+s26+$0x0] =	vst.idx.msk $0xffff, v11  }
0x132: {  	p2 =	slt.u32 s2, $0xC;
	s2 =	sadd.s32 $0x4, s2;
	v23 =	vmovc v9;
	v5 =	vmovc v15;
	v21 =	vadd.s32 s6, v0;
	v16 =	vadd.s32 s7, v0;
	v22 =	vadd.s32 s8, v0;
	v11 =	vld.idx.msk [tilespmem:v13+s15+$0x0], $0xffff  }
.Ltmp13:
0x133: {  	v15 =	vor.u32 v2, v17;
	v14 =	vor.u32 v4, v16;
	v9 =	vld.idx.msk [tilespmem:v7+s15+$0x0], $0xffff;
	v7 =	vor.u32 v4, v21;
	(pc) =	sbr.rel @p2 .LBB2_24-.Ltmp13, $4  }
0x134: {  	v13 =	vor.u32 v4, v22;
	[tilespmem:v3+s26+$0x0] =	vst.idx.msk $0xffff, v10;
	v10 =	vld.idx.msk [tilespmem:v8+s15+$0x0], $0xffff;
	v8 =	vor.u32 v4, v18  }
0x135: {  	v17 =	vshll.u32 v18, $0x7;
	v16 =	vshll.u32 v16, $0x7;
	v18 =	vshll.u32 v22, $0x7;
	v3 =	vmovc v12;
	[tilespmem:v6+s26+$0x0] =	vst.idx.msk $0xffff, v23;
	v6 =	vmovc v15  }
0x136: {  	v12 =	vand.u32 $0x780, v17;
	v16 =	vand.u32 $0x780, v16;
	v15 =	vand.u32 $0x780, v18  }
0x137: {  	v17 =	vshll.u32 v21, $0x7;
	v12 =	vor.u32 v2, v12;
	v15 =	vor.u32 v2, v15;
	[tilespmem:v20+s26+$0x0] =	vst.idx.msk $0xffff, v19  }
0x138: {  	_ =	sdelay $0x3  }
0x139: {  	v4 =	vld.idx.msk [tilespmem:v14+s15+$0x0], $0xffff;
	v61 =	vor.u32 v2, v16  }
0x13a: {  	v13 =	vld.idx.msk [tilespmem:v13+s15+$0x0], $0xffff  }
0x13b: {  	v62 =	vand.u32 $0x780, v17;
	[tilespmem:v5+s26+$0x0] =	vst.idx.msk $0xffff, v11;
	v63 =	vld.idx.msk [tilespmem:v8+s15+$0x0], $0xffff;
	s13 =	sadd.s32 $0x1, s13  }
0x13c: {  	v7 =	vld.idx.msk [tilespmem:v7+s15+$0x0], $0xffff;
	[tilespmem:v6+s26+$0x0] =	vst.idx.msk $0xffff, v9;
	v2 =	vor.u32 v2, v62;
	p2 =	sne.s32 s13, $0x8  }
.Ltmp14:
0x13d: {  	[tilespmem:v3+s26+$0x0] =	vst.idx.msk $0xffff, v10;
	(pc) =	sbr.rel @p2 .LBB2_17-.Ltmp14, $4  }
0x13e: {  	[tilespmem:v61+s26+$0x0] =	vst.idx.msk $0xffff, v4  }
0x13f: {  	[tilespmem:v15+s26+$0x0] =	vst.idx.msk $0xffff, v13  }
0x140: {  	[tilespmem:v12+s26+$0x0] =	vst.idx.msk $0xffff, v63  }
0x141: {  	[tilespmem:v2+s26+$0x0] =	vst.idx.msk $0xffff, v7  }
.Ltmp15:
0x142: {  	(pc) =	sbr.rel @p1 .LBB2_28-.Ltmp15, $4  }
0x143: {  	_ = 	snop  }
0x144: {  	s2 =	rddreg [dreg:$0x5]  }
0x145: {  	s2 =	sadd.s32 s5, s2  }
0x146: {  	[hbm4b:s2+s22] =	stream.strided.scatter [tilespmem:s26], [sflag:$0x6], $0x2000, s23, s22, $0x38;
	[tilespmem:$0x16400] =	vst v63  }
.Ltmp16:
0x147: {  	(pc) =	sbr.rel .LBB2_29-.Ltmp16, $4  }
0x148: {  	_ = 	snop  }
0x149: {  	_ =	swait.ge [sflag:s28], $0x2000  }
0x14a: {  	[sflag:s28] =	ssyncset.done $0x0  }
0x14b: {  	[sflag:s28] =	ssyncadd.s32 $0xFFFFE000  }
.LBB2_28:
0x14c: {  	s2 =	sshrl.u32 s3, $0x2  }
.Ltmp17:
0x14d: {  	s2 =	sadd.s32 $0x280, s2;
	(pc) =	sbr.rel @p0 .LBB2_30-.Ltmp17, $4  }
0x14e: {  	[tilespmem:s15], [sflag:$0x2] =	stream.indirect.gather [hbm4b:s4+s11], $0x40, s2, s11, $0xb8;
	[tilespmem:$0x16400] =	vst v63  }
0x14f: {  	_ =	swait.ge [sflag:s28], $0x2000  }
0x150: {  	[sflag:s28] =	ssyncset.done $0x0  }
0x151: {  	[sflag:s28] =	ssyncadd.s32 $0xFFFFE000  }
.LBB2_29:
0x152: {  	_ =	swait.ge [sflag:s29], $0x2000  }
0x153: {  	[sflag:s29] =	ssyncset.done $0x0  }
0x154: {  	[sflag:s29] =	ssyncadd.s32 $0xFFFFE000  }
.LBB2_30:
0x155: {  	s10 =	simm.s32 $0x0;
	s13 =	simm.s32 $0x0  }
.LBB2_31:
0x156: {  	s2 =	sshll.u32 s13, $0x4;
	v5 =	vadd.s32 s10, v0  }
0x157: {  	s6 =	simm.s32 $0x3;
	s7 =	simm.s32 $0x2;
	v3 =	vor.u32 s2, v0;
	v4 =	vand.u32 $0xF, v5  }
0x158: {  	v7 =	vadd.s32 s6, v0;
	v8 =	vadd.s32 s7, v0;
	v2 =	vshll.u32 v3, $0x6  }
0x159: {  	s6 =	simm.s32 $0x1;
	v5 =	vshll.u32 v5, $0x7;
	v6 =	vor.u32 v2, v4;
	v4 =	vand.u32 $0xF, v7  }
0x15a: {  	s12 =	simm.s32 $0x7;
	v13 =	vadd.s32 s6, v0;
	v9 =	vand.u32 $0xF, v8;
	v11 =	vor.u32 v2, v4  }
0x15b: {  	s8 =	simm.s32 $0x4;
	v12 =	vadd.s32 s12, v0;
	v10 =	vand.u32 $0xF, v13;
	v14 =	vor.u32 v2, v9  }
0x15c: {  	v3 =	vand.u32 v1, v3;
	v4 =	vadd.s32 s8, v0;
	v16 =	vor.u32 v2, v10  }
0x15d: {  	v5 =	vand.u32 $0x780, v5;
	v15 =	vand.u32 $0xF, v12;
	v9 =	vand.u32 $0xF, v4  }
0x15e: {  	v17 =	vshll.u32 v7, $0x7;
	v10 =	vor.u32 v2, v9;
	v9 =	vor.u32 v5, v3;
	v6 =	vld.idx.msk [tilespmem:v6+s17+$0x0], $0xffff  }
0x15f: {  	v5 =	vor.u32 v2, v15;
	v15 =	vshll.u32 v8, $0x7;
	v7 =	vld.idx.msk [tilespmem:v11+s17+$0x0], $0xffff;
	v11 =	vand.u32 $0x780, v17  }
0x160: {  	s16 =	simm.s32 $0x6;
	v8 =	vld.idx.msk [tilespmem:v14+s17+$0x0], $0xffff;
	v14 =	vand.u32 $0x780, v15;
	v17 =	vshll.u32 v13, $0x7;
	v13 =	vor.u32 v11, v3  }
0x161: {  	s2 =	simm.s32 $0x5;
	s12 =	simm.s32 $0x8;
	v15 =	vadd.s32 s16, v0;
	v14 =	vor.u32 v14, v3;
	v11 =	vld.idx.msk [tilespmem:v16+s17+$0x0], $0xffff;
	v16 =	vand.u32 $0x780, v17  }
.LBB2_32:
0x162: {  	p2 =	slt.u32 s12, $0xC;
	v17 =	vadd.s32 s2, v0;
	v18 =	vand.u32 $0xF, v15;
	v16 =	vor.u32 v16, v3  }
0x163: {  	v19 =	vadd.s32 s12, v0;
	v20 =	vand.u32 $0xF, v17;
	v18 =	vor.u32 v2, v18  }
0x164: {  	s2 =	sadd.s32 $0x3, s12;
	v22 =	vshll.u32 v4, $0x7;
	v21 =	vand.u32 $0xF, v19;
	v4 =	vmovc v19;
	v20 =	vor.u32 v2, v20;
	[tilespmem:v9+s30+$0x0] =	vst.idx.msk $0xffff, v6  }
.Ltmp18:
0x165: {  	v19 =	vor.u32 v2, v21;
	v21 =	vadd.s32 s2, v0;
	v9 =	vand.u32 $0x780, v22;
	[tilespmem:v13+s30+$0x0] =	vst.idx.msk $0xffff, v7;
	(pc) =	sbr.rel @p2 .LBB2_32-.Ltmp18, $4  }
0x166: {  	v23 =	vshll.u32 v12, $0x7;
	v13 =	vand.u32 $0xF, v21;
	v9 =	vor.u32 v9, v3;
	v6 =	vld.idx.msk [tilespmem:v10+s17+$0x0], $0xffff;
	[tilespmem:v14+s30+$0x0] =	vst.idx.msk $0xffff, v8  }
0x167: {  	v22 =	vshll.u32 v15, $0x7;
	v15 =	vand.u32 $0x780, v23;
	v7 =	vld.idx.msk [tilespmem:v5+s17+$0x0], $0xffff;
	v5 =	vor.u32 v2, v13;
	[tilespmem:v16+s30+$0x0] =	vst.idx.msk $0xffff, v11  }
0x168: {  	s6 =	sadd.s32 $0x2, s12;
	v12 =	vmovc v21;
	v14 =	vshll.u32 v17, $0x7;
	v17 =	vand.u32 $0x780, v22;
	v10 =	vmovc v19;
	v13 =	vor.u32 v15, v3;
	v8 =	vld.idx.msk [tilespmem:v18+s17+$0x0], $0xffff  }
0x169: {  	s2 =	sadd.s32 $0x1, s12;
	s12 =	sadd.s32 $0x4, s12;
	v15 =	vadd.s32 s6, v0;
	v16 =	vand.u32 $0x780, v14;
	v14 =	vor.u32 v17, v3;
	v11 =	vld.idx.msk [tilespmem:v20+s17+$0x0], $0xffff  }
0x16a: {  	v17 =	vadd.s32 s2, v0  }
0x16b: {  	v19 =	vand.u32 $0xF, v17  }
0x16c: {  	v18 =	vand.u32 $0xF, v15;
	v4 =	vshll.u32 v4, $0x7;
	v19 =	vor.u32 v2, v19  }
0x16d: {  	v12 =	vshll.u32 v12, $0x7;
	v18 =	vor.u32 v2, v18;
	v4 =	vand.u32 $0x780, v4  }
0x16e: {  	v10 =	vld.idx.msk [tilespmem:v10+s17+$0x0], $0xffff;
	v12 =	vand.u32 $0x780, v12;
	v4 =	vor.u32 v4, v3  }
0x16f: {  	v5 =	vld.idx.msk [tilespmem:v5+s17+$0x0], $0xffff;
	[tilespmem:v9+s30+$0x0] =	vst.idx.msk $0xffff, v6;
	v6 =	vshll.u32 v17, $0x7;
	v12 =	vor.u32 v12, v3  }
0x170: {  	v16 =	vor.u32 v16, v3;
	v15 =	vshll.u32 v15, $0x7;
	v6 =	vand.u32 $0x780, v6  }
0x171: {  	v9 =	vand.u32 $0x780, v15;
	[tilespmem:v14+s30+$0x0] =	vst.idx.msk $0xffff, v8;
	v6 =	vor.u32 v6, v3;
	v8 =	vld.idx.msk [tilespmem:v19+s17+$0x0], $0xffff  }
0x172: {  	[tilespmem:v13+s30+$0x0] =	vst.idx.msk $0xffff, v7;
	v9 =	vor.u32 v9, v3;
	v7 =	vld.idx.msk [tilespmem:v18+s17+$0x0], $0xffff  }
0x173: {  	s16 =	simm.s32 $0x1;
	s12 =	simm.s32 $0x2;
	[tilespmem:v4+s30+$0x0] =	vst.idx.msk $0xffff, v10  }
0x174: {  	s7 =	simm.s32 $0x7;
	[tilespmem:v12+s30+$0x0] =	vst.idx.msk $0xffff, v5;
	v10 =	vor.u32 $0x10, v2;
	v12 =	vadd.s32 s16, v0;
	v4 =	vadd.s32 s12, v0  }
0x175: {  	s6 =	simm.s32 $0x3;
	v24 =	vadd.s32 s7, v0;
	[tilespmem:v16+s30+$0x0] =	vst.idx.msk $0xffff, v11;
	v16 =	vor.u32 v10, v12;
	v11 =	vshll.u32 v4, $0x7  }
0x176: {  	s8 =	simm.s32 $0x0;
	v13 =	vor.u32 v10, v4;
	v18 =	vand.u32 $0x780, v11;
	[tilespmem:v6+s30+$0x0] =	vst.idx.msk $0xffff, v8;
	v6 =	vadd.s32 s6, v0  }
0x177: {  	[tilespmem:v9+s30+$0x0] =	vst.idx.msk $0xffff, v7;
	v7 =	vadd.s32 s8, v0;
	s8 =	simm.s32 $0x6;
	v8 =	vor.u32 $0x800, v3;
	v15 =	vor.u32 v10, v6  }
0x178: {  	v17 =	vor.u32 v10, v7;
	v9 =	vshll.u32 v7, $0x7;
	v23 =	vadd.s32 s8, v0  }
0x179: {  	s6 =	simm.s32 $0x5;
	v5 =	vshll.u32 v6, $0x7;
	v14 =	vand.u32 $0x780, v9;
	v26 =	vor.u32 v8, v18  }
0x17a: {  	v22 =	vadd.s32 s6, v0;
	v21 =	vor.u32 v10, v23;
	v23 =	vshll.u32 v23, $0x7  }
0x17b: {  	s12 =	simm.s32 $0x4;
	v25 =	vld.idx.msk [tilespmem:v13+s17+$0x0], $0xffff;
	v19 =	vand.u32 $0x780, v5;
	v11 =	vor.u32 v8, v14;
	v14 =	vshll.u32 v12, $0x7  }
0x17c: {  	v12 =	vor.u32 v8, v19;
	v19 =	vadd.s32 s12, v0;
	v20 =	vand.u32 $0x780, v14;
	v18 =	vld.idx.msk [tilespmem:v15+s17+$0x0], $0xffff  }
0x17d: {  	v16 =	vld.idx.msk [tilespmem:v16+s17+$0x0], $0xffff;
	v14 =	vor.u32 v10, v22;
	v13 =	vor.u32 v8, v20;
	v20 =	vor.u32 v10, v24  }
0x17e: {  	v24 =	vshll.u32 v24, $0x7;
	v15 =	vor.u32 v10, v19;
	v19 =	vshll.u32 v19, $0x7  }
0x17f: {  	v23 =	vand.u32 $0x780, v23;
	v17 =	vld.idx.msk [tilespmem:v17+s17+$0x0], $0xffff;
	v27 =	vand.u32 $0x780, v24;
	v19 =	vand.u32 $0x780, v19  }
0x180: {  	s2 =	simm.s32 $0x8;
	v24 =	vshll.u32 v22, $0x7;
	v22 =	vor.u32 v8, v27;
	[tilespmem:v26+s30+$0x0] =	vst.idx.msk $0xffff, v25;
	v19 =	vor.u32 v8, v19  }
.LBB2_34:
0x181: {  	v25 =	vadd.s32 s2, v0;
	s6 =	sadd.s32 $0x1, s2;
	s7 =	sadd.s32 $0x2, s2;
	s8 =	sadd.s32 $0x3, s2;
	v24 =	vand.u32 $0x780, v24;
	v26 =	vld.idx.msk [tilespmem:v21+s17+$0x0], $0xffff;
	v27 =	vor.u32 v8, v23;
	[tilespmem:v12+s30+$0x0] =	vst.idx.msk $0xffff, v18  }
0x182: {  	p2 =	slt.u32 s2, $0xC;
	s2 =	sadd.s32 $0x4, s2;
	v30 =	vmovc v16;
	v12 =	vmovc v22;
	v28 =	vadd.s32 s6, v0;
	v23 =	vadd.s32 s7, v0;
	v29 =	vadd.s32 s8, v0;
	v18 =	vld.idx.msk [tilespmem:v20+s17+$0x0], $0xffff  }
.Ltmp19:
0x183: {  	v22 =	vor.u32 v8, v24;
	v21 =	vor.u32 v10, v23;
	v16 =	vld.idx.msk [tilespmem:v14+s17+$0x0], $0xffff;
	v14 =	vor.u32 v10, v28;
	(pc) =	sbr.rel @p2 .LBB2_34-.Ltmp19, $4  }
0x184: {  	v20 =	vor.u32 v10, v29;
	[tilespmem:v11+s30+$0x0] =	vst.idx.msk $0xffff, v17;
	v17 =	vld.idx.msk [tilespmem:v15+s17+$0x0], $0xffff;
	v15 =	vor.u32 v10, v25  }
0x185: {  	v24 =	vshll.u32 v25, $0x7;
	v23 =	vshll.u32 v23, $0x7;
	v25 =	vshll.u32 v29, $0x7;
	v11 =	vmovc v19;
	[tilespmem:v13+s30+$0x0] =	vst.idx.msk $0xffff, v30;
	v13 =	vmovc v22  }
0x186: {  	v19 =	vand.u32 $0x780, v24;
	v23 =	vand.u32 $0x780, v23;
	v22 =	vand.u32 $0x780, v25  }
0x187: {  	v24 =	vshll.u32 v28, $0x7;
	v19 =	vor.u32 v8, v19;
	v22 =	vor.u32 v8, v22;
	[tilespmem:v27+s30+$0x0] =	vst.idx.msk $0xffff, v26  }
0x188: {  	_ =	sdelay $0x2  }
0x189: {  	v62 =	vand.u32 $0x780, v24  }
0x18a: {  	v61 =	vor.u32 v8, v23;
	v14 =	vld.idx.msk [tilespmem:v14+s17+$0x0], $0xffff;
	v8 =	vor.u32 v8, v62;
	_ =	sdelay $0x1  }
0x18b: {  	v10 =	vld.idx.msk [tilespmem:v21+s17+$0x0], $0xffff;
	_ =	sdelay $0x1  }
0x18c: {  	v20 =	vld.idx.msk [tilespmem:v20+s17+$0x0], $0xffff;
	[tilespmem:v12+s30+$0x0] =	vst.idx.msk $0xffff, v18  }
0x18d: {  	v63 =	vld.idx.msk [tilespmem:v15+s17+$0x0], $0xffff;
	[tilespmem:v8+s30+$0x0] =	vst.idx.msk $0xffff, v14;
	v8 =	vand.u32 $0xF, v7  }
0x18e: {  	[tilespmem:v11+s30+$0x0] =	vst.idx.msk $0xffff, v17;
	v8 =	vor.u32 $0x20, v8  }
0x18f: {  	v9 =	vand.u32 $0x380, v9;
	v11 =	vand.u32 $0xF, v6;
	[tilespmem:v61+s30+$0x0] =	vst.idx.msk $0xffff, v10;
	v10 =	vshll.u32 v8, $0x7  }
0x190: {  	[tilespmem:v13+s30+$0x0] =	vst.idx.msk $0xffff, v16;
	v7 =	vand.u32 $0x7, v7;
	v8 =	vand.u32 $0x28, v8;
	v10 =	vand.u32 $0x1400, v10  }
0x191: {  	[tilespmem:v22+s30+$0x0] =	vst.idx.msk $0xffff, v20;
	v7 =	vor.u32 v8, v7;
	v8 =	vor.u32 v10, v9;
	v9 =	vor.u32 $0x20, v11  }
0x192: {  	v6 =	vand.u32 $0x7, v6;
	[tilespmem:v19+s30+$0x0] =	vst.idx.msk $0xffff, v63;
	v7 =	vor.u32 v2, v7;
	v10 =	vand.u32 $0x28, v9  }
.LBB2_36:
0x193: {  	p2 =	slt.u32 s12, $0xC;
	v11 =	vadd.s32 s16, v0;
	v12 =	vand.u32 $0xF, v4;
	v6 =	vor.u32 v10, v6  }
0x194: {  	v10 =	vand.u32 $0xF, v11;
	v12 =	vor.u32 $0x20, v12;
	v6 =	vor.u32 v2, v6  }
0x195: {  	v14 =	vand.u32 $0x7, v4;
	v10 =	vor.u32 $0x20, v10;
	v13 =	vand.u32 $0x28, v12  }
0x196: {  	v16 =	vand.u32 $0x7, v11;
	v15 =	vand.u32 $0x28, v10;
	v13 =	vor.u32 v13, v14  }
0x197: {  	v9 =	vshll.u32 v9, $0x7;
	v14 =	vor.u32 v15, v16;
	v13 =	vor.u32 v2, v13  }
0x198: {  	v5 =	vand.u32 $0x380, v5;
	v9 =	vand.u32 $0x1400, v9;
	v14 =	vor.u32 v2, v14  }
0x199: {  	v8 =	vor.u32 v3, v8;
	v4 =	vshll.u32 v4, $0x7;
	v5 =	vor.u32 v9, v5  }
0x19a: {  	v4 =	vand.u32 $0x380, v4;
	v9 =	vshll.u32 v12, $0x7;
	v5 =	vor.u32 v3, v5;
	v7 =	vld.idx.msk [tilespmem:v7+s17+$0x0], $0xffff  }
0x19b: {  	v11 =	vshll.u32 v11, $0x7;
	v10 =	vshll.u32 v10, $0x7;
	v9 =	vand.u32 $0x1400, v9;
	v6 =	vld.idx.msk [tilespmem:v6+s17+$0x0], $0xffff  }
0x19c: {  	v11 =	vand.u32 $0x380, v11;
	v10 =	vand.u32 $0x1400, v10;
	v4 =	vor.u32 v9, v4;
	v12 =	vld.idx.msk [tilespmem:v13+s17+$0x0], $0xffff  }
0x19d: {  	v9 =	vadd.s32 s12, v0;
	v10 =	vor.u32 v10, v11;
	v4 =	vor.u32 v3, v4;
	v13 =	vld.idx.msk [tilespmem:v14+s17+$0x0], $0xffff  }
0x19e: {  	v11 =	vand.u32 $0xF, v9;
	v10 =	vor.u32 v3, v10  }
0x19f: {  	v11 =	vor.u32 $0x20, v11;
	v14 =	vshll.u32 v9, $0x7  }
.Ltmp20:
0x1a0: {  	s2 =	sadd.s32 $0x3, s12;
	v15 =	vshll.u32 v11, $0x7;
	v9 =	vand.u32 $0x7, v9;
	v14 =	vand.u32 $0x380, v14;
	[tilespmem:v8+s30+$0x0] =	vst.idx.msk $0xffff, v7;
	(pc) =	sbr.rel @p2 .LBB2_36-.Ltmp20, $4  }
0x1a1: {  	v7 =	vand.u32 $0x28, v11;
	v8 =	vand.u32 $0x1400, v15;
	v11 =	vadd.s32 s2, v0;
	[tilespmem:v5+s30+$0x0] =	vst.idx.msk $0xffff, v6  }
0x1a2: {  	v5 =	vor.u32 v7, v9;
	v8 =	vor.u32 v8, v14;
	v6 =	vand.u32 $0xF, v11;
	[tilespmem:v4+s30+$0x0] =	vst.idx.msk $0xffff, v12  }
0x1a3: {  	s2 =	sadd.s32 $0x2, s12;
	v7 =	vor.u32 v2, v5;
	v9 =	vor.u32 $0x20, v6;
	v5 =	vshll.u32 v11, $0x7;
	[tilespmem:v10+s30+$0x0] =	vst.idx.msk $0xffff, v13  }
0x1a4: {  	s16 =	sadd.s32 $0x1, s12;
	s12 =	sadd.s32 $0x4, s12;
	v4 =	vadd.s32 s2, v0;
	v6 =	vand.u32 $0x7, v11;
	v10 =	vand.u32 $0x28, v9  }
0x1a5: {  	v11 =	vadd.s32 s16, v0  }
0x1a6: {  	v12 =	vand.u32 $0xF, v4;
	v6 =	vor.u32 v10, v6;
	v14 =	vand.u32 $0x7, v4  }
0x1a7: {  	v9 =	vshll.u32 v9, $0x7;
	v5 =	vand.u32 $0x380, v5;
	v12 =	vor.u32 $0x20, v12  }
0x1a8: {  	v8 =	vor.u32 v3, v8;
	v10 =	vand.u32 $0xF, v11;
	v13 =	vand.u32 $0x28, v12  }
0x1a9: {  	v6 =	vor.u32 v2, v6;
	v10 =	vor.u32 $0x20, v10;
	v13 =	vor.u32 v13, v14  }
0x1aa: {  	v16 =	vand.u32 $0x7, v11;
	v15 =	vand.u32 $0x28, v10;
	v13 =	vor.u32 v2, v13  }
0x1ab: {  	v4 =	vshll.u32 v4, $0x7;
	v9 =	vand.u32 $0x1400, v9;
	v14 =	vor.u32 v15, v16  }
0x1ac: {  	v5 =	vor.u32 v9, v5;
	v9 =	vshll.u32 v12, $0x7;
	v14 =	vor.u32 v2, v14  }
0x1ad: {  	v7 =	vld.idx.msk [tilespmem:v7+s17+$0x0], $0xffff;
	v4 =	vand.u32 $0x380, v4;
	v11 =	vshll.u32 v11, $0x7;
	v9 =	vand.u32 $0x1400, v9  }
0x1ae: {  	v5 =	vor.u32 v3, v5;
	v10 =	vshll.u32 v10, $0x7;
	v4 =	vor.u32 v9, v4;
	v6 =	vld.idx.msk [tilespmem:v6+s17+$0x0], $0xffff  }
0x1af: {  	v11 =	vand.u32 $0x380, v11;
	v10 =	vand.u32 $0x1400, v10;
	v4 =	vor.u32 v3, v4;
	v9 =	vld.idx.msk [tilespmem:v13+s17+$0x0], $0xffff  }
0x1b0: {  	v10 =	vor.u32 v10, v11  }
0x1b1: {  	v10 =	vor.u32 v3, v10;
	v11 =	vld.idx.msk [tilespmem:v14+s17+$0x0], $0xffff  }
0x1b2: {  	s7 =	simm.s32 $0x3;
	s8 =	simm.s32 $0x5;
	s12 =	simm.s32 $0x6;
	[tilespmem:v8+s30+$0x0] =	vst.idx.msk $0xffff, v7  }
0x1b3: {  	s16 =	simm.s32 $0x1;
	s6 =	simm.s32 $0x2;
	v17 =	vadd.s32 s8, v0;
	v16 =	vadd.s32 s12, v0;
	v7 =	vadd.s32 s7, v0;
	[tilespmem:v5+s30+$0x0] =	vst.idx.msk $0xffff, v6  }
0x1b4: {  	s7 =	simm.s32 $0x4;
	v5 =	vadd.s32 s16, v0;
	v6 =	vadd.s32 s6, v0;
	[tilespmem:v4+s30+$0x0] =	vst.idx.msk $0xffff, v9;
	v4 =	vor.u32 $0x30, v2  }
0x1b5: {  	v15 =	vadd.s32 s7, v0;
	s16 =	simm.s32 $0x7;
	v12 =	vshll.u32 v5, $0x7;
	v8 =	vor.u32 v4, v6  }
0x1b6: {  	s2 =	simm.s32 $0x0;
	v20 =	vadd.s32 s16, v0;
	v12 =	vand.u32 $0x780, v12;
	[tilespmem:v10+s30+$0x0] =	vst.idx.msk $0xffff, v11;
	v11 =	vor.u32 v4, v7  }
0x1b7: {  	v2 =	vor.u32 $0x1800, v3;
	v3 =	vadd.s32 s2, v0;
	v9 =	vor.u32 v4, v5  }
0x1b8: {  	v10 =	vor.u32 v4, v3;
	v3 =	vshll.u32 v3, $0x7;
	v6 =	vshll.u32 v6, $0x7  }
0x1b9: {  	v7 =	vshll.u32 v7, $0x7;
	v14 =	vor.u32 v4, v16;
	v6 =	vand.u32 $0x780, v6  }
0x1ba: {  	v13 =	vor.u32 v4, v20;
	v7 =	vand.u32 $0x780, v7;
	v19 =	vor.u32 v2, v6;
	v18 =	vld.idx.msk [tilespmem:v8+s17+$0x0], $0xffff  }
0x1bb: {  	v20 =	vshll.u32 v20, $0x7;
	v3 =	vand.u32 $0x780, v3;
	v5 =	vor.u32 v2, v7;
	v11 =	vld.idx.msk [tilespmem:v11+s17+$0x0], $0xffff  }
0x1bc: {  	v3 =	vor.u32 v2, v3;
	v7 =	vor.u32 v4, v17;
	v6 =	vor.u32 v2, v12;
	v9 =	vld.idx.msk [tilespmem:v9+s17+$0x0], $0xffff  }
0x1bd: {  	v12 =	vshll.u32 v15, $0x7;
	v8 =	vor.u32 v4, v15;
	v15 =	vshll.u32 v16, $0x7  }
0x1be: {  	v12 =	vand.u32 $0x780, v12;
	v10 =	vld.idx.msk [tilespmem:v10+s17+$0x0], $0xffff;
	v16 =	vand.u32 $0x780, v15;
	v15 =	vand.u32 $0x780, v20  }
0x1bf: {  	s2 =	simm.s32 $0x8;
	v17 =	vshll.u32 v17, $0x7;
	v12 =	vor.u32 v2, v12;
	v15 =	vor.u32 v2, v15;
	[tilespmem:v19+s30+$0x0] =	vst.idx.msk $0xffff, v18  }
.LBB2_38:
0x1c0: {  	v18 =	vadd.s32 s2, v0;
	s6 =	sadd.s32 $0x1, s2;
	s7 =	sadd.s32 $0x2, s2;
	s8 =	sadd.s32 $0x3, s2;
	v17 =	vand.u32 $0x780, v17;
	v19 =	vld.idx.msk [tilespmem:v14+s17+$0x0], $0xffff;
	v20 =	vor.u32 v2, v16;
	[tilespmem:v5+s30+$0x0] =	vst.idx.msk $0xffff, v11  }
0x1c1: {  	p2 =	slt.u32 s2, $0xC;
	s2 =	sadd.s32 $0x4, s2;
	v23 =	vmovc v9;
	v5 =	vmovc v15;
	v21 =	vadd.s32 s6, v0;
	v16 =	vadd.s32 s7, v0;
	v22 =	vadd.s32 s8, v0;
	v11 =	vld.idx.msk [tilespmem:v13+s17+$0x0], $0xffff  }
.Ltmp21:
0x1c2: {  	v15 =	vor.u32 v2, v17;
	v14 =	vor.u32 v4, v16;
	v9 =	vld.idx.msk [tilespmem:v7+s17+$0x0], $0xffff;
	v7 =	vor.u32 v4, v21;
	(pc) =	sbr.rel @p2 .LBB2_38-.Ltmp21, $4  }
0x1c3: {  	v13 =	vor.u32 v4, v22;
	[tilespmem:v3+s30+$0x0] =	vst.idx.msk $0xffff, v10;
	v10 =	vld.idx.msk [tilespmem:v8+s17+$0x0], $0xffff;
	v8 =	vor.u32 v4, v18  }
0x1c4: {  	v17 =	vshll.u32 v18, $0x7;
	v16 =	vshll.u32 v16, $0x7;
	v18 =	vshll.u32 v22, $0x7;
	v3 =	vmovc v12;
	[tilespmem:v6+s30+$0x0] =	vst.idx.msk $0xffff, v23;
	v6 =	vmovc v15  }
0x1c5: {  	v12 =	vand.u32 $0x780, v17;
	v16 =	vand.u32 $0x780, v16;
	v15 =	vand.u32 $0x780, v18  }
0x1c6: {  	v17 =	vshll.u32 v21, $0x7;
	v12 =	vor.u32 v2, v12;
	v15 =	vor.u32 v2, v15;
	[tilespmem:v20+s30+$0x0] =	vst.idx.msk $0xffff, v19  }
0x1c7: {  	_ =	sdelay $0x3  }
0x1c8: {  	v4 =	vld.idx.msk [tilespmem:v14+s17+$0x0], $0xffff;
	v61 =	vor.u32 v2, v16  }
0x1c9: {  	v13 =	vld.idx.msk [tilespmem:v13+s17+$0x0], $0xffff  }
0x1ca: {  	v62 =	vand.u32 $0x780, v17;
	[tilespmem:v5+s30+$0x0] =	vst.idx.msk $0xffff, v11;
	v63 =	vld.idx.msk [tilespmem:v8+s17+$0x0], $0xffff;
	s13 =	sadd.s32 $0x1, s13  }
0x1cb: {  	v7 =	vld.idx.msk [tilespmem:v7+s17+$0x0], $0xffff;
	[tilespmem:v6+s30+$0x0] =	vst.idx.msk $0xffff, v9;
	v2 =	vor.u32 v2, v62;
	p2 =	sne.s32 s13, $0x8  }
.Ltmp22:
0x1cc: {  	[tilespmem:v3+s30+$0x0] =	vst.idx.msk $0xffff, v10;
	(pc) =	sbr.rel @p2 .LBB2_31-.Ltmp22, $4  }
0x1cd: {  	[tilespmem:v61+s30+$0x0] =	vst.idx.msk $0xffff, v4  }
0x1ce: {  	[tilespmem:v15+s30+$0x0] =	vst.idx.msk $0xffff, v13  }
0x1cf: {  	[tilespmem:v12+s30+$0x0] =	vst.idx.msk $0xffff, v63  }
0x1d0: {  	[tilespmem:v2+s30+$0x0] =	vst.idx.msk $0xffff, v7  }
.Ltmp23:
0x1d1: {  	(pc) =	sbr.rel @p1 .LBB2_42-.Ltmp23, $4  }
0x1d2: {  	_ = 	snop  }
0x1d3: {  	s2 =	rddreg [dreg:$0x6]  }
0x1d4: {  	s2 =	sadd.s32 s5, s2  }
0x1d5: {  	[hbm4b:s2+s22] =	stream.strided.scatter [tilespmem:s30], [sflag:$0x7], $0x2000, s23, s22, $0x38;
	[tilespmem:$0x16400] =	vst v63  }
.Ltmp24:
0x1d6: {  	(pc) =	sbr.rel .LBB2_43-.Ltmp24, $4  }
0x1d7: {  	_ = 	snop  }
0x1d8: {  	_ =	swait.ge [sflag:s31], $0x2000  }
0x1d9: {  	[sflag:s31] =	ssyncset.done $0x0  }
0x1da: {  	[sflag:s31] =	ssyncadd.s32 $0xFFFFE000  }
.LBB2_42:
0x1db: {  	s2 =	sshrl.u32 s3, $0x2  }
.Ltmp25:
0x1dc: {  	s2 =	sadd.s32 $0x300, s2;
	(pc) =	sbr.rel @p0 .LBB2_44-.Ltmp25, $4  }
0x1dd: {  	[tilespmem:s17], [sflag:$0x3] =	stream.indirect.gather [hbm4b:s4+s11], $0x40, s2, s11, $0xb8;
	[tilespmem:$0x16400] =	vst v63  }
0x1de: {  	_ =	swait.ge [sflag:s31], $0x2000  }
0x1df: {  	[sflag:s31] =	ssyncset.done $0x0  }
0x1e0: {  	[sflag:s31] =	ssyncadd.s32 $0xFFFFE000  }
.LBB2_43:
0x1e1: {  	_ =	swait.ge [sflag:s0], $0x2000  }
0x1e2: {  	[sflag:s0] =	ssyncset.done $0x0  }
0x1e3: {  	[sflag:s0] =	ssyncadd.s32 $0xFFFFE000  }
.LBB2_44:
0x1e4: {  	s10 =	simm.s32 $0x0;
	s13 =	simm.s32 $0x0  }
.LBB2_45:
0x1e5: {  	s2 =	sshll.u32 s13, $0x4;
	v5 =	vadd.s32 s10, v0  }
0x1e6: {  	s6 =	simm.s32 $0x3;
	s7 =	simm.s32 $0x2;
	v3 =	vor.u32 s2, v0;
	v4 =	vand.u32 $0xF, v5  }
0x1e7: {  	v7 =	vadd.s32 s6, v0;
	v8 =	vadd.s32 s7, v0;
	v2 =	vshll.u32 v3, $0x6  }
0x1e8: {  	s6 =	simm.s32 $0x1;
	v5 =	vshll.u32 v5, $0x7;
	v6 =	vor.u32 v2, v4;
	v4 =	vand.u32 $0xF, v7  }
0x1e9: {  	s12 =	simm.s32 $0x7;
	v13 =	vadd.s32 s6, v0;
	v9 =	vand.u32 $0xF, v8;
	v11 =	vor.u32 v2, v4  }
0x1ea: {  	s8 =	simm.s32 $0x4;
	v12 =	vadd.s32 s12, v0;
	v10 =	vand.u32 $0xF, v13;
	v14 =	vor.u32 v2, v9  }
0x1eb: {  	v3 =	vand.u32 v1, v3;
	v4 =	vadd.s32 s8, v0;
	v16 =	vor.u32 v2, v10  }
0x1ec: {  	v5 =	vand.u32 $0x780, v5;
	v15 =	vand.u32 $0xF, v12;
	v9 =	vand.u32 $0xF, v4  }
0x1ed: {  	v17 =	vshll.u32 v7, $0x7;
	v10 =	vor.u32 v2, v9;
	v9 =	vor.u32 v5, v3;
	v6 =	vld.idx.msk [tilespmem:v6+s19+$0x0], $0xffff  }
0x1ee: {  	v5 =	vor.u32 v2, v15;
	v15 =	vshll.u32 v8, $0x7;
	v7 =	vld.idx.msk [tilespmem:v11+s19+$0x0], $0xffff;
	v11 =	vand.u32 $0x780, v17  }
0x1ef: {  	s16 =	simm.s32 $0x6;
	v8 =	vld.idx.msk [tilespmem:v14+s19+$0x0], $0xffff;
	v14 =	vand.u32 $0x780, v15;
	v17 =	vshll.u32 v13, $0x7;
	v13 =	vor.u32 v11, v3  }
0x1f0: {  	s2 =	simm.s32 $0x5;
	s12 =	simm.s32 $0x8;
	v15 =	vadd.s32 s16, v0;
	v14 =	vor.u32 v14, v3;
	v11 =	vld.idx.msk [tilespmem:v16+s19+$0x0], $0xffff;
	v16 =	vand.u32 $0x780, v17  }
.LBB2_46:
0x1f1: {  	p0 =	slt.u32 s12, $0xC;
	v17 =	vadd.s32 s2, v0;
	v18 =	vand.u32 $0xF, v15;
	v16 =	vor.u32 v16, v3  }
0x1f2: {  	v19 =	vadd.s32 s12, v0;
	v20 =	vand.u32 $0xF, v17;
	v18 =	vor.u32 v2, v18  }
0x1f3: {  	s2 =	sadd.s32 $0x3, s12;
	v22 =	vshll.u32 v4, $0x7;
	v21 =	vand.u32 $0xF, v19;
	v4 =	vmovc v19;
	v20 =	vor.u32 v2, v20;
	[tilespmem:v9+s1+$0x0] =	vst.idx.msk $0xffff, v6  }
.Ltmp26:
0x1f4: {  	v19 =	vor.u32 v2, v21;
	v21 =	vadd.s32 s2, v0;
	v9 =	vand.u32 $0x780, v22;
	[tilespmem:v13+s1+$0x0] =	vst.idx.msk $0xffff, v7;
	(pc) =	sbr.rel @p0 .LBB2_46-.Ltmp26, $4  }
0x1f5: {  	v23 =	vshll.u32 v12, $0x7;
	v13 =	vand.u32 $0xF, v21;
	v9 =	vor.u32 v9, v3;
	v6 =	vld.idx.msk [tilespmem:v10+s19+$0x0], $0xffff;
	[tilespmem:v14+s1+$0x0] =	vst.idx.msk $0xffff, v8  }
0x1f6: {  	v22 =	vshll.u32 v15, $0x7;
	v15 =	vand.u32 $0x780, v23;
	v7 =	vld.idx.msk [tilespmem:v5+s19+$0x0], $0xffff;
	v5 =	vor.u32 v2, v13;
	[tilespmem:v16+s1+$0x0] =	vst.idx.msk $0xffff, v11  }
0x1f7: {  	s6 =	sadd.s32 $0x2, s12;
	v12 =	vmovc v21;
	v14 =	vshll.u32 v17, $0x7;
	v17 =	vand.u32 $0x780, v22;
	v10 =	vmovc v19;
	v13 =	vor.u32 v15, v3;
	v8 =	vld.idx.msk [tilespmem:v18+s19+$0x0], $0xffff  }
0x1f8: {  	s2 =	sadd.s32 $0x1, s12;
	s12 =	sadd.s32 $0x4, s12;
	v15 =	vadd.s32 s6, v0;
	v16 =	vand.u32 $0x780, v14;
	v14 =	vor.u32 v17, v3;
	v11 =	vld.idx.msk [tilespmem:v20+s19+$0x0], $0xffff  }
0x1f9: {  	v17 =	vadd.s32 s2, v0  }
0x1fa: {  	v19 =	vand.u32 $0xF, v17  }
0x1fb: {  	v18 =	vand.u32 $0xF, v15;
	v4 =	vshll.u32 v4, $0x7;
	v19 =	vor.u32 v2, v19  }
0x1fc: {  	v12 =	vshll.u32 v12, $0x7;
	v18 =	vor.u32 v2, v18;
	v4 =	vand.u32 $0x780, v4  }
0x1fd: {  	v10 =	vld.idx.msk [tilespmem:v10+s19+$0x0], $0xffff;
	v12 =	vand.u32 $0x780, v12;
	v4 =	vor.u32 v4, v3  }
0x1fe: {  	v5 =	vld.idx.msk [tilespmem:v5+s19+$0x0], $0xffff;
	[tilespmem:v9+s1+$0x0] =	vst.idx.msk $0xffff, v6;
	v6 =	vshll.u32 v17, $0x7;
	v12 =	vor.u32 v12, v3  }
0x1ff: {  	v16 =	vor.u32 v16, v3;
	v15 =	vshll.u32 v15, $0x7;
	v6 =	vand.u32 $0x780, v6  }
0x200: {  	v9 =	vand.u32 $0x780, v15;
	[tilespmem:v14+s1+$0x0] =	vst.idx.msk $0xffff, v8;
	v6 =	vor.u32 v6, v3;
	v8 =	vld.idx.msk [tilespmem:v19+s19+$0x0], $0xffff  }
0x201: {  	[tilespmem:v13+s1+$0x0] =	vst.idx.msk $0xffff, v7;
	v9 =	vor.u32 v9, v3;
	v7 =	vld.idx.msk [tilespmem:v18+s19+$0x0], $0xffff  }
0x202: {  	s16 =	simm.s32 $0x1;
	s12 =	simm.s32 $0x2;
	[tilespmem:v4+s1+$0x0] =	vst.idx.msk $0xffff, v10  }
0x203: {  	s7 =	simm.s32 $0x7;
	[tilespmem:v12+s1+$0x0] =	vst.idx.msk $0xffff, v5;
	v10 =	vor.u32 $0x10, v2;
	v12 =	vadd.s32 s16, v0;
	v4 =	vadd.s32 s12, v0  }
0x204: {  	s6 =	simm.s32 $0x3;
	v24 =	vadd.s32 s7, v0;
	[tilespmem:v16+s1+$0x0] =	vst.idx.msk $0xffff, v11;
	v16 =	vor.u32 v10, v12;
	v11 =	vshll.u32 v4, $0x7  }
0x205: {  	s8 =	simm.s32 $0x0;
	v13 =	vor.u32 v10, v4;
	v18 =	vand.u32 $0x780, v11;
	[tilespmem:v6+s1+$0x0] =	vst.idx.msk $0xffff, v8;
	v6 =	vadd.s32 s6, v0  }
0x206: {  	[tilespmem:v9+s1+$0x0] =	vst.idx.msk $0xffff, v7;
	v7 =	vadd.s32 s8, v0;
	s8 =	simm.s32 $0x6;
	v8 =	vor.u32 $0x800, v3;
	v15 =	vor.u32 v10, v6  }
0x207: {  	v17 =	vor.u32 v10, v7;
	v9 =	vshll.u32 v7, $0x7;
	v23 =	vadd.s32 s8, v0  }
0x208: {  	s6 =	simm.s32 $0x5;
	v5 =	vshll.u32 v6, $0x7;
	v14 =	vand.u32 $0x780, v9;
	v26 =	vor.u32 v8, v18  }
0x209: {  	v22 =	vadd.s32 s6, v0;
	v21 =	vor.u32 v10, v23;
	v23 =	vshll.u32 v23, $0x7  }
0x20a: {  	s12 =	simm.s32 $0x4;
	v25 =	vld.idx.msk [tilespmem:v13+s19+$0x0], $0xffff;
	v19 =	vand.u32 $0x780, v5;
	v11 =	vor.u32 v8, v14;
	v14 =	vshll.u32 v12, $0x7  }
0x20b: {  	v12 =	vor.u32 v8, v19;
	v19 =	vadd.s32 s12, v0;
	v20 =	vand.u32 $0x780, v14;
	v18 =	vld.idx.msk [tilespmem:v15+s19+$0x0], $0xffff  }
0x20c: {  	v16 =	vld.idx.msk [tilespmem:v16+s19+$0x0], $0xffff;
	v14 =	vor.u32 v10, v22;
	v13 =	vor.u32 v8, v20;
	v20 =	vor.u32 v10, v24  }
0x20d: {  	v24 =	vshll.u32 v24, $0x7;
	v15 =	vor.u32 v10, v19;
	v19 =	vshll.u32 v19, $0x7  }
0x20e: {  	v23 =	vand.u32 $0x780, v23;
	v17 =	vld.idx.msk [tilespmem:v17+s19+$0x0], $0xffff;
	v27 =	vand.u32 $0x780, v24;
	v19 =	vand.u32 $0x780, v19  }
0x20f: {  	s2 =	simm.s32 $0x8;
	v24 =	vshll.u32 v22, $0x7;
	v22 =	vor.u32 v8, v27;
	[tilespmem:v26+s1+$0x0] =	vst.idx.msk $0xffff, v25;
	v19 =	vor.u32 v8, v19  }
.LBB2_48:
0x210: {  	v25 =	vadd.s32 s2, v0;
	s6 =	sadd.s32 $0x1, s2;
	s7 =	sadd.s32 $0x2, s2;
	s8 =	sadd.s32 $0x3, s2;
	v24 =	vand.u32 $0x780, v24;
	v26 =	vld.idx.msk [tilespmem:v21+s19+$0x0], $0xffff;
	v27 =	vor.u32 v8, v23;
	[tilespmem:v12+s1+$0x0] =	vst.idx.msk $0xffff, v18  }
0x211: {  	p0 =	slt.u32 s2, $0xC;
	s2 =	sadd.s32 $0x4, s2;
	v30 =	vmovc v16;
	v12 =	vmovc v22;
	v28 =	vadd.s32 s6, v0;
	v23 =	vadd.s32 s7, v0;
	v29 =	vadd.s32 s8, v0;
	v18 =	vld.idx.msk [tilespmem:v20+s19+$0x0], $0xffff  }
.Ltmp27:
0x212: {  	v22 =	vor.u32 v8, v24;
	v21 =	vor.u32 v10, v23;
	v16 =	vld.idx.msk [tilespmem:v14+s19+$0x0], $0xffff;
	v14 =	vor.u32 v10, v28;
	(pc) =	sbr.rel @p0 .LBB2_48-.Ltmp27, $4  }
0x213: {  	v20 =	vor.u32 v10, v29;
	[tilespmem:v11+s1+$0x0] =	vst.idx.msk $0xffff, v17;
	v17 =	vld.idx.msk [tilespmem:v15+s19+$0x0], $0xffff;
	v15 =	vor.u32 v10, v25  }
0x214: {  	v24 =	vshll.u32 v25, $0x7;
	v23 =	vshll.u32 v23, $0x7;
	v25 =	vshll.u32 v29, $0x7;
	v11 =	vmovc v19;
	[tilespmem:v13+s1+$0x0] =	vst.idx.msk $0xffff, v30;
	v13 =	vmovc v22  }
0x215: {  	v19 =	vand.u32 $0x780, v24;
	v23 =	vand.u32 $0x780, v23;
	v22 =	vand.u32 $0x780, v25  }
0x216: {  	v24 =	vshll.u32 v28, $0x7;
	v19 =	vor.u32 v8, v19;
	v22 =	vor.u32 v8, v22;
	[tilespmem:v27+s1+$0x0] =	vst.idx.msk $0xffff, v26  }
0x217: {  	_ =	sdelay $0x2  }
0x218: {  	v62 =	vand.u32 $0x780, v24  }
0x219: {  	v61 =	vor.u32 v8, v23;
	v14 =	vld.idx.msk [tilespmem:v14+s19+$0x0], $0xffff;
	v8 =	vor.u32 v8, v62;
	_ =	sdelay $0x1  }
0x21a: {  	v10 =	vld.idx.msk [tilespmem:v21+s19+$0x0], $0xffff;
	_ =	sdelay $0x1  }
0x21b: {  	v20 =	vld.idx.msk [tilespmem:v20+s19+$0x0], $0xffff;
	[tilespmem:v12+s1+$0x0] =	vst.idx.msk $0xffff, v18  }
0x21c: {  	v63 =	vld.idx.msk [tilespmem:v15+s19+$0x0], $0xffff;
	[tilespmem:v8+s1+$0x0] =	vst.idx.msk $0xffff, v14;
	v8 =	vand.u32 $0xF, v7  }
0x21d: {  	[tilespmem:v11+s1+$0x0] =	vst.idx.msk $0xffff, v17;
	v8 =	vor.u32 $0x20, v8  }
0x21e: {  	v9 =	vand.u32 $0x380, v9;
	v11 =	vand.u32 $0xF, v6;
	[tilespmem:v61+s1+$0x0] =	vst.idx.msk $0xffff, v10;
	v10 =	vshll.u32 v8, $0x7  }
0x21f: {  	[tilespmem:v13+s1+$0x0] =	vst.idx.msk $0xffff, v16;
	v7 =	vand.u32 $0x7, v7;
	v8 =	vand.u32 $0x28, v8;
	v10 =	vand.u32 $0x1400, v10  }
0x220: {  	[tilespmem:v22+s1+$0x0] =	vst.idx.msk $0xffff, v20;
	v7 =	vor.u32 v8, v7;
	v8 =	vor.u32 v10, v9;
	v9 =	vor.u32 $0x20, v11  }
0x221: {  	v6 =	vand.u32 $0x7, v6;
	[tilespmem:v19+s1+$0x0] =	vst.idx.msk $0xffff, v63;
	v7 =	vor.u32 v2, v7;
	v10 =	vand.u32 $0x28, v9  }
.LBB2_50:
0x222: {  	p0 =	slt.u32 s12, $0xC;
	v11 =	vadd.s32 s16, v0;
	v12 =	vand.u32 $0xF, v4;
	v6 =	vor.u32 v10, v6  }
0x223: {  	v10 =	vand.u32 $0xF, v11;
	v12 =	vor.u32 $0x20, v12;
	v6 =	vor.u32 v2, v6  }
0x224: {  	v14 =	vand.u32 $0x7, v4;
	v10 =	vor.u32 $0x20, v10;
	v13 =	vand.u32 $0x28, v12  }
0x225: {  	v16 =	vand.u32 $0x7, v11;
	v15 =	vand.u32 $0x28, v10;
	v13 =	vor.u32 v13, v14  }
0x226: {  	v9 =	vshll.u32 v9, $0x7;
	v14 =	vor.u32 v15, v16;
	v13 =	vor.u32 v2, v13  }
0x227: {  	v5 =	vand.u32 $0x380, v5;
	v9 =	vand.u32 $0x1400, v9;
	v14 =	vor.u32 v2, v14  }
0x228: {  	v8 =	vor.u32 v3, v8;
	v4 =	vshll.u32 v4, $0x7;
	v5 =	vor.u32 v9, v5  }
0x229: {  	v4 =	vand.u32 $0x380, v4;
	v9 =	vshll.u32 v12, $0x7;
	v5 =	vor.u32 v3, v5;
	v7 =	vld.idx.msk [tilespmem:v7+s19+$0x0], $0xffff  }
0x22a: {  	v11 =	vshll.u32 v11, $0x7;
	v10 =	vshll.u32 v10, $0x7;
	v9 =	vand.u32 $0x1400, v9;
	v6 =	vld.idx.msk [tilespmem:v6+s19+$0x0], $0xffff  }
0x22b: {  	v11 =	vand.u32 $0x380, v11;
	v10 =	vand.u32 $0x1400, v10;
	v4 =	vor.u32 v9, v4;
	v12 =	vld.idx.msk [tilespmem:v13+s19+$0x0], $0xffff  }
0x22c: {  	v9 =	vadd.s32 s12, v0;
	v10 =	vor.u32 v10, v11;
	v4 =	vor.u32 v3, v4;
	v13 =	vld.idx.msk [tilespmem:v14+s19+$0x0], $0xffff  }
0x22d: {  	v11 =	vand.u32 $0xF, v9;
	v10 =	vor.u32 v3, v10  }
0x22e: {  	v11 =	vor.u32 $0x20, v11;
	v14 =	vshll.u32 v9, $0x7  }
.Ltmp28:
0x22f: {  	s2 =	sadd.s32 $0x3, s12;
	v15 =	vshll.u32 v11, $0x7;
	v9 =	vand.u32 $0x7, v9;
	v14 =	vand.u32 $0x380, v14;
	[tilespmem:v8+s1+$0x0] =	vst.idx.msk $0xffff, v7;
	(pc) =	sbr.rel @p0 .LBB2_50-.Ltmp28, $4  }
0x230: {  	v7 =	vand.u32 $0x28, v11;
	v8 =	vand.u32 $0x1400, v15;
	v11 =	vadd.s32 s2, v0;
	[tilespmem:v5+s1+$0x0] =	vst.idx.msk $0xffff, v6  }
0x231: {  	v5 =	vor.u32 v7, v9;
	v8 =	vor.u32 v8, v14;
	v6 =	vand.u32 $0xF, v11;
	[tilespmem:v4+s1+$0x0] =	vst.idx.msk $0xffff, v12  }
0x232: {  	s2 =	sadd.s32 $0x2, s12;
	v7 =	vor.u32 v2, v5;
	v9 =	vor.u32 $0x20, v6;
	v5 =	vshll.u32 v11, $0x7;
	[tilespmem:v10+s1+$0x0] =	vst.idx.msk $0xffff, v13  }
0x233: {  	s16 =	sadd.s32 $0x1, s12;
	s12 =	sadd.s32 $0x4, s12;
	v4 =	vadd.s32 s2, v0;
	v6 =	vand.u32 $0x7, v11;
	v10 =	vand.u32 $0x28, v9  }
0x234: {  	v11 =	vadd.s32 s16, v0  }
0x235: {  	v12 =	vand.u32 $0xF, v4;
	v6 =	vor.u32 v10, v6;
	v14 =	vand.u32 $0x7, v4  }
0x236: {  	v9 =	vshll.u32 v9, $0x7;
	v5 =	vand.u32 $0x380, v5;
	v12 =	vor.u32 $0x20, v12  }
0x237: {  	v8 =	vor.u32 v3, v8;
	v10 =	vand.u32 $0xF, v11;
	v13 =	vand.u32 $0x28, v12  }
0x238: {  	v6 =	vor.u32 v2, v6;
	v10 =	vor.u32 $0x20, v10;
	v13 =	vor.u32 v13, v14  }
0x239: {  	v16 =	vand.u32 $0x7, v11;
	v15 =	vand.u32 $0x28, v10;
	v13 =	vor.u32 v2, v13  }
0x23a: {  	v4 =	vshll.u32 v4, $0x7;
	v9 =	vand.u32 $0x1400, v9;
	v14 =	vor.u32 v15, v16  }
0x23b: {  	v5 =	vor.u32 v9, v5;
	v9 =	vshll.u32 v12, $0x7;
	v14 =	vor.u32 v2, v14  }
0x23c: {  	v7 =	vld.idx.msk [tilespmem:v7+s19+$0x0], $0xffff;
	v4 =	vand.u32 $0x380, v4;
	v11 =	vshll.u32 v11, $0x7;
	v9 =	vand.u32 $0x1400, v9  }
0x23d: {  	v5 =	vor.u32 v3, v5;
	v10 =	vshll.u32 v10, $0x7;
	v4 =	vor.u32 v9, v4;
	v6 =	vld.idx.msk [tilespmem:v6+s19+$0x0], $0xffff  }
0x23e: {  	v11 =	vand.u32 $0x380, v11;
	v10 =	vand.u32 $0x1400, v10;
	v4 =	vor.u32 v3, v4;
	v9 =	vld.idx.msk [tilespmem:v13+s19+$0x0], $0xffff  }
0x23f: {  	v10 =	vor.u32 v10, v11  }
0x240: {  	v10 =	vor.u32 v3, v10;
	v11 =	vld.idx.msk [tilespmem:v14+s19+$0x0], $0xffff  }
0x241: {  	s7 =	simm.s32 $0x3;
	s8 =	simm.s32 $0x5;
	s12 =	simm.s32 $0x6;
	[tilespmem:v8+s1+$0x0] =	vst.idx.msk $0xffff, v7  }
0x242: {  	s16 =	simm.s32 $0x1;
	s6 =	simm.s32 $0x2;
	v17 =	vadd.s32 s8, v0;
	v16 =	vadd.s32 s12, v0;
	v7 =	vadd.s32 s7, v0;
	[tilespmem:v5+s1+$0x0] =	vst.idx.msk $0xffff, v6  }
0x243: {  	s7 =	simm.s32 $0x4;
	v5 =	vadd.s32 s16, v0;
	v6 =	vadd.s32 s6, v0;
	[tilespmem:v4+s1+$0x0] =	vst.idx.msk $0xffff, v9;
	v4 =	vor.u32 $0x30, v2  }
0x244: {  	v15 =	vadd.s32 s7, v0;
	s16 =	simm.s32 $0x7;
	v12 =	vshll.u32 v5, $0x7;
	v8 =	vor.u32 v4, v6  }
0x245: {  	s2 =	simm.s32 $0x0;
	v20 =	vadd.s32 s16, v0;
	v12 =	vand.u32 $0x780, v12;
	[tilespmem:v10+s1+$0x0] =	vst.idx.msk $0xffff, v11;
	v11 =	vor.u32 v4, v7  }
0x246: {  	v2 =	vor.u32 $0x1800, v3;
	v3 =	vadd.s32 s2, v0;
	v9 =	vor.u32 v4, v5  }
0x247: {  	v10 =	vor.u32 v4, v3;
	v3 =	vshll.u32 v3, $0x7;
	v6 =	vshll.u32 v6, $0x7  }
0x248: {  	v7 =	vshll.u32 v7, $0x7;
	v14 =	vor.u32 v4, v16;
	v6 =	vand.u32 $0x780, v6  }
0x249: {  	v13 =	vor.u32 v4, v20;
	v7 =	vand.u32 $0x780, v7;
	v19 =	vor.u32 v2, v6;
	v18 =	vld.idx.msk [tilespmem:v8+s19+$0x0], $0xffff  }
0x24a: {  	v20 =	vshll.u32 v20, $0x7;
	v3 =	vand.u32 $0x780, v3;
	v5 =	vor.u32 v2, v7;
	v11 =	vld.idx.msk [tilespmem:v11+s19+$0x0], $0xffff  }
0x24b: {  	v3 =	vor.u32 v2, v3;
	v7 =	vor.u32 v4, v17;
	v6 =	vor.u32 v2, v12;
	v9 =	vld.idx.msk [tilespmem:v9+s19+$0x0], $0xffff  }
0x24c: {  	v12 =	vshll.u32 v15, $0x7;
	v8 =	vor.u32 v4, v15;
	v15 =	vshll.u32 v16, $0x7  }
0x24d: {  	v12 =	vand.u32 $0x780, v12;
	v10 =	vld.idx.msk [tilespmem:v10+s19+$0x0], $0xffff;
	v16 =	vand.u32 $0x780, v15;
	v15 =	vand.u32 $0x780, v20  }
0x24e: {  	s2 =	simm.s32 $0x8;
	v17 =	vshll.u32 v17, $0x7;
	v12 =	vor.u32 v2, v12;
	v15 =	vor.u32 v2, v15;
	[tilespmem:v19+s1+$0x0] =	vst.idx.msk $0xffff, v18  }
.LBB2_52:
0x24f: {  	v18 =	vadd.s32 s2, v0;
	s6 =	sadd.s32 $0x1, s2;
	s7 =	sadd.s32 $0x2, s2;
	s8 =	sadd.s32 $0x3, s2;
	v17 =	vand.u32 $0x780, v17;
	v19 =	vld.idx.msk [tilespmem:v14+s19+$0x0], $0xffff;
	v20 =	vor.u32 v2, v16;
	[tilespmem:v5+s1+$0x0] =	vst.idx.msk $0xffff, v11  }
0x250: {  	p0 =	slt.u32 s2, $0xC;
	s2 =	sadd.s32 $0x4, s2;
	v23 =	vmovc v9;
	v5 =	vmovc v15;
	v21 =	vadd.s32 s6, v0;
	v16 =	vadd.s32 s7, v0;
	v22 =	vadd.s32 s8, v0;
	v11 =	vld.idx.msk [tilespmem:v13+s19+$0x0], $0xffff  }
.Ltmp29:
0x251: {  	v15 =	vor.u32 v2, v17;
	v14 =	vor.u32 v4, v16;
	v9 =	vld.idx.msk [tilespmem:v7+s19+$0x0], $0xffff;
	v7 =	vor.u32 v4, v21;
	(pc) =	sbr.rel @p0 .LBB2_52-.Ltmp29, $4  }
0x252: {  	v13 =	vor.u32 v4, v22;
	[tilespmem:v3+s1+$0x0] =	vst.idx.msk $0xffff, v10;
	v10 =	vld.idx.msk [tilespmem:v8+s19+$0x0], $0xffff;
	v8 =	vor.u32 v4, v18  }
0x253: {  	v17 =	vshll.u32 v18, $0x7;
	v16 =	vshll.u32 v16, $0x7;
	v18 =	vshll.u32 v22, $0x7;
	v3 =	vmovc v12;
	[tilespmem:v6+s1+$0x0] =	vst.idx.msk $0xffff, v23;
	v6 =	vmovc v15  }
0x254: {  	v12 =	vand.u32 $0x780, v17;
	v16 =	vand.u32 $0x780, v16;
	v15 =	vand.u32 $0x780, v18  }
0x255: {  	v17 =	vshll.u32 v21, $0x7;
	v12 =	vor.u32 v2, v12;
	v15 =	vor.u32 v2, v15;
	[tilespmem:v20+s1+$0x0] =	vst.idx.msk $0xffff, v19  }
0x256: {  	_ =	sdelay $0x3  }
0x257: {  	v4 =	vld.idx.msk [tilespmem:v14+s19+$0x0], $0xffff;
	v61 =	vor.u32 v2, v16  }
0x258: {  	v13 =	vld.idx.msk [tilespmem:v13+s19+$0x0], $0xffff  }
0x259: {  	v62 =	vand.u32 $0x780, v17;
	[tilespmem:v5+s1+$0x0] =	vst.idx.msk $0xffff, v11;
	v63 =	vld.idx.msk [tilespmem:v8+s19+$0x0], $0xffff;
	s13 =	sadd.s32 $0x1, s13  }
0x25a: {  	v7 =	vld.idx.msk [tilespmem:v7+s19+$0x0], $0xffff;
	[tilespmem:v6+s1+$0x0] =	vst.idx.msk $0xffff, v9;
	v2 =	vor.u32 v2, v62;
	p0 =	sne.s32 s13, $0x8  }
.Ltmp30:
0x25b: {  	[tilespmem:v3+s1+$0x0] =	vst.idx.msk $0xffff, v10;
	(pc) =	sbr.rel @p0 .LBB2_45-.Ltmp30, $4  }
0x25c: {  	[tilespmem:v61+s1+$0x0] =	vst.idx.msk $0xffff, v4  }
0x25d: {  	[tilespmem:v15+s1+$0x0] =	vst.idx.msk $0xffff, v13  }
0x25e: {  	[tilespmem:v12+s1+$0x0] =	vst.idx.msk $0xffff, v63  }
0x25f: {  	[tilespmem:v2+s1+$0x0] =	vst.idx.msk $0xffff, v7  }
0x260: {  	p0 =	seq.s32 s18, $0x31  }
.Ltmp31:
0x261: {  	_ = 	snop;
	(pc) =	sbr.rel @p0 .LBB2_56-.Ltmp31, $3  }
0x262: {  	_ =	sdelay $0x1  }
0x263: {  	s2 =	sadd.s32 s5, s9  }
0x264: {  	[hbm4b:s2+s22] =	stream.strided.scatter [tilespmem:s1], [sflag:$0x8], $0x2000, s23, s22, $0x38;
	[tilespmem:$0x16400] =	vst v63  }
.Ltmp32:
0x265: {  	(pc) =	sbr.rel .LBB2_2-.Ltmp32, $4  }
0x266: {  	_ = 	snop  }
0x267: {  	s2 =	sshrl.u32 s3, $0x2  }
0x268: {  	s18 =	sadd.s32 $0x1, s18;
	s2 =	sadd.s32 $0x380, s2  }
0x269: {  	[tilespmem:s19], [sflag:$0x4] =	stream.indirect.gather [hbm4b:s4+s11], $0x40, s2, s11, $0xb8;
	[tilespmem:$0x16400] =	vst v63  }
.LBB2_57:
0x26a: {  	_ =	sfence.sel $0x180000  }
0x26b: {  	[bflag:$0x0] =	sbarrier.arrive $0xFFFF  }
0x26c: {  	_ =	strace $0x9000004A  }
0x26d: {  	s0 =	stileid.u32;
	[bflag:$0x2] =	sbarrier.arrive $0xFFFF  }
0x26e: {  	p0 =	sne.s32 s0, $0x0;
	s0 =	rddreg [dreg:$0x2]  }
0x26f: {  	s0 =	sadd.s32 @!p0 $0x100000, s0  }
0x270: {  	[sflag:s0] =	ssyncadd.tile.s32 @!p0 $0x1;
	_ =	shalt  }
.Lfunc_end2:
_tile_overlayer_lowered:
.L_overlay_start_2:
0x271: {  	(tag) =	ssettag $0x2  }
0x272: {  	s0 =	rddreg [dreg:$0x0];
	s2 =	stileid.u32  }
0x273: {  	s1 =	rddreg [dreg:$0x1];
	p0 =	sne.s32 s2, $0x0  }
0x274: {  	s3 =	rddreg [dreg:$0x2];
	[bflag:$0x3] =	sbarrier.arrive $0xFFFF;
	s2 =	simm.s32 @!p0 $0x1C09  }
0x275: {  	[timem:s3], [sflag:s2] =	dma.local @!p0 [hbm:s0], s1  }
0x276: {  	s0 =	simm.s32 @!p0 $0x9  }
0x277: {  	_ =	swait.ge @!p0 [sflag:s0], s1  }
0x278: {  	s1 =	ssub.s32 @!p0 $0x0, s1;
	[sflag:s0] =	ssyncset.done @!p0 $0x0  }
0x279: {  	[sflag:s0] =	ssyncadd.s32 @!p0 s1  }
0x27a: {  	[bflag:$0x3] =	sbarrier.arrive $0xFFFF  }
0x27b: {  	_ =	shalt  }

</sc_bundles>
